<compile_context>
chip_gen: v7x
topology: tpu7x:2x2x1
jax: 0.10.2.dev20260603
libtpu: 0.0.44.dev20260713+nightly
codegen_flags: <defaults>
</compile_context>

<pallas_src>
import functools

import jax
import jax.numpy as jnp
from jax import lax
from jax.experimental import pallas as pl
from jax.experimental.pallas import tpu as pltpu
from jax.experimental.pallas import tpu_sc as plsc

NC = 2
NS = 16
NW = NC * NS
B = 80


def _sc_segment_sum(t, src, dst, counts_only):
    n, d = t.shape
    e = src.shape[0]
    ew = e // NW
    nb = ew // B
    nzblk = n // B
    zper = -(-nzblk // NS)
    mesh = plsc.VectorSubcoreMesh(
        core_axis_name="c", subcore_axis_name="s",
        num_cores=NC, num_subcores=NS)

    out_type = jax.ShapeDtypeStruct((NC * n, d), jnp.float32)
    scratch = [
        pltpu.VMEM_SHARED((n, d), jnp.float32),
        pltpu.VMEM((B,), jnp.int32),
        pltpu.VMEM((B,), jnp.int32),
        pltpu.VMEM((B, d), jnp.float32),
        pltpu.SemaphoreType.DMA,
    ]

    @functools.partial(pl.kernel, out_type=out_type, mesh=mesh,
                       scratch_types=scratch)
    def k(t_hbm, src_hbm, dst_hbm, out_hbm, acc, sidx, didx, rows, sem):
        c = lax.axis_index("c")
        s = lax.axis_index("s")
        wid = s * NC + c
        zper = -(-nzblk // NS)

        def fill_rows(val):
            def fr(i, _):
                for j in range(d // 16):
                    rows[i, pl.ds(j * 16, 16)] = jnp.full((16,), val,
                                                          jnp.float32)
                return 0
            lax.fori_loop(0, B, fr, 0)
        fill_rows(0.0)

        def fill_didx(base):
            def fi(j, _):
                didx[pl.ds(j * 16, 16)] = (lax.iota(jnp.int32, 16)
                                           + base + j * 16)
                return 0
            lax.fori_loop(0, B // 16, fi, 0)

        for k in range(zper):
            blk = lax.rem(s + NS * k, nzblk)
            fill_didx(blk * B)
            pltpu.sync_copy(rows, acc.at[didx])
        plsc.subcore_barrier()

        if counts_only:
            fill_rows(1.0)

        base0 = wid * ew

        def body(i, _):
            base = base0 + i * B
            pltpu.sync_copy(dst_hbm.at[pl.ds(base, B)], didx)
            if not counts_only:
                pltpu.sync_copy(src_hbm.at[pl.ds(base, B)], sidx)
                pltpu.async_copy(t_hbm.at[sidx], rows, sem).wait()
            pltpu.sync_copy(rows, acc.at[didx], add=True)
            return 0
        lax.fori_loop(0, nb, body, 0)
        plsc.subcore_barrier()

        for k in range(zper):
            blk = lax.rem(s + NS * k, nzblk)
            fill_didx(blk * B)
            pltpu.async_copy(acc.at[didx], rows, sem).wait()
            pltpu.sync_copy(rows, out_hbm.at[pl.ds(c * n + blk * B, B)])

    return k(t, src, dst)


_ROWS = 2000


def _mm2(x, wa, wb):
    n, d = x.shape

    def body(x_ref, wa_ref, wb_ref, oa_ref, ob_ref):
        xb = x_ref[...]
        oa_ref[...] = jnp.dot(xb, wa_ref[...],
                              preferred_element_type=jnp.float32)
        ob_ref[...] = jnp.dot(xb, wb_ref[...],
                              preferred_element_type=jnp.float32)

    w_spec = pl.BlockSpec((d, d), lambda i: (0, 0))
    r_spec = pl.BlockSpec((_ROWS, d), lambda i: (i, 0))
    return pl.pallas_call(
        body,
        grid=(n // _ROWS,),
        in_specs=[r_spec, w_spec, w_spec],
        out_specs=[r_spec, r_spec],
        out_shape=[jax.ShapeDtypeStruct((n, d), jnp.float32)] * 2,
    )(x, wa, wb)


def _mid(s1, p1, deg, b1, w2n, w2s):
    n, d = s1.shape

    def body(s_ref, p_ref, d_ref, b_ref, wn_ref, ws_ref, t_ref, o_ref):
        neigh = p_ref[0] + p_ref[1]
        dg = d_ref[0, :, 0:1] + d_ref[1, :, 0:1]
        h = s_ref[...] + neigh / jnp.maximum(dg, 1.0) + b_ref[...]
        h = jnp.maximum(h, 0.0)
        t_ref[...] = jnp.dot(h, wn_ref[...],
                             preferred_element_type=jnp.float32)
        o_ref[...] = jnp.dot(h, ws_ref[...],
                             preferred_element_type=jnp.float32)

    r_spec = pl.BlockSpec((_ROWS, d), lambda i: (i, 0))
    w_spec = pl.BlockSpec((d, d), lambda i: (0, 0))
    return pl.pallas_call(
        body,
        grid=(n // _ROWS,),
        in_specs=[
            r_spec,
            pl.BlockSpec((2, _ROWS, d), lambda i: (0, i, 0)),
            pl.BlockSpec((2, _ROWS, d), lambda i: (0, i, 0)),
            pl.BlockSpec((1, d), lambda i: (0, 0)),
            w_spec, w_spec,
        ],
        out_specs=[r_spec, r_spec],
        out_shape=[jax.ShapeDtypeStruct((n, d), jnp.float32)] * 2,
    )(s1, p1, deg, b1, w2n, w2s)


def _final(s2, p2, deg, b2):
    n, d = s2.shape

    def body(s_ref, p_ref, d_ref, b_ref, o_ref):
        neigh = p_ref[0] + p_ref[1]
        dg = d_ref[0, :, 0:1] + d_ref[1, :, 0:1]
        o_ref[...] = s_ref[...] + neigh / jnp.maximum(dg, 1.0) + b_ref[...]

    r_spec = pl.BlockSpec((_ROWS, d), lambda i: (i, 0))
    return pl.pallas_call(
        body,
        grid=(n // _ROWS,),
        in_specs=[
            r_spec,
            pl.BlockSpec((2, _ROWS, d), lambda i: (0, i, 0)),
            pl.BlockSpec((2, _ROWS, d), lambda i: (0, i, 0)),
            pl.BlockSpec((1, d), lambda i: (0, 0)),
        ],
        out_specs=r_spec,
        out_shape=jax.ShapeDtypeStruct((n, d), jnp.float32),
    )(s2, p2, deg, b2)


def kernel(x, edge_index, W1_self, W1_neigh, b1, W2_self, W2_neigh, b2):
    src = edge_index[0]
    dst = edge_index[1]
    d = x.shape[1]
    n = x.shape[0]
    t1, s1 = _mm2(x, W1_neigh, W1_self)
    p1 = _sc_segment_sum(t1, src, dst, counts_only=False).reshape(NC, n, d)
    deg = _sc_segment_sum(t1, src, dst, counts_only=True).reshape(NC, n, d)
    t2, s2 = _mid(s1, p1, deg, b1.reshape(1, d), W2_neigh, W2_self)
    p2 = _sc_segment_sum(t2, src, dst, counts_only=False).reshape(NC, n, d)
    return _final(s2, p2, deg, b2.reshape(1, d))

# --- scband reference (transcript-rebuilt; emitter-appended) ---
"""Pipeline reference for scband-graph-sage-34196529611151 (READ-ONLY COPY).

The authoritative reference and input builder live on the scoring server;
editing this copy changes nothing except your own understanding.
"""

import jax, jax.numpy as jnp
import numpy as np

N_NODES = 10000
N_EDGES = 320000
D_IN = 128
D_HID = 128
D_OUT = 128


def _sage_mean_layer(h, src, dst, W_self, W_neigh, b, num_nodes):
    # message: gather source node features along edges
    msg = h[src]  # [E, d]
    # mean aggregation over incoming edges per destination node
    neigh_sum = jax.ops.segment_sum(msg, dst, num_segments=num_nodes)
    deg = jax.ops.segment_sum(jnp.ones((src.shape[0], 1), dtype=h.dtype), dst, num_segments=num_nodes)
    neigh_mean = neigh_sum / jnp.maximum(deg, 1.0)
    # SAGEConv (mean): fc_self(h_dst) + fc_neigh(h_neigh) + bias
    return h @ W_self + neigh_mean @ W_neigh + b


def setup_inputs(seed: int = 0) -> dict:
    key = jax.random.key(seed)
    ks = jax.random.split(key, 9)
    x = jax.random.normal(ks[0], (N_NODES, D_IN), dtype=jnp.float32)
    edge_index = jax.random.randint(ks[1], (2, N_EDGES), 0, N_NODES, dtype=jnp.int32)
    s1 = 1.0 / np.sqrt(D_IN)
    s2 = 1.0 / np.sqrt(D_HID)
    W1_self = jax.random.uniform(ks[2], (D_IN, D_HID), dtype=jnp.float32, minval=-s1, maxval=s1)
    W1_neigh = jax.random.uniform(ks[3], (D_IN, D_HID), dtype=jnp.float32, minval=-s1, maxval=s1)
    b1 = jnp.zeros((D_HID,), dtype=jnp.float32)
    W2_self = jax.random.uniform(ks[4], (D_HID, D_OUT), dtype=jnp.float32, minval=-s2, maxval=s2)
    W2_neigh = jax.random.uniform(ks[5], (D_HID, D_OUT), dtype=jnp.float32, minval=-s2, maxval=s2)
    b2 = jnp.zeros((D_OUT,), dtype=jnp.float32)
    return {
        "x": x,
        "edge_index": edge_index,
        "W1_self": W1_self,
        "W1_neigh": W1_neigh,
        "b1": b1,
        "W2_self": W2_self,
        "W2_neigh": W2_neigh,
        "b2": b2,
    }


def reference(x, edge_index, W1_self, W1_neigh, b1, W2_self, W2_neigh, b2):
    src = edge_index[0]
    dst = edge_index[1]
    n = x.shape[0]
    h = _sage_mean_layer(x, src, dst, W1_self, W1_neigh, b1, n)
    h = jax.nn.relu(h)
    h = _sage_mean_layer(h, src, dst, W2_self, W2_neigh, b2, n)
    return h

if __name__ == "__main__":
    import jax
    _d = setup_inputs()
    print(jax.jit(kernel)(*tuple(_d.values())))

</pallas_src>

<mosaic_0001>
#map = affine_map<(d0, d1) -> (0, 0)>
#map1 = affine_map<(d0, d1) -> (0)>
module attributes {stable_mosaic.version = 14 : i64} {
  func.func @k(%arg0: i32, %arg1: i32, %arg2: memref<10000x128xf32, #tpu.memory_space<hbm>>, %arg3: memref<320000xi32, #tpu.memory_space<hbm>>, %arg4: memref<320000xi32, #tpu.memory_space<hbm>>, %arg5: memref<20000x128xf32, #tpu.memory_space<hbm>>, %arg6: memref<10000x128xf32, #tpu.memory_space<vmem_shared>>, %arg7: memref<80xi32, #tpu.memory_space<vmem>>, %arg8: memref<80xi32, #tpu.memory_space<vmem>>, %arg9: memref<80x128xf32, #tpu.memory_space<vmem>>, %arg10: memref<!tpu.dma_semaphore, #tpu.memory_space<semaphore_mem>>) attributes {dimension_semantics = [#tpu.dimension_semantics<core_parallel>, #tpu.dimension_semantics<subcore_parallel>], iteration_bounds = array<i64: 2, 16>, scalar_prefetch = 0 : i64, scratch_operands = 5 : i64, tpu.core_type = #tpu.core_type<sc_vector_subcore>, window_params = [{transform_indices = #map}, {transform_indices = #map1}, {transform_indices = #map1}, {transform_indices = #map}]} {
    %mul3A = arith.constant 2 : i32
    %mul3A_0 = arith.muli %arg1, %mul3A : i32
    %add3A = arith.addi %mul3A_0, %arg0 : i32
    %scan3A = arith.constant 0 : i32
    %scan3A_1 = arith.constant 0 : i32
    %scan3A_2 = arith.constant 80 : i32
    %scan3A_3 = arith.addi %scan3A_1, %scan3A_2 : i32
    %scan3A_4 = arith.constant 1 : i32
    %scan3A_5 = scf.for %scan3A_317 = %scan3A_1 to %scan3A_3 step %scan3A_4 iter_args(%scan3A_318 = %scan3A) -> (i32)  : i32 {
      %broadcast_in_dim3A = arith.constant 0.000000e+00 : f32
      %broadcast_in_dim3A_319 = vector.broadcast %broadcast_in_dim3A : f32 to vector<16xf32>
      %swap3A = arith.index_cast %scan3A_317 : i32 to index
      %swap3A_320 = arith.constant 0 : index
      %swap3A_321 = tpu.vector_load %arg9[%swap3A, %swap3A_320] {strides = array<i32>} : memref<80x128xf32, #tpu.memory_space<vmem>>, vector<1x16xf32>,
      %swap3A_322 = vector.shape_cast %swap3A_321 : vector<1x16xf32> to vector<16xf32>
      %swap3A_323 = vector.shape_cast %broadcast_in_dim3A_319 : vector<16xf32> to vector<1x16xf32>
      tpu.vector_store %arg9[%swap3A, %swap3A_320], %swap3A_323 {strides = array<i32>} : memref<80x128xf32, #tpu.memory_space<vmem>>, vector<1x16xf32>,
      %broadcast_in_dim3A_324 = arith.constant 0.000000e+00 : f32
      %broadcast_in_dim3A_325 = vector.broadcast %broadcast_in_dim3A_324 : f32 to vector<16xf32>
      %swap3A_326 = arith.index_cast %scan3A_317 : i32 to index
      %swap3A_327 = arith.constant 16 : index
      %swap3A_328 = tpu.vector_load %arg9[%swap3A_326, %swap3A_327] {strides = array<i32>} : memref<80x128xf32, #tpu.memory_space<vmem>>, vector<1x16xf32>,
      %swap3A_329 = vector.shape_cast %swap3A_328 : vector<1x16xf32> to vector<16xf32>
      %swap3A_330 = vector.shape_cast %broadcast_in_dim3A_325 : vector<16xf32> to vector<1x16xf32>
      tpu.vector_store %arg9[%swap3A_326, %swap3A_327], %swap3A_330 {strides = array<i32>} : memref<80x128xf32, #tpu.memory_space<vmem>>, vector<1x16xf32>,
      %broadcast_in_dim3A_331 = arith.constant 0.000000e+00 : f32
      %broadcast_in_dim3A_332 = vector.broadcast %broadcast_in_dim3A_331 : f32 to vector<16xf32>
      %swap3A_333 = arith.index_cast %scan3A_317 : i32 to index
      %swap3A_334 = arith.constant 32 : index
      %swap3A_335 = tpu.vector_load %arg9[%swap3A_333, %swap3A_334] {strides = array<i32>} : memref<80x128xf32, #tpu.memory_space<vmem>>, vector<1x16xf32>,
      %swap3A_336 = vector.shape_cast %swap3A_335 : vector<1x16xf32> to vector<16xf32>
      %swap3A_337 = vector.shape_cast %broadcast_in_dim3A_332 : vector<16xf32> to vector<1x16xf32>
      tpu.vector_store %arg9[%swap3A_333, %swap3A_334], %swap3A_337 {strides = array<i32>} : memref<80x128xf32, #tpu.memory_space<vmem>>, vector<1x16xf32>,
      %broadcast_in_dim3A_338 = arith.constant 0.000000e+00 : f32
      %broadcast_in_dim3A_339 = vector.broadcast %broadcast_in_dim3A_338 : f32 to vector<16xf32>
      %swap3A_340 = arith.index_cast %scan3A_317 : i32 to index
      %swap3A_341 = arith.constant 48 : index
      %swap3A_342 = tpu.vector_load %arg9[%swap3A_340, %swap3A_341] {strides = array<i32>} : memref<80x128xf32, #tpu.memory_space<vmem>>, vector<1x16xf32>,
      %swap3A_343 = vector.shape_cast %swap3A_342 : vector<1x16xf32> to vector<16xf32>
      %swap3A_344 = vector.shape_cast %broadcast_in_dim3A_339 : vector<16xf32> to vector<1x16xf32>
      tpu.vector_store %arg9[%swap3A_340, %swap3A_341], %swap3A_344 {strides = array<i32>} : memref<80x128xf32, #tpu.memory_space<vmem>>, vector<1x16xf32>,
      %broadcast_in_dim3A_345 = arith.constant 0.000000e+00 : f32
      %broadcast_in_dim3A_346 = vector.broadcast %broadcast_in_dim3A_345 : f32 to vector<16xf32>
      %swap3A_347 = arith.index_cast %scan3A_317 : i32 to index
      %swap3A_348 = arith.constant 64 : index
      %swap3A_349 = tpu.vector_load %arg9[%swap3A_347, %swap3A_348] {strides = array<i32>} : memref<80x128xf32, #tpu.memory_space<vmem>>, vector<1x16xf32>,
      %swap3A_350 = vector.shape_cast %swap3A_349 : vector<1x16xf32> to vector<16xf32>
      %swap3A_351 = vector.shape_cast %broadcast_in_dim3A_346 : vector<16xf32> to vector<1x16xf32>
      tpu.vector_store %arg9[%swap3A_347, %swap3A_348], %swap3A_351 {strides = array<i32>} : memref<80x128xf32, #tpu.memory_space<vmem>>, vector<1x16xf32>,
      %broadcast_in_dim3A_352 = arith.constant 0.000000e+00 : f32
      %broadcast_in_dim3A_353 = vector.broadcast %broadcast_in_dim3A_352 : f32 to vector<16xf32>
      %swap3A_354 = arith.index_cast %scan3A_317 : i32 to index
      %swap3A_355 = arith.constant 80 : index
      %swap3A_356 = tpu.vector_load %arg9[%swap3A_354, %swap3A_355] {strides = array<i32>} : memref<80x128xf32, #tpu.memory_space<vmem>>, vector<1x16xf32>,
      %swap3A_357 = vector.shape_cast %swap3A_356 : vector<1x16xf32> to vector<16xf32>
      %swap3A_358 = vector.shape_cast %broadcast_in_dim3A_353 : vector<16xf32> to vector<1x16xf32>
      tpu.vector_store %arg9[%swap3A_354, %swap3A_355], %swap3A_358 {strides = array<i32>} : memref<80x128xf32, #tpu.memory_space<vmem>>, vector<1x16xf32>,
      %broadcast_in_dim3A_359 = arith.constant 0.000000e+00 : f32
      %broadcast_in_dim3A_360 = vector.broadcast %broadcast_in_dim3A_359 : f32 to vector<16xf32>
      %swap3A_361 = arith.index_cast %scan3A_317 : i32 to index
      %swap3A_362 = arith.constant 96 : index
      %swap3A_363 = tpu.vector_load %arg9[%swap3A_361, %swap3A_362] {strides = array<i32>} : memref<80x128xf32, #tpu.memory_space<vmem>>, vector<1x16xf32>,
      %swap3A_364 = vector.shape_cast %swap3A_363 : vector<1x16xf32> to vector<16xf32>
      %swap3A_365 = vector.shape_cast %broadcast_in_dim3A_360 : vector<16xf32> to vector<1x16xf32>
      tpu.vector_store %arg9[%swap3A_361, %swap3A_362], %swap3A_365 {strides = array<i32>} : memref<80x128xf32, #tpu.memory_space<vmem>>, vector<1x16xf32>,
      %broadcast_in_dim3A_366 = arith.constant 0.000000e+00 : f32
      %broadcast_in_dim3A_367 = vector.broadcast %broadcast_in_dim3A_366 : f32 to vector<16xf32>
      %swap3A_368 = arith.index_cast %scan3A_317 : i32 to index
      %swap3A_369 = arith.constant 112 : index
      %swap3A_370 = tpu.vector_load %arg9[%swap3A_368, %swap3A_369] {strides = array<i32>} : memref<80x128xf32, #tpu.memory_space<vmem>>, vector<1x16xf32>,
      %swap3A_371 = vector.shape_cast %swap3A_370 : vector<1x16xf32> to vector<16xf32>
      %swap3A_372 = vector.shape_cast %broadcast_in_dim3A_367 : vector<16xf32> to vector<1x16xf32>
      tpu.vector_store %arg9[%swap3A_368, %swap3A_369], %swap3A_372 {strides = array<i32>} : memref<80x128xf32, #tpu.memory_space<vmem>>, vector<1x16xf32>,
      %scan3A_373 = arith.constant 0 : i32
      scf.yield %scan3A_373 : i32
    }
    %scan3A_6 = arith.constant 80 : i32
    %add3A_7 = arith.constant 0 : i32
    %add3A_8 = arith.addi %arg1, %add3A_7 : i32
    %rem3A = arith.constant 125 : i32
    %rem3A_9 = arith.remsi %add3A_8, %rem3A : i32
    %mul3A_10 = arith.constant 80 : i32
    %mul3A_11 = arith.muli %rem3A_9, %mul3A_10 : i32
    %scan3A_12 = arith.constant 0 : i32
    %scan3A_13 = arith.constant 0 : i32
    %scan3A_14 = arith.constant 5 : i32
    %scan3A_15 = arith.addi %scan3A_13, %scan3A_14 : i32
    %scan3A_16 = arith.constant 1 : i32
    %scan3A_17 = scf.for %scan3A_317 = %scan3A_13 to %scan3A_15 step %scan3A_16 iter_args(%scan3A_318 = %scan3A_12) -> (i32)  : i32 {
      %iota3A = tpu.iota {dimensions = array<i32: 0>} : vector<16xi32>
      %add3A_319 = vector.broadcast %mul3A_11 : i32 to vector<16xi32>
      %add3A_320 = arith.addi %iota3A, %add3A_319 : vector<16xi32>
      %mul3A_321 = arith.constant 16 : i32
      %mul3A_322 = arith.muli %scan3A_317, %mul3A_321 : i32
      %add3A_323 = vector.broadcast %mul3A_322 : i32 to vector<16xi32>
      %add3A_324 = arith.addi %add3A_320, %add3A_323 : vector<16xi32>
      %mul3A_325 = arith.constant 16 : i32
      %mul3A_326 = arith.muli %scan3A_317, %mul3A_325 : i32
      %swap3A = arith.index_cast %mul3A_326 : i32 to index
      %swap3A_327 = tpu.vector_load %arg8[%swap3A] {strides = array<i32>} : memref<80xi32, #tpu.memory_space<vmem>>, vector<16xi32>,
      %swap3A_328 = vector.shape_cast %swap3A_327 : vector<16xi32> to vector<16xi32>
      %swap3A_329 = vector.shape_cast %add3A_324 : vector<16xi32> to vector<16xi32>
      tpu.vector_store %arg8[%swap3A], %swap3A_329 {strides = array<i32>} : memref<80xi32, #tpu.memory_space<vmem>>, vector<16xi32>,
      %scan3A_330 = arith.constant 0 : i32
      scf.yield %scan3A_330 : i32
    }
    %scan3A_18 = arith.constant 5 : i32
    "tpu.region"() ({
      %run_scoped3A = tpu.sem_alloc : memref<!tpu.dma_semaphore, #tpu.memory_space<semaphore_mem>>
      %dma_start3A_317 = arith.constant 0 : i32
      %dma_start3A_318 = arith.constant 0 : i32
      %dma_start3A_319 = tpu.memref_slice %arg6[%dma_start3A_317, %dma_start3A_318] : memref<10000x128xf32, #tpu.memory_space<vmem_shared>> -> memref<10000x128xf32, #tpu.memory_space<vmem_shared>>
      tpu.enqueue_indirect_dma source(%arg9 : memref<80x128xf32, #tpu.memory_space<vmem>>) target(%dma_start3A_319 : memref<10000x128xf32, #tpu.memory_space<vmem_shared>>) offsets(%arg8 : memref<80xi32, #tpu.memory_space<vmem>>) semaphore(%run_scoped3A : memref<!tpu.dma_semaphore, #tpu.memory_space<semaphore_mem>>)
      %dma_wait3A_320 = arith.constant 0 : i32
      %dma_wait3A_321 = arith.constant 0 : i32
      %dma_wait3A_322 = tpu.memref_slice %arg6[%dma_wait3A_320, %dma_wait3A_321] : memref<10000x128xf32, #tpu.memory_space<vmem_shared>> -> memref<10000x128xf32, #tpu.memory_space<vmem_shared>>
      tpu.wait_indirect_dma semaphore(%run_scoped3A : memref<!tpu.dma_semaphore, #tpu.memory_space<semaphore_mem>>) src(%arg9 : memref<80x128xf32, #tpu.memory_space<vmem>>) dst(%dma_wait3A_322 : memref<10000x128xf32, #tpu.memory_space<vmem_shared>>)
      tpu.yield
    }) : () -> ()
    %add3A_19 = arith.constant 16 : i32
    %add3A_20 = arith.addi %arg1, %add3A_19 : i32
    %rem3A_21 = arith.constant 125 : i32
    %rem3A_22 = arith.remsi %add3A_20, %rem3A_21 : i32
    %mul3A_23 = arith.constant 80 : i32
    %mul3A_24 = arith.muli %rem3A_22, %mul3A_23 : i32
    %scan3A_25 = arith.constant 0 : i32
    %scan3A_26 = arith.constant 0 : i32
    %scan3A_27 = arith.constant 5 : i32
    %scan3A_28 = arith.addi %scan3A_26, %scan3A_27 : i32
    %scan3A_29 = arith.constant 1 : i32
    %scan3A_30 = scf.for %scan3A_317 = %scan3A_26 to %scan3A_28 step %scan3A_29 iter_args(%scan3A_318 = %scan3A_25) -> (i32)  : i32 {
      %iota3A = tpu.iota {dimensions = array<i32: 0>} : vector<16xi32>
      %add3A_319 = vector.broadcast %mul3A_24 : i32 to vector<16xi32>
      %add3A_320 = arith.addi %iota3A, %add3A_319 : vector<16xi32>
      %mul3A_321 = arith.constant 16 : i32
      %mul3A_322 = arith.muli %scan3A_317, %mul3A_321 : i32
      %add3A_323 = vector.broadcast %mul3A_322 : i32 to vector<16xi32>
      %add3A_324 = arith.addi %add3A_320, %add3A_323 : vector<16xi32>
      %mul3A_325 = arith.constant 16 : i32
      %mul3A_326 = arith.muli %scan3A_317, %mul3A_325 : i32
      %swap3A = arith.index_cast %mul3A_326 : i32 to index
      %swap3A_327 = tpu.vector_load %arg8[%swap3A] {strides = array<i32>} : memref<80xi32, #tpu.memory_space<vmem>>, vector<16xi32>,
      %swap3A_328 = vector.shape_cast %swap3A_327 : vector<16xi32> to vector<16xi32>
      %swap3A_329 = vector.shape_cast %add3A_324 : vector<16xi32> to vector<16xi32>
      tpu.vector_store %arg8[%swap3A], %swap3A_329 {strides = array<i32>} : memref<80xi32, #tpu.memory_space<vmem>>, vector<16xi32>,
      %scan3A_330 = arith.constant 0 : i32
      scf.yield %scan3A_330 : i32
    }
    %scan3A_31 = arith.constant 5 : i32
    "tpu.region"() ({
      %run_scoped3A = tpu.sem_alloc : memref<!tpu.dma_semaphore, #tpu.memory_space<semaphore_mem>>
      %dma_start3A_317 = arith.constant 0 : i32
      %dma_start3A_318 = arith.constant 0 : i32
      %dma_start3A_319 = tpu.memref_slice %arg6[%dma_start3A_317, %dma_start3A_318] : memref<10000x128xf32, #tpu.memory_space<vmem_shared>> -> memref<10000x128xf32, #tpu.memory_space<vmem_shared>>
      tpu.enqueue_indirect_dma source(%arg9 : memref<80x128xf32, #tpu.memory_space<vmem>>) target(%dma_start3A_319 : memref<10000x128xf32, #tpu.memory_space<vmem_shared>>) offsets(%arg8 : memref<80xi32, #tpu.memory_space<vmem>>) semaphore(%run_scoped3A : memref<!tpu.dma_semaphore, #tpu.memory_space<semaphore_mem>>)
      %dma_wait3A_320 = arith.constant 0 : i32
      %dma_wait3A_321 = arith.constant 0 : i32
      %dma_wait3A_322 = tpu.memref_slice %arg6[%dma_wait3A_320, %dma_wait3A_321] : memref<10000x128xf32, #tpu.memory_space<vmem_shared>> -> memref<10000x128xf32, #tpu.memory_space<vmem_shared>>
      tpu.wait_indirect_dma semaphore(%run_scoped3A : memref<!tpu.dma_semaphore, #tpu.memory_space<semaphore_mem>>) src(%arg9 : memref<80x128xf32, #tpu.memory_space<vmem>>) dst(%dma_wait3A_322 : memref<10000x128xf32, #tpu.memory_space<vmem_shared>>)
      tpu.yield
    }) : () -> ()
    %add3A_32 = arith.constant 32 : i32
    %add3A_33 = arith.addi %arg1, %add3A_32 : i32
    %rem3A_34 = arith.constant 125 : i32
    %rem3A_35 = arith.remsi %add3A_33, %rem3A_34 : i32
    %mul3A_36 = arith.constant 80 : i32
    %mul3A_37 = arith.muli %rem3A_35, %mul3A_36 : i32
    %scan3A_38 = arith.constant 0 : i32
    %scan3A_39 = arith.constant 0 : i32
    %scan3A_40 = arith.constant 5 : i32
    %scan3A_41 = arith.addi %scan3A_39, %scan3A_40 : i32
    %scan3A_42 = arith.constant 1 : i32
    %scan3A_43 = scf.for %scan3A_317 = %scan3A_39 to %scan3A_41 step %scan3A_42 iter_args(%scan3A_318 = %scan3A_38) -> (i32)  : i32 {
      %iota3A = tpu.iota {dimensions = array<i32: 0>} : vector<16xi32>
      %add3A_319 = vector.broadcast %mul3A_37 : i32 to vector<16xi32>
      %add3A_320 = arith.addi %iota3A, %add3A_319 : vector<16xi32>
      %mul3A_321 = arith.constant 16 : i32
      %mul3A_322 = arith.muli %scan3A_317, %mul3A_321 : i32
      %add3A_323 = vector.broadcast %mul3A_322 : i32 to vector<16xi32>
      %add3A_324 = arith.addi %add3A_320, %add3A_323 : vector<16xi32>
      %mul3A_325 = arith.constant 16 : i32
      %mul3A_326 = arith.muli %scan3A_317, %mul3A_325 : i32
      %swap3A = arith.index_cast %mul3A_326 : i32 to index
      %swap3A_327 = tpu.vector_load %arg8[%swap3A] {strides = array<i32>} : memref<80xi32, #tpu.memory_space<vmem>>, vector<16xi32>,
      %swap3A_328 = vector.shape_cast %swap3A_327 : vector<16xi32> to vector<16xi32>
      %swap3A_329 = vector.shape_cast %add3A_324 : vector<16xi32> to vector<16xi32>
      tpu.vector_store %arg8[%swap3A], %swap3A_329 {strides = array<i32>} : memref<80xi32, #tpu.memory_space<vmem>>, vector<16xi32>,
      %scan3A_330 = arith.constant 0 : i32
      scf.yield %scan3A_330 : i32
    }
    %scan3A_44 = arith.constant 5 : i32
    "tpu.region"() ({
      %run_scoped3A = tpu.sem_alloc : memref<!tpu.dma_semaphore, #tpu.memory_space<semaphore_mem>>
      %dma_start3A_317 = arith.constant 0 : i32
      %dma_start3A_318 = arith.constant 0 : i32
      %dma_start3A_319 = tpu.memref_slice %arg6[%dma_start3A_317, %dma_start3A_318] : memref<10000x128xf32, #tpu.memory_space<vmem_shared>> -> memref<10000x128xf32, #tpu.memory_space<vmem_shared>>
      tpu.enqueue_indirect_dma source(%arg9 : memref<80x128xf32, #tpu.memory_space<vmem>>) target(%dma_start3A_319 : memref<10000x128xf32, #tpu.memory_space<vmem_shared>>) offsets(%arg8 : memref<80xi32, #tpu.memory_space<vmem>>) semaphore(%run_scoped3A : memref<!tpu.dma_semaphore, #tpu.memory_space<semaphore_mem>>)
      %dma_wait3A_320 = arith.constant 0 : i32
      %dma_wait3A_321 = arith.constant 0 : i32
      %dma_wait3A_322 = tpu.memref_slice %arg6[%dma_wait3A_320, %dma_wait3A_321] : memref<10000x128xf32, #tpu.memory_space<vmem_shared>> -> memref<10000x128xf32, #tpu.memory_space<vmem_shared>>
      tpu.wait_indirect_dma semaphore(%run_scoped3A : memref<!tpu.dma_semaphore, #tpu.memory_space<semaphore_mem>>) src(%arg9 : memref<80x128xf32, #tpu.memory_space<vmem>>) dst(%dma_wait3A_322 : memref<10000x128xf32, #tpu.memory_space<vmem_shared>>)
      tpu.yield
    }) : () -> ()
    %add3A_45 = arith.constant 48 : i32
    %add3A_46 = arith.addi %arg1, %add3A_45 : i32
    %rem3A_47 = arith.constant 125 : i32
    %rem3A_48 = arith.remsi %add3A_46, %rem3A_47 : i32
    %mul3A_49 = arith.constant 80 : i32
    %mul3A_50 = arith.muli %rem3A_48, %mul3A_49 : i32
    %scan3A_51 = arith.constant 0 : i32
    %scan3A_52 = arith.constant 0 : i32
    %scan3A_53 = arith.constant 5 : i32
    %scan3A_54 = arith.addi %scan3A_52, %scan3A_53 : i32
    %scan3A_55 = arith.constant 1 : i32
    %scan3A_56 = scf.for %scan3A_317 = %scan3A_52 to %scan3A_54 step %scan3A_55 iter_args(%scan3A_318 = %scan3A_51) -> (i32)  : i32 {
      %iota3A = tpu.iota {dimensions = array<i32: 0>} : vector<16xi32>
      %add3A_319 = vector.broadcast %mul3A_50 : i32 to vector<16xi32>
      %add3A_320 = arith.addi %iota3A, %add3A_319 : vector<16xi32>
      %mul3A_321 = arith.constant 16 : i32
      %mul3A_322 = arith.muli %scan3A_317, %mul3A_321 : i32
      %add3A_323 = vector.broadcast %mul3A_322 : i32 to vector<16xi32>
      %add3A_324 = arith.addi %add3A_320, %add3A_323 : vector<16xi32>
      %mul3A_325 = arith.constant 16 : i32
      %mul3A_326 = arith.muli %scan3A_317, %mul3A_325 : i32
      %swap3A = arith.index_cast %mul3A_326 : i32 to index
      %swap3A_327 = tpu.vector_load %arg8[%swap3A] {strides = array<i32>} : memref<80xi32, #tpu.memory_space<vmem>>, vector<16xi32>,
      %swap3A_328 = vector.shape_cast %swap3A_327 : vector<16xi32> to vector<16xi32>
      %swap3A_329 = vector.shape_cast %add3A_324 : vector<16xi32> to vector<16xi32>
      tpu.vector_store %arg8[%swap3A], %swap3A_329 {strides = array<i32>} : memref<80xi32, #tpu.memory_space<vmem>>, vector<16xi32>,
      %scan3A_330 = arith.constant 0 : i32
      scf.yield %scan3A_330 : i32
    }
    %scan3A_57 = arith.constant 5 : i32
    "tpu.region"() ({
      %run_scoped3A = tpu.sem_alloc : memref<!tpu.dma_semaphore, #tpu.memory_space<semaphore_mem>>
      %dma_start3A_317 = arith.constant 0 : i32
      %dma_start3A_318 = arith.constant 0 : i32
      %dma_start3A_319 = tpu.memref_slice %arg6[%dma_start3A_317, %dma_start3A_318] : memref<10000x128xf32, #tpu.memory_space<vmem_shared>> -> memref<10000x128xf32, #tpu.memory_space<vmem_shared>>
      tpu.enqueue_indirect_dma source(%arg9 : memref<80x128xf32, #tpu.memory_space<vmem>>) target(%dma_start3A_319 : memref<10000x128xf32, #tpu.memory_space<vmem_shared>>) offsets(%arg8 : memref<80xi32, #tpu.memory_space<vmem>>) semaphore(%run_scoped3A : memref<!tpu.dma_semaphore, #tpu.memory_space<semaphore_mem>>)
      %dma_wait3A_320 = arith.constant 0 : i32
      %dma_wait3A_321 = arith.constant 0 : i32
      %dma_wait3A_322 = tpu.memref_slice %arg6[%dma_wait3A_320, %dma_wait3A_321] : memref<10000x128xf32, #tpu.memory_space<vmem_shared>> -> memref<10000x128xf32, #tpu.memory_space<vmem_shared>>
      tpu.wait_indirect_dma semaphore(%run_scoped3A : memref<!tpu.dma_semaphore, #tpu.memory_space<semaphore_mem>>) src(%arg9 : memref<80x128xf32, #tpu.memory_space<vmem>>) dst(%dma_wait3A_322 : memref<10000x128xf32, #tpu.memory_space<vmem_shared>>)
      tpu.yield
    }) : () -> ()
    %add3A_58 = arith.constant 64 : i32
    %add3A_59 = arith.addi %arg1, %add3A_58 : i32
    %rem3A_60 = arith.constant 125 : i32
    %rem3A_61 = arith.remsi %add3A_59, %rem3A_60 : i32
    %mul3A_62 = arith.constant 80 : i32
    %mul3A_63 = arith.muli %rem3A_61, %mul3A_62 : i32
    %scan3A_64 = arith.constant 0 : i32
    %scan3A_65 = arith.constant 0 : i32
    %scan3A_66 = arith.constant 5 : i32
    %scan3A_67 = arith.addi %scan3A_65, %scan3A_66 : i32
    %scan3A_68 = arith.constant 1 : i32
    %scan3A_69 = scf.for %scan3A_317 = %scan3A_65 to %scan3A_67 step %scan3A_68 iter_args(%scan3A_318 = %scan3A_64) -> (i32)  : i32 {
      %iota3A = tpu.iota {dimensions = array<i32: 0>} : vector<16xi32>
      %add3A_319 = vector.broadcast %mul3A_63 : i32 to vector<16xi32>
      %add3A_320 = arith.addi %iota3A, %add3A_319 : vector<16xi32>
      %mul3A_321 = arith.constant 16 : i32
      %mul3A_322 = arith.muli %scan3A_317, %mul3A_321 : i32
      %add3A_323 = vector.broadcast %mul3A_322 : i32 to vector<16xi32>
      %add3A_324 = arith.addi %add3A_320, %add3A_323 : vector<16xi32>
      %mul3A_325 = arith.constant 16 : i32
      %mul3A_326 = arith.muli %scan3A_317, %mul3A_325 : i32
      %swap3A = arith.index_cast %mul3A_326 : i32 to index
      %swap3A_327 = tpu.vector_load %arg8[%swap3A] {strides = array<i32>} : memref<80xi32, #tpu.memory_space<vmem>>, vector<16xi32>,
      %swap3A_328 = vector.shape_cast %swap3A_327 : vector<16xi32> to vector<16xi32>
      %swap3A_329 = vector.shape_cast %add3A_324 : vector<16xi32> to vector<16xi32>
      tpu.vector_store %arg8[%swap3A], %swap3A_329 {strides = array<i32>} : memref<80xi32, #tpu.memory_space<vmem>>, vector<16xi32>,
      %scan3A_330 = arith.constant 0 : i32
      scf.yield %scan3A_330 : i32
    }
    %scan3A_70 = arith.constant 5 : i32
    "tpu.region"() ({
      %run_scoped3A = tpu.sem_alloc : memref<!tpu.dma_semaphore, #tpu.memory_space<semaphore_mem>>
      %dma_start3A_317 = arith.constant 0 : i32
      %dma_start3A_318 = arith.constant 0 : i32
      %dma_start3A_319 = tpu.memref_slice %arg6[%dma_start3A_317, %dma_start3A_318] : memref<10000x128xf32, #tpu.memory_space<vmem_shared>> -> memref<10000x128xf32, #tpu.memory_space<vmem_shared>>
      tpu.enqueue_indirect_dma source(%arg9 : memref<80x128xf32, #tpu.memory_space<vmem>>) target(%dma_start3A_319 : memref<10000x128xf32, #tpu.memory_space<vmem_shared>>) offsets(%arg8 : memref<80xi32, #tpu.memory_space<vmem>>) semaphore(%run_scoped3A : memref<!tpu.dma_semaphore, #tpu.memory_space<semaphore_mem>>)
      %dma_wait3A_320 = arith.constant 0 : i32
      %dma_wait3A_321 = arith.constant 0 : i32
      %dma_wait3A_322 = tpu.memref_slice %arg6[%dma_wait3A_320, %dma_wait3A_321] : memref<10000x128xf32, #tpu.memory_space<vmem_shared>> -> memref<10000x128xf32, #tpu.memory_space<vmem_shared>>
      tpu.wait_indirect_dma semaphore(%run_scoped3A : memref<!tpu.dma_semaphore, #tpu.memory_space<semaphore_mem>>) src(%arg9 : memref<80x128xf32, #tpu.memory_space<vmem>>) dst(%dma_wait3A_322 : memref<10000x128xf32, #tpu.memory_space<vmem_shared>>)
      tpu.yield
    }) : () -> ()
    %add3A_71 = arith.constant 80 : i32
    %add3A_72 = arith.addi %arg1, %add3A_71 : i32
    %rem3A_73 = arith.constant 125 : i32
    %rem3A_74 = arith.remsi %add3A_72, %rem3A_73 : i32
    %mul3A_75 = arith.constant 80 : i32
    %mul3A_76 = arith.muli %rem3A_74, %mul3A_75 : i32
    %scan3A_77 = arith.constant 0 : i32
    %scan3A_78 = arith.constant 0 : i32
    %scan3A_79 = arith.constant 5 : i32
    %scan3A_80 = arith.addi %scan3A_78, %scan3A_79 : i32
    %scan3A_81 = arith.constant 1 : i32
    %scan3A_82 = scf.for %scan3A_317 = %scan3A_78 to %scan3A_80 step %scan3A_81 iter_args(%scan3A_318 = %scan3A_77) -> (i32)  : i32 {
      %iota3A = tpu.iota {dimensions = array<i32: 0>} : vector<16xi32>
      %add3A_319 = vector.broadcast %mul3A_76 : i32 to vector<16xi32>
      %add3A_320 = arith.addi %iota3A, %add3A_319 : vector<16xi32>
      %mul3A_321 = arith.constant 16 : i32
      %mul3A_322 = arith.muli %scan3A_317, %mul3A_321 : i32
      %add3A_323 = vector.broadcast %mul3A_322 : i32 to vector<16xi32>
      %add3A_324 = arith.addi %add3A_320, %add3A_323 : vector<16xi32>
      %mul3A_325 = arith.constant 16 : i32
      %mul3A_326 = arith.muli %scan3A_317, %mul3A_325 : i32
      %swap3A = arith.index_cast %mul3A_326 : i32 to index
      %swap3A_327 = tpu.vector_load %arg8[%swap3A] {strides = array<i32>} : memref<80xi32, #tpu.memory_space<vmem>>, vector<16xi32>,
      %swap3A_328 = vector.shape_cast %swap3A_327 : vector<16xi32> to vector<16xi32>
      %swap3A_329 = vector.shape_cast %add3A_324 : vector<16xi32> to vector<16xi32>
      tpu.vector_store %arg8[%swap3A], %swap3A_329 {strides = array<i32>} : memref<80xi32, #tpu.memory_space<vmem>>, vector<16xi32>,
      %scan3A_330 = arith.constant 0 : i32
      scf.yield %scan3A_330 : i32
    }
    %scan3A_83 = arith.constant 5 : i32
    "tpu.region"() ({
      %run_scoped3A = tpu.sem_alloc : memref<!tpu.dma_semaphore, #tpu.memory_space<semaphore_mem>>
      %dma_start3A_317 = arith.constant 0 : i32
      %dma_start3A_318 = arith.constant 0 : i32
      %dma_start3A_319 = tpu.memref_slice %arg6[%dma_start3A_317, %dma_start3A_318] : memref<10000x128xf32, #tpu.memory_space<vmem_shared>> -> memref<10000x128xf32, #tpu.memory_space<vmem_shared>>
      tpu.enqueue_indirect_dma source(%arg9 : memref<80x128xf32, #tpu.memory_space<vmem>>) target(%dma_start3A_319 : memref<10000x128xf32, #tpu.memory_space<vmem_shared>>) offsets(%arg8 : memref<80xi32, #tpu.memory_space<vmem>>) semaphore(%run_scoped3A : memref<!tpu.dma_semaphore, #tpu.memory_space<semaphore_mem>>)
      %dma_wait3A_320 = arith.constant 0 : i32
      %dma_wait3A_321 = arith.constant 0 : i32
      %dma_wait3A_322 = tpu.memref_slice %arg6[%dma_wait3A_320, %dma_wait3A_321] : memref<10000x128xf32, #tpu.memory_space<vmem_shared>> -> memref<10000x128xf32, #tpu.memory_space<vmem_shared>>
      tpu.wait_indirect_dma semaphore(%run_scoped3A : memref<!tpu.dma_semaphore, #tpu.memory_space<semaphore_mem>>) src(%arg9 : memref<80x128xf32, #tpu.memory_space<vmem>>) dst(%dma_wait3A_322 : memref<10000x128xf32, #tpu.memory_space<vmem_shared>>)
      tpu.yield
    }) : () -> ()
    %add3A_84 = arith.constant 96 : i32
    %add3A_85 = arith.addi %arg1, %add3A_84 : i32
    %rem3A_86 = arith.constant 125 : i32
    %rem3A_87 = arith.remsi %add3A_85, %rem3A_86 : i32
    %mul3A_88 = arith.constant 80 : i32
    %mul3A_89 = arith.muli %rem3A_87, %mul3A_88 : i32
    %scan3A_90 = arith.constant 0 : i32
    %scan3A_91 = arith.constant 0 : i32
    %scan3A_92 = arith.constant 5 : i32
    %scan3A_93 = arith.addi %scan3A_91, %scan3A_92 : i32
    %scan3A_94 = arith.constant 1 : i32
    %scan3A_95 = scf.for %scan3A_317 = %scan3A_91 to %scan3A_93 step %scan3A_94 iter_args(%scan3A_318 = %scan3A_90) -> (i32)  : i32 {
      %iota3A = tpu.iota {dimensions = array<i32: 0>} : vector<16xi32>
      %add3A_319 = vector.broadcast %mul3A_89 : i32 to vector<16xi32>
      %add3A_320 = arith.addi %iota3A, %add3A_319 : vector<16xi32>
      %mul3A_321 = arith.constant 16 : i32
      %mul3A_322 = arith.muli %scan3A_317, %mul3A_321 : i32
      %add3A_323 = vector.broadcast %mul3A_322 : i32 to vector<16xi32>
      %add3A_324 = arith.addi %add3A_320, %add3A_323 : vector<16xi32>
      %mul3A_325 = arith.constant 16 : i32
      %mul3A_326 = arith.muli %scan3A_317, %mul3A_325 : i32
      %swap3A = arith.index_cast %mul3A_326 : i32 to index
      %swap3A_327 = tpu.vector_load %arg8[%swap3A] {strides = array<i32>} : memref<80xi32, #tpu.memory_space<vmem>>, vector<16xi32>,
      %swap3A_328 = vector.shape_cast %swap3A_327 : vector<16xi32> to vector<16xi32>
      %swap3A_329 = vector.shape_cast %add3A_324 : vector<16xi32> to vector<16xi32>
      tpu.vector_store %arg8[%swap3A], %swap3A_329 {strides = array<i32>} : memref<80xi32, #tpu.memory_space<vmem>>, vector<16xi32>,
      %scan3A_330 = arith.constant 0 : i32
      scf.yield %scan3A_330 : i32
    }
    %scan3A_96 = arith.constant 5 : i32
    "tpu.region"() ({
      %run_scoped3A = tpu.sem_alloc : memref<!tpu.dma_semaphore, #tpu.memory_space<semaphore_mem>>
      %dma_start3A_317 = arith.constant 0 : i32
      %dma_start3A_318 = arith.constant 0 : i32
      %dma_start3A_319 = tpu.memref_slice %arg6[%dma_start3A_317, %dma_start3A_318] : memref<10000x128xf32, #tpu.memory_space<vmem_shared>> -> memref<10000x128xf32, #tpu.memory_space<vmem_shared>>
      tpu.enqueue_indirect_dma source(%arg9 : memref<80x128xf32, #tpu.memory_space<vmem>>) target(%dma_start3A_319 : memref<10000x128xf32, #tpu.memory_space<vmem_shared>>) offsets(%arg8 : memref<80xi32, #tpu.memory_space<vmem>>) semaphore(%run_scoped3A : memref<!tpu.dma_semaphore, #tpu.memory_space<semaphore_mem>>)
      %dma_wait3A_320 = arith.constant 0 : i32
      %dma_wait3A_321 = arith.constant 0 : i32
      %dma_wait3A_322 = tpu.memref_slice %arg6[%dma_wait3A_320, %dma_wait3A_321] : memref<10000x128xf32, #tpu.memory_space<vmem_shared>> -> memref<10000x128xf32, #tpu.memory_space<vmem_shared>>
      tpu.wait_indirect_dma semaphore(%run_scoped3A : memref<!tpu.dma_semaphore, #tpu.memory_space<semaphore_mem>>) src(%arg9 : memref<80x128xf32, #tpu.memory_space<vmem>>) dst(%dma_wait3A_322 : memref<10000x128xf32, #tpu.memory_space<vmem_shared>>)
      tpu.yield
    }) : () -> ()
    %add3A_97 = arith.constant 112 : i32
    %add3A_98 = arith.addi %arg1, %add3A_97 : i32
    %rem3A_99 = arith.constant 125 : i32
    %rem3A_100 = arith.remsi %add3A_98, %rem3A_99 : i32
    %mul3A_101 = arith.constant 80 : i32
    %mul3A_102 = arith.muli %rem3A_100, %mul3A_101 : i32
    %scan3A_103 = arith.constant 0 : i32
    %scan3A_104 = arith.constant 0 : i32
    %scan3A_105 = arith.constant 5 : i32
    %scan3A_106 = arith.addi %scan3A_104, %scan3A_105 : i32
    %scan3A_107 = arith.constant 1 : i32
    %scan3A_108 = scf.for %scan3A_317 = %scan3A_104 to %scan3A_106 step %scan3A_107 iter_args(%scan3A_318 = %scan3A_103) -> (i32)  : i32 {
      %iota3A = tpu.iota {dimensions = array<i32: 0>} : vector<16xi32>
      %add3A_319 = vector.broadcast %mul3A_102 : i32 to vector<16xi32>
      %add3A_320 = arith.addi %iota3A, %add3A_319 : vector<16xi32>
      %mul3A_321 = arith.constant 16 : i32
      %mul3A_322 = arith.muli %scan3A_317, %mul3A_321 : i32
      %add3A_323 = vector.broadcast %mul3A_322 : i32 to vector<16xi32>
      %add3A_324 = arith.addi %add3A_320, %add3A_323 : vector<16xi32>
      %mul3A_325 = arith.constant 16 : i32
      %mul3A_326 = arith.muli %scan3A_317, %mul3A_325 : i32
      %swap3A = arith.index_cast %mul3A_326 : i32 to index
      %swap3A_327 = tpu.vector_load %arg8[%swap3A] {strides = array<i32>} : memref<80xi32, #tpu.memory_space<vmem>>, vector<16xi32>,
      %swap3A_328 = vector.shape_cast %swap3A_327 : vector<16xi32> to vector<16xi32>
      %swap3A_329 = vector.shape_cast %add3A_324 : vector<16xi32> to vector<16xi32>
      tpu.vector_store %arg8[%swap3A], %swap3A_329 {strides = array<i32>} : memref<80xi32, #tpu.memory_space<vmem>>, vector<16xi32>,
      %scan3A_330 = arith.constant 0 : i32
      scf.yield %scan3A_330 : i32
    }
    %scan3A_109 = arith.constant 5 : i32
    "tpu.region"() ({
      %run_scoped3A = tpu.sem_alloc : memref<!tpu.dma_semaphore, #tpu.memory_space<semaphore_mem>>
      %dma_start3A_317 = arith.constant 0 : i32
      %dma_start3A_318 = arith.constant 0 : i32
      %dma_start3A_319 = tpu.memref_slice %arg6[%dma_start3A_317, %dma_start3A_318] : memref<10000x128xf32, #tpu.memory_space<vmem_shared>> -> memref<10000x128xf32, #tpu.memory_space<vmem_shared>>
      tpu.enqueue_indirect_dma source(%arg9 : memref<80x128xf32, #tpu.memory_space<vmem>>) target(%dma_start3A_319 : memref<10000x128xf32, #tpu.memory_space<vmem_shared>>) offsets(%arg8 : memref<80xi32, #tpu.memory_space<vmem>>) semaphore(%run_scoped3A : memref<!tpu.dma_semaphore, #tpu.memory_space<semaphore_mem>>)
      %dma_wait3A_320 = arith.constant 0 : i32
      %dma_wait3A_321 = arith.constant 0 : i32
      %dma_wait3A_322 = tpu.memref_slice %arg6[%dma_wait3A_320, %dma_wait3A_321] : memref<10000x128xf32, #tpu.memory_space<vmem_shared>> -> memref<10000x128xf32, #tpu.memory_space<vmem_shared>>
      tpu.wait_indirect_dma semaphore(%run_scoped3A : memref<!tpu.dma_semaphore, #tpu.memory_space<semaphore_mem>>) src(%arg9 : memref<80x128xf32, #tpu.memory_space<vmem>>) dst(%dma_wait3A_322 : memref<10000x128xf32, #tpu.memory_space<vmem_shared>>)
      tpu.yield
    }) : () -> ()
    %barrier3A = arith.constant 0 : index
    tpu.barrier barrier_id(%barrier3A)
    %scan3A_110 = arith.constant 0 : i32
    %scan3A_111 = arith.constant 0 : i32
    %scan3A_112 = arith.constant 80 : i32
    %scan3A_113 = arith.addi %scan3A_111, %scan3A_112 : i32
    %scan3A_114 = arith.constant 1 : i32
    %scan3A_115 = scf.for %scan3A_317 = %scan3A_111 to %scan3A_113 step %scan3A_114 iter_args(%scan3A_318 = %scan3A_110) -> (i32)  : i32 {
      %broadcast_in_dim3A = arith.constant 1.000000e+00 : f32
      %broadcast_in_dim3A_319 = vector.broadcast %broadcast_in_dim3A : f32 to vector<16xf32>
      %swap3A = arith.index_cast %scan3A_317 : i32 to index
      %swap3A_320 = arith.constant 0 : index
      %swap3A_321 = tpu.vector_load %arg9[%swap3A, %swap3A_320] {strides = array<i32>} : memref<80x128xf32, #tpu.memory_space<vmem>>, vector<1x16xf32>,
      %swap3A_322 = vector.shape_cast %swap3A_321 : vector<1x16xf32> to vector<16xf32>
      %swap3A_323 = vector.shape_cast %broadcast_in_dim3A_319 : vector<16xf32> to vector<1x16xf32>
      tpu.vector_store %arg9[%swap3A, %swap3A_320], %swap3A_323 {strides = array<i32>} : memref<80x128xf32, #tpu.memory_space<vmem>>, vector<1x16xf32>,
      %broadcast_in_dim3A_324 = arith.constant 1.000000e+00 : f32
      %broadcast_in_dim3A_325 = vector.broadcast %broadcast_in_dim3A_324 : f32 to vector<16xf32>
      %swap3A_326 = arith.index_cast %scan3A_317 : i32 to index
      %swap3A_327 = arith.constant 16 : index
      %swap3A_328 = tpu.vector_load %arg9[%swap3A_326, %swap3A_327] {strides = array<i32>} : memref<80x128xf32, #tpu.memory_space<vmem>>, vector<1x16xf32>,
      %swap3A_329 = vector.shape_cast %swap3A_328 : vector<1x16xf32> to vector<16xf32>
      %swap3A_330 = vector.shape_cast %broadcast_in_dim3A_325 : vector<16xf32> to vector<1x16xf32>
      tpu.vector_store %arg9[%swap3A_326, %swap3A_327], %swap3A_330 {strides = array<i32>} : memref<80x128xf32, #tpu.memory_space<vmem>>, vector<1x16xf32>,
      %broadcast_in_dim3A_331 = arith.constant 1.000000e+00 : f32
      %broadcast_in_dim3A_332 = vector.broadcast %broadcast_in_dim3A_331 : f32 to vector<16xf32>
      %swap3A_333 = arith.index_cast %scan3A_317 : i32 to index
      %swap3A_334 = arith.constant 32 : index
      %swap3A_335 = tpu.vector_load %arg9[%swap3A_333, %swap3A_334] {strides = array<i32>} : memref<80x128xf32, #tpu.memory_space<vmem>>, vector<1x16xf32>,
      %swap3A_336 = vector.shape_cast %swap3A_335 : vector<1x16xf32> to vector<16xf32>
      %swap3A_337 = vector.shape_cast %broadcast_in_dim3A_332 : vector<16xf32> to vector<1x16xf32>
      tpu.vector_store %arg9[%swap3A_333, %swap3A_334], %swap3A_337 {strides = array<i32>} : memref<80x128xf32, #tpu.memory_space<vmem>>, vector<1x16xf32>,
      %broadcast_in_dim3A_338 = arith.constant 1.000000e+00 : f32
      %broadcast_in_dim3A_339 = vector.broadcast %broadcast_in_dim3A_338 : f32 to vector<16xf32>
      %swap3A_340 = arith.index_cast %scan3A_317 : i32 to index
      %swap3A_341 = arith.constant 48 : index
      %swap3A_342 = tpu.vector_load %arg9[%swap3A_340, %swap3A_341] {strides = array<i32>} : memref<80x128xf32, #tpu.memory_space<vmem>>, vector<1x16xf32>,
      %swap3A_343 = vector.shape_cast %swap3A_342 : vector<1x16xf32> to vector<16xf32>
      %swap3A_344 = vector.shape_cast %broadcast_in_dim3A_339 : vector<16xf32> to vector<1x16xf32>
      tpu.vector_store %arg9[%swap3A_340, %swap3A_341], %swap3A_344 {strides = array<i32>} : memref<80x128xf32, #tpu.memory_space<vmem>>, vector<1x16xf32>,
      %broadcast_in_dim3A_345 = arith.constant 1.000000e+00 : f32
      %broadcast_in_dim3A_346 = vector.broadcast %broadcast_in_dim3A_345 : f32 to vector<16xf32>
      %swap3A_347 = arith.index_cast %scan3A_317 : i32 to index
      %swap3A_348 = arith.constant 64 : index
      %swap3A_349 = tpu.vector_load %arg9[%swap3A_347, %swap3A_348] {strides = array<i32>} : memref<80x128xf32, #tpu.memory_space<vmem>>, vector<1x16xf32>,
      %swap3A_350 = vector.shape_cast %swap3A_349 : vector<1x16xf32> to vector<16xf32>
      %swap3A_351 = vector.shape_cast %broadcast_in_dim3A_346 : vector<16xf32> to vector<1x16xf32>
      tpu.vector_store %arg9[%swap3A_347, %swap3A_348], %swap3A_351 {strides = array<i32>} : memref<80x128xf32, #tpu.memory_space<vmem>>, vector<1x16xf32>,
      %broadcast_in_dim3A_352 = arith.constant 1.000000e+00 : f32
      %broadcast_in_dim3A_353 = vector.broadcast %broadcast_in_dim3A_352 : f32 to vector<16xf32>
      %swap3A_354 = arith.index_cast %scan3A_317 : i32 to index
      %swap3A_355 = arith.constant 80 : index
      %swap3A_356 = tpu.vector_load %arg9[%swap3A_354, %swap3A_355] {strides = array<i32>} : memref<80x128xf32, #tpu.memory_space<vmem>>, vector<1x16xf32>,
      %swap3A_357 = vector.shape_cast %swap3A_356 : vector<1x16xf32> to vector<16xf32>
      %swap3A_358 = vector.shape_cast %broadcast_in_dim3A_353 : vector<16xf32> to vector<1x16xf32>
      tpu.vector_store %arg9[%swap3A_354, %swap3A_355], %swap3A_358 {strides = array<i32>} : memref<80x128xf32, #tpu.memory_space<vmem>>, vector<1x16xf32>,
      %broadcast_in_dim3A_359 = arith.constant 1.000000e+00 : f32
      %broadcast_in_dim3A_360 = vector.broadcast %broadcast_in_dim3A_359 : f32 to vector<16xf32>
      %swap3A_361 = arith.index_cast %scan3A_317 : i32 to index
      %swap3A_362 = arith.constant 96 : index
      %swap3A_363 = tpu.vector_load %arg9[%swap3A_361, %swap3A_362] {strides = array<i32>} : memref<80x128xf32, #tpu.memory_space<vmem>>, vector<1x16xf32>,
      %swap3A_364 = vector.shape_cast %swap3A_363 : vector<1x16xf32> to vector<16xf32>
      %swap3A_365 = vector.shape_cast %broadcast_in_dim3A_360 : vector<16xf32> to vector<1x16xf32>
      tpu.vector_store %arg9[%swap3A_361, %swap3A_362], %swap3A_365 {strides = array<i32>} : memref<80x128xf32, #tpu.memory_space<vmem>>, vector<1x16xf32>,
      %broadcast_in_dim3A_366 = arith.constant 1.000000e+00 : f32
      %broadcast_in_dim3A_367 = vector.broadcast %broadcast_in_dim3A_366 : f32 to vector<16xf32>
      %swap3A_368 = arith.index_cast %scan3A_317 : i32 to index
      %swap3A_369 = arith.constant 112 : index
      %swap3A_370 = tpu.vector_load %arg9[%swap3A_368, %swap3A_369] {strides = array<i32>} : memref<80x128xf32, #tpu.memory_space<vmem>>, vector<1x16xf32>,
      %swap3A_371 = vector.shape_cast %swap3A_370 : vector<1x16xf32> to vector<16xf32>
      %swap3A_372 = vector.shape_cast %broadcast_in_dim3A_367 : vector<16xf32> to vector<1x16xf32>
      tpu.vector_store %arg9[%swap3A_368, %swap3A_369], %swap3A_372 {strides = array<i32>} : memref<80x128xf32, #tpu.memory_space<vmem>>, vector<1x16xf32>,
      %scan3A_373 = arith.constant 0 : i32
      scf.yield %scan3A_373 : i32
    }
    %scan3A_116 = arith.constant 80 : i32
    %mul3A_117 = arith.constant 10000 : i32
    %mul3A_118 = arith.muli %add3A, %mul3A_117 : i32
    %scan3A_119 = arith.constant 0 : i32
    %scan3A_120 = arith.constant 0 : i32
    %scan3A_121 = arith.constant 125 : i32
    %scan3A_122 = arith.addi %scan3A_120, %scan3A_121 : i32
    %scan3A_123 = arith.constant 1 : i32
    %scan3A_124 = scf.for %scan3A_317 = %scan3A_120 to %scan3A_122 step %scan3A_123 iter_args(%scan3A_318 = %scan3A_119) -> (i32)  : i32 {
      %mul3A_319 = arith.constant 80 : i32
      %mul3A_320 = arith.muli %scan3A_317, %mul3A_319 : i32
      %add3A_321 = arith.addi %mul3A_118, %mul3A_320 : i32
      "tpu.region"() ({
        %run_scoped3A = tpu.sem_alloc : memref<!tpu.dma_semaphore, #tpu.memory_space<semaphore_mem>>
        %dma_start3A_323 = tpu.memref_slice %arg4[%add3A_321] : memref<320000xi32, #tpu.memory_space<hbm>> -> memref<80xi32, #tpu.memory_space<hbm>>
        %dma_start3A_324 = tpu.memref_slice %arg4[%add3A_321] : memref<320000xi32, #tpu.memory_space<hbm>> -> memref<80xi32, #tpu.memory_space<hbm>>
        tpu.enqueue_dma source(%dma_start3A_324 : memref<80xi32, #tpu.memory_space<hbm>>) target(%arg8 : memref<80xi32, #tpu.memory_space<vmem>>) target_semaphore(%run_scoped3A : memref<!tpu.dma_semaphore, #tpu.memory_space<semaphore_mem>>)
        %dma_wait3A_325 = tpu.memref_slice %arg4[%add3A_321] : memref<320000xi32, #tpu.memory_space<hbm>> -> memref<80xi32, #tpu.memory_space<hbm>>
        %dma_wait3A_326 = tpu.memref_slice %arg4[%add3A_321] : memref<320000xi32, #tpu.memory_space<hbm>> -> memref<80xi32, #tpu.memory_space<hbm>>
        tpu.wait_dma2 semaphore(%run_scoped3A : memref<!tpu.dma_semaphore, #tpu.memory_space<semaphore_mem>>) src(%dma_wait3A_326 : memref<80xi32, #tpu.memory_space<hbm>>) dst(%arg8 : memref<80xi32, #tpu.memory_space<vmem>>)
        tpu.yield
      }) : () -> ()
      "tpu.region"() ({
        %run_scoped3A = tpu.sem_alloc : memref<!tpu.dma_semaphore, #tpu.memory_space<semaphore_mem>>
        %dma_start3A_323 = arith.constant 0 : i32
        %dma_start3A_324 = arith.constant 0 : i32
        %dma_start3A_325 = tpu.memref_slice %arg6[%dma_start3A_323, %dma_start3A_324] : memref<10000x128xf32, #tpu.memory_space<vmem_shared>> -> memref<10000x128xf32, #tpu.memory_space<vmem_shared>>
        tpu.enqueue_indirect_dma source(%arg9 : memref<80x128xf32, #tpu.memory_space<vmem>>) target(%dma_start3A_325 : memref<10000x128xf32, #tpu.memory_space<vmem_shared>>) offsets(%arg8 : memref<80xi32, #tpu.memory_space<vmem>>) semaphore(%run_scoped3A : memref<!tpu.dma_semaphore, #tpu.memory_space<semaphore_mem>>) {add = true}
        %dma_wait3A_326 = arith.constant 0 : i32
        %dma_wait3A_327 = arith.constant 0 : i32
        %dma_wait3A_328 = tpu.memref_slice %arg6[%dma_wait3A_326, %dma_wait3A_327] : memref<10000x128xf32, #tpu.memory_space<vmem_shared>> -> memref<10000x128xf32, #tpu.memory_space<vmem_shared>>
        tpu.wait_indirect_dma semaphore(%run_scoped3A : memref<!tpu.dma_semaphore, #tpu.memory_space<semaphore_mem>>) src(%arg9 : memref<80x128xf32, #tpu.memory_space<vmem>>) dst(%dma_wait3A_328 : memref<10000x128xf32, #tpu.memory_space<vmem_shared>>)
        tpu.yield
      }) : () -> ()
      %scan3A_322 = arith.constant 0 : i32
      scf.yield %scan3A_322 : i32
    }
    %scan3A_125 = arith.constant 125 : i32
    %barrier3A_126 = arith.constant 0 : index
    tpu.barrier barrier_id(%barrier3A_126)
    %add3A_127 = arith.constant 0 : i32
    %add3A_128 = arith.addi %arg1, %add3A_127 : i32
    %rem3A_129 = arith.constant 125 : i32
    %rem3A_130 = arith.remsi %add3A_128, %rem3A_129 : i32
    %mul3A_131 = arith.constant 80 : i32
    %mul3A_132 = arith.muli %rem3A_130, %mul3A_131 : i32
    %scan3A_133 = arith.constant 0 : i32
    %scan3A_134 = arith.constant 0 : i32
    %scan3A_135 = arith.constant 5 : i32
    %scan3A_136 = arith.addi %scan3A_134, %scan3A_135 : i32
    %scan3A_137 = arith.constant 1 : i32
    %scan3A_138 = scf.for %scan3A_317 = %scan3A_134 to %scan3A_136 step %scan3A_137 iter_args(%scan3A_318 = %scan3A_133) -> (i32)  : i32 {
      %iota3A = tpu.iota {dimensions = array<i32: 0>} : vector<16xi32>
      %add3A_319 = vector.broadcast %mul3A_132 : i32 to vector<16xi32>
      %add3A_320 = arith.addi %iota3A, %add3A_319 : vector<16xi32>
      %mul3A_321 = arith.constant 16 : i32
      %mul3A_322 = arith.muli %scan3A_317, %mul3A_321 : i32
      %add3A_323 = vector.broadcast %mul3A_322 : i32 to vector<16xi32>
      %add3A_324 = arith.addi %add3A_320, %add3A_323 : vector<16xi32>
      %mul3A_325 = arith.constant 16 : i32
      %mul3A_326 = arith.muli %scan3A_317, %mul3A_325 : i32
      %swap3A = arith.index_cast %mul3A_326 : i32 to index
      %swap3A_327 = tpu.vector_load %arg8[%swap3A] {strides = array<i32>} : memref<80xi32, #tpu.memory_space<vmem>>, vector<16xi32>,
      %swap3A_328 = vector.shape_cast %swap3A_327 : vector<16xi32> to vector<16xi32>
      %swap3A_329 = vector.shape_cast %add3A_324 : vector<16xi32> to vector<16xi32>
      tpu.vector_store %arg8[%swap3A], %swap3A_329 {strides = array<i32>} : memref<80xi32, #tpu.memory_space<vmem>>, vector<16xi32>,
      %scan3A_330 = arith.constant 0 : i32
      scf.yield %scan3A_330 : i32
    }
    %scan3A_139 = arith.constant 5 : i32
    %dma_start3A = arith.constant 0 : i32
    %dma_start3A_140 = arith.constant 0 : i32
    %dma_start3A_141 = tpu.memref_slice %arg6[%dma_start3A, %dma_start3A_140] : memref<10000x128xf32, #tpu.memory_space<vmem_shared>> -> memref<10000x128xf32, #tpu.memory_space<vmem_shared>>
    tpu.enqueue_indirect_dma source(%dma_start3A_141 : memref<10000x128xf32, #tpu.memory_space<vmem_shared>>) target(%arg9 : memref<80x128xf32, #tpu.memory_space<vmem>>) offsets(%arg8 : memref<80xi32, #tpu.memory_space<vmem>>) semaphore(%arg10 : memref<!tpu.dma_semaphore, #tpu.memory_space<semaphore_mem>>)
    %dma_wait3A = arith.constant 0 : i32
    %dma_wait3A_142 = arith.constant 0 : i32
    %dma_wait3A_143 = tpu.memref_slice %arg6[%dma_wait3A, %dma_wait3A_142] : memref<10000x128xf32, #tpu.memory_space<vmem_shared>> -> memref<10000x128xf32, #tpu.memory_space<vmem_shared>>
    tpu.wait_indirect_dma semaphore(%arg10 : memref<!tpu.dma_semaphore, #tpu.memory_space<semaphore_mem>>) src(%dma_wait3A_143 : memref<10000x128xf32, #tpu.memory_space<vmem_shared>>) dst(%arg9 : memref<80x128xf32, #tpu.memory_space<vmem>>)
    %mul3A_144 = arith.constant 10000 : i32
    %mul3A_145 = arith.muli %arg0, %mul3A_144 : i32
    %mul3A_146 = arith.constant 80 : i32
    %mul3A_147 = arith.muli %rem3A_130, %mul3A_146 : i32
    %add3A_148 = arith.addi %mul3A_145, %mul3A_147 : i32
    "tpu.region"() ({
      %run_scoped3A = tpu.sem_alloc : memref<!tpu.dma_semaphore, #tpu.memory_space<semaphore_mem>>
      %dma_start3A_317 = arith.constant 0 : i32
      %dma_start3A_318 = tpu.memref_slice %arg5[%add3A_148, %dma_start3A_317] : memref<20000x128xf32, #tpu.memory_space<hbm>> -> memref<80x128xf32, #tpu.memory_space<hbm>>
      %dma_start3A_319 = arith.constant 0 : i32
      %dma_start3A_320 = tpu.memref_slice %arg5[%add3A_148, %dma_start3A_319] : memref<20000x128xf32, #tpu.memory_space<hbm>> -> memref<80x128xf32, #tpu.memory_space<hbm>>
      tpu.enqueue_dma source(%arg9 : memref<80x128xf32, #tpu.memory_space<vmem>>) target(%dma_start3A_320 : memref<80x128xf32, #tpu.memory_space<hbm>>) target_semaphore(%run_scoped3A : memref<!tpu.dma_semaphore, #tpu.memory_space<semaphore_mem>>)
      %dma_wait3A_321 = arith.constant 0 : i32
      %dma_wait3A_322 = tpu.memref_slice %arg5[%add3A_148, %dma_wait3A_321] : memref<20000x128xf32, #tpu.memory_space<hbm>> -> memref<80x128xf32, #tpu.memory_space<hbm>>
      %dma_wait3A_323 = arith.constant 0 : i32
      %dma_wait3A_324 = tpu.memref_slice %arg5[%add3A_148, %dma_wait3A_323] : memref<20000x128xf32, #tpu.memory_space<hbm>> -> memref<80x128xf32, #tpu.memory_space<hbm>>
      tpu.wait_dma2 semaphore(%run_scoped3A : memref<!tpu.dma_semaphore, #tpu.memory_space<semaphore_mem>>) src(%arg9 : memref<80x128xf32, #tpu.memory_space<vmem>>) dst(%dma_wait3A_324 : memref<80x128xf32, #tpu.memory_space<hbm>>)
      tpu.yield
    }) : () -> ()
    %add3A_149 = arith.constant 16 : i32
    %add3A_150 = arith.addi %arg1, %add3A_149 : i32
    %rem3A_151 = arith.constant 125 : i32
    %rem3A_152 = arith.remsi %add3A_150, %rem3A_151 : i32
    %mul3A_153 = arith.constant 80 : i32
    %mul3A_154 = arith.muli %rem3A_152, %mul3A_153 : i32
    %scan3A_155 = arith.constant 0 : i32
    %scan3A_156 = arith.constant 0 : i32
    %scan3A_157 = arith.constant 5 : i32
    %scan3A_158 = arith.addi %scan3A_156, %scan3A_157 : i32
    %scan3A_159 = arith.constant 1 : i32
    %scan3A_160 = scf.for %scan3A_317 = %scan3A_156 to %scan3A_158 step %scan3A_159 iter_args(%scan3A_318 = %scan3A_155) -> (i32)  : i32 {
      %iota3A = tpu.iota {dimensions = array<i32: 0>} : vector<16xi32>
      %add3A_319 = vector.broadcast %mul3A_154 : i32 to vector<16xi32>
      %add3A_320 = arith.addi %iota3A, %add3A_319 : vector<16xi32>
      %mul3A_321 = arith.constant 16 : i32
      %mul3A_322 = arith.muli %scan3A_317, %mul3A_321 : i32
      %add3A_323 = vector.broadcast %mul3A_322 : i32 to vector<16xi32>
      %add3A_324 = arith.addi %add3A_320, %add3A_323 : vector<16xi32>
      %mul3A_325 = arith.constant 16 : i32
      %mul3A_326 = arith.muli %scan3A_317, %mul3A_325 : i32
      %swap3A = arith.index_cast %mul3A_326 : i32 to index
      %swap3A_327 = tpu.vector_load %arg8[%swap3A] {strides = array<i32>} : memref<80xi32, #tpu.memory_space<vmem>>, vector<16xi32>,
      %swap3A_328 = vector.shape_cast %swap3A_327 : vector<16xi32> to vector<16xi32>
      %swap3A_329 = vector.shape_cast %add3A_324 : vector<16xi32> to vector<16xi32>
      tpu.vector_store %arg8[%swap3A], %swap3A_329 {strides = array<i32>} : memref<80xi32, #tpu.memory_space<vmem>>, vector<16xi32>,
      %scan3A_330 = arith.constant 0 : i32
      scf.yield %scan3A_330 : i32
    }
    %scan3A_161 = arith.constant 5 : i32
    %dma_start3A_162 = arith.constant 0 : i32
    %dma_start3A_163 = arith.constant 0 : i32
    %dma_start3A_164 = tpu.memref_slice %arg6[%dma_start3A_162, %dma_start3A_163] : memref<10000x128xf32, #tpu.memory_space<vmem_shared>> -> memref<10000x128xf32, #tpu.memory_space<vmem_shared>>
    tpu.enqueue_indirect_dma source(%dma_start3A_164 : memref<10000x128xf32, #tpu.memory_space<vmem_shared>>) target(%arg9 : memref<80x128xf32, #tpu.memory_space<vmem>>) offsets(%arg8 : memref<80xi32, #tpu.memory_space<vmem>>) semaphore(%arg10 : memref<!tpu.dma_semaphore, #tpu.memory_space<semaphore_mem>>)
    %dma_wait3A_165 = arith.constant 0 : i32
    %dma_wait3A_166 = arith.constant 0 : i32
    %dma_wait3A_167 = tpu.memref_slice %arg6[%dma_wait3A_165, %dma_wait3A_166] : memref<10000x128xf32, #tpu.memory_space<vmem_shared>> -> memref<10000x128xf32, #tpu.memory_space<vmem_shared>>
    tpu.wait_indirect_dma semaphore(%arg10 : memref<!tpu.dma_semaphore, #tpu.memory_space<semaphore_mem>>) src(%dma_wait3A_167 : memref<10000x128xf32, #tpu.memory_space<vmem_shared>>) dst(%arg9 : memref<80x128xf32, #tpu.memory_space<vmem>>)
    %mul3A_168 = arith.constant 10000 : i32
    %mul3A_169 = arith.muli %arg0, %mul3A_168 : i32
    %mul3A_170 = arith.constant 80 : i32
    %mul3A_171 = arith.muli %rem3A_152, %mul3A_170 : i32
    %add3A_172 = arith.addi %mul3A_169, %mul3A_171 : i32
    "tpu.region"() ({
      %run_scoped3A = tpu.sem_alloc : memref<!tpu.dma_semaphore, #tpu.memory_space<semaphore_mem>>
      %dma_start3A_317 = arith.constant 0 : i32
      %dma_start3A_318 = tpu.memref_slice %arg5[%add3A_172, %dma_start3A_317] : memref<20000x128xf32, #tpu.memory_space<hbm>> -> memref<80x128xf32, #tpu.memory_space<hbm>>
      %dma_start3A_319 = arith.constant 0 : i32
      %dma_start3A_320 = tpu.memref_slice %arg5[%add3A_172, %dma_start3A_319] : memref<20000x128xf32, #tpu.memory_space<hbm>> -> memref<80x128xf32, #tpu.memory_space<hbm>>
      tpu.enqueue_dma source(%arg9 : memref<80x128xf32, #tpu.memory_space<vmem>>) target(%dma_start3A_320 : memref<80x128xf32, #tpu.memory_space<hbm>>) target_semaphore(%run_scoped3A : memref<!tpu.dma_semaphore, #tpu.memory_space<semaphore_mem>>)
      %dma_wait3A_321 = arith.constant 0 : i32
      %dma_wait3A_322 = tpu.memref_slice %arg5[%add3A_172, %dma_wait3A_321] : memref<20000x128xf32, #tpu.memory_space<hbm>> -> memref<80x128xf32, #tpu.memory_space<hbm>>
      %dma_wait3A_323 = arith.constant 0 : i32
      %dma_wait3A_324 = tpu.memref_slice %arg5[%add3A_172, %dma_wait3A_323] : memref<20000x128xf32, #tpu.memory_space<hbm>> -> memref<80x128xf32, #tpu.memory_space<hbm>>
      tpu.wait_dma2 semaphore(%run_scoped3A : memref<!tpu.dma_semaphore, #tpu.memory_space<semaphore_mem>>) src(%arg9 : memref<80x128xf32, #tpu.memory_space<vmem>>) dst(%dma_wait3A_324 : memref<80x128xf32, #tpu.memory_space<hbm>>)
      tpu.yield
    }) : () -> ()
    %add3A_173 = arith.constant 32 : i32
    %add3A_174 = arith.addi %arg1, %add3A_173 : i32
    %rem3A_175 = arith.constant 125 : i32
    %rem3A_176 = arith.remsi %add3A_174, %rem3A_175 : i32
    %mul3A_177 = arith.constant 80 : i32
    %mul3A_178 = arith.muli %rem3A_176, %mul3A_177 : i32
    %scan3A_179 = arith.constant 0 : i32
    %scan3A_180 = arith.constant 0 : i32
    %scan3A_181 = arith.constant 5 : i32
    %scan3A_182 = arith.addi %scan3A_180, %scan3A_181 : i32
    %scan3A_183 = arith.constant 1 : i32
    %scan3A_184 = scf.for %scan3A_317 = %scan3A_180 to %scan3A_182 step %scan3A_183 iter_args(%scan3A_318 = %scan3A_179) -> (i32)  : i32 {
      %iota3A = tpu.iota {dimensions = array<i32: 0>} : vector<16xi32>
      %add3A_319 = vector.broadcast %mul3A_178 : i32 to vector<16xi32>
      %add3A_320 = arith.addi %iota3A, %add3A_319 : vector<16xi32>
      %mul3A_321 = arith.constant 16 : i32
      %mul3A_322 = arith.muli %scan3A_317, %mul3A_321 : i32
      %add3A_323 = vector.broadcast %mul3A_322 : i32 to vector<16xi32>
      %add3A_324 = arith.addi %add3A_320, %add3A_323 : vector<16xi32>
      %mul3A_325 = arith.constant 16 : i32
      %mul3A_326 = arith.muli %scan3A_317, %mul3A_325 : i32
      %swap3A = arith.index_cast %mul3A_326 : i32 to index
      %swap3A_327 = tpu.vector_load %arg8[%swap3A] {strides = array<i32>} : memref<80xi32, #tpu.memory_space<vmem>>, vector<16xi32>,
      %swap3A_328 = vector.shape_cast %swap3A_327 : vector<16xi32> to vector<16xi32>
      %swap3A_329 = vector.shape_cast %add3A_324 : vector<16xi32> to vector<16xi32>
      tpu.vector_store %arg8[%swap3A], %swap3A_329 {strides = array<i32>} : memref<80xi32, #tpu.memory_space<vmem>>, vector<16xi32>,
      %scan3A_330 = arith.constant 0 : i32
      scf.yield %scan3A_330 : i32
    }
    %scan3A_185 = arith.constant 5 : i32
    %dma_start3A_186 = arith.constant 0 : i32
    %dma_start3A_187 = arith.constant 0 : i32
    %dma_start3A_188 = tpu.memref_slice %arg6[%dma_start3A_186, %dma_start3A_187] : memref<10000x128xf32, #tpu.memory_space<vmem_shared>> -> memref<10000x128xf32, #tpu.memory_space<vmem_shared>>
    tpu.enqueue_indirect_dma source(%dma_start3A_188 : memref<10000x128xf32, #tpu.memory_space<vmem_shared>>) target(%arg9 : memref<80x128xf32, #tpu.memory_space<vmem>>) offsets(%arg8 : memref<80xi32, #tpu.memory_space<vmem>>) semaphore(%arg10 : memref<!tpu.dma_semaphore, #tpu.memory_space<semaphore_mem>>)
    %dma_wait3A_189 = arith.constant 0 : i32
    %dma_wait3A_190 = arith.constant 0 : i32
    %dma_wait3A_191 = tpu.memref_slice %arg6[%dma_wait3A_189, %dma_wait3A_190] : memref<10000x128xf32, #tpu.memory_space<vmem_shared>> -> memref<10000x128xf32, #tpu.memory_space<vmem_shared>>
    tpu.wait_indirect_dma semaphore(%arg10 : memref<!tpu.dma_semaphore, #tpu.memory_space<semaphore_mem>>) src(%dma_wait3A_191 : memref<10000x128xf32, #tpu.memory_space<vmem_shared>>) dst(%arg9 : memref<80x128xf32, #tpu.memory_space<vmem>>)
    %mul3A_192 = arith.constant 10000 : i32
    %mul3A_193 = arith.muli %arg0, %mul3A_192 : i32
    %mul3A_194 = arith.constant 80 : i32
    %mul3A_195 = arith.muli %rem3A_176, %mul3A_194 : i32
    %add3A_196 = arith.addi %mul3A_193, %mul3A_195 : i32
    "tpu.region"() ({
      %run_scoped3A = tpu.sem_alloc : memref<!tpu.dma_semaphore, #tpu.memory_space<semaphore_mem>>
      %dma_start3A_317 = arith.constant 0 : i32
      %dma_start3A_318 = tpu.memref_slice %arg5[%add3A_196, %dma_start3A_317] : memref<20000x128xf32, #tpu.memory_space<hbm>> -> memref<80x128xf32, #tpu.memory_space<hbm>>
      %dma_start3A_319 = arith.constant 0 : i32
      %dma_start3A_320 = tpu.memref_slice %arg5[%add3A_196, %dma_start3A_319] : memref<20000x128xf32, #tpu.memory_space<hbm>> -> memref<80x128xf32, #tpu.memory_space<hbm>>
      tpu.enqueue_dma source(%arg9 : memref<80x128xf32, #tpu.memory_space<vmem>>) target(%dma_start3A_320 : memref<80x128xf32, #tpu.memory_space<hbm>>) target_semaphore(%run_scoped3A : memref<!tpu.dma_semaphore, #tpu.memory_space<semaphore_mem>>)
      %dma_wait3A_321 = arith.constant 0 : i32
      %dma_wait3A_322 = tpu.memref_slice %arg5[%add3A_196, %dma_wait3A_321] : memref<20000x128xf32, #tpu.memory_space<hbm>> -> memref<80x128xf32, #tpu.memory_space<hbm>>
      %dma_wait3A_323 = arith.constant 0 : i32
      %dma_wait3A_324 = tpu.memref_slice %arg5[%add3A_196, %dma_wait3A_323] : memref<20000x128xf32, #tpu.memory_space<hbm>> -> memref<80x128xf32, #tpu.memory_space<hbm>>
      tpu.wait_dma2 semaphore(%run_scoped3A : memref<!tpu.dma_semaphore, #tpu.memory_space<semaphore_mem>>) src(%arg9 : memref<80x128xf32, #tpu.memory_space<vmem>>) dst(%dma_wait3A_324 : memref<80x128xf32, #tpu.memory_space<hbm>>)
      tpu.yield
    }) : () -> ()
    %add3A_197 = arith.constant 48 : i32
    %add3A_198 = arith.addi %arg1, %add3A_197 : i32
    %rem3A_199 = arith.constant 125 : i32
    %rem3A_200 = arith.remsi %add3A_198, %rem3A_199 : i32
    %mul3A_201 = arith.constant 80 : i32
    %mul3A_202 = arith.muli %rem3A_200, %mul3A_201 : i32
    %scan3A_203 = arith.constant 0 : i32
    %scan3A_204 = arith.constant 0 : i32
    %scan3A_205 = arith.constant 5 : i32
    %scan3A_206 = arith.addi %scan3A_204, %scan3A_205 : i32
    %scan3A_207 = arith.constant 1 : i32
    %scan3A_208 = scf.for %scan3A_317 = %scan3A_204 to %scan3A_206 step %scan3A_207 iter_args(%scan3A_318 = %scan3A_203) -> (i32)  : i32 {
      %iota3A = tpu.iota {dimensions = array<i32: 0>} : vector<16xi32>
      %add3A_319 = vector.broadcast %mul3A_202 : i32 to vector<16xi32>
      %add3A_320 = arith.addi %iota3A, %add3A_319 : vector<16xi32>
      %mul3A_321 = arith.constant 16 : i32
      %mul3A_322 = arith.muli %scan3A_317, %mul3A_321 : i32
      %add3A_323 = vector.broadcast %mul3A_322 : i32 to vector<16xi32>
      %add3A_324 = arith.addi %add3A_320, %add3A_323 : vector<16xi32>
      %mul3A_325 = arith.constant 16 : i32
      %mul3A_326 = arith.muli %scan3A_317, %mul3A_325 : i32
      %swap3A = arith.index_cast %mul3A_326 : i32 to index
      %swap3A_327 = tpu.vector_load %arg8[%swap3A] {strides = array<i32>} : memref<80xi32, #tpu.memory_space<vmem>>, vector<16xi32>,
      %swap3A_328 = vector.shape_cast %swap3A_327 : vector<16xi32> to vector<16xi32>
      %swap3A_329 = vector.shape_cast %add3A_324 : vector<16xi32> to vector<16xi32>
      tpu.vector_store %arg8[%swap3A], %swap3A_329 {strides = array<i32>} : memref<80xi32, #tpu.memory_space<vmem>>, vector<16xi32>,
      %scan3A_330 = arith.constant 0 : i32
      scf.yield %scan3A_330 : i32
    }
    %scan3A_209 = arith.constant 5 : i32
    %dma_start3A_210 = arith.constant 0 : i32
    %dma_start3A_211 = arith.constant 0 : i32
    %dma_start3A_212 = tpu.memref_slice %arg6[%dma_start3A_210, %dma_start3A_211] : memref<10000x128xf32, #tpu.memory_space<vmem_shared>> -> memref<10000x128xf32, #tpu.memory_space<vmem_shared>>
    tpu.enqueue_indirect_dma source(%dma_start3A_212 : memref<10000x128xf32, #tpu.memory_space<vmem_shared>>) target(%arg9 : memref<80x128xf32, #tpu.memory_space<vmem>>) offsets(%arg8 : memref<80xi32, #tpu.memory_space<vmem>>) semaphore(%arg10 : memref<!tpu.dma_semaphore, #tpu.memory_space<semaphore_mem>>)
    %dma_wait3A_213 = arith.constant 0 : i32
    %dma_wait3A_214 = arith.constant 0 : i32
    %dma_wait3A_215 = tpu.memref_slice %arg6[%dma_wait3A_213, %dma_wait3A_214] : memref<10000x128xf32, #tpu.memory_space<vmem_shared>> -> memref<10000x128xf32, #tpu.memory_space<vmem_shared>>
    tpu.wait_indirect_dma semaphore(%arg10 : memref<!tpu.dma_semaphore, #tpu.memory_space<semaphore_mem>>) src(%dma_wait3A_215 : memref<10000x128xf32, #tpu.memory_space<vmem_shared>>) dst(%arg9 : memref<80x128xf32, #tpu.memory_space<vmem>>)
    %mul3A_216 = arith.constant 10000 : i32
    %mul3A_217 = arith.muli %arg0, %mul3A_216 : i32
    %mul3A_218 = arith.constant 80 : i32
    %mul3A_219 = arith.muli %rem3A_200, %mul3A_218 : i32
    %add3A_220 = arith.addi %mul3A_217, %mul3A_219 : i32
    "tpu.region"() ({
      %run_scoped3A = tpu.sem_alloc : memref<!tpu.dma_semaphore, #tpu.memory_space<semaphore_mem>>
      %dma_start3A_317 = arith.constant 0 : i32
      %dma_start3A_318 = tpu.memref_slice %arg5[%add3A_220, %dma_start3A_317] : memref<20000x128xf32, #tpu.memory_space<hbm>> -> memref<80x128xf32, #tpu.memory_space<hbm>>
      %dma_start3A_319 = arith.constant 0 : i32
      %dma_start3A_320 = tpu.memref_slice %arg5[%add3A_220, %dma_start3A_319] : memref<20000x128xf32, #tpu.memory_space<hbm>> -> memref<80x128xf32, #tpu.memory_space<hbm>>
      tpu.enqueue_dma source(%arg9 : memref<80x128xf32, #tpu.memory_space<vmem>>) target(%dma_start3A_320 : memref<80x128xf32, #tpu.memory_space<hbm>>) target_semaphore(%run_scoped3A : memref<!tpu.dma_semaphore, #tpu.memory_space<semaphore_mem>>)
      %dma_wait3A_321 = arith.constant 0 : i32
      %dma_wait3A_322 = tpu.memref_slice %arg5[%add3A_220, %dma_wait3A_321] : memref<20000x128xf32, #tpu.memory_space<hbm>> -> memref<80x128xf32, #tpu.memory_space<hbm>>
      %dma_wait3A_323 = arith.constant 0 : i32
      %dma_wait3A_324 = tpu.memref_slice %arg5[%add3A_220, %dma_wait3A_323] : memref<20000x128xf32, #tpu.memory_space<hbm>> -> memref<80x128xf32, #tpu.memory_space<hbm>>
      tpu.wait_dma2 semaphore(%run_scoped3A : memref<!tpu.dma_semaphore, #tpu.memory_space<semaphore_mem>>) src(%arg9 : memref<80x128xf32, #tpu.memory_space<vmem>>) dst(%dma_wait3A_324 : memref<80x128xf32, #tpu.memory_space<hbm>>)
      tpu.yield
    }) : () -> ()
    %add3A_221 = arith.constant 64 : i32
    %add3A_222 = arith.addi %arg1, %add3A_221 : i32
    %rem3A_223 = arith.constant 125 : i32
    %rem3A_224 = arith.remsi %add3A_222, %rem3A_223 : i32
    %mul3A_225 = arith.constant 80 : i32
    %mul3A_226 = arith.muli %rem3A_224, %mul3A_225 : i32
    %scan3A_227 = arith.constant 0 : i32
    %scan3A_228 = arith.constant 0 : i32
    %scan3A_229 = arith.constant 5 : i32
    %scan3A_230 = arith.addi %scan3A_228, %scan3A_229 : i32
    %scan3A_231 = arith.constant 1 : i32
    %scan3A_232 = scf.for %scan3A_317 = %scan3A_228 to %scan3A_230 step %scan3A_231 iter_args(%scan3A_318 = %scan3A_227) -> (i32)  : i32 {
      %iota3A = tpu.iota {dimensions = array<i32: 0>} : vector<16xi32>
      %add3A_319 = vector.broadcast %mul3A_226 : i32 to vector<16xi32>
      %add3A_320 = arith.addi %iota3A, %add3A_319 : vector<16xi32>
      %mul3A_321 = arith.constant 16 : i32
      %mul3A_322 = arith.muli %scan3A_317, %mul3A_321 : i32
      %add3A_323 = vector.broadcast %mul3A_322 : i32 to vector<16xi32>
      %add3A_324 = arith.addi %add3A_320, %add3A_323 : vector<16xi32>
      %mul3A_325 = arith.constant 16 : i32
      %mul3A_326 = arith.muli %scan3A_317, %mul3A_325 : i32
      %swap3A = arith.index_cast %mul3A_326 : i32 to index
      %swap3A_327 = tpu.vector_load %arg8[%swap3A] {strides = array<i32>} : memref<80xi32, #tpu.memory_space<vmem>>, vector<16xi32>,
      %swap3A_328 = vector.shape_cast %swap3A_327 : vector<16xi32> to vector<16xi32>
      %swap3A_329 = vector.shape_cast %add3A_324 : vector<16xi32> to vector<16xi32>
      tpu.vector_store %arg8[%swap3A], %swap3A_329 {strides = array<i32>} : memref<80xi32, #tpu.memory_space<vmem>>, vector<16xi32>,
      %scan3A_330 = arith.constant 0 : i32
      scf.yield %scan3A_330 : i32
    }
    %scan3A_233 = arith.constant 5 : i32
    %dma_start3A_234 = arith.constant 0 : i32
    %dma_start3A_235 = arith.constant 0 : i32
    %dma_start3A_236 = tpu.memref_slice %arg6[%dma_start3A_234, %dma_start3A_235] : memref<10000x128xf32, #tpu.memory_space<vmem_shared>> -> memref<10000x128xf32, #tpu.memory_space<vmem_shared>>
    tpu.enqueue_indirect_dma source(%dma_start3A_236 : memref<10000x128xf32, #tpu.memory_space<vmem_shared>>) target(%arg9 : memref<80x128xf32, #tpu.memory_space<vmem>>) offsets(%arg8 : memref<80xi32, #tpu.memory_space<vmem>>) semaphore(%arg10 : memref<!tpu.dma_semaphore, #tpu.memory_space<semaphore_mem>>)
    %dma_wait3A_237 = arith.constant 0 : i32
    %dma_wait3A_238 = arith.constant 0 : i32
    %dma_wait3A_239 = tpu.memref_slice %arg6[%dma_wait3A_237, %dma_wait3A_238] : memref<10000x128xf32, #tpu.memory_space<vmem_shared>> -> memref<10000x128xf32, #tpu.memory_space<vmem_shared>>
    tpu.wait_indirect_dma semaphore(%arg10 : memref<!tpu.dma_semaphore, #tpu.memory_space<semaphore_mem>>) src(%dma_wait3A_239 : memref<10000x128xf32, #tpu.memory_space<vmem_shared>>) dst(%arg9 : memref<80x128xf32, #tpu.memory_space<vmem>>)
    %mul3A_240 = arith.constant 10000 : i32
    %mul3A_241 = arith.muli %arg0, %mul3A_240 : i32
    %mul3A_242 = arith.constant 80 : i32
    %mul3A_243 = arith.muli %rem3A_224, %mul3A_242 : i32
    %add3A_244 = arith.addi %mul3A_241, %mul3A_243 : i32
    "tpu.region"() ({
      %run_scoped3A = tpu.sem_alloc : memref<!tpu.dma_semaphore, #tpu.memory_space<semaphore_mem>>
      %dma_start3A_317 = arith.constant 0 : i32
      %dma_start3A_318 = tpu.memref_slice %arg5[%add3A_244, %dma_start3A_317] : memref<20000x128xf32, #tpu.memory_space<hbm>> -> memref<80x128xf32, #tpu.memory_space<hbm>>
      %dma_start3A_319 = arith.constant 0 : i32
      %dma_start3A_320 = tpu.memref_slice %arg5[%add3A_244, %dma_start3A_319] : memref<20000x128xf32, #tpu.memory_space<hbm>> -> memref<80x128xf32, #tpu.memory_space<hbm>>
      tpu.enqueue_dma source(%arg9 : memref<80x128xf32, #tpu.memory_space<vmem>>) target(%dma_start3A_320 : memref<80x128xf32, #tpu.memory_space<hbm>>) target_semaphore(%run_scoped3A : memref<!tpu.dma_semaphore, #tpu.memory_space<semaphore_mem>>)
      %dma_wait3A_321 = arith.constant 0 : i32
      %dma_wait3A_322 = tpu.memref_slice %arg5[%add3A_244, %dma_wait3A_321] : memref<20000x128xf32, #tpu.memory_space<hbm>> -> memref<80x128xf32, #tpu.memory_space<hbm>>
      %dma_wait3A_323 = arith.constant 0 : i32
      %dma_wait3A_324 = tpu.memref_slice %arg5[%add3A_244, %dma_wait3A_323] : memref<20000x128xf32, #tpu.memory_space<hbm>> -> memref<80x128xf32, #tpu.memory_space<hbm>>
      tpu.wait_dma2 semaphore(%run_scoped3A : memref<!tpu.dma_semaphore, #tpu.memory_space<semaphore_mem>>) src(%arg9 : memref<80x128xf32, #tpu.memory_space<vmem>>) dst(%dma_wait3A_324 : memref<80x128xf32, #tpu.memory_space<hbm>>)
      tpu.yield
    }) : () -> ()
    %add3A_245 = arith.constant 80 : i32
    %add3A_246 = arith.addi %arg1, %add3A_245 : i32
    %rem3A_247 = arith.constant 125 : i32
    %rem3A_248 = arith.remsi %add3A_246, %rem3A_247 : i32
    %mul3A_249 = arith.constant 80 : i32
    %mul3A_250 = arith.muli %rem3A_248, %mul3A_249 : i32
    %scan3A_251 = arith.constant 0 : i32
    %scan3A_252 = arith.constant 0 : i32
    %scan3A_253 = arith.constant 5 : i32
    %scan3A_254 = arith.addi %scan3A_252, %scan3A_253 : i32
    %scan3A_255 = arith.constant 1 : i32
    %scan3A_256 = scf.for %scan3A_317 = %scan3A_252 to %scan3A_254 step %scan3A_255 iter_args(%scan3A_318 = %scan3A_251) -> (i32)  : i32 {
      %iota3A = tpu.iota {dimensions = array<i32: 0>} : vector<16xi32>
      %add3A_319 = vector.broadcast %mul3A_250 : i32 to vector<16xi32>
      %add3A_320 = arith.addi %iota3A, %add3A_319 : vector<16xi32>
      %mul3A_321 = arith.constant 16 : i32
      %mul3A_322 = arith.muli %scan3A_317, %mul3A_321 : i32
      %add3A_323 = vector.broadcast %mul3A_322 : i32 to vector<16xi32>
      %add3A_324 = arith.addi %add3A_320, %add3A_323 : vector<16xi32>
      %mul3A_325 = arith.constant 16 : i32
      %mul3A_326 = arith.muli %scan3A_317, %mul3A_325 : i32
      %swap3A = arith.index_cast %mul3A_326 : i32 to index
      %swap3A_327 = tpu.vector_load %arg8[%swap3A] {strides = array<i32>} : memref<80xi32, #tpu.memory_space<vmem>>, vector<16xi32>,
      %swap3A_328 = vector.shape_cast %swap3A_327 : vector<16xi32> to vector<16xi32>
      %swap3A_329 = vector.shape_cast %add3A_324 : vector<16xi32> to vector<16xi32>
      tpu.vector_store %arg8[%swap3A], %swap3A_329 {strides = array<i32>} : memref<80xi32, #tpu.memory_space<vmem>>, vector<16xi32>,
      %scan3A_330 = arith.constant 0 : i32
      scf.yield %scan3A_330 : i32
    }
    %scan3A_257 = arith.constant 5 : i32
    %dma_start3A_258 = arith.constant 0 : i32
    %dma_start3A_259 = arith.constant 0 : i32
    %dma_start3A_260 = tpu.memref_slice %arg6[%dma_start3A_258, %dma_start3A_259] : memref<10000x128xf32, #tpu.memory_space<vmem_shared>> -> memref<10000x128xf32, #tpu.memory_space<vmem_shared>>
    tpu.enqueue_indirect_dma source(%dma_start3A_260 : memref<10000x128xf32, #tpu.memory_space<vmem_shared>>) target(%arg9 : memref<80x128xf32, #tpu.memory_space<vmem>>) offsets(%arg8 : memref<80xi32, #tpu.memory_space<vmem>>) semaphore(%arg10 : memref<!tpu.dma_semaphore, #tpu.memory_space<semaphore_mem>>)
    %dma_wait3A_261 = arith.constant 0 : i32
    %dma_wait3A_262 = arith.constant 0 : i32
    %dma_wait3A_263 = tpu.memref_slice %arg6[%dma_wait3A_261, %dma_wait3A_262] : memref<10000x128xf32, #tpu.memory_space<vmem_shared>> -> memref<10000x128xf32, #tpu.memory_space<vmem_shared>>
    tpu.wait_indirect_dma semaphore(%arg10 : memref<!tpu.dma_semaphore, #tpu.memory_space<semaphore_mem>>) src(%dma_wait3A_263 : memref<10000x128xf32, #tpu.memory_space<vmem_shared>>) dst(%arg9 : memref<80x128xf32, #tpu.memory_space<vmem>>)
    %mul3A_264 = arith.constant 10000 : i32
    %mul3A_265 = arith.muli %arg0, %mul3A_264 : i32
    %mul3A_266 = arith.constant 80 : i32
    %mul3A_267 = arith.muli %rem3A_248, %mul3A_266 : i32
    %add3A_268 = arith.addi %mul3A_265, %mul3A_267 : i32
    "tpu.region"() ({
      %run_scoped3A = tpu.sem_alloc : memref<!tpu.dma_semaphore, #tpu.memory_space<semaphore_mem>>
      %dma_start3A_317 = arith.constant 0 : i32
      %dma_start3A_318 = tpu.memref_slice %arg5[%add3A_268, %dma_start3A_317] : memref<20000x128xf32, #tpu.memory_space<hbm>> -> memref<80x128xf32, #tpu.memory_space<hbm>>
      %dma_start3A_319 = arith.constant 0 : i32
      %dma_start3A_320 = tpu.memref_slice %arg5[%add3A_268, %dma_start3A_319] : memref<20000x128xf32, #tpu.memory_space<hbm>> -> memref<80x128xf32, #tpu.memory_space<hbm>>
      tpu.enqueue_dma source(%arg9 : memref<80x128xf32, #tpu.memory_space<vmem>>) target(%dma_start3A_320 : memref<80x128xf32, #tpu.memory_space<hbm>>) target_semaphore(%run_scoped3A : memref<!tpu.dma_semaphore, #tpu.memory_space<semaphore_mem>>)
      %dma_wait3A_321 = arith.constant 0 : i32
      %dma_wait3A_322 = tpu.memref_slice %arg5[%add3A_268, %dma_wait3A_321] : memref<20000x128xf32, #tpu.memory_space<hbm>> -> memref<80x128xf32, #tpu.memory_space<hbm>>
      %dma_wait3A_323 = arith.constant 0 : i32
      %dma_wait3A_324 = tpu.memref_slice %arg5[%add3A_268, %dma_wait3A_323] : memref<20000x128xf32, #tpu.memory_space<hbm>> -> memref<80x128xf32, #tpu.memory_space<hbm>>
      tpu.wait_dma2 semaphore(%run_scoped3A : memref<!tpu.dma_semaphore, #tpu.memory_space<semaphore_mem>>) src(%arg9 : memref<80x128xf32, #tpu.memory_space<vmem>>) dst(%dma_wait3A_324 : memref<80x128xf32, #tpu.memory_space<hbm>>)
      tpu.yield
    }) : () -> ()
    %add3A_269 = arith.constant 96 : i32
    %add3A_270 = arith.addi %arg1, %add3A_269 : i32
    %rem3A_271 = arith.constant 125 : i32
    %rem3A_272 = arith.remsi %add3A_270, %rem3A_271 : i32
    %mul3A_273 = arith.constant 80 : i32
    %mul3A_274 = arith.muli %rem3A_272, %mul3A_273 : i32
    %scan3A_275 = arith.constant 0 : i32
    %scan3A_276 = arith.constant 0 : i32
    %scan3A_277 = arith.constant 5 : i32
    %scan3A_278 = arith.addi %scan3A_276, %scan3A_277 : i32
    %scan3A_279 = arith.constant 1 : i32
    %scan3A_280 = scf.for %scan3A_317 = %scan3A_276 to %scan3A_278 step %scan3A_279 iter_args(%scan3A_318 = %scan3A_275) -> (i32)  : i32 {
      %iota3A = tpu.iota {dimensions = array<i32: 0>} : vector<16xi32>
      %add3A_319 = vector.broadcast %mul3A_274 : i32 to vector<16xi32>
      %add3A_320 = arith.addi %iota3A, %add3A_319 : vector<16xi32>
      %mul3A_321 = arith.constant 16 : i32
      %mul3A_322 = arith.muli %scan3A_317, %mul3A_321 : i32
      %add3A_323 = vector.broadcast %mul3A_322 : i32 to vector<16xi32>
      %add3A_324 = arith.addi %add3A_320, %add3A_323 : vector<16xi32>
      %mul3A_325 = arith.constant 16 : i32
      %mul3A_326 = arith.muli %scan3A_317, %mul3A_325 : i32
      %swap3A = arith.index_cast %mul3A_326 : i32 to index
      %swap3A_327 = tpu.vector_load %arg8[%swap3A] {strides = array<i32>} : memref<80xi32, #tpu.memory_space<vmem>>, vector<16xi32>,
      %swap3A_328 = vector.shape_cast %swap3A_327 : vector<16xi32> to vector<16xi32>
      %swap3A_329 = vector.shape_cast %add3A_324 : vector<16xi32> to vector<16xi32>
      tpu.vector_store %arg8[%swap3A], %swap3A_329 {strides = array<i32>} : memref<80xi32, #tpu.memory_space<vmem>>, vector<16xi32>,
      %scan3A_330 = arith.constant 0 : i32
      scf.yield %scan3A_330 : i32
    }
    %scan3A_281 = arith.constant 5 : i32
    %dma_start3A_282 = arith.constant 0 : i32
    %dma_start3A_283 = arith.constant 0 : i32
    %dma_start3A_284 = tpu.memref_slice %arg6[%dma_start3A_282, %dma_start3A_283] : memref<10000x128xf32, #tpu.memory_space<vmem_shared>> -> memref<10000x128xf32, #tpu.memory_space<vmem_shared>>
    tpu.enqueue_indirect_dma source(%dma_start3A_284 : memref<10000x128xf32, #tpu.memory_space<vmem_shared>>) target(%arg9 : memref<80x128xf32, #tpu.memory_space<vmem>>) offsets(%arg8 : memref<80xi32, #tpu.memory_space<vmem>>) semaphore(%arg10 : memref<!tpu.dma_semaphore, #tpu.memory_space<semaphore_mem>>)
    %dma_wait3A_285 = arith.constant 0 : i32
    %dma_wait3A_286 = arith.constant 0 : i32
    %dma_wait3A_287 = tpu.memref_slice %arg6[%dma_wait3A_285, %dma_wait3A_286] : memref<10000x128xf32, #tpu.memory_space<vmem_shared>> -> memref<10000x128xf32, #tpu.memory_space<vmem_shared>>
    tpu.wait_indirect_dma semaphore(%arg10 : memref<!tpu.dma_semaphore, #tpu.memory_space<semaphore_mem>>) src(%dma_wait3A_287 : memref<10000x128xf32, #tpu.memory_space<vmem_shared>>) dst(%arg9 : memref<80x128xf32, #tpu.memory_space<vmem>>)
    %mul3A_288 = arith.constant 10000 : i32
    %mul3A_289 = arith.muli %arg0, %mul3A_288 : i32
    %mul3A_290 = arith.constant 80 : i32
    %mul3A_291 = arith.muli %rem3A_272, %mul3A_290 : i32
    %add3A_292 = arith.addi %mul3A_289, %mul3A_291 : i32
    "tpu.region"() ({
      %run_scoped3A = tpu.sem_alloc : memref<!tpu.dma_semaphore, #tpu.memory_space<semaphore_mem>>
      %dma_start3A_317 = arith.constant 0 : i32
      %dma_start3A_318 = tpu.memref_slice %arg5[%add3A_292, %dma_start3A_317] : memref<20000x128xf32, #tpu.memory_space<hbm>> -> memref<80x128xf32, #tpu.memory_space<hbm>>
      %dma_start3A_319 = arith.constant 0 : i32
      %dma_start3A_320 = tpu.memref_slice %arg5[%add3A_292, %dma_start3A_319] : memref<20000x128xf32, #tpu.memory_space<hbm>> -> memref<80x128xf32, #tpu.memory_space<hbm>>
      tpu.enqueue_dma source(%arg9 : memref<80x128xf32, #tpu.memory_space<vmem>>) target(%dma_start3A_320 : memref<80x128xf32, #tpu.memory_space<hbm>>) target_semaphore(%run_scoped3A : memref<!tpu.dma_semaphore, #tpu.memory_space<semaphore_mem>>)
      %dma_wait3A_321 = arith.constant 0 : i32
      %dma_wait3A_322 = tpu.memref_slice %arg5[%add3A_292, %dma_wait3A_321] : memref<20000x128xf32, #tpu.memory_space<hbm>> -> memref<80x128xf32, #tpu.memory_space<hbm>>
      %dma_wait3A_323 = arith.constant 0 : i32
      %dma_wait3A_324 = tpu.memref_slice %arg5[%add3A_292, %dma_wait3A_323] : memref<20000x128xf32, #tpu.memory_space<hbm>> -> memref<80x128xf32, #tpu.memory_space<hbm>>
      tpu.wait_dma2 semaphore(%run_scoped3A : memref<!tpu.dma_semaphore, #tpu.memory_space<semaphore_mem>>) src(%arg9 : memref<80x128xf32, #tpu.memory_space<vmem>>) dst(%dma_wait3A_324 : memref<80x128xf32, #tpu.memory_space<hbm>>)
      tpu.yield
    }) : () -> ()
    %add3A_293 = arith.constant 112 : i32
    %add3A_294 = arith.addi %arg1, %add3A_293 : i32
    %rem3A_295 = arith.constant 125 : i32
    %rem3A_296 = arith.remsi %add3A_294, %rem3A_295 : i32
    %mul3A_297 = arith.constant 80 : i32
    %mul3A_298 = arith.muli %rem3A_296, %mul3A_297 : i32
    %scan3A_299 = arith.constant 0 : i32
    %scan3A_300 = arith.constant 0 : i32
    %scan3A_301 = arith.constant 5 : i32
    %scan3A_302 = arith.addi %scan3A_300, %scan3A_301 : i32
    %scan3A_303 = arith.constant 1 : i32
    %scan3A_304 = scf.for %scan3A_317 = %scan3A_300 to %scan3A_302 step %scan3A_303 iter_args(%scan3A_318 = %scan3A_299) -> (i32)  : i32 {
      %iota3A = tpu.iota {dimensions = array<i32: 0>} : vector<16xi32>
      %add3A_319 = vector.broadcast %mul3A_298 : i32 to vector<16xi32>
      %add3A_320 = arith.addi %iota3A, %add3A_319 : vector<16xi32>
      %mul3A_321 = arith.constant 16 : i32
      %mul3A_322 = arith.muli %scan3A_317, %mul3A_321 : i32
      %add3A_323 = vector.broadcast %mul3A_322 : i32 to vector<16xi32>
      %add3A_324 = arith.addi %add3A_320, %add3A_323 : vector<16xi32>
      %mul3A_325 = arith.constant 16 : i32
      %mul3A_326 = arith.muli %scan3A_317, %mul3A_325 : i32
      %swap3A = arith.index_cast %mul3A_326 : i32 to index
      %swap3A_327 = tpu.vector_load %arg8[%swap3A] {strides = array<i32>} : memref<80xi32, #tpu.memory_space<vmem>>, vector<16xi32>,
      %swap3A_328 = vector.shape_cast %swap3A_327 : vector<16xi32> to vector<16xi32>
      %swap3A_329 = vector.shape_cast %add3A_324 : vector<16xi32> to vector<16xi32>
      tpu.vector_store %arg8[%swap3A], %swap3A_329 {strides = array<i32>} : memref<80xi32, #tpu.memory_space<vmem>>, vector<16xi32>,
      %scan3A_330 = arith.constant 0 : i32
      scf.yield %scan3A_330 : i32
    }
    %scan3A_305 = arith.constant 5 : i32
    %dma_start3A_306 = arith.constant 0 : i32
    %dma_start3A_307 = arith.constant 0 : i32
    %dma_start3A_308 = tpu.memref_slice %arg6[%dma_start3A_306, %dma_start3A_307] : memref<10000x128xf32, #tpu.memory_space<vmem_shared>> -> memref<10000x128xf32, #tpu.memory_space<vmem_shared>>
    tpu.enqueue_indirect_dma source(%dma_start3A_308 : memref<10000x128xf32, #tpu.memory_space<vmem_shared>>) target(%arg9 : memref<80x128xf32, #tpu.memory_space<vmem>>) offsets(%arg8 : memref<80xi32, #tpu.memory_space<vmem>>) semaphore(%arg10 : memref<!tpu.dma_semaphore, #tpu.memory_space<semaphore_mem>>)
    %dma_wait3A_309 = arith.constant 0 : i32
    %dma_wait3A_310 = arith.constant 0 : i32
    %dma_wait3A_311 = tpu.memref_slice %arg6[%dma_wait3A_309, %dma_wait3A_310] : memref<10000x128xf32, #tpu.memory_space<vmem_shared>> -> memref<10000x128xf32, #tpu.memory_space<vmem_shared>>
    tpu.wait_indirect_dma semaphore(%arg10 : memref<!tpu.dma_semaphore, #tpu.memory_space<semaphore_mem>>) src(%dma_wait3A_311 : memref<10000x128xf32, #tpu.memory_space<vmem_shared>>) dst(%arg9 : memref<80x128xf32, #tpu.memory_space<vmem>>)
    %mul3A_312 = arith.constant 10000 : i32
    %mul3A_313 = arith.muli %arg0, %mul3A_312 : i32
    %mul3A_314 = arith.constant 80 : i32
    %mul3A_315 = arith.muli %rem3A_296, %mul3A_314 : i32
    %add3A_316 = arith.addi %mul3A_313, %mul3A_315 : i32
    "tpu.region"() ({
      %run_scoped3A = tpu.sem_alloc : memref<!tpu.dma_semaphore, #tpu.memory_space<semaphore_mem>>
      %dma_start3A_317 = arith.constant 0 : i32
      %dma_start3A_318 = tpu.memref_slice %arg5[%add3A_316, %dma_start3A_317] : memref<20000x128xf32, #tpu.memory_space<hbm>> -> memref<80x128xf32, #tpu.memory_space<hbm>>
      %dma_start3A_319 = arith.constant 0 : i32
      %dma_start3A_320 = tpu.memref_slice %arg5[%add3A_316, %dma_start3A_319] : memref<20000x128xf32, #tpu.memory_space<hbm>> -> memref<80x128xf32, #tpu.memory_space<hbm>>
      tpu.enqueue_dma source(%arg9 : memref<80x128xf32, #tpu.memory_space<vmem>>) target(%dma_start3A_320 : memref<80x128xf32, #tpu.memory_space<hbm>>) target_semaphore(%run_scoped3A : memref<!tpu.dma_semaphore, #tpu.memory_space<semaphore_mem>>)
      %dma_wait3A_321 = arith.constant 0 : i32
      %dma_wait3A_322 = tpu.memref_slice %arg5[%add3A_316, %dma_wait3A_321] : memref<20000x128xf32, #tpu.memory_space<hbm>> -> memref<80x128xf32, #tpu.memory_space<hbm>>
      %dma_wait3A_323 = arith.constant 0 : i32
      %dma_wait3A_324 = tpu.memref_slice %arg5[%add3A_316, %dma_wait3A_323] : memref<20000x128xf32, #tpu.memory_space<hbm>> -> memref<80x128xf32, #tpu.memory_space<hbm>>
      tpu.wait_dma2 semaphore(%run_scoped3A : memref<!tpu.dma_semaphore, #tpu.memory_space<semaphore_mem>>) src(%arg9 : memref<80x128xf32, #tpu.memory_space<vmem>>) dst(%dma_wait3A_324 : memref<80x128xf32, #tpu.memory_space<hbm>>)
      tpu.yield
    }) : () -> ()
    return
  }
}

#map = affine_map<(d0, d1) -> (0, 0)>
#map1 = affine_map<(d0, d1) -> (0)>
module attributes {stable_mosaic.version = 14 : i64} {
  func.func @k(%arg0: i32, %arg1: i32, %arg2: memref<10000x128xf32, #tpu.memory_space<hbm>>, %arg3: memref<320000xi32, #tpu.memory_space<hbm>>, %arg4: memref<320000xi32, #tpu.memory_space<hbm>>, %arg5: memref<20000x128xf32, #tpu.memory_space<hbm>>, %arg6: memref<10000x128xf32, #tpu.memory_space<vmem_shared>>, %arg7: memref<80xi32, #tpu.memory_space<vmem>>, %arg8: memref<80xi32, #tpu.memory_space<vmem>>, %arg9: memref<80x128xf32, #tpu.memory_space<vmem>>, %arg10: memref<!tpu.dma_semaphore, #tpu.memory_space<semaphore_mem>>) attributes {dimension_semantics = [#tpu.dimension_semantics<core_parallel>, #tpu.dimension_semantics<subcore_parallel>], iteration_bounds = array<i64: 2, 16>, scalar_prefetch = 0 : i64, scratch_operands = 5 : i64, tpu.core_type = #tpu.core_type<sc_vector_subcore>, window_params = [{transform_indices = #map}, {transform_indices = #map1}, {transform_indices = #map1}, {transform_indices = #map}]} {
    %mul3A = arith.constant 2 : i32
    %mul3A_0 = arith.muli %arg1, %mul3A : i32
    %add3A = arith.addi %mul3A_0, %arg0 : i32
    %scan3A = arith.constant 0 : i32
    %scan3A_1 = arith.constant 0 : i32
    %scan3A_2 = arith.constant 80 : i32
    %scan3A_3 = arith.addi %scan3A_1, %scan3A_2 : i32
    %scan3A_4 = arith.constant 1 : i32
    %scan3A_5 = scf.for %scan3A_310 = %scan3A_1 to %scan3A_3 step %scan3A_4 iter_args(%scan3A_311 = %scan3A) -> (i32)  : i32 {
      %broadcast_in_dim3A = arith.constant 0.000000e+00 : f32
      %broadcast_in_dim3A_312 = vector.broadcast %broadcast_in_dim3A : f32 to vector<16xf32>
      %swap3A = arith.index_cast %scan3A_310 : i32 to index
      %swap3A_313 = arith.constant 0 : index
      %swap3A_314 = tpu.vector_load %arg9[%swap3A, %swap3A_313] {strides = array<i32>} : memref<80x128xf32, #tpu.memory_space<vmem>>, vector<1x16xf32>,
      %swap3A_315 = vector.shape_cast %swap3A_314 : vector<1x16xf32> to vector<16xf32>
      %swap3A_316 = vector.shape_cast %broadcast_in_dim3A_312 : vector<16xf32> to vector<1x16xf32>
      tpu.vector_store %arg9[%swap3A, %swap3A_313], %swap3A_316 {strides = array<i32>} : memref<80x128xf32, #tpu.memory_space<vmem>>, vector<1x16xf32>,
      %broadcast_in_dim3A_317 = arith.constant 0.000000e+00 : f32
      %broadcast_in_dim3A_318 = vector.broadcast %broadcast_in_dim3A_317 : f32 to vector<16xf32>
      %swap3A_319 = arith.index_cast %scan3A_310 : i32 to index
      %swap3A_320 = arith.constant 16 : index
      %swap3A_321 = tpu.vector_load %arg9[%swap3A_319, %swap3A_320] {strides = array<i32>} : memref<80x128xf32, #tpu.memory_space<vmem>>, vector<1x16xf32>,
      %swap3A_322 = vector.shape_cast %swap3A_321 : vector<1x16xf32> to vector<16xf32>
      %swap3A_323 = vector.shape_cast %broadcast_in_dim3A_318 : vector<16xf32> to vector<1x16xf32>
      tpu.vector_store %arg9[%swap3A_319, %swap3A_320], %swap3A_323 {strides = array<i32>} : memref<80x128xf32, #tpu.memory_space<vmem>>, vector<1x16xf32>,
      %broadcast_in_dim3A_324 = arith.constant 0.000000e+00 : f32
      %broadcast_in_dim3A_325 = vector.broadcast %broadcast_in_dim3A_324 : f32 to vector<16xf32>
      %swap3A_326 = arith.index_cast %scan3A_310 : i32 to index
      %swap3A_327 = arith.constant 32 : index
      %swap3A_328 = tpu.vector_load %arg9[%swap3A_326, %swap3A_327] {strides = array<i32>} : memref<80x128xf32, #tpu.memory_space<vmem>>, vector<1x16xf32>,
      %swap3A_329 = vector.shape_cast %swap3A_328 : vector<1x16xf32> to vector<16xf32>
      %swap3A_330 = vector.shape_cast %broadcast_in_dim3A_325 : vector<16xf32> to vector<1x16xf32>
      tpu.vector_store %arg9[%swap3A_326, %swap3A_327], %swap3A_330 {strides = array<i32>} : memref<80x128xf32, #tpu.memory_space<vmem>>, vector<1x16xf32>,
      %broadcast_in_dim3A_331 = arith.constant 0.000000e+00 : f32
      %broadcast_in_dim3A_332 = vector.broadcast %broadcast_in_dim3A_331 : f32 to vector<16xf32>
      %swap3A_333 = arith.index_cast %scan3A_310 : i32 to index
      %swap3A_334 = arith.constant 48 : index
      %swap3A_335 = tpu.vector_load %arg9[%swap3A_333, %swap3A_334] {strides = array<i32>} : memref<80x128xf32, #tpu.memory_space<vmem>>, vector<1x16xf32>,
      %swap3A_336 = vector.shape_cast %swap3A_335 : vector<1x16xf32> to vector<16xf32>
      %swap3A_337 = vector.shape_cast %broadcast_in_dim3A_332 : vector<16xf32> to vector<1x16xf32>
      tpu.vector_store %arg9[%swap3A_333, %swap3A_334], %swap3A_337 {strides = array<i32>} : memref<80x128xf32, #tpu.memory_space<vmem>>, vector<1x16xf32>,
      %broadcast_in_dim3A_338 = arith.constant 0.000000e+00 : f32
      %broadcast_in_dim3A_339 = vector.broadcast %broadcast_in_dim3A_338 : f32 to vector<16xf32>
      %swap3A_340 = arith.index_cast %scan3A_310 : i32 to index
      %swap3A_341 = arith.constant 64 : index
      %swap3A_342 = tpu.vector_load %arg9[%swap3A_340, %swap3A_341] {strides = array<i32>} : memref<80x128xf32, #tpu.memory_space<vmem>>, vector<1x16xf32>,
      %swap3A_343 = vector.shape_cast %swap3A_342 : vector<1x16xf32> to vector<16xf32>
      %swap3A_344 = vector.shape_cast %broadcast_in_dim3A_339 : vector<16xf32> to vector<1x16xf32>
      tpu.vector_store %arg9[%swap3A_340, %swap3A_341], %swap3A_344 {strides = array<i32>} : memref<80x128xf32, #tpu.memory_space<vmem>>, vector<1x16xf32>,
      %broadcast_in_dim3A_345 = arith.constant 0.000000e+00 : f32
      %broadcast_in_dim3A_346 = vector.broadcast %broadcast_in_dim3A_345 : f32 to vector<16xf32>
      %swap3A_347 = arith.index_cast %scan3A_310 : i32 to index
      %swap3A_348 = arith.constant 80 : index
      %swap3A_349 = tpu.vector_load %arg9[%swap3A_347, %swap3A_348] {strides = array<i32>} : memref<80x128xf32, #tpu.memory_space<vmem>>, vector<1x16xf32>,
      %swap3A_350 = vector.shape_cast %swap3A_349 : vector<1x16xf32> to vector<16xf32>
      %swap3A_351 = vector.shape_cast %broadcast_in_dim3A_346 : vector<16xf32> to vector<1x16xf32>
      tpu.vector_store %arg9[%swap3A_347, %swap3A_348], %swap3A_351 {strides = array<i32>} : memref<80x128xf32, #tpu.memory_space<vmem>>, vector<1x16xf32>,
      %broadcast_in_dim3A_352 = arith.constant 0.000000e+00 : f32
      %broadcast_in_dim3A_353 = vector.broadcast %broadcast_in_dim3A_352 : f32 to vector<16xf32>
      %swap3A_354 = arith.index_cast %scan3A_310 : i32 to index
      %swap3A_355 = arith.constant 96 : index
      %swap3A_356 = tpu.vector_load %arg9[%swap3A_354, %swap3A_355] {strides = array<i32>} : memref<80x128xf32, #tpu.memory_space<vmem>>, vector<1x16xf32>,
      %swap3A_357 = vector.shape_cast %swap3A_356 : vector<1x16xf32> to vector<16xf32>
      %swap3A_358 = vector.shape_cast %broadcast_in_dim3A_353 : vector<16xf32> to vector<1x16xf32>
      tpu.vector_store %arg9[%swap3A_354, %swap3A_355], %swap3A_358 {strides = array<i32>} : memref<80x128xf32, #tpu.memory_space<vmem>>, vector<1x16xf32>,
      %broadcast_in_dim3A_359 = arith.constant 0.000000e+00 : f32
      %broadcast_in_dim3A_360 = vector.broadcast %broadcast_in_dim3A_359 : f32 to vector<16xf32>
      %swap3A_361 = arith.index_cast %scan3A_310 : i32 to index
      %swap3A_362 = arith.constant 112 : index
      %swap3A_363 = tpu.vector_load %arg9[%swap3A_361, %swap3A_362] {strides = array<i32>} : memref<80x128xf32, #tpu.memory_space<vmem>>, vector<1x16xf32>,
      %swap3A_364 = vector.shape_cast %swap3A_363 : vector<1x16xf32> to vector<16xf32>
      %swap3A_365 = vector.shape_cast %broadcast_in_dim3A_360 : vector<16xf32> to vector<1x16xf32>
      tpu.vector_store %arg9[%swap3A_361, %swap3A_362], %swap3A_365 {strides = array<i32>} : memref<80x128xf32, #tpu.memory_space<vmem>>, vector<1x16xf32>,
      %scan3A_366 = arith.constant 0 : i32
      scf.yield %scan3A_366 : i32
    }
    %scan3A_6 = arith.constant 80 : i32
    %add3A_7 = arith.constant 0 : i32
    %add3A_8 = arith.addi %arg1, %add3A_7 : i32
    %rem3A = arith.constant 125 : i32
    %rem3A_9 = arith.remsi %add3A_8, %rem3A : i32
    %mul3A_10 = arith.constant 80 : i32
    %mul3A_11 = arith.muli %rem3A_9, %mul3A_10 : i32
    %scan3A_12 = arith.constant 0 : i32
    %scan3A_13 = arith.constant 0 : i32
    %scan3A_14 = arith.constant 5 : i32
    %scan3A_15 = arith.addi %scan3A_13, %scan3A_14 : i32
    %scan3A_16 = arith.constant 1 : i32
    %scan3A_17 = scf.for %scan3A_310 = %scan3A_13 to %scan3A_15 step %scan3A_16 iter_args(%scan3A_311 = %scan3A_12) -> (i32)  : i32 {
      %iota3A = tpu.iota {dimensions = array<i32: 0>} : vector<16xi32>
      %add3A_312 = vector.broadcast %mul3A_11 : i32 to vector<16xi32>
      %add3A_313 = arith.addi %iota3A, %add3A_312 : vector<16xi32>
      %mul3A_314 = arith.constant 16 : i32
      %mul3A_315 = arith.muli %scan3A_310, %mul3A_314 : i32
      %add3A_316 = vector.broadcast %mul3A_315 : i32 to vector<16xi32>
      %add3A_317 = arith.addi %add3A_313, %add3A_316 : vector<16xi32>
      %mul3A_318 = arith.constant 16 : i32
      %mul3A_319 = arith.muli %scan3A_310, %mul3A_318 : i32
      %swap3A = arith.index_cast %mul3A_319 : i32 to index
      %swap3A_320 = tpu.vector_load %arg8[%swap3A] {strides = array<i32>} : memref<80xi32, #tpu.memory_space<vmem>>, vector<16xi32>,
      %swap3A_321 = vector.shape_cast %swap3A_320 : vector<16xi32> to vector<16xi32>
      %swap3A_322 = vector.shape_cast %add3A_317 : vector<16xi32> to vector<16xi32>
      tpu.vector_store %arg8[%swap3A], %swap3A_322 {strides = array<i32>} : memref<80xi32, #tpu.memory_space<vmem>>, vector<16xi32>,
      %scan3A_323 = arith.constant 0 : i32
      scf.yield %scan3A_323 : i32
    }
    %scan3A_18 = arith.constant 5 : i32
    "tpu.region"() ({
      %run_scoped3A = tpu.sem_alloc : memref<!tpu.dma_semaphore, #tpu.memory_space<semaphore_mem>>
      %dma_start3A_310 = arith.constant 0 : i32
      %dma_start3A_311 = arith.constant 0 : i32
      %dma_start3A_312 = tpu.memref_slice %arg6[%dma_start3A_310, %dma_start3A_311] : memref<10000x128xf32, #tpu.memory_space<vmem_shared>> -> memref<10000x128xf32, #tpu.memory_space<vmem_shared>>
      tpu.enqueue_indirect_dma source(%arg9 : memref<80x128xf32, #tpu.memory_space<vmem>>) target(%dma_start3A_312 : memref<10000x128xf32, #tpu.memory_space<vmem_shared>>) offsets(%arg8 : memref<80xi32, #tpu.memory_space<vmem>>) semaphore(%run_scoped3A : memref<!tpu.dma_semaphore, #tpu.memory_space<semaphore_mem>>)
      %dma_wait3A_313 = arith.constant 0 : i32
      %dma_wait3A_314 = arith.constant 0 : i32
      %dma_wait3A_315 = tpu.memref_slice %arg6[%dma_wait3A_313, %dma_wait3A_314] : memref<10000x128xf32, #tpu.memory_space<vmem_shared>> -> memref<10000x128xf32, #tpu.memory_space<vmem_shared>>
      tpu.wait_indirect_dma semaphore(%run_scoped3A : memref<!tpu.dma_semaphore, #tpu.memory_space<semaphore_mem>>) src(%arg9 : memref<80x128xf32, #tpu.memory_space<vmem>>) dst(%dma_wait3A_315 : memref<10000x128xf32, #tpu.memory_space<vmem_shared>>)
      tpu.yield
    }) : () -> ()
    %add3A_19 = arith.constant 16 : i32
    %add3A_20 = arith.addi %arg1, %add3A_19 : i32
    %rem3A_21 = arith.constant 125 : i32
    %rem3A_22 = arith.remsi %add3A_20, %rem3A_21 : i32
    %mul3A_23 = arith.constant 80 : i32
    %mul3A_24 = arith.muli %rem3A_22, %mul3A_23 : i32
    %scan3A_25 = arith.constant 0 : i32
    %scan3A_26 = arith.constant 0 : i32
    %scan3A_27 = arith.constant 5 : i32
    %scan3A_28 = arith.addi %scan3A_26, %scan3A_27 : i32
    %scan3A_29 = arith.constant 1 : i32
    %scan3A_30 = scf.for %scan3A_310 = %scan3A_26 to %scan3A_28 step %scan3A_29 iter_args(%scan3A_311 = %scan3A_25) -> (i32)  : i32 {
      %iota3A = tpu.iota {dimensions = array<i32: 0>} : vector<16xi32>
      %add3A_312 = vector.broadcast %mul3A_24 : i32 to vector<16xi32>
      %add3A_313 = arith.addi %iota3A, %add3A_312 : vector<16xi32>
      %mul3A_314 = arith.constant 16 : i32
      %mul3A_315 = arith.muli %scan3A_310, %mul3A_314 : i32
      %add3A_316 = vector.broadcast %mul3A_315 : i32 to vector<16xi32>
      %add3A_317 = arith.addi %add3A_313, %add3A_316 : vector<16xi32>
      %mul3A_318 = arith.constant 16 : i32
      %mul3A_319 = arith.muli %scan3A_310, %mul3A_318 : i32
      %swap3A = arith.index_cast %mul3A_319 : i32 to index
      %swap3A_320 = tpu.vector_load %arg8[%swap3A] {strides = array<i32>} : memref<80xi32, #tpu.memory_space<vmem>>, vector<16xi32>,
      %swap3A_321 = vector.shape_cast %swap3A_320 : vector<16xi32> to vector<16xi32>
      %swap3A_322 = vector.shape_cast %add3A_317 : vector<16xi32> to vector<16xi32>
      tpu.vector_store %arg8[%swap3A], %swap3A_322 {strides = array<i32>} : memref<80xi32, #tpu.memory_space<vmem>>, vector<16xi32>,
      %scan3A_323 = arith.constant 0 : i32
      scf.yield %scan3A_323 : i32
    }
    %scan3A_31 = arith.constant 5 : i32
    "tpu.region"() ({
      %run_scoped3A = tpu.sem_alloc : memref<!tpu.dma_semaphore, #tpu.memory_space<semaphore_mem>>
      %dma_start3A_310 = arith.constant 0 : i32
      %dma_start3A_311 = arith.constant 0 : i32
      %dma_start3A_312 = tpu.memref_slice %arg6[%dma_start3A_310, %dma_start3A_311] : memref<10000x128xf32, #tpu.memory_space<vmem_shared>> -> memref<10000x128xf32, #tpu.memory_space<vmem_shared>>
      tpu.enqueue_indirect_dma source(%arg9 : memref<80x128xf32, #tpu.memory_space<vmem>>) target(%dma_start3A_312 : memref<10000x128xf32, #tpu.memory_space<vmem_shared>>) offsets(%arg8 : memref<80xi32, #tpu.memory_space<vmem>>) semaphore(%run_scoped3A : memref<!tpu.dma_semaphore, #tpu.memory_space<semaphore_mem>>)
      %dma_wait3A_313 = arith.constant 0 : i32
      %dma_wait3A_314 = arith.constant 0 : i32
      %dma_wait3A_315 = tpu.memref_slice %arg6[%dma_wait3A_313, %dma_wait3A_314] : memref<10000x128xf32, #tpu.memory_space<vmem_shared>> -> memref<10000x128xf32, #tpu.memory_space<vmem_shared>>
      tpu.wait_indirect_dma semaphore(%run_scoped3A : memref<!tpu.dma_semaphore, #tpu.memory_space<semaphore_mem>>) src(%arg9 : memref<80x128xf32, #tpu.memory_space<vmem>>) dst(%dma_wait3A_315 : memref<10000x128xf32, #tpu.memory_space<vmem_shared>>)
      tpu.yield
    }) : () -> ()
    %add3A_32 = arith.constant 32 : i32
    %add3A_33 = arith.addi %arg1, %add3A_32 : i32
    %rem3A_34 = arith.constant 125 : i32
    %rem3A_35 = arith.remsi %add3A_33, %rem3A_34 : i32
    %mul3A_36 = arith.constant 80 : i32
    %mul3A_37 = arith.muli %rem3A_35, %mul3A_36 : i32
    %scan3A_38 = arith.constant 0 : i32
    %scan3A_39 = arith.constant 0 : i32
    %scan3A_40 = arith.constant 5 : i32
    %scan3A_41 = arith.addi %scan3A_39, %scan3A_40 : i32
    %scan3A_42 = arith.constant 1 : i32
    %scan3A_43 = scf.for %scan3A_310 = %scan3A_39 to %scan3A_41 step %scan3A_42 iter_args(%scan3A_311 = %scan3A_38) -> (i32)  : i32 {
      %iota3A = tpu.iota {dimensions = array<i32: 0>} : vector<16xi32>
      %add3A_312 = vector.broadcast %mul3A_37 : i32 to vector<16xi32>
      %add3A_313 = arith.addi %iota3A, %add3A_312 : vector<16xi32>
      %mul3A_314 = arith.constant 16 : i32
      %mul3A_315 = arith.muli %scan3A_310, %mul3A_314 : i32
      %add3A_316 = vector.broadcast %mul3A_315 : i32 to vector<16xi32>
      %add3A_317 = arith.addi %add3A_313, %add3A_316 : vector<16xi32>
      %mul3A_318 = arith.constant 16 : i32
      %mul3A_319 = arith.muli %scan3A_310, %mul3A_318 : i32
      %swap3A = arith.index_cast %mul3A_319 : i32 to index
      %swap3A_320 = tpu.vector_load %arg8[%swap3A] {strides = array<i32>} : memref<80xi32, #tpu.memory_space<vmem>>, vector<16xi32>,
      %swap3A_321 = vector.shape_cast %swap3A_320 : vector<16xi32> to vector<16xi32>
      %swap3A_322 = vector.shape_cast %add3A_317 : vector<16xi32> to vector<16xi32>
      tpu.vector_store %arg8[%swap3A], %swap3A_322 {strides = array<i32>} : memref<80xi32, #tpu.memory_space<vmem>>, vector<16xi32>,
      %scan3A_323 = arith.constant 0 : i32
      scf.yield %scan3A_323 : i32
    }
    %scan3A_44 = arith.constant 5 : i32
    "tpu.region"() ({
      %run_scoped3A = tpu.sem_alloc : memref<!tpu.dma_semaphore, #tpu.memory_space<semaphore_mem>>
      %dma_start3A_310 = arith.constant 0 : i32
      %dma_start3A_311 = arith.constant 0 : i32
      %dma_start3A_312 = tpu.memref_slice %arg6[%dma_start3A_310, %dma_start3A_311] : memref<10000x128xf32, #tpu.memory_space<vmem_shared>> -> memref<10000x128xf32, #tpu.memory_space<vmem_shared>>
      tpu.enqueue_indirect_dma source(%arg9 : memref<80x128xf32, #tpu.memory_space<vmem>>) target(%dma_start3A_312 : memref<10000x128xf32, #tpu.memory_space<vmem_shared>>) offsets(%arg8 : memref<80xi32, #tpu.memory_space<vmem>>) semaphore(%run_scoped3A : memref<!tpu.dma_semaphore, #tpu.memory_space<semaphore_mem>>)
      %dma_wait3A_313 = arith.constant 0 : i32
      %dma_wait3A_314 = arith.constant 0 : i32
      %dma_wait3A_315 = tpu.memref_slice %arg6[%dma_wait3A_313, %dma_wait3A_314] : memref<10000x128xf32, #tpu.memory_space<vmem_shared>> -> memref<10000x128xf32, #tpu.memory_space<vmem_shared>>
      tpu.wait_indirect_dma semaphore(%run_scoped3A : memref<!tpu.dma_semaphore, #tpu.memory_space<semaphore_mem>>) src(%arg9 : memref<80x128xf32, #tpu.memory_space<vmem>>) dst(%dma_wait3A_315 : memref<10000x128xf32, #tpu.memory_space<vmem_shared>>)
      tpu.yield
    }) : () -> ()
    %add3A_45 = arith.constant 48 : i32
    %add3A_46 = arith.addi %arg1, %add3A_45 : i32
    %rem3A_47 = arith.constant 125 : i32
    %rem3A_48 = arith.remsi %add3A_46, %rem3A_47 : i32
    %mul3A_49 = arith.constant 80 : i32
    %mul3A_50 = arith.muli %rem3A_48, %mul3A_49 : i32
    %scan3A_51 = arith.constant 0 : i32
    %scan3A_52 = arith.constant 0 : i32
    %scan3A_53 = arith.constant 5 : i32
    %scan3A_54 = arith.addi %scan3A_52, %scan3A_53 : i32
    %scan3A_55 = arith.constant 1 : i32
    %scan3A_56 = scf.for %scan3A_310 = %scan3A_52 to %scan3A_54 step %scan3A_55 iter_args(%scan3A_311 = %scan3A_51) -> (i32)  : i32 {
      %iota3A = tpu.iota {dimensions = array<i32: 0>} : vector<16xi32>
      %add3A_312 = vector.broadcast %mul3A_50 : i32 to vector<16xi32>
      %add3A_313 = arith.addi %iota3A, %add3A_312 : vector<16xi32>
      %mul3A_314 = arith.constant 16 : i32
      %mul3A_315 = arith.muli %scan3A_310, %mul3A_314 : i32
      %add3A_316 = vector.broadcast %mul3A_315 : i32 to vector<16xi32>
      %add3A_317 = arith.addi %add3A_313, %add3A_316 : vector<16xi32>
      %mul3A_318 = arith.constant 16 : i32
      %mul3A_319 = arith.muli %scan3A_310, %mul3A_318 : i32
      %swap3A = arith.index_cast %mul3A_319 : i32 to index
      %swap3A_320 = tpu.vector_load %arg8[%swap3A] {strides = array<i32>} : memref<80xi32, #tpu.memory_space<vmem>>, vector<16xi32>,
      %swap3A_321 = vector.shape_cast %swap3A_320 : vector<16xi32> to vector<16xi32>
      %swap3A_322 = vector.shape_cast %add3A_317 : vector<16xi32> to vector<16xi32>
      tpu.vector_store %arg8[%swap3A], %swap3A_322 {strides = array<i32>} : memref<80xi32, #tpu.memory_space<vmem>>, vector<16xi32>,
      %scan3A_323 = arith.constant 0 : i32
      scf.yield %scan3A_323 : i32
    }
    %scan3A_57 = arith.constant 5 : i32
    "tpu.region"() ({
      %run_scoped3A = tpu.sem_alloc : memref<!tpu.dma_semaphore, #tpu.memory_space<semaphore_mem>>
      %dma_start3A_310 = arith.constant 0 : i32
      %dma_start3A_311 = arith.constant 0 : i32
      %dma_start3A_312 = tpu.memref_slice %arg6[%dma_start3A_310, %dma_start3A_311] : memref<10000x128xf32, #tpu.memory_space<vmem_shared>> -> memref<10000x128xf32, #tpu.memory_space<vmem_shared>>
      tpu.enqueue_indirect_dma source(%arg9 : memref<80x128xf32, #tpu.memory_space<vmem>>) target(%dma_start3A_312 : memref<10000x128xf32, #tpu.memory_space<vmem_shared>>) offsets(%arg8 : memref<80xi32, #tpu.memory_space<vmem>>) semaphore(%run_scoped3A : memref<!tpu.dma_semaphore, #tpu.memory_space<semaphore_mem>>)
      %dma_wait3A_313 = arith.constant 0 : i32
      %dma_wait3A_314 = arith.constant 0 : i32
      %dma_wait3A_315 = tpu.memref_slice %arg6[%dma_wait3A_313, %dma_wait3A_314] : memref<10000x128xf32, #tpu.memory_space<vmem_shared>> -> memref<10000x128xf32, #tpu.memory_space<vmem_shared>>
      tpu.wait_indirect_dma semaphore(%run_scoped3A : memref<!tpu.dma_semaphore, #tpu.memory_space<semaphore_mem>>) src(%arg9 : memref<80x128xf32, #tpu.memory_space<vmem>>) dst(%dma_wait3A_315 : memref<10000x128xf32, #tpu.memory_space<vmem_shared>>)
      tpu.yield
    }) : () -> ()
    %add3A_58 = arith.constant 64 : i32
    %add3A_59 = arith.addi %arg1, %add3A_58 : i32
    %rem3A_60 = arith.constant 125 : i32
    %rem3A_61 = arith.remsi %add3A_59, %rem3A_60 : i32
    %mul3A_62 = arith.constant 80 : i32
    %mul3A_63 = arith.muli %rem3A_61, %mul3A_62 : i32
    %scan3A_64 = arith.constant 0 : i32
    %scan3A_65 = arith.constant 0 : i32
    %scan3A_66 = arith.constant 5 : i32
    %scan3A_67 = arith.addi %scan3A_65, %scan3A_66 : i32
    %scan3A_68 = arith.constant 1 : i32
    %scan3A_69 = scf.for %scan3A_310 = %scan3A_65 to %scan3A_67 step %scan3A_68 iter_args(%scan3A_311 = %scan3A_64) -> (i32)  : i32 {
      %iota3A = tpu.iota {dimensions = array<i32: 0>} : vector<16xi32>
      %add3A_312 = vector.broadcast %mul3A_63 : i32 to vector<16xi32>
      %add3A_313 = arith.addi %iota3A, %add3A_312 : vector<16xi32>
      %mul3A_314 = arith.constant 16 : i32
      %mul3A_315 = arith.muli %scan3A_310, %mul3A_314 : i32
      %add3A_316 = vector.broadcast %mul3A_315 : i32 to vector<16xi32>
      %add3A_317 = arith.addi %add3A_313, %add3A_316 : vector<16xi32>
      %mul3A_318 = arith.constant 16 : i32
      %mul3A_319 = arith.muli %scan3A_310, %mul3A_318 : i32
      %swap3A = arith.index_cast %mul3A_319 : i32 to index
      %swap3A_320 = tpu.vector_load %arg8[%swap3A] {strides = array<i32>} : memref<80xi32, #tpu.memory_space<vmem>>, vector<16xi32>,
      %swap3A_321 = vector.shape_cast %swap3A_320 : vector<16xi32> to vector<16xi32>
      %swap3A_322 = vector.shape_cast %add3A_317 : vector<16xi32> to vector<16xi32>
      tpu.vector_store %arg8[%swap3A], %swap3A_322 {strides = array<i32>} : memref<80xi32, #tpu.memory_space<vmem>>, vector<16xi32>,
      %scan3A_323 = arith.constant 0 : i32
      scf.yield %scan3A_323 : i32
    }
    %scan3A_70 = arith.constant 5 : i32
    "tpu.region"() ({
      %run_scoped3A = tpu.sem_alloc : memref<!tpu.dma_semaphore, #tpu.memory_space<semaphore_mem>>
      %dma_start3A_310 = arith.constant 0 : i32
      %dma_start3A_311 = arith.constant 0 : i32
      %dma_start3A_312 = tpu.memref_slice %arg6[%dma_start3A_310, %dma_start3A_311] : memref<10000x128xf32, #tpu.memory_space<vmem_shared>> -> memref<10000x128xf32, #tpu.memory_space<vmem_shared>>
      tpu.enqueue_indirect_dma source(%arg9 : memref<80x128xf32, #tpu.memory_space<vmem>>) target(%dma_start3A_312 : memref<10000x128xf32, #tpu.memory_space<vmem_shared>>) offsets(%arg8 : memref<80xi32, #tpu.memory_space<vmem>>) semaphore(%run_scoped3A : memref<!tpu.dma_semaphore, #tpu.memory_space<semaphore_mem>>)
      %dma_wait3A_313 = arith.constant 0 : i32
      %dma_wait3A_314 = arith.constant 0 : i32
      %dma_wait3A_315 = tpu.memref_slice %arg6[%dma_wait3A_313, %dma_wait3A_314] : memref<10000x128xf32, #tpu.memory_space<vmem_shared>> -> memref<10000x128xf32, #tpu.memory_space<vmem_shared>>
      tpu.wait_indirect_dma semaphore(%run_scoped3A : memref<!tpu.dma_semaphore, #tpu.memory_space<semaphore_mem>>) src(%arg9 : memref<80x128xf32, #tpu.memory_space<vmem>>) dst(%dma_wait3A_315 : memref<10000x128xf32, #tpu.memory_space<vmem_shared>>)
      tpu.yield
    }) : () -> ()
    %add3A_71 = arith.constant 80 : i32
    %add3A_72 = arith.addi %arg1, %add3A_71 : i32
    %rem3A_73 = arith.constant 125 : i32
    %rem3A_74 = arith.remsi %add3A_72, %rem3A_73 : i32
    %mul3A_75 = arith.constant 80 : i32
    %mul3A_76 = arith.muli %rem3A_74, %mul3A_75 : i32
    %scan3A_77 = arith.constant 0 : i32
    %scan3A_78 = arith.constant 0 : i32
    %scan3A_79 = arith.constant 5 : i32
    %scan3A_80 = arith.addi %scan3A_78, %scan3A_79 : i32
    %scan3A_81 = arith.constant 1 : i32
    %scan3A_82 = scf.for %scan3A_310 = %scan3A_78 to %scan3A_80 step %scan3A_81 iter_args(%scan3A_311 = %scan3A_77) -> (i32)  : i32 {
      %iota3A = tpu.iota {dimensions = array<i32: 0>} : vector<16xi32>
      %add3A_312 = vector.broadcast %mul3A_76 : i32 to vector<16xi32>
      %add3A_313 = arith.addi %iota3A, %add3A_312 : vector<16xi32>
      %mul3A_314 = arith.constant 16 : i32
      %mul3A_315 = arith.muli %scan3A_310, %mul3A_314 : i32
      %add3A_316 = vector.broadcast %mul3A_315 : i32 to vector<16xi32>
      %add3A_317 = arith.addi %add3A_313, %add3A_316 : vector<16xi32>
      %mul3A_318 = arith.constant 16 : i32
      %mul3A_319 = arith.muli %scan3A_310, %mul3A_318 : i32
      %swap3A = arith.index_cast %mul3A_319 : i32 to index
      %swap3A_320 = tpu.vector_load %arg8[%swap3A] {strides = array<i32>} : memref<80xi32, #tpu.memory_space<vmem>>, vector<16xi32>,
      %swap3A_321 = vector.shape_cast %swap3A_320 : vector<16xi32> to vector<16xi32>
      %swap3A_322 = vector.shape_cast %add3A_317 : vector<16xi32> to vector<16xi32>
      tpu.vector_store %arg8[%swap3A], %swap3A_322 {strides = array<i32>} : memref<80xi32, #tpu.memory_space<vmem>>, vector<16xi32>,
      %scan3A_323 = arith.constant 0 : i32
      scf.yield %scan3A_323 : i32
    }
    %scan3A_83 = arith.constant 5 : i32
    "tpu.region"() ({
      %run_scoped3A = tpu.sem_alloc : memref<!tpu.dma_semaphore, #tpu.memory_space<semaphore_mem>>
      %dma_start3A_310 = arith.constant 0 : i32
      %dma_start3A_311 = arith.constant 0 : i32
      %dma_start3A_312 = tpu.memref_slice %arg6[%dma_start3A_310, %dma_start3A_311] : memref<10000x128xf32, #tpu.memory_space<vmem_shared>> -> memref<10000x128xf32, #tpu.memory_space<vmem_shared>>
      tpu.enqueue_indirect_dma source(%arg9 : memref<80x128xf32, #tpu.memory_space<vmem>>) target(%dma_start3A_312 : memref<10000x128xf32, #tpu.memory_space<vmem_shared>>) offsets(%arg8 : memref<80xi32, #tpu.memory_space<vmem>>) semaphore(%run_scoped3A : memref<!tpu.dma_semaphore, #tpu.memory_space<semaphore_mem>>)
      %dma_wait3A_313 = arith.constant 0 : i32
      %dma_wait3A_314 = arith.constant 0 : i32
      %dma_wait3A_315 = tpu.memref_slice %arg6[%dma_wait3A_313, %dma_wait3A_314] : memref<10000x128xf32, #tpu.memory_space<vmem_shared>> -> memref<10000x128xf32, #tpu.memory_space<vmem_shared>>
      tpu.wait_indirect_dma semaphore(%run_scoped3A : memref<!tpu.dma_semaphore, #tpu.memory_space<semaphore_mem>>) src(%arg9 : memref<80x128xf32, #tpu.memory_space<vmem>>) dst(%dma_wait3A_315 : memref<10000x128xf32, #tpu.memory_space<vmem_shared>>)
      tpu.yield
    }) : () -> ()
    %add3A_84 = arith.constant 96 : i32
    %add3A_85 = arith.addi %arg1, %add3A_84 : i32
    %rem3A_86 = arith.constant 125 : i32
    %rem3A_87 = arith.remsi %add3A_85, %rem3A_86 : i32
    %mul3A_88 = arith.constant 80 : i32
    %mul3A_89 = arith.muli %rem3A_87, %mul3A_88 : i32
    %scan3A_90 = arith.constant 0 : i32
    %scan3A_91 = arith.constant 0 : i32
    %scan3A_92 = arith.constant 5 : i32
    %scan3A_93 = arith.addi %scan3A_91, %scan3A_92 : i32
    %scan3A_94 = arith.constant 1 : i32
    %scan3A_95 = scf.for %scan3A_310 = %scan3A_91 to %scan3A_93 step %scan3A_94 iter_args(%scan3A_311 = %scan3A_90) -> (i32)  : i32 {
      %iota3A = tpu.iota {dimensions = array<i32: 0>} : vector<16xi32>
      %add3A_312 = vector.broadcast %mul3A_89 : i32 to vector<16xi32>
      %add3A_313 = arith.addi %iota3A, %add3A_312 : vector<16xi32>
      %mul3A_314 = arith.constant 16 : i32
      %mul3A_315 = arith.muli %scan3A_310, %mul3A_314 : i32
      %add3A_316 = vector.broadcast %mul3A_315 : i32 to vector<16xi32>
      %add3A_317 = arith.addi %add3A_313, %add3A_316 : vector<16xi32>
      %mul3A_318 = arith.constant 16 : i32
      %mul3A_319 = arith.muli %scan3A_310, %mul3A_318 : i32
      %swap3A = arith.index_cast %mul3A_319 : i32 to index
      %swap3A_320 = tpu.vector_load %arg8[%swap3A] {strides = array<i32>} : memref<80xi32, #tpu.memory_space<vmem>>, vector<16xi32>,
      %swap3A_321 = vector.shape_cast %swap3A_320 : vector<16xi32> to vector<16xi32>
      %swap3A_322 = vector.shape_cast %add3A_317 : vector<16xi32> to vector<16xi32>
      tpu.vector_store %arg8[%swap3A], %swap3A_322 {strides = array<i32>} : memref<80xi32, #tpu.memory_space<vmem>>, vector<16xi32>,
      %scan3A_323 = arith.constant 0 : i32
      scf.yield %scan3A_323 : i32
    }
    %scan3A_96 = arith.constant 5 : i32
    "tpu.region"() ({
      %run_scoped3A = tpu.sem_alloc : memref<!tpu.dma_semaphore, #tpu.memory_space<semaphore_mem>>
      %dma_start3A_310 = arith.constant 0 : i32
      %dma_start3A_311 = arith.constant 0 : i32
      %dma_start3A_312 = tpu.memref_slice %arg6[%dma_start3A_310, %dma_start3A_311] : memref<10000x128xf32, #tpu.memory_space<vmem_shared>> -> memref<10000x128xf32, #tpu.memory_space<vmem_shared>>
      tpu.enqueue_indirect_dma source(%arg9 : memref<80x128xf32, #tpu.memory_space<vmem>>) target(%dma_start3A_312 : memref<10000x128xf32, #tpu.memory_space<vmem_shared>>) offsets(%arg8 : memref<80xi32, #tpu.memory_space<vmem>>) semaphore(%run_scoped3A : memref<!tpu.dma_semaphore, #tpu.memory_space<semaphore_mem>>)
      %dma_wait3A_313 = arith.constant 0 : i32
      %dma_wait3A_314 = arith.constant 0 : i32
      %dma_wait3A_315 = tpu.memref_slice %arg6[%dma_wait3A_313, %dma_wait3A_314] : memref<10000x128xf32, #tpu.memory_space<vmem_shared>> -> memref<10000x128xf32, #tpu.memory_space<vmem_shared>>
      tpu.wait_indirect_dma semaphore(%run_scoped3A : memref<!tpu.dma_semaphore, #tpu.memory_space<semaphore_mem>>) src(%arg9 : memref<80x128xf32, #tpu.memory_space<vmem>>) dst(%dma_wait3A_315 : memref<10000x128xf32, #tpu.memory_space<vmem_shared>>)
      tpu.yield
    }) : () -> ()
    %add3A_97 = arith.constant 112 : i32
    %add3A_98 = arith.addi %arg1, %add3A_97 : i32
    %rem3A_99 = arith.constant 125 : i32
    %rem3A_100 = arith.remsi %add3A_98, %rem3A_99 : i32
    %mul3A_101 = arith.constant 80 : i32
    %mul3A_102 = arith.muli %rem3A_100, %mul3A_101 : i32
    %scan3A_103 = arith.constant 0 : i32
    %scan3A_104 = arith.constant 0 : i32
    %scan3A_105 = arith.constant 5 : i32
    %scan3A_106 = arith.addi %scan3A_104, %scan3A_105 : i32
    %scan3A_107 = arith.constant 1 : i32
    %scan3A_108 = scf.for %scan3A_310 = %scan3A_104 to %scan3A_106 step %scan3A_107 iter_args(%scan3A_311 = %scan3A_103) -> (i32)  : i32 {
      %iota3A = tpu.iota {dimensions = array<i32: 0>} : vector<16xi32>
      %add3A_312 = vector.broadcast %mul3A_102 : i32 to vector<16xi32>
      %add3A_313 = arith.addi %iota3A, %add3A_312 : vector<16xi32>
      %mul3A_314 = arith.constant 16 : i32
      %mul3A_315 = arith.muli %scan3A_310, %mul3A_314 : i32
      %add3A_316 = vector.broadcast %mul3A_315 : i32 to vector<16xi32>
      %add3A_317 = arith.addi %add3A_313, %add3A_316 : vector<16xi32>
      %mul3A_318 = arith.constant 16 : i32
      %mul3A_319 = arith.muli %scan3A_310, %mul3A_318 : i32
      %swap3A = arith.index_cast %mul3A_319 : i32 to index
      %swap3A_320 = tpu.vector_load %arg8[%swap3A] {strides = array<i32>} : memref<80xi32, #tpu.memory_space<vmem>>, vector<16xi32>,
      %swap3A_321 = vector.shape_cast %swap3A_320 : vector<16xi32> to vector<16xi32>
      %swap3A_322 = vector.shape_cast %add3A_317 : vector<16xi32> to vector<16xi32>
      tpu.vector_store %arg8[%swap3A], %swap3A_322 {strides = array<i32>} : memref<80xi32, #tpu.memory_space<vmem>>, vector<16xi32>,
      %scan3A_323 = arith.constant 0 : i32
      scf.yield %scan3A_323 : i32
    }
    %scan3A_109 = arith.constant 5 : i32
    "tpu.region"() ({
      %run_scoped3A = tpu.sem_alloc : memref<!tpu.dma_semaphore, #tpu.memory_space<semaphore_mem>>
      %dma_start3A_310 = arith.constant 0 : i32
      %dma_start3A_311 = arith.constant 0 : i32
      %dma_start3A_312 = tpu.memref_slice %arg6[%dma_start3A_310, %dma_start3A_311] : memref<10000x128xf32, #tpu.memory_space<vmem_shared>> -> memref<10000x128xf32, #tpu.memory_space<vmem_shared>>
      tpu.enqueue_indirect_dma source(%arg9 : memref<80x128xf32, #tpu.memory_space<vmem>>) target(%dma_start3A_312 : memref<10000x128xf32, #tpu.memory_space<vmem_shared>>) offsets(%arg8 : memref<80xi32, #tpu.memory_space<vmem>>) semaphore(%run_scoped3A : memref<!tpu.dma_semaphore, #tpu.memory_space<semaphore_mem>>)
      %dma_wait3A_313 = arith.constant 0 : i32
      %dma_wait3A_314 = arith.constant 0 : i32
      %dma_wait3A_315 = tpu.memref_slice %arg6[%dma_wait3A_313, %dma_wait3A_314] : memref<10000x128xf32, #tpu.memory_space<vmem_shared>> -> memref<10000x128xf32, #tpu.memory_space<vmem_shared>>
      tpu.wait_indirect_dma semaphore(%run_scoped3A : memref<!tpu.dma_semaphore, #tpu.memory_space<semaphore_mem>>) src(%arg9 : memref<80x128xf32, #tpu.memory_space<vmem>>) dst(%dma_wait3A_315 : memref<10000x128xf32, #tpu.memory_space<vmem_shared>>)
      tpu.yield
    }) : () -> ()
    %barrier3A = arith.constant 0 : index
    tpu.barrier barrier_id(%barrier3A)
    %mul3A_110 = arith.constant 10000 : i32
    %mul3A_111 = arith.muli %add3A, %mul3A_110 : i32
    %scan3A_112 = arith.constant 0 : i32
    %scan3A_113 = arith.constant 0 : i32
    %scan3A_114 = arith.constant 125 : i32
    %scan3A_115 = arith.addi %scan3A_113, %scan3A_114 : i32
    %scan3A_116 = arith.constant 1 : i32
    %scan3A_117 = scf.for %scan3A_310 = %scan3A_113 to %scan3A_115 step %scan3A_116 iter_args(%scan3A_311 = %scan3A_112) -> (i32)  : i32 {
      %mul3A_312 = arith.constant 80 : i32
      %mul3A_313 = arith.muli %scan3A_310, %mul3A_312 : i32
      %add3A_314 = arith.addi %mul3A_111, %mul3A_313 : i32
      "tpu.region"() ({
        %run_scoped3A = tpu.sem_alloc : memref<!tpu.dma_semaphore, #tpu.memory_space<semaphore_mem>>
        %dma_start3A_322 = tpu.memref_slice %arg4[%add3A_314] : memref<320000xi32, #tpu.memory_space<hbm>> -> memref<80xi32, #tpu.memory_space<hbm>>
        %dma_start3A_323 = tpu.memref_slice %arg4[%add3A_314] : memref<320000xi32, #tpu.memory_space<hbm>> -> memref<80xi32, #tpu.memory_space<hbm>>
        tpu.enqueue_dma source(%dma_start3A_323 : memref<80xi32, #tpu.memory_space<hbm>>) target(%arg8 : memref<80xi32, #tpu.memory_space<vmem>>) target_semaphore(%run_scoped3A : memref<!tpu.dma_semaphore, #tpu.memory_space<semaphore_mem>>)
        %dma_wait3A_324 = tpu.memref_slice %arg4[%add3A_314] : memref<320000xi32, #tpu.memory_space<hbm>> -> memref<80xi32, #tpu.memory_space<hbm>>
        %dma_wait3A_325 = tpu.memref_slice %arg4[%add3A_314] : memref<320000xi32, #tpu.memory_space<hbm>> -> memref<80xi32, #tpu.memory_space<hbm>>
        tpu.wait_dma2 semaphore(%run_scoped3A : memref<!tpu.dma_semaphore, #tpu.memory_space<semaphore_mem>>) src(%dma_wait3A_325 : memref<80xi32, #tpu.memory_space<hbm>>) dst(%arg8 : memref<80xi32, #tpu.memory_space<vmem>>)
        tpu.yield
      }) : () -> ()
      "tpu.region"() ({
        %run_scoped3A = tpu.sem_alloc : memref<!tpu.dma_semaphore, #tpu.memory_space<semaphore_mem>>
        %dma_start3A_322 = tpu.memref_slice %arg3[%add3A_314] : memref<320000xi32, #tpu.memory_space<hbm>> -> memref<80xi32, #tpu.memory_space<hbm>>
        %dma_start3A_323 = tpu.memref_slice %arg3[%add3A_314] : memref<320000xi32, #tpu.memory_space<hbm>> -> memref<80xi32, #tpu.memory_space<hbm>>
        tpu.enqueue_dma source(%dma_start3A_323 : memref<80xi32, #tpu.memory_space<hbm>>) target(%arg7 : memref<80xi32, #tpu.memory_space<vmem>>) target_semaphore(%run_scoped3A : memref<!tpu.dma_semaphore, #tpu.memory_space<semaphore_mem>>)
        %dma_wait3A_324 = tpu.memref_slice %arg3[%add3A_314] : memref<320000xi32, #tpu.memory_space<hbm>> -> memref<80xi32, #tpu.memory_space<hbm>>
        %dma_wait3A_325 = tpu.memref_slice %arg3[%add3A_314] : memref<320000xi32, #tpu.memory_space<hbm>> -> memref<80xi32, #tpu.memory_space<hbm>>
        tpu.wait_dma2 semaphore(%run_scoped3A : memref<!tpu.dma_semaphore, #tpu.memory_space<semaphore_mem>>) src(%dma_wait3A_325 : memref<80xi32, #tpu.memory_space<hbm>>) dst(%arg7 : memref<80xi32, #tpu.memory_space<vmem>>)
        tpu.yield
      }) : () -> ()
      %dma_start3A_315 = arith.constant 0 : i32
      %dma_start3A_316 = arith.constant 0 : i32
      %dma_start3A_317 = tpu.memref_slice %arg2[%dma_start3A_315, %dma_start3A_316] : memref<10000x128xf32, #tpu.memory_space<hbm>> -> memref<10000x128xf32, #tpu.memory_space<hbm>>
      tpu.enqueue_indirect_dma source(%dma_start3A_317 : memref<10000x128xf32, #tpu.memory_space<hbm>>) target(%arg9 : memref<80x128xf32, #tpu.memory_space<vmem>>) offsets(%arg7 : memref<80xi32, #tpu.memory_space<vmem>>) semaphore(%arg10 : memref<!tpu.dma_semaphore, #tpu.memory_space<semaphore_mem>>)
      %dma_wait3A_318 = arith.constant 0 : i32
      %dma_wait3A_319 = arith.constant 0 : i32
      %dma_wait3A_320 = tpu.memref_slice %arg2[%dma_wait3A_318, %dma_wait3A_319] : memref<10000x128xf32, #tpu.memory_space<hbm>> -> memref<10000x128xf32, #tpu.memory_space<hbm>>
      tpu.wait_indirect_dma semaphore(%arg10 : memref<!tpu.dma_semaphore, #tpu.memory_space<semaphore_mem>>) src(%dma_wait3A_320 : memref<10000x128xf32, #tpu.memory_space<hbm>>) dst(%arg9 : memref<80x128xf32, #tpu.memory_space<vmem>>)
      "tpu.region"() ({
        %run_scoped3A = tpu.sem_alloc : memref<!tpu.dma_semaphore, #tpu.memory_space<semaphore_mem>>
        %dma_start3A_322 = arith.constant 0 : i32
        %dma_start3A_323 = arith.constant 0 : i32
        %dma_start3A_324 = tpu.memref_slice %arg6[%dma_start3A_322, %dma_start3A_323] : memref<10000x128xf32, #tpu.memory_space<vmem_shared>> -> memref<10000x128xf32, #tpu.memory_space<vmem_shared>>
        tpu.enqueue_indirect_dma source(%arg9 : memref<80x128xf32, #tpu.memory_space<vmem>>) target(%dma_start3A_324 : memref<10000x128xf32, #tpu.memory_space<vmem_shared>>) offsets(%arg8 : memref<80xi32, #tpu.memory_space<vmem>>) semaphore(%run_scoped3A : memref<!tpu.dma_semaphore, #tpu.memory_space<semaphore_mem>>) {add = true}
        %dma_wait3A_325 = arith.constant 0 : i32
        %dma_wait3A_326 = arith.constant 0 : i32
        %dma_wait3A_327 = tpu.memref_slice %arg6[%dma_wait3A_325, %dma_wait3A_326] : memref<10000x128xf32, #tpu.memory_space<vmem_shared>> -> memref<10000x128xf32, #tpu.memory_space<vmem_shared>>
        tpu.wait_indirect_dma semaphore(%run_scoped3A : memref<!tpu.dma_semaphore, #tpu.memory_space<semaphore_mem>>) src(%arg9 : memref<80x128xf32, #tpu.memory_space<vmem>>) dst(%dma_wait3A_327 : memref<10000x128xf32, #tpu.memory_space<vmem_shared>>)
        tpu.yield
      }) : () -> ()
      %scan3A_321 = arith.constant 0 : i32
      scf.yield %scan3A_321 : i32
    }
    %scan3A_118 = arith.constant 125 : i32
    %barrier3A_119 = arith.constant 0 : index
    tpu.barrier barrier_id(%barrier3A_119)
    %add3A_120 = arith.constant 0 : i32
    %add3A_121 = arith.addi %arg1, %add3A_120 : i32
    %rem3A_122 = arith.constant 125 : i32
    %rem3A_123 = arith.remsi %add3A_121, %rem3A_122 : i32
    %mul3A_124 = arith.constant 80 : i32
    %mul3A_125 = arith.muli %rem3A_123, %mul3A_124 : i32
    %scan3A_126 = arith.constant 0 : i32
    %scan3A_127 = arith.constant 0 : i32
    %scan3A_128 = arith.constant 5 : i32
    %scan3A_129 = arith.addi %scan3A_127, %scan3A_128 : i32
    %scan3A_130 = arith.constant 1 : i32
    %scan3A_131 = scf.for %scan3A_310 = %scan3A_127 to %scan3A_129 step %scan3A_130 iter_args(%scan3A_311 = %scan3A_126) -> (i32)  : i32 {
      %iota3A = tpu.iota {dimensions = array<i32: 0>} : vector<16xi32>
      %add3A_312 = vector.broadcast %mul3A_125 : i32 to vector<16xi32>
      %add3A_313 = arith.addi %iota3A, %add3A_312 : vector<16xi32>
      %mul3A_314 = arith.constant 16 : i32
      %mul3A_315 = arith.muli %scan3A_310, %mul3A_314 : i32
      %add3A_316 = vector.broadcast %mul3A_315 : i32 to vector<16xi32>
      %add3A_317 = arith.addi %add3A_313, %add3A_316 : vector<16xi32>
      %mul3A_318 = arith.constant 16 : i32
      %mul3A_319 = arith.muli %scan3A_310, %mul3A_318 : i32
      %swap3A = arith.index_cast %mul3A_319 : i32 to index
      %swap3A_320 = tpu.vector_load %arg8[%swap3A] {strides = array<i32>} : memref<80xi32, #tpu.memory_space<vmem>>, vector<16xi32>,
      %swap3A_321 = vector.shape_cast %swap3A_320 : vector<16xi32> to vector<16xi32>
      %swap3A_322 = vector.shape_cast %add3A_317 : vector<16xi32> to vector<16xi32>
      tpu.vector_store %arg8[%swap3A], %swap3A_322 {strides = array<i32>} : memref<80xi32, #tpu.memory_space<vmem>>, vector<16xi32>,
      %scan3A_323 = arith.constant 0 : i32
      scf.yield %scan3A_323 : i32
    }
    %scan3A_132 = arith.constant 5 : i32
    %dma_start3A = arith.constant 0 : i32
    %dma_start3A_133 = arith.constant 0 : i32
    %dma_start3A_134 = tpu.memref_slice %arg6[%dma_start3A, %dma_start3A_133] : memref<10000x128xf32, #tpu.memory_space<vmem_shared>> -> memref<10000x128xf32, #tpu.memory_space<vmem_shared>>
    tpu.enqueue_indirect_dma source(%dma_start3A_134 : memref<10000x128xf32, #tpu.memory_space<vmem_shared>>) target(%arg9 : memref<80x128xf32, #tpu.memory_space<vmem>>) offsets(%arg8 : memref<80xi32, #tpu.memory_space<vmem>>) semaphore(%arg10 : memref<!tpu.dma_semaphore, #tpu.memory_space<semaphore_mem>>)
    %dma_wait3A = arith.constant 0 : i32
    %dma_wait3A_135 = arith.constant 0 : i32
    %dma_wait3A_136 = tpu.memref_slice %arg6[%dma_wait3A, %dma_wait3A_135] : memref<10000x128xf32, #tpu.memory_space<vmem_shared>> -> memref<10000x128xf32, #tpu.memory_space<vmem_shared>>
    tpu.wait_indirect_dma semaphore(%arg10 : memref<!tpu.dma_semaphore, #tpu.memory_space<semaphore_mem>>) src(%dma_wait3A_136 : memref<10000x128xf32, #tpu.memory_space<vmem_shared>>) dst(%arg9 : memref<80x128xf32, #tpu.memory_space<vmem>>)
    %mul3A_137 = arith.constant 10000 : i32
    %mul3A_138 = arith.muli %arg0, %mul3A_137 : i32
    %mul3A_139 = arith.constant 80 : i32
    %mul3A_140 = arith.muli %rem3A_123, %mul3A_139 : i32
    %add3A_141 = arith.addi %mul3A_138, %mul3A_140 : i32
    "tpu.region"() ({
      %run_scoped3A = tpu.sem_alloc : memref<!tpu.dma_semaphore, #tpu.memory_space<semaphore_mem>>
      %dma_start3A_310 = arith.constant 0 : i32
      %dma_start3A_311 = tpu.memref_slice %arg5[%add3A_141, %dma_start3A_310] : memref<20000x128xf32, #tpu.memory_space<hbm>> -> memref<80x128xf32, #tpu.memory_space<hbm>>
      %dma_start3A_312 = arith.constant 0 : i32
      %dma_start3A_313 = tpu.memref_slice %arg5[%add3A_141, %dma_start3A_312] : memref<20000x128xf32, #tpu.memory_space<hbm>> -> memref<80x128xf32, #tpu.memory_space<hbm>>
      tpu.enqueue_dma source(%arg9 : memref<80x128xf32, #tpu.memory_space<vmem>>) target(%dma_start3A_313 : memref<80x128xf32, #tpu.memory_space<hbm>>) target_semaphore(%run_scoped3A : memref<!tpu.dma_semaphore, #tpu.memory_space<semaphore_mem>>)
      %dma_wait3A_314 = arith.constant 0 : i32
      %dma_wait3A_315 = tpu.memref_slice %arg5[%add3A_141, %dma_wait3A_314] : memref<20000x128xf32, #tpu.memory_space<hbm>> -> memref<80x128xf32, #tpu.memory_space<hbm>>
      %dma_wait3A_316 = arith.constant 0 : i32
      %dma_wait3A_317 = tpu.memref_slice %arg5[%add3A_141, %dma_wait3A_316] : memref<20000x128xf32, #tpu.memory_space<hbm>> -> memref<80x128xf32, #tpu.memory_space<hbm>>
      tpu.wait_dma2 semaphore(%run_scoped3A : memref<!tpu.dma_semaphore, #tpu.memory_space<semaphore_mem>>) src(%arg9 : memref<80x128xf32, #tpu.memory_space<vmem>>) dst(%dma_wait3A_317 : memref<80x128xf32, #tpu.memory_space<hbm>>)
      tpu.yield
    }) : () -> ()
    %add3A_142 = arith.constant 16 : i32
    %add3A_143 = arith.addi %arg1, %add3A_142 : i32
    %rem3A_144 = arith.constant 125 : i32
    %rem3A_145 = arith.remsi %add3A_143, %rem3A_144 : i32
    %mul3A_146 = arith.constant 80 : i32
    %mul3A_147 = arith.muli %rem3A_145, %mul3A_146 : i32
    %scan3A_148 = arith.constant 0 : i32
    %scan3A_149 = arith.constant 0 : i32
    %scan3A_150 = arith.constant 5 : i32
    %scan3A_151 = arith.addi %scan3A_149, %scan3A_150 : i32
    %scan3A_152 = arith.constant 1 : i32
    %scan3A_153 = scf.for %scan3A_310 = %scan3A_149 to %scan3A_151 step %scan3A_152 iter_args(%scan3A_311 = %scan3A_148) -> (i32)  : i32 {
      %iota3A = tpu.iota {dimensions = array<i32: 0>} : vector<16xi32>
      %add3A_312 = vector.broadcast %mul3A_147 : i32 to vector<16xi32>
      %add3A_313 = arith.addi %iota3A, %add3A_312 : vector<16xi32>
      %mul3A_314 = arith.constant 16 : i32
      %mul3A_315 = arith.muli %scan3A_310, %mul3A_314 : i32
      %add3A_316 = vector.broadcast %mul3A_315 : i32 to vector<16xi32>
      %add3A_317 = arith.addi %add3A_313, %add3A_316 : vector<16xi32>
      %mul3A_318 = arith.constant 16 : i32
      %mul3A_319 = arith.muli %scan3A_310, %mul3A_318 : i32
      %swap3A = arith.index_cast %mul3A_319 : i32 to index
      %swap3A_320 = tpu.vector_load %arg8[%swap3A] {strides = array<i32>} : memref<80xi32, #tpu.memory_space<vmem>>, vector<16xi32>,
      %swap3A_321 = vector.shape_cast %swap3A_320 : vector<16xi32> to vector<16xi32>
      %swap3A_322 = vector.shape_cast %add3A_317 : vector<16xi32> to vector<16xi32>
      tpu.vector_store %arg8[%swap3A], %swap3A_322 {strides = array<i32>} : memref<80xi32, #tpu.memory_space<vmem>>, vector<16xi32>,
      %scan3A_323 = arith.constant 0 : i32
      scf.yield %scan3A_323 : i32
    }
    %scan3A_154 = arith.constant 5 : i32
    %dma_start3A_155 = arith.constant 0 : i32
    %dma_start3A_156 = arith.constant 0 : i32
    %dma_start3A_157 = tpu.memref_slice %arg6[%dma_start3A_155, %dma_start3A_156] : memref<10000x128xf32, #tpu.memory_space<vmem_shared>> -> memref<10000x128xf32, #tpu.memory_space<vmem_shared>>
    tpu.enqueue_indirect_dma source(%dma_start3A_157 : memref<10000x128xf32, #tpu.memory_space<vmem_shared>>) target(%arg9 : memref<80x128xf32, #tpu.memory_space<vmem>>) offsets(%arg8 : memref<80xi32, #tpu.memory_space<vmem>>) semaphore(%arg10 : memref<!tpu.dma_semaphore, #tpu.memory_space<semaphore_mem>>)
    %dma_wait3A_158 = arith.constant 0 : i32
    %dma_wait3A_159 = arith.constant 0 : i32
    %dma_wait3A_160 = tpu.memref_slice %arg6[%dma_wait3A_158, %dma_wait3A_159] : memref<10000x128xf32, #tpu.memory_space<vmem_shared>> -> memref<10000x128xf32, #tpu.memory_space<vmem_shared>>
    tpu.wait_indirect_dma semaphore(%arg10 : memref<!tpu.dma_semaphore, #tpu.memory_space<semaphore_mem>>) src(%dma_wait3A_160 : memref<10000x128xf32, #tpu.memory_space<vmem_shared>>) dst(%arg9 : memref<80x128xf32, #tpu.memory_space<vmem>>)
    %mul3A_161 = arith.constant 10000 : i32
    %mul3A_162 = arith.muli %arg0, %mul3A_161 : i32
    %mul3A_163 = arith.constant 80 : i32
    %mul3A_164 = arith.muli %rem3A_145, %mul3A_163 : i32
    %add3A_165 = arith.addi %mul3A_162, %mul3A_164 : i32
    "tpu.region"() ({
      %run_scoped3A = tpu.sem_alloc : memref<!tpu.dma_semaphore, #tpu.memory_space<semaphore_mem>>
      %dma_start3A_310 = arith.constant 0 : i32
      %dma_start3A_311 = tpu.memref_slice %arg5[%add3A_165, %dma_start3A_310] : memref<20000x128xf32, #tpu.memory_space<hbm>> -> memref<80x128xf32, #tpu.memory_space<hbm>>
      %dma_start3A_312 = arith.constant 0 : i32
      %dma_start3A_313 = tpu.memref_slice %arg5[%add3A_165, %dma_start3A_312] : memref<20000x128xf32, #tpu.memory_space<hbm>> -> memref<80x128xf32, #tpu.memory_space<hbm>>
      tpu.enqueue_dma source(%arg9 : memref<80x128xf32, #tpu.memory_space<vmem>>) target(%dma_start3A_313 : memref<80x128xf32, #tpu.memory_space<hbm>>) target_semaphore(%run_scoped3A : memref<!tpu.dma_semaphore, #tpu.memory_space<semaphore_mem>>)
      %dma_wait3A_314 = arith.constant 0 : i32
      %dma_wait3A_315 = tpu.memref_slice %arg5[%add3A_165, %dma_wait3A_314] : memref<20000x128xf32, #tpu.memory_space<hbm>> -> memref<80x128xf32, #tpu.memory_space<hbm>>
      %dma_wait3A_316 = arith.constant 0 : i32
      %dma_wait3A_317 = tpu.memref_slice %arg5[%add3A_165, %dma_wait3A_316] : memref<20000x128xf32, #tpu.memory_space<hbm>> -> memref<80x128xf32, #tpu.memory_space<hbm>>
      tpu.wait_dma2 semaphore(%run_scoped3A : memref<!tpu.dma_semaphore, #tpu.memory_space<semaphore_mem>>) src(%arg9 : memref<80x128xf32, #tpu.memory_space<vmem>>) dst(%dma_wait3A_317 : memref<80x128xf32, #tpu.memory_space<hbm>>)
      tpu.yield
    }) : () -> ()
    %add3A_166 = arith.constant 32 : i32
    %add3A_167 = arith.addi %arg1, %add3A_166 : i32
    %rem3A_168 = arith.constant 125 : i32
    %rem3A_169 = arith.remsi %add3A_167, %rem3A_168 : i32
    %mul3A_170 = arith.constant 80 : i32
    %mul3A_171 = arith.muli %rem3A_169, %mul3A_170 : i32
    %scan3A_172 = arith.constant 0 : i32
    %scan3A_173 = arith.constant 0 : i32
    %scan3A_174 = arith.constant 5 : i32
    %scan3A_175 = arith.addi %scan3A_173, %scan3A_174 : i32
    %scan3A_176 = arith.constant 1 : i32
    %scan3A_177 = scf.for %scan3A_310 = %scan3A_173 to %scan3A_175 step %scan3A_176 iter_args(%scan3A_311 = %scan3A_172) -> (i32)  : i32 {
      %iota3A = tpu.iota {dimensions = array<i32: 0>} : vector<16xi32>
      %add3A_312 = vector.broadcast %mul3A_171 : i32 to vector<16xi32>
      %add3A_313 = arith.addi %iota3A, %add3A_312 : vector<16xi32>
      %mul3A_314 = arith.constant 16 : i32
      %mul3A_315 = arith.muli %scan3A_310, %mul3A_314 : i32
      %add3A_316 = vector.broadcast %mul3A_315 : i32 to vector<16xi32>
      %add3A_317 = arith.addi %add3A_313, %add3A_316 : vector<16xi32>
      %mul3A_318 = arith.constant 16 : i32
      %mul3A_319 = arith.muli %scan3A_310, %mul3A_318 : i32
      %swap3A = arith.index_cast %mul3A_319 : i32 to index
      %swap3A_320 = tpu.vector_load %arg8[%swap3A] {strides = array<i32>} : memref<80xi32, #tpu.memory_space<vmem>>, vector<16xi32>,
      %swap3A_321 = vector.shape_cast %swap3A_320 : vector<16xi32> to vector<16xi32>
      %swap3A_322 = vector.shape_cast %add3A_317 : vector<16xi32> to vector<16xi32>
      tpu.vector_store %arg8[%swap3A], %swap3A_322 {strides = array<i32>} : memref<80xi32, #tpu.memory_space<vmem>>, vector<16xi32>,
      %scan3A_323 = arith.constant 0 : i32
      scf.yield %scan3A_323 : i32
    }
    %scan3A_178 = arith.constant 5 : i32
    %dma_start3A_179 = arith.constant 0 : i32
    %dma_start3A_180 = arith.constant 0 : i32
    %dma_start3A_181 = tpu.memref_slice %arg6[%dma_start3A_179, %dma_start3A_180] : memref<10000x128xf32, #tpu.memory_space<vmem_shared>> -> memref<10000x128xf32, #tpu.memory_space<vmem_shared>>
    tpu.enqueue_indirect_dma source(%dma_start3A_181 : memref<10000x128xf32, #tpu.memory_space<vmem_shared>>) target(%arg9 : memref<80x128xf32, #tpu.memory_space<vmem>>) offsets(%arg8 : memref<80xi32, #tpu.memory_space<vmem>>) semaphore(%arg10 : memref<!tpu.dma_semaphore, #tpu.memory_space<semaphore_mem>>)
    %dma_wait3A_182 = arith.constant 0 : i32
    %dma_wait3A_183 = arith.constant 0 : i32
    %dma_wait3A_184 = tpu.memref_slice %arg6[%dma_wait3A_182, %dma_wait3A_183] : memref<10000x128xf32, #tpu.memory_space<vmem_shared>> -> memref<10000x128xf32, #tpu.memory_space<vmem_shared>>
    tpu.wait_indirect_dma semaphore(%arg10 : memref<!tpu.dma_semaphore, #tpu.memory_space<semaphore_mem>>) src(%dma_wait3A_184 : memref<10000x128xf32, #tpu.memory_space<vmem_shared>>) dst(%arg9 : memref<80x128xf32, #tpu.memory_space<vmem>>)
    %mul3A_185 = arith.constant 10000 : i32
    %mul3A_186 = arith.muli %arg0, %mul3A_185 : i32
    %mul3A_187 = arith.constant 80 : i32
    %mul3A_188 = arith.muli %rem3A_169, %mul3A_187 : i32
    %add3A_189 = arith.addi %mul3A_186, %mul3A_188 : i32
    "tpu.region"() ({
      %run_scoped3A = tpu.sem_alloc : memref<!tpu.dma_semaphore, #tpu.memory_space<semaphore_mem>>
      %dma_start3A_310 = arith.constant 0 : i32
      %dma_start3A_311 = tpu.memref_slice %arg5[%add3A_189, %dma_start3A_310] : memref<20000x128xf32, #tpu.memory_space<hbm>> -> memref<80x128xf32, #tpu.memory_space<hbm>>
      %dma_start3A_312 = arith.constant 0 : i32
      %dma_start3A_313 = tpu.memref_slice %arg5[%add3A_189, %dma_start3A_312] : memref<20000x128xf32, #tpu.memory_space<hbm>> -> memref<80x128xf32, #tpu.memory_space<hbm>>
      tpu.enqueue_dma source(%arg9 : memref<80x128xf32, #tpu.memory_space<vmem>>) target(%dma_start3A_313 : memref<80x128xf32, #tpu.memory_space<hbm>>) target_semaphore(%run_scoped3A : memref<!tpu.dma_semaphore, #tpu.memory_space<semaphore_mem>>)
      %dma_wait3A_314 = arith.constant 0 : i32
      %dma_wait3A_315 = tpu.memref_slice %arg5[%add3A_189, %dma_wait3A_314] : memref<20000x128xf32, #tpu.memory_space<hbm>> -> memref<80x128xf32, #tpu.memory_space<hbm>>
      %dma_wait3A_316 = arith.constant 0 : i32
      %dma_wait3A_317 = tpu.memref_slice %arg5[%add3A_189, %dma_wait3A_316] : memref<20000x128xf32, #tpu.memory_space<hbm>> -> memref<80x128xf32, #tpu.memory_space<hbm>>
      tpu.wait_dma2 semaphore(%run_scoped3A : memref<!tpu.dma_semaphore, #tpu.memory_space<semaphore_mem>>) src(%arg9 : memref<80x128xf32, #tpu.memory_space<vmem>>) dst(%dma_wait3A_317 : memref<80x128xf32, #tpu.memory_space<hbm>>)
      tpu.yield
    }) : () -> ()
    %add3A_190 = arith.constant 48 : i32
    %add3A_191 = arith.addi %arg1, %add3A_190 : i32
    %rem3A_192 = arith.constant 125 : i32
    %rem3A_193 = arith.remsi %add3A_191, %rem3A_192 : i32
    %mul3A_194 = arith.constant 80 : i32
    %mul3A_195 = arith.muli %rem3A_193, %mul3A_194 : i32
    %scan3A_196 = arith.constant 0 : i32
    %scan3A_197 = arith.constant 0 : i32
    %scan3A_198 = arith.constant 5 : i32
    %scan3A_199 = arith.addi %scan3A_197, %scan3A_198 : i32
    %scan3A_200 = arith.constant 1 : i32
    %scan3A_201 = scf.for %scan3A_310 = %scan3A_197 to %scan3A_199 step %scan3A_200 iter_args(%scan3A_311 = %scan3A_196) -> (i32)  : i32 {
      %iota3A = tpu.iota {dimensions = array<i32: 0>} : vector<16xi32>
      %add3A_312 = vector.broadcast %mul3A_195 : i32 to vector<16xi32>
      %add3A_313 = arith.addi %iota3A, %add3A_312 : vector<16xi32>
      %mul3A_314 = arith.constant 16 : i32
      %mul3A_315 = arith.muli %scan3A_310, %mul3A_314 : i32
      %add3A_316 = vector.broadcast %mul3A_315 : i32 to vector<16xi32>
      %add3A_317 = arith.addi %add3A_313, %add3A_316 : vector<16xi32>
      %mul3A_318 = arith.constant 16 : i32
      %mul3A_319 = arith.muli %scan3A_310, %mul3A_318 : i32
      %swap3A = arith.index_cast %mul3A_319 : i32 to index
      %swap3A_320 = tpu.vector_load %arg8[%swap3A] {strides = array<i32>} : memref<80xi32, #tpu.memory_space<vmem>>, vector<16xi32>,
      %swap3A_321 = vector.shape_cast %swap3A_320 : vector<16xi32> to vector<16xi32>
      %swap3A_322 = vector.shape_cast %add3A_317 : vector<16xi32> to vector<16xi32>
      tpu.vector_store %arg8[%swap3A], %swap3A_322 {strides = array<i32>} : memref<80xi32, #tpu.memory_space<vmem>>, vector<16xi32>,
      %scan3A_323 = arith.constant 0 : i32
      scf.yield %scan3A_323 : i32
    }
    %scan3A_202 = arith.constant 5 : i32
    %dma_start3A_203 = arith.constant 0 : i32
    %dma_start3A_204 = arith.constant 0 : i32
    %dma_start3A_205 = tpu.memref_slice %arg6[%dma_start3A_203, %dma_start3A_204] : memref<10000x128xf32, #tpu.memory_space<vmem_shared>> -> memref<10000x128xf32, #tpu.memory_space<vmem_shared>>
    tpu.enqueue_indirect_dma source(%dma_start3A_205 : memref<10000x128xf32, #tpu.memory_space<vmem_shared>>) target(%arg9 : memref<80x128xf32, #tpu.memory_space<vmem>>) offsets(%arg8 : memref<80xi32, #tpu.memory_space<vmem>>) semaphore(%arg10 : memref<!tpu.dma_semaphore, #tpu.memory_space<semaphore_mem>>)
    %dma_wait3A_206 = arith.constant 0 : i32
    %dma_wait3A_207 = arith.constant 0 : i32
    %dma_wait3A_208 = tpu.memref_slice %arg6[%dma_wait3A_206, %dma_wait3A_207] : memref<10000x128xf32, #tpu.memory_space<vmem_shared>> -> memref<10000x128xf32, #tpu.memory_space<vmem_shared>>
    tpu.wait_indirect_dma semaphore(%arg10 : memref<!tpu.dma_semaphore, #tpu.memory_space<semaphore_mem>>) src(%dma_wait3A_208 : memref<10000x128xf32, #tpu.memory_space<vmem_shared>>) dst(%arg9 : memref<80x128xf32, #tpu.memory_space<vmem>>)
    %mul3A_209 = arith.constant 10000 : i32
    %mul3A_210 = arith.muli %arg0, %mul3A_209 : i32
    %mul3A_211 = arith.constant 80 : i32
    %mul3A_212 = arith.muli %rem3A_193, %mul3A_211 : i32
    %add3A_213 = arith.addi %mul3A_210, %mul3A_212 : i32
    "tpu.region"() ({
      %run_scoped3A = tpu.sem_alloc : memref<!tpu.dma_semaphore, #tpu.memory_space<semaphore_mem>>
      %dma_start3A_310 = arith.constant 0 : i32
      %dma_start3A_311 = tpu.memref_slice %arg5[%add3A_213, %dma_start3A_310] : memref<20000x128xf32, #tpu.memory_space<hbm>> -> memref<80x128xf32, #tpu.memory_space<hbm>>
      %dma_start3A_312 = arith.constant 0 : i32
      %dma_start3A_313 = tpu.memref_slice %arg5[%add3A_213, %dma_start3A_312] : memref<20000x128xf32, #tpu.memory_space<hbm>> -> memref<80x128xf32, #tpu.memory_space<hbm>>
      tpu.enqueue_dma source(%arg9 : memref<80x128xf32, #tpu.memory_space<vmem>>) target(%dma_start3A_313 : memref<80x128xf32, #tpu.memory_space<hbm>>) target_semaphore(%run_scoped3A : memref<!tpu.dma_semaphore, #tpu.memory_space<semaphore_mem>>)
      %dma_wait3A_314 = arith.constant 0 : i32
      %dma_wait3A_315 = tpu.memref_slice %arg5[%add3A_213, %dma_wait3A_314] : memref<20000x128xf32, #tpu.memory_space<hbm>> -> memref<80x128xf32, #tpu.memory_space<hbm>>
      %dma_wait3A_316 = arith.constant 0 : i32
      %dma_wait3A_317 = tpu.memref_slice %arg5[%add3A_213, %dma_wait3A_316] : memref<20000x128xf32, #tpu.memory_space<hbm>> -> memref<80x128xf32, #tpu.memory_space<hbm>>
      tpu.wait_dma2 semaphore(%run_scoped3A : memref<!tpu.dma_semaphore, #tpu.memory_space<semaphore_mem>>) src(%arg9 : memref<80x128xf32, #tpu.memory_space<vmem>>) dst(%dma_wait3A_317 : memref<80x128xf32, #tpu.memory_space<hbm>>)
      tpu.yield
    }) : () -> ()
    %add3A_214 = arith.constant 64 : i32
    %add3A_215 = arith.addi %arg1, %add3A_214 : i32
    %rem3A_216 = arith.constant 125 : i32
    %rem3A_217 = arith.remsi %add3A_215, %rem3A_216 : i32
    %mul3A_218 = arith.constant 80 : i32
    %mul3A_219 = arith.muli %rem3A_217, %mul3A_218 : i32
    %scan3A_220 = arith.constant 0 : i32
    %scan3A_221 = arith.constant 0 : i32
    %scan3A_222 = arith.constant 5 : i32
    %scan3A_223 = arith.addi %scan3A_221, %scan3A_222 : i32
    %scan3A_224 = arith.constant 1 : i32
    %scan3A_225 = scf.for %scan3A_310 = %scan3A_221 to %scan3A_223 step %scan3A_224 iter_args(%scan3A_311 = %scan3A_220) -> (i32)  : i32 {
      %iota3A = tpu.iota {dimensions = array<i32: 0>} : vector<16xi32>
      %add3A_312 = vector.broadcast %mul3A_219 : i32 to vector<16xi32>
      %add3A_313 = arith.addi %iota3A, %add3A_312 : vector<16xi32>
      %mul3A_314 = arith.constant 16 : i32
      %mul3A_315 = arith.muli %scan3A_310, %mul3A_314 : i32
      %add3A_316 = vector.broadcast %mul3A_315 : i32 to vector<16xi32>
      %add3A_317 = arith.addi %add3A_313, %add3A_316 : vector<16xi32>
      %mul3A_318 = arith.constant 16 : i32
      %mul3A_319 = arith.muli %scan3A_310, %mul3A_318 : i32
      %swap3A = arith.index_cast %mul3A_319 : i32 to index
      %swap3A_320 = tpu.vector_load %arg8[%swap3A] {strides = array<i32>} : memref<80xi32, #tpu.memory_space<vmem>>, vector<16xi32>,
      %swap3A_321 = vector.shape_cast %swap3A_320 : vector<16xi32> to vector<16xi32>
      %swap3A_322 = vector.shape_cast %add3A_317 : vector<16xi32> to vector<16xi32>
      tpu.vector_store %arg8[%swap3A], %swap3A_322 {strides = array<i32>} : memref<80xi32, #tpu.memory_space<vmem>>, vector<16xi32>,
      %scan3A_323 = arith.constant 0 : i32
      scf.yield %scan3A_323 : i32
    }
    %scan3A_226 = arith.constant 5 : i32
    %dma_start3A_227 = arith.constant 0 : i32
    %dma_start3A_228 = arith.constant 0 : i32
    %dma_start3A_229 = tpu.memref_slice %arg6[%dma_start3A_227, %dma_start3A_228] : memref<10000x128xf32, #tpu.memory_space<vmem_shared>> -> memref<10000x128xf32, #tpu.memory_space<vmem_shared>>
    tpu.enqueue_indirect_dma source(%dma_start3A_229 : memref<10000x128xf32, #tpu.memory_space<vmem_shared>>) target(%arg9 : memref<80x128xf32, #tpu.memory_space<vmem>>) offsets(%arg8 : memref<80xi32, #tpu.memory_space<vmem>>) semaphore(%arg10 : memref<!tpu.dma_semaphore, #tpu.memory_space<semaphore_mem>>)
    %dma_wait3A_230 = arith.constant 0 : i32
    %dma_wait3A_231 = arith.constant 0 : i32
    %dma_wait3A_232 = tpu.memref_slice %arg6[%dma_wait3A_230, %dma_wait3A_231] : memref<10000x128xf32, #tpu.memory_space<vmem_shared>> -> memref<10000x128xf32, #tpu.memory_space<vmem_shared>>
    tpu.wait_indirect_dma semaphore(%arg10 : memref<!tpu.dma_semaphore, #tpu.memory_space<semaphore_mem>>) src(%dma_wait3A_232 : memref<10000x128xf32, #tpu.memory_space<vmem_shared>>) dst(%arg9 : memref<80x128xf32, #tpu.memory_space<vmem>>)
    %mul3A_233 = arith.constant 10000 : i32
    %mul3A_234 = arith.muli %arg0, %mul3A_233 : i32
    %mul3A_235 = arith.constant 80 : i32
    %mul3A_236 = arith.muli %rem3A_217, %mul3A_235 : i32
    %add3A_237 = arith.addi %mul3A_234, %mul3A_236 : i32
    "tpu.region"() ({
      %run_scoped3A = tpu.sem_alloc : memref<!tpu.dma_semaphore, #tpu.memory_space<semaphore_mem>>
      %dma_start3A_310 = arith.constant 0 : i32
      %dma_start3A_311 = tpu.memref_slice %arg5[%add3A_237, %dma_start3A_310] : memref<20000x128xf32, #tpu.memory_space<hbm>> -> memref<80x128xf32, #tpu.memory_space<hbm>>
      %dma_start3A_312 = arith.constant 0 : i32
      %dma_start3A_313 = tpu.memref_slice %arg5[%add3A_237, %dma_start3A_312] : memref<20000x128xf32, #tpu.memory_space<hbm>> -> memref<80x128xf32, #tpu.memory_space<hbm>>
      tpu.enqueue_dma source(%arg9 : memref<80x128xf32, #tpu.memory_space<vmem>>) target(%dma_start3A_313 : memref<80x128xf32, #tpu.memory_space<hbm>>) target_semaphore(%run_scoped3A : memref<!tpu.dma_semaphore, #tpu.memory_space<semaphore_mem>>)
      %dma_wait3A_314 = arith.constant 0 : i32
      %dma_wait3A_315 = tpu.memref_slice %arg5[%add3A_237, %dma_wait3A_314] : memref<20000x128xf32, #tpu.memory_space<hbm>> -> memref<80x128xf32, #tpu.memory_space<hbm>>
      %dma_wait3A_316 = arith.constant 0 : i32
      %dma_wait3A_317 = tpu.memref_slice %arg5[%add3A_237, %dma_wait3A_316] : memref<20000x128xf32, #tpu.memory_space<hbm>> -> memref<80x128xf32, #tpu.memory_space<hbm>>
      tpu.wait_dma2 semaphore(%run_scoped3A : memref<!tpu.dma_semaphore, #tpu.memory_space<semaphore_mem>>) src(%arg9 : memref<80x128xf32, #tpu.memory_space<vmem>>) dst(%dma_wait3A_317 : memref<80x128xf32, #tpu.memory_space<hbm>>)
      tpu.yield
    }) : () -> ()
    %add3A_238 = arith.constant 80 : i32
    %add3A_239 = arith.addi %arg1, %add3A_238 : i32
    %rem3A_240 = arith.constant 125 : i32
    %rem3A_241 = arith.remsi %add3A_239, %rem3A_240 : i32
    %mul3A_242 = arith.constant 80 : i32
    %mul3A_243 = arith.muli %rem3A_241, %mul3A_242 : i32
    %scan3A_244 = arith.constant 0 : i32
    %scan3A_245 = arith.constant 0 : i32
    %scan3A_246 = arith.constant 5 : i32
    %scan3A_247 = arith.addi %scan3A_245, %scan3A_246 : i32
    %scan3A_248 = arith.constant 1 : i32
    %scan3A_249 = scf.for %scan3A_310 = %scan3A_245 to %scan3A_247 step %scan3A_248 iter_args(%scan3A_311 = %scan3A_244) -> (i32)  : i32 {
      %iota3A = tpu.iota {dimensions = array<i32: 0>} : vector<16xi32>
      %add3A_312 = vector.broadcast %mul3A_243 : i32 to vector<16xi32>
      %add3A_313 = arith.addi %iota3A, %add3A_312 : vector<16xi32>
      %mul3A_314 = arith.constant 16 : i32
      %mul3A_315 = arith.muli %scan3A_310, %mul3A_314 : i32
      %add3A_316 = vector.broadcast %mul3A_315 : i32 to vector<16xi32>
      %add3A_317 = arith.addi %add3A_313, %add3A_316 : vector<16xi32>
      %mul3A_318 = arith.constant 16 : i32
      %mul3A_319 = arith.muli %scan3A_310, %mul3A_318 : i32
      %swap3A = arith.index_cast %mul3A_319 : i32 to index
      %swap3A_320 = tpu.vector_load %arg8[%swap3A] {strides = array<i32>} : memref<80xi32, #tpu.memory_space<vmem>>, vector<16xi32>,
      %swap3A_321 = vector.shape_cast %swap3A_320 : vector<16xi32> to vector<16xi32>
      %swap3A_322 = vector.shape_cast %add3A_317 : vector<16xi32> to vector<16xi32>
      tpu.vector_store %arg8[%swap3A], %swap3A_322 {strides = array<i32>} : memref<80xi32, #tpu.memory_space<vmem>>, vector<16xi32>,
      %scan3A_323 = arith.constant 0 : i32
      scf.yield %scan3A_323 : i32
    }
    %scan3A_250 = arith.constant 5 : i32
    %dma_start3A_251 = arith.constant 0 : i32
    %dma_start3A_252 = arith.constant 0 : i32
    %dma_start3A_253 = tpu.memref_slice %arg6[%dma_start3A_251, %dma_start3A_252] : memref<10000x128xf32, #tpu.memory_space<vmem_shared>> -> memref<10000x128xf32, #tpu.memory_space<vmem_shared>>
    tpu.enqueue_indirect_dma source(%dma_start3A_253 : memref<10000x128xf32, #tpu.memory_space<vmem_shared>>) target(%arg9 : memref<80x128xf32, #tpu.memory_space<vmem>>) offsets(%arg8 : memref<80xi32, #tpu.memory_space<vmem>>) semaphore(%arg10 : memref<!tpu.dma_semaphore, #tpu.memory_space<semaphore_mem>>)
    %dma_wait3A_254 = arith.constant 0 : i32
    %dma_wait3A_255 = arith.constant 0 : i32
    %dma_wait3A_256 = tpu.memref_slice %arg6[%dma_wait3A_254, %dma_wait3A_255] : memref<10000x128xf32, #tpu.memory_space<vmem_shared>> -> memref<10000x128xf32, #tpu.memory_space<vmem_shared>>
    tpu.wait_indirect_dma semaphore(%arg10 : memref<!tpu.dma_semaphore, #tpu.memory_space<semaphore_mem>>) src(%dma_wait3A_256 : memref<10000x128xf32, #tpu.memory_space<vmem_shared>>) dst(%arg9 : memref<80x128xf32, #tpu.memory_space<vmem>>)
    %mul3A_257 = arith.constant 10000 : i32
    %mul3A_258 = arith.muli %arg0, %mul3A_257 : i32
    %mul3A_259 = arith.constant 80 : i32
    %mul3A_260 = arith.muli %rem3A_241, %mul3A_259 : i32
    %add3A_261 = arith.addi %mul3A_258, %mul3A_260 : i32
    "tpu.region"() ({
      %run_scoped3A = tpu.sem_alloc : memref<!tpu.dma_semaphore, #tpu.memory_space<semaphore_mem>>
      %dma_start3A_310 = arith.constant 0 : i32
      %dma_start3A_311 = tpu.memref_slice %arg5[%add3A_261, %dma_start3A_310] : memref<20000x128xf32, #tpu.memory_space<hbm>> -> memref<80x128xf32, #tpu.memory_space<hbm>>
      %dma_start3A_312 = arith.constant 0 : i32
      %dma_start3A_313 = tpu.memref_slice %arg5[%add3A_261, %dma_start3A_312] : memref<20000x128xf32, #tpu.memory_space<hbm>> -> memref<80x128xf32, #tpu.memory_space<hbm>>
      tpu.enqueue_dma source(%arg9 : memref<80x128xf32, #tpu.memory_space<vmem>>) target(%dma_start3A_313 : memref<80x128xf32, #tpu.memory_space<hbm>>) target_semaphore(%run_scoped3A : memref<!tpu.dma_semaphore, #tpu.memory_space<semaphore_mem>>)
      %dma_wait3A_314 = arith.constant 0 : i32
      %dma_wait3A_315 = tpu.memref_slice %arg5[%add3A_261, %dma_wait3A_314] : memref<20000x128xf32, #tpu.memory_space<hbm>> -> memref<80x128xf32, #tpu.memory_space<hbm>>
      %dma_wait3A_316 = arith.constant 0 : i32
      %dma_wait3A_317 = tpu.memref_slice %arg5[%add3A_261, %dma_wait3A_316] : memref<20000x128xf32, #tpu.memory_space<hbm>> -> memref<80x128xf32, #tpu.memory_space<hbm>>
      tpu.wait_dma2 semaphore(%run_scoped3A : memref<!tpu.dma_semaphore, #tpu.memory_space<semaphore_mem>>) src(%arg9 : memref<80x128xf32, #tpu.memory_space<vmem>>) dst(%dma_wait3A_317 : memref<80x128xf32, #tpu.memory_space<hbm>>)
      tpu.yield
    }) : () -> ()
    %add3A_262 = arith.constant 96 : i32
    %add3A_263 = arith.addi %arg1, %add3A_262 : i32
    %rem3A_264 = arith.constant 125 : i32
    %rem3A_265 = arith.remsi %add3A_263, %rem3A_264 : i32
    %mul3A_266 = arith.constant 80 : i32
    %mul3A_267 = arith.muli %rem3A_265, %mul3A_266 : i32
    %scan3A_268 = arith.constant 0 : i32
    %scan3A_269 = arith.constant 0 : i32
    %scan3A_270 = arith.constant 5 : i32
    %scan3A_271 = arith.addi %scan3A_269, %scan3A_270 : i32
    %scan3A_272 = arith.constant 1 : i32
    %scan3A_273 = scf.for %scan3A_310 = %scan3A_269 to %scan3A_271 step %scan3A_272 iter_args(%scan3A_311 = %scan3A_268) -> (i32)  : i32 {
      %iota3A = tpu.iota {dimensions = array<i32: 0>} : vector<16xi32>
      %add3A_312 = vector.broadcast %mul3A_267 : i32 to vector<16xi32>
      %add3A_313 = arith.addi %iota3A, %add3A_312 : vector<16xi32>
      %mul3A_314 = arith.constant 16 : i32
      %mul3A_315 = arith.muli %scan3A_310, %mul3A_314 : i32
      %add3A_316 = vector.broadcast %mul3A_315 : i32 to vector<16xi32>
      %add3A_317 = arith.addi %add3A_313, %add3A_316 : vector<16xi32>
      %mul3A_318 = arith.constant 16 : i32
      %mul3A_319 = arith.muli %scan3A_310, %mul3A_318 : i32
      %swap3A = arith.index_cast %mul3A_319 : i32 to index
      %swap3A_320 = tpu.vector_load %arg8[%swap3A] {strides = array<i32>} : memref<80xi32, #tpu.memory_space<vmem>>, vector<16xi32>,
      %swap3A_321 = vector.shape_cast %swap3A_320 : vector<16xi32> to vector<16xi32>
      %swap3A_322 = vector.shape_cast %add3A_317 : vector<16xi32> to vector<16xi32>
      tpu.vector_store %arg8[%swap3A], %swap3A_322 {strides = array<i32>} : memref<80xi32, #tpu.memory_space<vmem>>, vector<16xi32>,
      %scan3A_323 = arith.constant 0 : i32
      scf.yield %scan3A_323 : i32
    }
    %scan3A_274 = arith.constant 5 : i32
    %dma_start3A_275 = arith.constant 0 : i32
    %dma_start3A_276 = arith.constant 0 : i32
    %dma_start3A_277 = tpu.memref_slice %arg6[%dma_start3A_275, %dma_start3A_276] : memref<10000x128xf32, #tpu.memory_space<vmem_shared>> -> memref<10000x128xf32, #tpu.memory_space<vmem_shared>>
    tpu.enqueue_indirect_dma source(%dma_start3A_277 : memref<10000x128xf32, #tpu.memory_space<vmem_shared>>) target(%arg9 : memref<80x128xf32, #tpu.memory_space<vmem>>) offsets(%arg8 : memref<80xi32, #tpu.memory_space<vmem>>) semaphore(%arg10 : memref<!tpu.dma_semaphore, #tpu.memory_space<semaphore_mem>>)
    %dma_wait3A_278 = arith.constant 0 : i32
    %dma_wait3A_279 = arith.constant 0 : i32
    %dma_wait3A_280 = tpu.memref_slice %arg6[%dma_wait3A_278, %dma_wait3A_279] : memref<10000x128xf32, #tpu.memory_space<vmem_shared>> -> memref<10000x128xf32, #tpu.memory_space<vmem_shared>>
    tpu.wait_indirect_dma semaphore(%arg10 : memref<!tpu.dma_semaphore, #tpu.memory_space<semaphore_mem>>) src(%dma_wait3A_280 : memref<10000x128xf32, #tpu.memory_space<vmem_shared>>) dst(%arg9 : memref<80x128xf32, #tpu.memory_space<vmem>>)
    %mul3A_281 = arith.constant 10000 : i32
    %mul3A_282 = arith.muli %arg0, %mul3A_281 : i32
    %mul3A_283 = arith.constant 80 : i32
    %mul3A_284 = arith.muli %rem3A_265, %mul3A_283 : i32
    %add3A_285 = arith.addi %mul3A_282, %mul3A_284 : i32
    "tpu.region"() ({
      %run_scoped3A = tpu.sem_alloc : memref<!tpu.dma_semaphore, #tpu.memory_space<semaphore_mem>>
      %dma_start3A_310 = arith.constant 0 : i32
      %dma_start3A_311 = tpu.memref_slice %arg5[%add3A_285, %dma_start3A_310] : memref<20000x128xf32, #tpu.memory_space<hbm>> -> memref<80x128xf32, #tpu.memory_space<hbm>>
      %dma_start3A_312 = arith.constant 0 : i32
      %dma_start3A_313 = tpu.memref_slice %arg5[%add3A_285, %dma_start3A_312] : memref<20000x128xf32, #tpu.memory_space<hbm>> -> memref<80x128xf32, #tpu.memory_space<hbm>>
      tpu.enqueue_dma source(%arg9 : memref<80x128xf32, #tpu.memory_space<vmem>>) target(%dma_start3A_313 : memref<80x128xf32, #tpu.memory_space<hbm>>) target_semaphore(%run_scoped3A : memref<!tpu.dma_semaphore, #tpu.memory_space<semaphore_mem>>)
      %dma_wait3A_314 = arith.constant 0 : i32
      %dma_wait3A_315 = tpu.memref_slice %arg5[%add3A_285, %dma_wait3A_314] : memref<20000x128xf32, #tpu.memory_space<hbm>> -> memref<80x128xf32, #tpu.memory_space<hbm>>
      %dma_wait3A_316 = arith.constant 0 : i32
      %dma_wait3A_317 = tpu.memref_slice %arg5[%add3A_285, %dma_wait3A_316] : memref<20000x128xf32, #tpu.memory_space<hbm>> -> memref<80x128xf32, #tpu.memory_space<hbm>>
      tpu.wait_dma2 semaphore(%run_scoped3A : memref<!tpu.dma_semaphore, #tpu.memory_space<semaphore_mem>>) src(%arg9 : memref<80x128xf32, #tpu.memory_space<vmem>>) dst(%dma_wait3A_317 : memref<80x128xf32, #tpu.memory_space<hbm>>)
      tpu.yield
    }) : () -> ()
    %add3A_286 = arith.constant 112 : i32
    %add3A_287 = arith.addi %arg1, %add3A_286 : i32
    %rem3A_288 = arith.constant 125 : i32
    %rem3A_289 = arith.remsi %add3A_287, %rem3A_288 : i32
    %mul3A_290 = arith.constant 80 : i32
    %mul3A_291 = arith.muli %rem3A_289, %mul3A_290 : i32
    %scan3A_292 = arith.constant 0 : i32
    %scan3A_293 = arith.constant 0 : i32
    %scan3A_294 = arith.constant 5 : i32
    %scan3A_295 = arith.addi %scan3A_293, %scan3A_294 : i32
    %scan3A_296 = arith.constant 1 : i32
    %scan3A_297 = scf.for %scan3A_310 = %scan3A_293 to %scan3A_295 step %scan3A_296 iter_args(%scan3A_311 = %scan3A_292) -> (i32)  : i32 {
      %iota3A = tpu.iota {dimensions = array<i32: 0>} : vector<16xi32>
      %add3A_312 = vector.broadcast %mul3A_291 : i32 to vector<16xi32>
      %add3A_313 = arith.addi %iota3A, %add3A_312 : vector<16xi32>
      %mul3A_314 = arith.constant 16 : i32
      %mul3A_315 = arith.muli %scan3A_310, %mul3A_314 : i32
      %add3A_316 = vector.broadcast %mul3A_315 : i32 to vector<16xi32>
      %add3A_317 = arith.addi %add3A_313, %add3A_316 : vector<16xi32>
      %mul3A_318 = arith.constant 16 : i32
      %mul3A_319 = arith.muli %scan3A_310, %mul3A_318 : i32
      %swap3A = arith.index_cast %mul3A_319 : i32 to index
      %swap3A_320 = tpu.vector_load %arg8[%swap3A] {strides = array<i32>} : memref<80xi32, #tpu.memory_space<vmem>>, vector<16xi32>,
      %swap3A_321 = vector.shape_cast %swap3A_320 : vector<16xi32> to vector<16xi32>
      %swap3A_322 = vector.shape_cast %add3A_317 : vector<16xi32> to vector<16xi32>
      tpu.vector_store %arg8[%swap3A], %swap3A_322 {strides = array<i32>} : memref<80xi32, #tpu.memory_space<vmem>>, vector<16xi32>,
      %scan3A_323 = arith.constant 0 : i32
      scf.yield %scan3A_323 : i32
    }
    %scan3A_298 = arith.constant 5 : i32
    %dma_start3A_299 = arith.constant 0 : i32
    %dma_start3A_300 = arith.constant 0 : i32
    %dma_start3A_301 = tpu.memref_slice %arg6[%dma_start3A_299, %dma_start3A_300] : memref<10000x128xf32, #tpu.memory_space<vmem_shared>> -> memref<10000x128xf32, #tpu.memory_space<vmem_shared>>
    tpu.enqueue_indirect_dma source(%dma_start3A_301 : memref<10000x128xf32, #tpu.memory_space<vmem_shared>>) target(%arg9 : memref<80x128xf32, #tpu.memory_space<vmem>>) offsets(%arg8 : memref<80xi32, #tpu.memory_space<vmem>>) semaphore(%arg10 : memref<!tpu.dma_semaphore, #tpu.memory_space<semaphore_mem>>)
    %dma_wait3A_302 = arith.constant 0 : i32
    %dma_wait3A_303 = arith.constant 0 : i32
    %dma_wait3A_304 = tpu.memref_slice %arg6[%dma_wait3A_302, %dma_wait3A_303] : memref<10000x128xf32, #tpu.memory_space<vmem_shared>> -> memref<10000x128xf32, #tpu.memory_space<vmem_shared>>
    tpu.wait_indirect_dma semaphore(%arg10 : memref<!tpu.dma_semaphore, #tpu.memory_space<semaphore_mem>>) src(%dma_wait3A_304 : memref<10000x128xf32, #tpu.memory_space<vmem_shared>>) dst(%arg9 : memref<80x128xf32, #tpu.memory_space<vmem>>)
    %mul3A_305 = arith.constant 10000 : i32
    %mul3A_306 = arith.muli %arg0, %mul3A_305 : i32
    %mul3A_307 = arith.constant 80 : i32
    %mul3A_308 = arith.muli %rem3A_289, %mul3A_307 : i32
    %add3A_309 = arith.addi %mul3A_306, %mul3A_308 : i32
    "tpu.region"() ({
      %run_scoped3A = tpu.sem_alloc : memref<!tpu.dma_semaphore, #tpu.memory_space<semaphore_mem>>
      %dma_start3A_310 = arith.constant 0 : i32
      %dma_start3A_311 = tpu.memref_slice %arg5[%add3A_309, %dma_start3A_310] : memref<20000x128xf32, #tpu.memory_space<hbm>> -> memref<80x128xf32, #tpu.memory_space<hbm>>
      %dma_start3A_312 = arith.constant 0 : i32
      %dma_start3A_313 = tpu.memref_slice %arg5[%add3A_309, %dma_start3A_312] : memref<20000x128xf32, #tpu.memory_space<hbm>> -> memref<80x128xf32, #tpu.memory_space<hbm>>
      tpu.enqueue_dma source(%arg9 : memref<80x128xf32, #tpu.memory_space<vmem>>) target(%dma_start3A_313 : memref<80x128xf32, #tpu.memory_space<hbm>>) target_semaphore(%run_scoped3A : memref<!tpu.dma_semaphore, #tpu.memory_space<semaphore_mem>>)
      %dma_wait3A_314 = arith.constant 0 : i32
      %dma_wait3A_315 = tpu.memref_slice %arg5[%add3A_309, %dma_wait3A_314] : memref<20000x128xf32, #tpu.memory_space<hbm>> -> memref<80x128xf32, #tpu.memory_space<hbm>>
      %dma_wait3A_316 = arith.constant 0 : i32
      %dma_wait3A_317 = tpu.memref_slice %arg5[%add3A_309, %dma_wait3A_316] : memref<20000x128xf32, #tpu.memory_space<hbm>> -> memref<80x128xf32, #tpu.memory_space<hbm>>
      tpu.wait_dma2 semaphore(%run_scoped3A : memref<!tpu.dma_semaphore, #tpu.memory_space<semaphore_mem>>) src(%arg9 : memref<80x128xf32, #tpu.memory_space<vmem>>) dst(%dma_wait3A_317 : memref<80x128xf32, #tpu.memory_space<hbm>>)
      tpu.yield
    }) : () -> ()
    return
  }
}

#map = affine_map<(d0, d1) -> (0, 0)>
#map1 = affine_map<(d0, d1) -> (0)>
module attributes {stable_mosaic.version = 14 : i64} {
  func.func @k(%arg0: i32, %arg1: i32, %arg2: memref<10000x128xf32, #tpu.memory_space<hbm>>, %arg3: memref<320000xi32, #tpu.memory_space<hbm>>, %arg4: memref<320000xi32, #tpu.memory_space<hbm>>, %arg5: memref<20000x128xf32, #tpu.memory_space<hbm>>, %arg6: memref<10000x128xf32, #tpu.memory_space<vmem_shared>>, %arg7: memref<80xi32, #tpu.memory_space<vmem>>, %arg8: memref<80xi32, #tpu.memory_space<vmem>>, %arg9: memref<80x128xf32, #tpu.memory_space<vmem>>, %arg10: memref<!tpu.dma_semaphore, #tpu.memory_space<semaphore_mem>>) attributes {dimension_semantics = [#tpu.dimension_semantics<core_parallel>, #tpu.dimension_semantics<subcore_parallel>], iteration_bounds = array<i64: 2, 16>, scalar_prefetch = 0 : i64, scratch_operands = 5 : i64, tpu.core_type = #tpu.core_type<sc_vector_subcore>, window_params = [{transform_indices = #map}, {transform_indices = #map1}, {transform_indices = #map1}, {transform_indices = #map}]} {
    %mul3A = arith.constant 2 : i32
    %mul3A_0 = arith.muli %arg1, %mul3A : i32
    %add3A = arith.addi %mul3A_0, %arg0 : i32
    %scan3A = arith.constant 0 : i32
    %scan3A_1 = arith.constant 0 : i32
    %scan3A_2 = arith.constant 80 : i32
    %scan3A_3 = arith.addi %scan3A_1, %scan3A_2 : i32
    %scan3A_4 = arith.constant 1 : i32
    %scan3A_5 = scf.for %scan3A_310 = %scan3A_1 to %scan3A_3 step %scan3A_4 iter_args(%scan3A_311 = %scan3A) -> (i32)  : i32 {
      %broadcast_in_dim3A = arith.constant 0.000000e+00 : f32
      %broadcast_in_dim3A_312 = vector.broadcast %broadcast_in_dim3A : f32 to vector<16xf32>
      %swap3A = arith.index_cast %scan3A_310 : i32 to index
      %swap3A_313 = arith.constant 0 : index
      %swap3A_314 = tpu.vector_load %arg9[%swap3A, %swap3A_313] {strides = array<i32>} : memref<80x128xf32, #tpu.memory_space<vmem>>, vector<1x16xf32>,
      %swap3A_315 = vector.shape_cast %swap3A_314 : vector<1x16xf32> to vector<16xf32>
      %swap3A_316 = vector.shape_cast %broadcast_in_dim3A_312 : vector<16xf32> to vector<1x16xf32>
      tpu.vector_store %arg9[%swap3A, %swap3A_313], %swap3A_316 {strides = array<i32>} : memref<80x128xf32, #tpu.memory_space<vmem>>, vector<1x16xf32>,
      %broadcast_in_dim3A_317 = arith.constant 0.000000e+00 : f32
      %broadcast_in_dim3A_318 = vector.broadcast %broadcast_in_dim3A_317 : f32 to vector<16xf32>
      %swap3A_319 = arith.index_cast %scan3A_310 : i32 to index
      %swap3A_320 = arith.constant 16 : index
      %swap3A_321 = tpu.vector_load %arg9[%swap3A_319, %swap3A_320] {strides = array<i32>} : memref<80x128xf32, #tpu.memory_space<vmem>>, vector<1x16xf32>,
      %swap3A_322 = vector.shape_cast %swap3A_321 : vector<1x16xf32> to vector<16xf32>
      %swap3A_323 = vector.shape_cast %broadcast_in_dim3A_318 : vector<16xf32> to vector<1x16xf32>
      tpu.vector_store %arg9[%swap3A_319, %swap3A_320], %swap3A_323 {strides = array<i32>} : memref<80x128xf32, #tpu.memory_space<vmem>>, vector<1x16xf32>,
      %broadcast_in_dim3A_324 = arith.constant 0.000000e+00 : f32
      %broadcast_in_dim3A_325 = vector.broadcast %broadcast_in_dim3A_324 : f32 to vector<16xf32>
      %swap3A_326 = arith.index_cast %scan3A_310 : i32 to index
      %swap3A_327 = arith.constant 32 : index
      %swap3A_328 = tpu.vector_load %arg9[%swap3A_326, %swap3A_327] {strides = array<i32>} : memref<80x128xf32, #tpu.memory_space<vmem>>, vector<1x16xf32>,
      %swap3A_329 = vector.shape_cast %swap3A_328 : vector<1x16xf32> to vector<16xf32>
      %swap3A_330 = vector.shape_cast %broadcast_in_dim3A_325 : vector<16xf32> to vector<1x16xf32>
      tpu.vector_store %arg9[%swap3A_326, %swap3A_327], %swap3A_330 {strides = array<i32>} : memref<80x128xf32, #tpu.memory_space<vmem>>, vector<1x16xf32>,
      %broadcast_in_dim3A_331 = arith.constant 0.000000e+00 : f32
      %broadcast_in_dim3A_332 = vector.broadcast %broadcast_in_dim3A_331 : f32 to vector<16xf32>
      %swap3A_333 = arith.index_cast %scan3A_310 : i32 to index
      %swap3A_334 = arith.constant 48 : index
      %swap3A_335 = tpu.vector_load %arg9[%swap3A_333, %swap3A_334] {strides = array<i32>} : memref<80x128xf32, #tpu.memory_space<vmem>>, vector<1x16xf32>,
      %swap3A_336 = vector.shape_cast %swap3A_335 : vector<1x16xf32> to vector<16xf32>
      %swap3A_337 = vector.shape_cast %broadcast_in_dim3A_332 : vector<16xf32> to vector<1x16xf32>
      tpu.vector_store %arg9[%swap3A_333, %swap3A_334], %swap3A_337 {strides = array<i32>} : memref<80x128xf32, #tpu.memory_space<vmem>>, vector<1x16xf32>,
      %broadcast_in_dim3A_338 = arith.constant 0.000000e+00 : f32
      %broadcast_in_dim3A_339 = vector.broadcast %broadcast_in_dim3A_338 : f32 to vector<16xf32>
      %swap3A_340 = arith.index_cast %scan3A_310 : i32 to index
      %swap3A_341 = arith.constant 64 : index
      %swap3A_342 = tpu.vector_load %arg9[%swap3A_340, %swap3A_341] {strides = array<i32>} : memref<80x128xf32, #tpu.memory_space<vmem>>, vector<1x16xf32>,
      %swap3A_343 = vector.shape_cast %swap3A_342 : vector<1x16xf32> to vector<16xf32>
      %swap3A_344 = vector.shape_cast %broadcast_in_dim3A_339 : vector<16xf32> to vector<1x16xf32>
      tpu.vector_store %arg9[%swap3A_340, %swap3A_341], %swap3A_344 {strides = array<i32>} : memref<80x128xf32, #tpu.memory_space<vmem>>, vector<1x16xf32>,
      %broadcast_in_dim3A_345 = arith.constant 0.000000e+00 : f32
      %broadcast_in_dim3A_346 = vector.broadcast %broadcast_in_dim3A_345 : f32 to vector<16xf32>
      %swap3A_347 = arith.index_cast %scan3A_310 : i32 to index
      %swap3A_348 = arith.constant 80 : index
      %swap3A_349 = tpu.vector_load %arg9[%swap3A_347, %swap3A_348] {strides = array<i32>} : memref<80x128xf32, #tpu.memory_space<vmem>>, vector<1x16xf32>,
      %swap3A_350 = vector.shape_cast %swap3A_349 : vector<1x16xf32> to vector<16xf32>
      %swap3A_351 = vector.shape_cast %broadcast_in_dim3A_346 : vector<16xf32> to vector<1x16xf32>
      tpu.vector_store %arg9[%swap3A_347, %swap3A_348], %swap3A_351 {strides = array<i32>} : memref<80x128xf32, #tpu.memory_space<vmem>>, vector<1x16xf32>,
      %broadcast_in_dim3A_352 = arith.constant 0.000000e+00 : f32
      %broadcast_in_dim3A_353 = vector.broadcast %broadcast_in_dim3A_352 : f32 to vector<16xf32>
      %swap3A_354 = arith.index_cast %scan3A_310 : i32 to index
      %swap3A_355 = arith.constant 96 : index
      %swap3A_356 = tpu.vector_load %arg9[%swap3A_354, %swap3A_355] {strides = array<i32>} : memref<80x128xf32, #tpu.memory_space<vmem>>, vector<1x16xf32>,
      %swap3A_357 = vector.shape_cast %swap3A_356 : vector<1x16xf32> to vector<16xf32>
      %swap3A_358 = vector.shape_cast %broadcast_in_dim3A_353 : vector<16xf32> to vector<1x16xf32>
      tpu.vector_store %arg9[%swap3A_354, %swap3A_355], %swap3A_358 {strides = array<i32>} : memref<80x128xf32, #tpu.memory_space<vmem>>, vector<1x16xf32>,
      %broadcast_in_dim3A_359 = arith.constant 0.000000e+00 : f32
      %broadcast_in_dim3A_360 = vector.broadcast %broadcast_in_dim3A_359 : f32 to vector<16xf32>
      %swap3A_361 = arith.index_cast %scan3A_310 : i32 to index
      %swap3A_362 = arith.constant 112 : index
      %swap3A_363 = tpu.vector_load %arg9[%swap3A_361, %swap3A_362] {strides = array<i32>} : memref<80x128xf32, #tpu.memory_space<vmem>>, vector<1x16xf32>,
      %swap3A_364 = vector.shape_cast %swap3A_363 : vector<1x16xf32> to vector<16xf32>
      %swap3A_365 = vector.shape_cast %broadcast_in_dim3A_360 : vector<16xf32> to vector<1x16xf32>
      tpu.vector_store %arg9[%swap3A_361, %swap3A_362], %swap3A_365 {strides = array<i32>} : memref<80x128xf32, #tpu.memory_space<vmem>>, vector<1x16xf32>,
      %scan3A_366 = arith.constant 0 : i32
      scf.yield %scan3A_366 : i32
    }
    %scan3A_6 = arith.constant 80 : i32
    %add3A_7 = arith.constant 0 : i32
    %add3A_8 = arith.addi %arg1, %add3A_7 : i32
    %rem3A = arith.constant 125 : i32
    %rem3A_9 = arith.remsi %add3A_8, %rem3A : i32
    %mul3A_10 = arith.constant 80 : i32
    %mul3A_11 = arith.muli %rem3A_9, %mul3A_10 : i32
    %scan3A_12 = arith.constant 0 : i32
    %scan3A_13 = arith.constant 0 : i32
    %scan3A_14 = arith.constant 5 : i32
    %scan3A_15 = arith.addi %scan3A_13, %scan3A_14 : i32
    %scan3A_16 = arith.constant 1 : i32
    %scan3A_17 = scf.for %scan3A_310 = %scan3A_13 to %scan3A_15 step %scan3A_16 iter_args(%scan3A_311 = %scan3A_12) -> (i32)  : i32 {
      %iota3A = tpu.iota {dimensions = array<i32: 0>} : vector<16xi32>
      %add3A_312 = vector.broadcast %mul3A_11 : i32 to vector<16xi32>
      %add3A_313 = arith.addi %iota3A, %add3A_312 : vector<16xi32>
      %mul3A_314 = arith.constant 16 : i32
      %mul3A_315 = arith.muli %scan3A_310, %mul3A_314 : i32
      %add3A_316 = vector.broadcast %mul3A_315 : i32 to vector<16xi32>
      %add3A_317 = arith.addi %add3A_313, %add3A_316 : vector<16xi32>
      %mul3A_318 = arith.constant 16 : i32
      %mul3A_319 = arith.muli %scan3A_310, %mul3A_318 : i32
      %swap3A = arith.index_cast %mul3A_319 : i32 to index
      %swap3A_320 = tpu.vector_load %arg8[%swap3A] {strides = array<i32>} : memref<80xi32, #tpu.memory_space<vmem>>, vector<16xi32>,
      %swap3A_321 = vector.shape_cast %swap3A_320 : vector<16xi32> to vector<16xi32>
      %swap3A_322 = vector.shape_cast %add3A_317 : vector<16xi32> to vector<16xi32>
      tpu.vector_store %arg8[%swap3A], %swap3A_322 {strides = array<i32>} : memref<80xi32, #tpu.memory_space<vmem>>, vector<16xi32>,
      %scan3A_323 = arith.constant 0 : i32
      scf.yield %scan3A_323 : i32
    }
    %scan3A_18 = arith.constant 5 : i32
    "tpu.region"() ({
      %run_scoped3A = tpu.sem_alloc : memref<!tpu.dma_semaphore, #tpu.memory_space<semaphore_mem>>
      %dma_start3A_310 = arith.constant 0 : i32
      %dma_start3A_311 = arith.constant 0 : i32
      %dma_start3A_312 = tpu.memref_slice %arg6[%dma_start3A_310, %dma_start3A_311] : memref<10000x128xf32, #tpu.memory_space<vmem_shared>> -> memref<10000x128xf32, #tpu.memory_space<vmem_shared>>
      tpu.enqueue_indirect_dma source(%arg9 : memref<80x128xf32, #tpu.memory_space<vmem>>) target(%dma_start3A_312 : memref<10000x128xf32, #tpu.memory_space<vmem_shared>>) offsets(%arg8 : memref<80xi32, #tpu.memory_space<vmem>>) semaphore(%run_scoped3A : memref<!tpu.dma_semaphore, #tpu.memory_space<semaphore_mem>>)
      %dma_wait3A_313 = arith.constant 0 : i32
      %dma_wait3A_314 = arith.constant 0 : i32
      %dma_wait3A_315 = tpu.memref_slice %arg6[%dma_wait3A_313, %dma_wait3A_314] : memref<10000x128xf32, #tpu.memory_space<vmem_shared>> -> memref<10000x128xf32, #tpu.memory_space<vmem_shared>>
      tpu.wait_indirect_dma semaphore(%run_scoped3A : memref<!tpu.dma_semaphore, #tpu.memory_space<semaphore_mem>>) src(%arg9 : memref<80x128xf32, #tpu.memory_space<vmem>>) dst(%dma_wait3A_315 : memref<10000x128xf32, #tpu.memory_space<vmem_shared>>)
      tpu.yield
    }) : () -> ()
    %add3A_19 = arith.constant 16 : i32
    %add3A_20 = arith.addi %arg1, %add3A_19 : i32
    %rem3A_21 = arith.constant 125 : i32
    %rem3A_22 = arith.remsi %add3A_20, %rem3A_21 : i32
    %mul3A_23 = arith.constant 80 : i32
    %mul3A_24 = arith.muli %rem3A_22, %mul3A_23 : i32
    %scan3A_25 = arith.constant 0 : i32
    %scan3A_26 = arith.constant 0 : i32
    %scan3A_27 = arith.constant 5 : i32
    %scan3A_28 = arith.addi %scan3A_26, %scan3A_27 : i32
    %scan3A_29 = arith.constant 1 : i32
    %scan3A_30 = scf.for %scan3A_310 = %scan3A_26 to %scan3A_28 step %scan3A_29 iter_args(%scan3A_311 = %scan3A_25) -> (i32)  : i32 {
      %iota3A = tpu.iota {dimensions = array<i32: 0>} : vector<16xi32>
      %add3A_312 = vector.broadcast %mul3A_24 : i32 to vector<16xi32>
      %add3A_313 = arith.addi %iota3A, %add3A_312 : vector<16xi32>
      %mul3A_314 = arith.constant 16 : i32
      %mul3A_315 = arith.muli %scan3A_310, %mul3A_314 : i32
      %add3A_316 = vector.broadcast %mul3A_315 : i32 to vector<16xi32>
      %add3A_317 = arith.addi %add3A_313, %add3A_316 : vector<16xi32>
      %mul3A_318 = arith.constant 16 : i32
      %mul3A_319 = arith.muli %scan3A_310, %mul3A_318 : i32
      %swap3A = arith.index_cast %mul3A_319 : i32 to index
      %swap3A_320 = tpu.vector_load %arg8[%swap3A] {strides = array<i32>} : memref<80xi32, #tpu.memory_space<vmem>>, vector<16xi32>,
      %swap3A_321 = vector.shape_cast %swap3A_320 : vector<16xi32> to vector<16xi32>
      %swap3A_322 = vector.shape_cast %add3A_317 : vector<16xi32> to vector<16xi32>
      tpu.vector_store %arg8[%swap3A], %swap3A_322 {strides = array<i32>} : memref<80xi32, #tpu.memory_space<vmem>>, vector<16xi32>,
      %scan3A_323 = arith.constant 0 : i32
      scf.yield %scan3A_323 : i32
    }
    %scan3A_31 = arith.constant 5 : i32
    "tpu.region"() ({
      %run_scoped3A = tpu.sem_alloc : memref<!tpu.dma_semaphore, #tpu.memory_space<semaphore_mem>>
      %dma_start3A_310 = arith.constant 0 : i32
      %dma_start3A_311 = arith.constant 0 : i32
      %dma_start3A_312 = tpu.memref_slice %arg6[%dma_start3A_310, %dma_start3A_311] : memref<10000x128xf32, #tpu.memory_space<vmem_shared>> -> memref<10000x128xf32, #tpu.memory_space<vmem_shared>>
      tpu.enqueue_indirect_dma source(%arg9 : memref<80x128xf32, #tpu.memory_space<vmem>>) target(%dma_start3A_312 : memref<10000x128xf32, #tpu.memory_space<vmem_shared>>) offsets(%arg8 : memref<80xi32, #tpu.memory_space<vmem>>) semaphore(%run_scoped3A : memref<!tpu.dma_semaphore, #tpu.memory_space<semaphore_mem>>)
      %dma_wait3A_313 = arith.constant 0 : i32
      %dma_wait3A_314 = arith.constant 0 : i32
      %dma_wait3A_315 = tpu.memref_slice %arg6[%dma_wait3A_313, %dma_wait3A_314] : memref<10000x128xf32, #tpu.memory_space<vmem_shared>> -> memref<10000x128xf32, #tpu.memory_space<vmem_shared>>
      tpu.wait_indirect_dma semaphore(%run_scoped3A : memref<!tpu.dma_semaphore, #tpu.memory_space<semaphore_mem>>) src(%arg9 : memref<80x128xf32, #tpu.memory_space<vmem>>) dst(%dma_wait3A_315 : memref<10000x128xf32, #tpu.memory_space<vmem_shared>>)
      tpu.yield
    }) : () -> ()
    %add3A_32 = arith.constant 32 : i32
    %add3A_33 = arith.addi %arg1, %add3A_32 : i32
    %rem3A_34 = arith.constant 125 : i32
    %rem3A_35 = arith.remsi %add3A_33, %rem3A_34 : i32
    %mul3A_36 = arith.constant 80 : i32
    %mul3A_37 = arith.muli %rem3A_35, %mul3A_36 : i32
    %scan3A_38 = arith.constant 0 : i32
    %scan3A_39 = arith.constant 0 : i32
    %scan3A_40 = arith.constant 5 : i32
    %scan3A_41 = arith.addi %scan3A_39, %scan3A_40 : i32
    %scan3A_42 = arith.constant 1 : i32
    %scan3A_43 = scf.for %scan3A_310 = %scan3A_39 to %scan3A_41 step %scan3A_42 iter_args(%scan3A_311 = %scan3A_38) -> (i32)  : i32 {
      %iota3A = tpu.iota {dimensions = array<i32: 0>} : vector<16xi32>
      %add3A_312 = vector.broadcast %mul3A_37 : i32 to vector<16xi32>
      %add3A_313 = arith.addi %iota3A, %add3A_312 : vector<16xi32>
      %mul3A_314 = arith.constant 16 : i32
      %mul3A_315 = arith.muli %scan3A_310, %mul3A_314 : i32
      %add3A_316 = vector.broadcast %mul3A_315 : i32 to vector<16xi32>
      %add3A_317 = arith.addi %add3A_313, %add3A_316 : vector<16xi32>
      %mul3A_318 = arith.constant 16 : i32
      %mul3A_319 = arith.muli %scan3A_310, %mul3A_318 : i32
      %swap3A = arith.index_cast %mul3A_319 : i32 to index
      %swap3A_320 = tpu.vector_load %arg8[%swap3A] {strides = array<i32>} : memref<80xi32, #tpu.memory_space<vmem>>, vector<16xi32>,
      %swap3A_321 = vector.shape_cast %swap3A_320 : vector<16xi32> to vector<16xi32>
      %swap3A_322 = vector.shape_cast %add3A_317 : vector<16xi32> to vector<16xi32>
      tpu.vector_store %arg8[%swap3A], %swap3A_322 {strides = array<i32>} : memref<80xi32, #tpu.memory_space<vmem>>, vector<16xi32>,
      %scan3A_323 = arith.constant 0 : i32
      scf.yield %scan3A_323 : i32
    }
    %scan3A_44 = arith.constant 5 : i32
    "tpu.region"() ({
      %run_scoped3A = tpu.sem_alloc : memref<!tpu.dma_semaphore, #tpu.memory_space<semaphore_mem>>
      %dma_start3A_310 = arith.constant 0 : i32
      %dma_start3A_311 = arith.constant 0 : i32
      %dma_start3A_312 = tpu.memref_slice %arg6[%dma_start3A_310, %dma_start3A_311] : memref<10000x128xf32, #tpu.memory_space<vmem_shared>> -> memref<10000x128xf32, #tpu.memory_space<vmem_shared>>
      tpu.enqueue_indirect_dma source(%arg9 : memref<80x128xf32, #tpu.memory_space<vmem>>) target(%dma_start3A_312 : memref<10000x128xf32, #tpu.memory_space<vmem_shared>>) offsets(%arg8 : memref<80xi32, #tpu.memory_space<vmem>>) semaphore(%run_scoped3A : memref<!tpu.dma_semaphore, #tpu.memory_space<semaphore_mem>>)
      %dma_wait3A_313 = arith.constant 0 : i32
      %dma_wait3A_314 = arith.constant 0 : i32
      %dma_wait3A_315 = tpu.memref_slice %arg6[%dma_wait3A_313, %dma_wait3A_314] : memref<10000x128xf32, #tpu.memory_space<vmem_shared>> -> memref<10000x128xf32, #tpu.memory_space<vmem_shared>>
      tpu.wait_indirect_dma semaphore(%run_scoped3A : memref<!tpu.dma_semaphore, #tpu.memory_space<semaphore_mem>>) src(%arg9 : memref<80x128xf32, #tpu.memory_space<vmem>>) dst(%dma_wait3A_315 : memref<10000x128xf32, #tpu.memory_space<vmem_shared>>)
      tpu.yield
    }) : () -> ()
    %add3A_45 = arith.constant 48 : i32
    %add3A_46 = arith.addi %arg1, %add3A_45 : i32
    %rem3A_47 = arith.constant 125 : i32
    %rem3A_48 = arith.remsi %add3A_46, %rem3A_47 : i32
    %mul3A_49 = arith.constant 80 : i32
    %mul3A_50 = arith.muli %rem3A_48, %mul3A_49 : i32
    %scan3A_51 = arith.constant 0 : i32
    %scan3A_52 = arith.constant 0 : i32
    %scan3A_53 = arith.constant 5 : i32
    %scan3A_54 = arith.addi %scan3A_52, %scan3A_53 : i32
    %scan3A_55 = arith.constant 1 : i32
    %scan3A_56 = scf.for %scan3A_310 = %scan3A_52 to %scan3A_54 step %scan3A_55 iter_args(%scan3A_311 = %scan3A_51) -> (i32)  : i32 {
      %iota3A = tpu.iota {dimensions = array<i32: 0>} : vector<16xi32>
      %add3A_312 = vector.broadcast %mul3A_50 : i32 to vector<16xi32>
      %add3A_313 = arith.addi %iota3A, %add3A_312 : vector<16xi32>
      %mul3A_314 = arith.constant 16 : i32
      %mul3A_315 = arith.muli %scan3A_310, %mul3A_314 : i32
      %add3A_316 = vector.broadcast %mul3A_315 : i32 to vector<16xi32>
      %add3A_317 = arith.addi %add3A_313, %add3A_316 : vector<16xi32>
      %mul3A_318 = arith.constant 16 : i32
      %mul3A_319 = arith.muli %scan3A_310, %mul3A_318 : i32
      %swap3A = arith.index_cast %mul3A_319 : i32 to index
      %swap3A_320 = tpu.vector_load %arg8[%swap3A] {strides = array<i32>} : memref<80xi32, #tpu.memory_space<vmem>>, vector<16xi32>,
      %swap3A_321 = vector.shape_cast %swap3A_320 : vector<16xi32> to vector<16xi32>
      %swap3A_322 = vector.shape_cast %add3A_317 : vector<16xi32> to vector<16xi32>
      tpu.vector_store %arg8[%swap3A], %swap3A_322 {strides = array<i32>} : memref<80xi32, #tpu.memory_space<vmem>>, vector<16xi32>,
      %scan3A_323 = arith.constant 0 : i32
      scf.yield %scan3A_323 : i32
    }
    %scan3A_57 = arith.constant 5 : i32
    "tpu.region"() ({
      %run_scoped3A = tpu.sem_alloc : memref<!tpu.dma_semaphore, #tpu.memory_space<semaphore_mem>>
      %dma_start3A_310 = arith.constant 0 : i32
      %dma_start3A_311 = arith.constant 0 : i32
      %dma_start3A_312 = tpu.memref_slice %arg6[%dma_start3A_310, %dma_start3A_311] : memref<10000x128xf32, #tpu.memory_space<vmem_shared>> -> memref<10000x128xf32, #tpu.memory_space<vmem_shared>>
      tpu.enqueue_indirect_dma source(%arg9 : memref<80x128xf32, #tpu.memory_space<vmem>>) target(%dma_start3A_312 : memref<10000x128xf32, #tpu.memory_space<vmem_shared>>) offsets(%arg8 : memref<80xi32, #tpu.memory_space<vmem>>) semaphore(%run_scoped3A : memref<!tpu.dma_semaphore, #tpu.memory_space<semaphore_mem>>)
      %dma_wait3A_313 = arith.constant 0 : i32
      %dma_wait3A_314 = arith.constant 0 : i32
      %dma_wait3A_315 = tpu.memref_slice %arg6[%dma_wait3A_313, %dma_wait3A_314] : memref<10000x128xf32, #tpu.memory_space<vmem_shared>> -> memref<10000x128xf32, #tpu.memory_space<vmem_shared>>
      tpu.wait_indirect_dma semaphore(%run_scoped3A : memref<!tpu.dma_semaphore, #tpu.memory_space<semaphore_mem>>) src(%arg9 : memref<80x128xf32, #tpu.memory_space<vmem>>) dst(%dma_wait3A_315 : memref<10000x128xf32, #tpu.memory_space<vmem_shared>>)
      tpu.yield
    }) : () -> ()
    %add3A_58 = arith.constant 64 : i32
    %add3A_59 = arith.addi %arg1, %add3A_58 : i32
    %rem3A_60 = arith.constant 125 : i32
    %rem3A_61 = arith.remsi %add3A_59, %rem3A_60 : i32
    %mul3A_62 = arith.constant 80 : i32
    %mul3A_63 = arith.muli %rem3A_61, %mul3A_62 : i32
    %scan3A_64 = arith.constant 0 : i32
    %scan3A_65 = arith.constant 0 : i32
    %scan3A_66 = arith.constant 5 : i32
    %scan3A_67 = arith.addi %scan3A_65, %scan3A_66 : i32
    %scan3A_68 = arith.constant 1 : i32
    %scan3A_69 = scf.for %scan3A_310 = %scan3A_65 to %scan3A_67 step %scan3A_68 iter_args(%scan3A_311 = %scan3A_64) -> (i32)  : i32 {
      %iota3A = tpu.iota {dimensions = array<i32: 0>} : vector<16xi32>
      %add3A_312 = vector.broadcast %mul3A_63 : i32 to vector<16xi32>
      %add3A_313 = arith.addi %iota3A, %add3A_312 : vector<16xi32>
      %mul3A_314 = arith.constant 16 : i32
      %mul3A_315 = arith.muli %scan3A_310, %mul3A_314 : i32
      %add3A_316 = vector.broadcast %mul3A_315 : i32 to vector<16xi32>
      %add3A_317 = arith.addi %add3A_313, %add3A_316 : vector<16xi32>
      %mul3A_318 = arith.constant 16 : i32
      %mul3A_319 = arith.muli %scan3A_310, %mul3A_318 : i32
      %swap3A = arith.index_cast %mul3A_319 : i32 to index
      %swap3A_320 = tpu.vector_load %arg8[%swap3A] {strides = array<i32>} : memref<80xi32, #tpu.memory_space<vmem>>, vector<16xi32>,
      %swap3A_321 = vector.shape_cast %swap3A_320 : vector<16xi32> to vector<16xi32>
      %swap3A_322 = vector.shape_cast %add3A_317 : vector<16xi32> to vector<16xi32>
      tpu.vector_store %arg8[%swap3A], %swap3A_322 {strides = array<i32>} : memref<80xi32, #tpu.memory_space<vmem>>, vector<16xi32>,
      %scan3A_323 = arith.constant 0 : i32
      scf.yield %scan3A_323 : i32
    }
    %scan3A_70 = arith.constant 5 : i32
    "tpu.region"() ({
      %run_scoped3A = tpu.sem_alloc : memref<!tpu.dma_semaphore, #tpu.memory_space<semaphore_mem>>
      %dma_start3A_310 = arith.constant 0 : i32
      %dma_start3A_311 = arith.constant 0 : i32
      %dma_start3A_312 = tpu.memref_slice %arg6[%dma_start3A_310, %dma_start3A_311] : memref<10000x128xf32, #tpu.memory_space<vmem_shared>> -> memref<10000x128xf32, #tpu.memory_space<vmem_shared>>
      tpu.enqueue_indirect_dma source(%arg9 : memref<80x128xf32, #tpu.memory_space<vmem>>) target(%dma_start3A_312 : memref<10000x128xf32, #tpu.memory_space<vmem_shared>>) offsets(%arg8 : memref<80xi32, #tpu.memory_space<vmem>>) semaphore(%run_scoped3A : memref<!tpu.dma_semaphore, #tpu.memory_space<semaphore_mem>>)
      %dma_wait3A_313 = arith.constant 0 : i32
      %dma_wait3A_314 = arith.constant 0 : i32
      %dma_wait3A_315 = tpu.memref_slice %arg6[%dma_wait3A_313, %dma_wait3A_314] : memref<10000x128xf32, #tpu.memory_space<vmem_shared>> -> memref<10000x128xf32, #tpu.memory_space<vmem_shared>>
      tpu.wait_indirect_dma semaphore(%run_scoped3A : memref<!tpu.dma_semaphore, #tpu.memory_space<semaphore_mem>>) src(%arg9 : memref<80x128xf32, #tpu.memory_space<vmem>>) dst(%dma_wait3A_315 : memref<10000x128xf32, #tpu.memory_space<vmem_shared>>)
      tpu.yield
    }) : () -> ()
    %add3A_71 = arith.constant 80 : i32
    %add3A_72 = arith.addi %arg1, %add3A_71 : i32
    %rem3A_73 = arith.constant 125 : i32
    %rem3A_74 = arith.remsi %add3A_72, %rem3A_73 : i32
    %mul3A_75 = arith.constant 80 : i32
    %mul3A_76 = arith.muli %rem3A_74, %mul3A_75 : i32
    %scan3A_77 = arith.constant 0 : i32
    %scan3A_78 = arith.constant 0 : i32
    %scan3A_79 = arith.constant 5 : i32
    %scan3A_80 = arith.addi %scan3A_78, %scan3A_79 : i32
    %scan3A_81 = arith.constant 1 : i32
    %scan3A_82 = scf.for %scan3A_310 = %scan3A_78 to %scan3A_80 step %scan3A_81 iter_args(%scan3A_311 = %scan3A_77) -> (i32)  : i32 {
      %iota3A = tpu.iota {dimensions = array<i32: 0>} : vector<16xi32>
      %add3A_312 = vector.broadcast %mul3A_76 : i32 to vector<16xi32>
      %add3A_313 = arith.addi %iota3A, %add3A_312 : vector<16xi32>
      %mul3A_314 = arith.constant 16 : i32
      %mul3A_315 = arith.muli %scan3A_310, %mul3A_314 : i32
      %add3A_316 = vector.broadcast %mul3A_315 : i32 to vector<16xi32>
      %add3A_317 = arith.addi %add3A_313, %add3A_316 : vector<16xi32>
      %mul3A_318 = arith.constant 16 : i32
      %mul3A_319 = arith.muli %scan3A_310, %mul3A_318 : i32
      %swap3A = arith.index_cast %mul3A_319 : i32 to index
      %swap3A_320 = tpu.vector_load %arg8[%swap3A] {strides = array<i32>} : memref<80xi32, #tpu.memory_space<vmem>>, vector<16xi32>,
      %swap3A_321 = vector.shape_cast %swap3A_320 : vector<16xi32> to vector<16xi32>
      %swap3A_322 = vector.shape_cast %add3A_317 : vector<16xi32> to vector<16xi32>
      tpu.vector_store %arg8[%swap3A], %swap3A_322 {strides = array<i32>} : memref<80xi32, #tpu.memory_space<vmem>>, vector<16xi32>,
      %scan3A_323 = arith.constant 0 : i32
      scf.yield %scan3A_323 : i32
    }
    %scan3A_83 = arith.constant 5 : i32
    "tpu.region"() ({
      %run_scoped3A = tpu.sem_alloc : memref<!tpu.dma_semaphore, #tpu.memory_space<semaphore_mem>>
      %dma_start3A_310 = arith.constant 0 : i32
      %dma_start3A_311 = arith.constant 0 : i32
      %dma_start3A_312 = tpu.memref_slice %arg6[%dma_start3A_310, %dma_start3A_311] : memref<10000x128xf32, #tpu.memory_space<vmem_shared>> -> memref<10000x128xf32, #tpu.memory_space<vmem_shared>>
      tpu.enqueue_indirect_dma source(%arg9 : memref<80x128xf32, #tpu.memory_space<vmem>>) target(%dma_start3A_312 : memref<10000x128xf32, #tpu.memory_space<vmem_shared>>) offsets(%arg8 : memref<80xi32, #tpu.memory_space<vmem>>) semaphore(%run_scoped3A : memref<!tpu.dma_semaphore, #tpu.memory_space<semaphore_mem>>)
      %dma_wait3A_313 = arith.constant 0 : i32
      %dma_wait3A_314 = arith.constant 0 : i32
      %dma_wait3A_315 = tpu.memref_slice %arg6[%dma_wait3A_313, %dma_wait3A_314] : memref<10000x128xf32, #tpu.memory_space<vmem_shared>> -> memref<10000x128xf32, #tpu.memory_space<vmem_shared>>
      tpu.wait_indirect_dma semaphore(%run_scoped3A : memref<!tpu.dma_semaphore, #tpu.memory_space<semaphore_mem>>) src(%arg9 : memref<80x128xf32, #tpu.memory_space<vmem>>) dst(%dma_wait3A_315 : memref<10000x128xf32, #tpu.memory_space<vmem_shared>>)
      tpu.yield
    }) : () -> ()
    %add3A_84 = arith.constant 96 : i32
    %add3A_85 = arith.addi %arg1, %add3A_84 : i32
    %rem3A_86 = arith.constant 125 : i32
    %rem3A_87 = arith.remsi %add3A_85, %rem3A_86 : i32
    %mul3A_88 = arith.constant 80 : i32
    %mul3A_89 = arith.muli %rem3A_87, %mul3A_88 : i32
    %scan3A_90 = arith.constant 0 : i32
    %scan3A_91 = arith.constant 0 : i32
    %scan3A_92 = arith.constant 5 : i32
    %scan3A_93 = arith.addi %scan3A_91, %scan3A_92 : i32
    %scan3A_94 = arith.constant 1 : i32
    %scan3A_95 = scf.for %scan3A_310 = %scan3A_91 to %scan3A_93 step %scan3A_94 iter_args(%scan3A_311 = %scan3A_90) -> (i32)  : i32 {
      %iota3A = tpu.iota {dimensions = array<i32: 0>} : vector<16xi32>
      %add3A_312 = vector.broadcast %mul3A_89 : i32 to vector<16xi32>
      %add3A_313 = arith.addi %iota3A, %add3A_312 : vector<16xi32>
      %mul3A_314 = arith.constant 16 : i32
      %mul3A_315 = arith.muli %scan3A_310, %mul3A_314 : i32
      %add3A_316 = vector.broadcast %mul3A_315 : i32 to vector<16xi32>
      %add3A_317 = arith.addi %add3A_313, %add3A_316 : vector<16xi32>
      %mul3A_318 = arith.constant 16 : i32
      %mul3A_319 = arith.muli %scan3A_310, %mul3A_318 : i32
      %swap3A = arith.index_cast %mul3A_319 : i32 to index
      %swap3A_320 = tpu.vector_load %arg8[%swap3A] {strides = array<i32>} : memref<80xi32, #tpu.memory_space<vmem>>, vector<16xi32>,
      %swap3A_321 = vector.shape_cast %swap3A_320 : vector<16xi32> to vector<16xi32>
      %swap3A_322 = vector.shape_cast %add3A_317 : vector<16xi32> to vector<16xi32>
      tpu.vector_store %arg8[%swap3A], %swap3A_322 {strides = array<i32>} : memref<80xi32, #tpu.memory_space<vmem>>, vector<16xi32>,
      %scan3A_323 = arith.constant 0 : i32
      scf.yield %scan3A_323 : i32
    }
    %scan3A_96 = arith.constant 5 : i32
    "tpu.region"() ({
      %run_scoped3A = tpu.sem_alloc : memref<!tpu.dma_semaphore, #tpu.memory_space<semaphore_mem>>
      %dma_start3A_310 = arith.constant 0 : i32
      %dma_start3A_311 = arith.constant 0 : i32
      %dma_start3A_312 = tpu.memref_slice %arg6[%dma_start3A_310, %dma_start3A_311] : memref<10000x128xf32, #tpu.memory_space<vmem_shared>> -> memref<10000x128xf32, #tpu.memory_space<vmem_shared>>
      tpu.enqueue_indirect_dma source(%arg9 : memref<80x128xf32, #tpu.memory_space<vmem>>) target(%dma_start3A_312 : memref<10000x128xf32, #tpu.memory_space<vmem_shared>>) offsets(%arg8 : memref<80xi32, #tpu.memory_space<vmem>>) semaphore(%run_scoped3A : memref<!tpu.dma_semaphore, #tpu.memory_space<semaphore_mem>>)
      %dma_wait3A_313 = arith.constant 0 : i32
      %dma_wait3A_314 = arith.constant 0 : i32
      %dma_wait3A_315 = tpu.memref_slice %arg6[%dma_wait3A_313, %dma_wait3A_314] : memref<10000x128xf32, #tpu.memory_space<vmem_shared>> -> memref<10000x128xf32, #tpu.memory_space<vmem_shared>>
      tpu.wait_indirect_dma semaphore(%run_scoped3A : memref<!tpu.dma_semaphore, #tpu.memory_space<semaphore_mem>>) src(%arg9 : memref<80x128xf32, #tpu.memory_space<vmem>>) dst(%dma_wait3A_315 : memref<10000x128xf32, #tpu.memory_space<vmem_shared>>)
      tpu.yield
    }) : () -> ()
    %add3A_97 = arith.constant 112 : i32
    %add3A_98 = arith.addi %arg1, %add3A_97 : i32
    %rem3A_99 = arith.constant 125 : i32
    %rem3A_100 = arith.remsi %add3A_98, %rem3A_99 : i32
    %mul3A_101 = arith.constant 80 : i32
    %mul3A_102 = arith.muli %rem3A_100, %mul3A_101 : i32
    %scan3A_103 = arith.constant 0 : i32
    %scan3A_104 = arith.constant 0 : i32
    %scan3A_105 = arith.constant 5 : i32
    %scan3A_106 = arith.addi %scan3A_104, %scan3A_105 : i32
    %scan3A_107 = arith.constant 1 : i32
    %scan3A_108 = scf.for %scan3A_310 = %scan3A_104 to %scan3A_106 step %scan3A_107 iter_args(%scan3A_311 = %scan3A_103) -> (i32)  : i32 {
      %iota3A = tpu.iota {dimensions = array<i32: 0>} : vector<16xi32>
      %add3A_312 = vector.broadcast %mul3A_102 : i32 to vector<16xi32>
      %add3A_313 = arith.addi %iota3A, %add3A_312 : vector<16xi32>
      %mul3A_314 = arith.constant 16 : i32
      %mul3A_315 = arith.muli %scan3A_310, %mul3A_314 : i32
      %add3A_316 = vector.broadcast %mul3A_315 : i32 to vector<16xi32>
      %add3A_317 = arith.addi %add3A_313, %add3A_316 : vector<16xi32>
      %mul3A_318 = arith.constant 16 : i32
      %mul3A_319 = arith.muli %scan3A_310, %mul3A_318 : i32
      %swap3A = arith.index_cast %mul3A_319 : i32 to index
      %swap3A_320 = tpu.vector_load %arg8[%swap3A] {strides = array<i32>} : memref<80xi32, #tpu.memory_space<vmem>>, vector<16xi32>,
      %swap3A_321 = vector.shape_cast %swap3A_320 : vector<16xi32> to vector<16xi32>
      %swap3A_322 = vector.shape_cast %add3A_317 : vector<16xi32> to vector<16xi32>
      tpu.vector_store %arg8[%swap3A], %swap3A_322 {strides = array<i32>} : memref<80xi32, #tpu.memory_space<vmem>>, vector<16xi32>,
      %scan3A_323 = arith.constant 0 : i32
      scf.yield %scan3A_323 : i32
    }
    %scan3A_109 = arith.constant 5 : i32
    "tpu.region"() ({
      %run_scoped3A = tpu.sem_alloc : memref<!tpu.dma_semaphore, #tpu.memory_space<semaphore_mem>>
      %dma_start3A_310 = arith.constant 0 : i32
      %dma_start3A_311 = arith.constant 0 : i32
      %dma_start3A_312 = tpu.memref_slice %arg6[%dma_start3A_310, %dma_start3A_311] : memref<10000x128xf32, #tpu.memory_space<vmem_shared>> -> memref<10000x128xf32, #tpu.memory_space<vmem_shared>>
      tpu.enqueue_indirect_dma source(%arg9 : memref<80x128xf32, #tpu.memory_space<vmem>>) target(%dma_start3A_312 : memref<10000x128xf32, #tpu.memory_space<vmem_shared>>) offsets(%arg8 : memref<80xi32, #tpu.memory_space<vmem>>) semaphore(%run_scoped3A : memref<!tpu.dma_semaphore, #tpu.memory_space<semaphore_mem>>)
      %dma_wait3A_313 = arith.constant 0 : i32
      %dma_wait3A_314 = arith.constant 0 : i32
      %dma_wait3A_315 = tpu.memref_slice %arg6[%dma_wait3A_313, %dma_wait3A_314] : memref<10000x128xf32, #tpu.memory_space<vmem_shared>> -> memref<10000x128xf32, #tpu.memory_space<vmem_shared>>
      tpu.wait_indirect_dma semaphore(%run_scoped3A : memref<!tpu.dma_semaphore, #tpu.memory_space<semaphore_mem>>) src(%arg9 : memref<80x128xf32, #tpu.memory_space<vmem>>) dst(%dma_wait3A_315 : memref<10000x128xf32, #tpu.memory_space<vmem_shared>>)
      tpu.yield
    }) : () -> ()
    %barrier3A = arith.constant 0 : index
    tpu.barrier barrier_id(%barrier3A)
    %mul3A_110 = arith.constant 10000 : i32
    %mul3A_111 = arith.muli %add3A, %mul3A_110 : i32
    %scan3A_112 = arith.constant 0 : i32
    %scan3A_113 = arith.constant 0 : i32
    %scan3A_114 = arith.constant 125 : i32
    %scan3A_115 = arith.addi %scan3A_113, %scan3A_114 : i32
    %scan3A_116 = arith.constant 1 : i32
    %scan3A_117 = scf.for %scan3A_310 = %scan3A_113 to %scan3A_115 step %scan3A_116 iter_args(%scan3A_311 = %scan3A_112) -> (i32)  : i32 {
      %mul3A_312 = arith.constant 80 : i32
      %mul3A_313 = arith.muli %scan3A_310, %mul3A_312 : i32
      %add3A_314 = arith.addi %mul3A_111, %mul3A_313 : i32
      "tpu.region"() ({
        %run_scoped3A = tpu.sem_alloc : memref<!tpu.dma_semaphore, #tpu.memory_space<semaphore_mem>>
        %dma_start3A_322 = tpu.memref_slice %arg4[%add3A_314] : memref<320000xi32, #tpu.memory_space<hbm>> -> memref<80xi32, #tpu.memory_space<hbm>>
        %dma_start3A_323 = tpu.memref_slice %arg4[%add3A_314] : memref<320000xi32, #tpu.memory_space<hbm>> -> memref<80xi32, #tpu.memory_space<hbm>>
        tpu.enqueue_dma source(%dma_start3A_323 : memref<80xi32, #tpu.memory_space<hbm>>) target(%arg8 : memref<80xi32, #tpu.memory_space<vmem>>) target_semaphore(%run_scoped3A : memref<!tpu.dma_semaphore, #tpu.memory_space<semaphore_mem>>)
        %dma_wait3A_324 = tpu.memref_slice %arg4[%add3A_314] : memref<320000xi32, #tpu.memory_space<hbm>> -> memref<80xi32, #tpu.memory_space<hbm>>
        %dma_wait3A_325 = tpu.memref_slice %arg4[%add3A_314] : memref<320000xi32, #tpu.memory_space<hbm>> -> memref<80xi32, #tpu.memory_space<hbm>>
        tpu.wait_dma2 semaphore(%run_scoped3A : memref<!tpu.dma_semaphore, #tpu.memory_space<semaphore_mem>>) src(%dma_wait3A_325 : memref<80xi32, #tpu.memory_space<hbm>>) dst(%arg8 : memref<80xi32, #tpu.memory_space<vmem>>)
        tpu.yield
      }) : () -> ()
      "tpu.region"() ({
        %run_scoped3A = tpu.sem_alloc : memref<!tpu.dma_semaphore, #tpu.memory_space<semaphore_mem>>
        %dma_start3A_322 = tpu.memref_slice %arg3[%add3A_314] : memref<320000xi32, #tpu.memory_space<hbm>> -> memref<80xi32, #tpu.memory_space<hbm>>
        %dma_start3A_323 = tpu.memref_slice %arg3[%add3A_314] : memref<320000xi32, #tpu.memory_space<hbm>> -> memref<80xi32, #tpu.memory_space<hbm>>
        tpu.enqueue_dma source(%dma_start3A_323 : memref<80xi32, #tpu.memory_space<hbm>>) target(%arg7 : memref<80xi32, #tpu.memory_space<vmem>>) target_semaphore(%run_scoped3A : memref<!tpu.dma_semaphore, #tpu.memory_space<semaphore_mem>>)
        %dma_wait3A_324 = tpu.memref_slice %arg3[%add3A_314] : memref<320000xi32, #tpu.memory_space<hbm>> -> memref<80xi32, #tpu.memory_space<hbm>>
        %dma_wait3A_325 = tpu.memref_slice %arg3[%add3A_314] : memref<320000xi32, #tpu.memory_space<hbm>> -> memref<80xi32, #tpu.memory_space<hbm>>
        tpu.wait_dma2 semaphore(%run_scoped3A : memref<!tpu.dma_semaphore, #tpu.memory_space<semaphore_mem>>) src(%dma_wait3A_325 : memref<80xi32, #tpu.memory_space<hbm>>) dst(%arg7 : memref<80xi32, #tpu.memory_space<vmem>>)
        tpu.yield
      }) : () -> ()
      %dma_start3A_315 = arith.constant 0 : i32
      %dma_start3A_316 = arith.constant 0 : i32
      %dma_start3A_317 = tpu.memref_slice %arg2[%dma_start3A_315, %dma_start3A_316] : memref<10000x128xf32, #tpu.memory_space<hbm>> -> memref<10000x128xf32, #tpu.memory_space<hbm>>
      tpu.enqueue_indirect_dma source(%dma_start3A_317 : memref<10000x128xf32, #tpu.memory_space<hbm>>) target(%arg9 : memref<80x128xf32, #tpu.memory_space<vmem>>) offsets(%arg7 : memref<80xi32, #tpu.memory_space<vmem>>) semaphore(%arg10 : memref<!tpu.dma_semaphore, #tpu.memory_space<semaphore_mem>>)
      %dma_wait3A_318 = arith.constant 0 : i32
      %dma_wait3A_319 = arith.constant 0 : i32
      %dma_wait3A_320 = tpu.memref_slice %arg2[%dma_wait3A_318, %dma_wait3A_319] : memref<10000x128xf32, #tpu.memory_space<hbm>> -> memref<10000x128xf32, #tpu.memory_space<hbm>>
      tpu.wait_indirect_dma semaphore(%arg10 : memref<!tpu.dma_semaphore, #tpu.memory_space<semaphore_mem>>) src(%dma_wait3A_320 : memref<10000x128xf32, #tpu.memory_space<hbm>>) dst(%arg9 : memref<80x128xf32, #tpu.memory_space<vmem>>)
      "tpu.region"() ({
        %run_scoped3A = tpu.sem_alloc : memref<!tpu.dma_semaphore, #tpu.memory_space<semaphore_mem>>
        %dma_start3A_322 = arith.constant 0 : i32
        %dma_start3A_323 = arith.constant 0 : i32
        %dma_start3A_324 = tpu.memref_slice %arg6[%dma_start3A_322, %dma_start3A_323] : memref<10000x128xf32, #tpu.memory_space<vmem_shared>> -> memref<10000x128xf32, #tpu.memory_space<vmem_shared>>
        tpu.enqueue_indirect_dma source(%arg9 : memref<80x128xf32, #tpu.memory_space<vmem>>) target(%dma_start3A_324 : memref<10000x128xf32, #tpu.memory_space<vmem_shared>>) offsets(%arg8 : memref<80xi32, #tpu.memory_space<vmem>>) semaphore(%run_scoped3A : memref<!tpu.dma_semaphore, #tpu.memory_space<semaphore_mem>>) {add = true}
        %dma_wait3A_325 = arith.constant 0 : i32
        %dma_wait3A_326 = arith.constant 0 : i32
        %dma_wait3A_327 = tpu.memref_slice %arg6[%dma_wait3A_325, %dma_wait3A_326] : memref<10000x128xf32, #tpu.memory_space<vmem_shared>> -> memref<10000x128xf32, #tpu.memory_space<vmem_shared>>
        tpu.wait_indirect_dma semaphore(%run_scoped3A : memref<!tpu.dma_semaphore, #tpu.memory_space<semaphore_mem>>) src(%arg9 : memref<80x128xf32, #tpu.memory_space<vmem>>) dst(%dma_wait3A_327 : memref<10000x128xf32, #tpu.memory_space<vmem_shared>>)
        tpu.yield
      }) : () -> ()
      %scan3A_321 = arith.constant 0 : i32
      scf.yield %scan3A_321 : i32
    }
    %scan3A_118 = arith.constant 125 : i32
    %barrier3A_119 = arith.constant 0 : index
    tpu.barrier barrier_id(%barrier3A_119)
    %add3A_120 = arith.constant 0 : i32
    %add3A_121 = arith.addi %arg1, %add3A_120 : i32
    %rem3A_122 = arith.constant 125 : i32
    %rem3A_123 = arith.remsi %add3A_121, %rem3A_122 : i32
    %mul3A_124 = arith.constant 80 : i32
    %mul3A_125 = arith.muli %rem3A_123, %mul3A_124 : i32
    %scan3A_126 = arith.constant 0 : i32
    %scan3A_127 = arith.constant 0 : i32
    %scan3A_128 = arith.constant 5 : i32
    %scan3A_129 = arith.addi %scan3A_127, %scan3A_128 : i32
    %scan3A_130 = arith.constant 1 : i32
    %scan3A_131 = scf.for %scan3A_310 = %scan3A_127 to %scan3A_129 step %scan3A_130 iter_args(%scan3A_311 = %scan3A_126) -> (i32)  : i32 {
      %iota3A = tpu.iota {dimensions = array<i32: 0>} : vector<16xi32>
      %add3A_312 = vector.broadcast %mul3A_125 : i32 to vector<16xi32>
      %add3A_313 = arith.addi %iota3A, %add3A_312 : vector<16xi32>
      %mul3A_314 = arith.constant 16 : i32
      %mul3A_315 = arith.muli %scan3A_310, %mul3A_314 : i32
      %add3A_316 = vector.broadcast %mul3A_315 : i32 to vector<16xi32>
      %add3A_317 = arith.addi %add3A_313, %add3A_316 : vector<16xi32>
      %mul3A_318 = arith.constant 16 : i32
      %mul3A_319 = arith.muli %scan3A_310, %mul3A_318 : i32
      %swap3A = arith.index_cast %mul3A_319 : i32 to index
      %swap3A_320 = tpu.vector_load %arg8[%swap3A] {strides = array<i32>} : memref<80xi32, #tpu.memory_space<vmem>>, vector<16xi32>,
      %swap3A_321 = vector.shape_cast %swap3A_320 : vector<16xi32> to vector<16xi32>
      %swap3A_322 = vector.shape_cast %add3A_317 : vector<16xi32> to vector<16xi32>
      tpu.vector_store %arg8[%swap3A], %swap3A_322 {strides = array<i32>} : memref<80xi32, #tpu.memory_space<vmem>>, vector<16xi32>,
      %scan3A_323 = arith.constant 0 : i32
      scf.yield %scan3A_323 : i32
    }
    %scan3A_132 = arith.constant 5 : i32
    %dma_start3A = arith.constant 0 : i32
    %dma_start3A_133 = arith.constant 0 : i32
    %dma_start3A_134 = tpu.memref_slice %arg6[%dma_start3A, %dma_start3A_133] : memref<10000x128xf32, #tpu.memory_space<vmem_shared>> -> memref<10000x128xf32, #tpu.memory_space<vmem_shared>>
    tpu.enqueue_indirect_dma source(%dma_start3A_134 : memref<10000x128xf32, #tpu.memory_space<vmem_shared>>) target(%arg9 : memref<80x128xf32, #tpu.memory_space<vmem>>) offsets(%arg8 : memref<80xi32, #tpu.memory_space<vmem>>) semaphore(%arg10 : memref<!tpu.dma_semaphore, #tpu.memory_space<semaphore_mem>>)
    %dma_wait3A = arith.constant 0 : i32
    %dma_wait3A_135 = arith.constant 0 : i32
    %dma_wait3A_136 = tpu.memref_slice %arg6[%dma_wait3A, %dma_wait3A_135] : memref<10000x128xf32, #tpu.memory_space<vmem_shared>> -> memref<10000x128xf32, #tpu.memory_space<vmem_shared>>
    tpu.wait_indirect_dma semaphore(%arg10 : memref<!tpu.dma_semaphore, #tpu.memory_space<semaphore_mem>>) src(%dma_wait3A_136 : memref<10000x128xf32, #tpu.memory_space<vmem_shared>>) dst(%arg9 : memref<80x128xf32, #tpu.memory_space<vmem>>)
    %mul3A_137 = arith.constant 10000 : i32
    %mul3A_138 = arith.muli %arg0, %mul3A_137 : i32
    %mul3A_139 = arith.constant 80 : i32
    %mul3A_140 = arith.muli %rem3A_123, %mul3A_139 : i32
    %add3A_141 = arith.addi %mul3A_138, %mul3A_140 : i32
    "tpu.region"() ({
      %run_scoped3A = tpu.sem_alloc : memref<!tpu.dma_semaphore, #tpu.memory_space<semaphore_mem>>
      %dma_start3A_310 = arith.constant 0 : i32
      %dma_start3A_311 = tpu.memref_slice %arg5[%add3A_141, %dma_start3A_310] : memref<20000x128xf32, #tpu.memory_space<hbm>> -> memref<80x128xf32, #tpu.memory_space<hbm>>
      %dma_start3A_312 = arith.constant 0 : i32
      %dma_start3A_313 = tpu.memref_slice %arg5[%add3A_141, %dma_start3A_312] : memref<20000x128xf32, #tpu.memory_space<hbm>> -> memref<80x128xf32, #tpu.memory_space<hbm>>
      tpu.enqueue_dma source(%arg9 : memref<80x128xf32, #tpu.memory_space<vmem>>) target(%dma_start3A_313 : memref<80x128xf32, #tpu.memory_space<hbm>>) target_semaphore(%run_scoped3A : memref<!tpu.dma_semaphore, #tpu.memory_space<semaphore_mem>>)
      %dma_wait3A_314 = arith.constant 0 : i32
      %dma_wait3A_315 = tpu.memref_slice %arg5[%add3A_141, %dma_wait3A_314] : memref<20000x128xf32, #tpu.memory_space<hbm>> -> memref<80x128xf32, #tpu.memory_space<hbm>>
      %dma_wait3A_316 = arith.constant 0 : i32
      %dma_wait3A_317 = tpu.memref_slice %arg5[%add3A_141, %dma_wait3A_316] : memref<20000x128xf32, #tpu.memory_space<hbm>> -> memref<80x128xf32, #tpu.memory_space<hbm>>
      tpu.wait_dma2 semaphore(%run_scoped3A : memref<!tpu.dma_semaphore, #tpu.memory_space<semaphore_mem>>) src(%arg9 : memref<80x128xf32, #tpu.memory_space<vmem>>) dst(%dma_wait3A_317 : memref<80x128xf32, #tpu.memory_space<hbm>>)
      tpu.yield
    }) : () -> ()
    %add3A_142 = arith.constant 16 : i32
    %add3A_143 = arith.addi %arg1, %add3A_142 : i32
    %rem3A_144 = arith.constant 125 : i32
    %rem3A_145 = arith.remsi %add3A_143, %rem3A_144 : i32
    %mul3A_146 = arith.constant 80 : i32
    %mul3A_147 = arith.muli %rem3A_145, %mul3A_146 : i32
    %scan3A_148 = arith.constant 0 : i32
    %scan3A_149 = arith.constant 0 : i32
    %scan3A_150 = arith.constant 5 : i32
    %scan3A_151 = arith.addi %scan3A_149, %scan3A_150 : i32
    %scan3A_152 = arith.constant 1 : i32
    %scan3A_153 = scf.for %scan3A_310 = %scan3A_149 to %scan3A_151 step %scan3A_152 iter_args(%scan3A_311 = %scan3A_148) -> (i32)  : i32 {
      %iota3A = tpu.iota {dimensions = array<i32: 0>} : vector<16xi32>
      %add3A_312 = vector.broadcast %mul3A_147 : i32 to vector<16xi32>
      %add3A_313 = arith.addi %iota3A, %add3A_312 : vector<16xi32>
      %mul3A_314 = arith.constant 16 : i32
      %mul3A_315 = arith.muli %scan3A_310, %mul3A_314 : i32
      %add3A_316 = vector.broadcast %mul3A_315 : i32 to vector<16xi32>
      %add3A_317 = arith.addi %add3A_313, %add3A_316 : vector<16xi32>
      %mul3A_318 = arith.constant 16 : i32
      %mul3A_319 = arith.muli %scan3A_310, %mul3A_318 : i32
      %swap3A = arith.index_cast %mul3A_319 : i32 to index
      %swap3A_320 = tpu.vector_load %arg8[%swap3A] {strides = array<i32>} : memref<80xi32, #tpu.memory_space<vmem>>, vector<16xi32>,
      %swap3A_321 = vector.shape_cast %swap3A_320 : vector<16xi32> to vector<16xi32>
      %swap3A_322 = vector.shape_cast %add3A_317 : vector<16xi32> to vector<16xi32>
      tpu.vector_store %arg8[%swap3A], %swap3A_322 {strides = array<i32>} : memref<80xi32, #tpu.memory_space<vmem>>, vector<16xi32>,
      %scan3A_323 = arith.constant 0 : i32
      scf.yield %scan3A_323 : i32
    }
    %scan3A_154 = arith.constant 5 : i32
    %dma_start3A_155 = arith.constant 0 : i32
    %dma_start3A_156 = arith.constant 0 : i32
    %dma_start3A_157 = tpu.memref_slice %arg6[%dma_start3A_155, %dma_start3A_156] : memref<10000x128xf32, #tpu.memory_space<vmem_shared>> -> memref<10000x128xf32, #tpu.memory_space<vmem_shared>>
    tpu.enqueue_indirect_dma source(%dma_start3A_157 : memref<10000x128xf32, #tpu.memory_space<vmem_shared>>) target(%arg9 : memref<80x128xf32, #tpu.memory_space<vmem>>) offsets(%arg8 : memref<80xi32, #tpu.memory_space<vmem>>) semaphore(%arg10 : memref<!tpu.dma_semaphore, #tpu.memory_space<semaphore_mem>>)
    %dma_wait3A_158 = arith.constant 0 : i32
    %dma_wait3A_159 = arith.constant 0 : i32
    %dma_wait3A_160 = tpu.memref_slice %arg6[%dma_wait3A_158, %dma_wait3A_159] : memref<10000x128xf32, #tpu.memory_space<vmem_shared>> -> memref<10000x128xf32, #tpu.memory_space<vmem_shared>>
    tpu.wait_indirect_dma semaphore(%arg10 : memref<!tpu.dma_semaphore, #tpu.memory_space<semaphore_mem>>) src(%dma_wait3A_160 : memref<10000x128xf32, #tpu.memory_space<vmem_shared>>) dst(%arg9 : memref<80x128xf32, #tpu.memory_space<vmem>>)
    %mul3A_161 = arith.constant 10000 : i32
    %mul3A_162 = arith.muli %arg0, %mul3A_161 : i32
    %mul3A_163 = arith.constant 80 : i32
    %mul3A_164 = arith.muli %rem3A_145, %mul3A_163 : i32
    %add3A_165 = arith.addi %mul3A_162, %mul3A_164 : i32
    "tpu.region"() ({
      %run_scoped3A = tpu.sem_alloc : memref<!tpu.dma_semaphore, #tpu.memory_space<semaphore_mem>>
      %dma_start3A_310 = arith.constant 0 : i32
      %dma_start3A_311 = tpu.memref_slice %arg5[%add3A_165, %dma_start3A_310] : memref<20000x128xf32, #tpu.memory_space<hbm>> -> memref<80x128xf32, #tpu.memory_space<hbm>>
      %dma_start3A_312 = arith.constant 0 : i32
      %dma_start3A_313 = tpu.memref_slice %arg5[%add3A_165, %dma_start3A_312] : memref<20000x128xf32, #tpu.memory_space<hbm>> -> memref<80x128xf32, #tpu.memory_space<hbm>>
      tpu.enqueue_dma source(%arg9 : memref<80x128xf32, #tpu.memory_space<vmem>>) target(%dma_start3A_313 : memref<80x128xf32, #tpu.memory_space<hbm>>) target_semaphore(%run_scoped3A : memref<!tpu.dma_semaphore, #tpu.memory_space<semaphore_mem>>)
      %dma_wait3A_314 = arith.constant 0 : i32
      %dma_wait3A_315 = tpu.memref_slice %arg5[%add3A_165, %dma_wait3A_314] : memref<20000x128xf32, #tpu.memory_space<hbm>> -> memref<80x128xf32, #tpu.memory_space<hbm>>
      %dma_wait3A_316 = arith.constant 0 : i32
      %dma_wait3A_317 = tpu.memref_slice %arg5[%add3A_165, %dma_wait3A_316] : memref<20000x128xf32, #tpu.memory_space<hbm>> -> memref<80x128xf32, #tpu.memory_space<hbm>>
      tpu.wait_dma2 semaphore(%run_scoped3A : memref<!tpu.dma_semaphore, #tpu.memory_space<semaphore_mem>>) src(%arg9 : memref<80x128xf32, #tpu.memory_space<vmem>>) dst(%dma_wait3A_317 : memref<80x128xf32, #tpu.memory_space<hbm>>)
      tpu.yield
    }) : () -> ()
    %add3A_166 = arith.constant 32 : i32
    %add3A_167 = arith.addi %arg1, %add3A_166 : i32
    %rem3A_168 = arith.constant 125 : i32
    %rem3A_169 = arith.remsi %add3A_167, %rem3A_168 : i32
    %mul3A_170 = arith.constant 80 : i32
    %mul3A_171 = arith.muli %rem3A_169, %mul3A_170 : i32
    %scan3A_172 = arith.constant 0 : i32
    %scan3A_173 = arith.constant 0 : i32
    %scan3A_174 = arith.constant 5 : i32
    %scan3A_175 = arith.addi %scan3A_173, %scan3A_174 : i32
    %scan3A_176 = arith.constant 1 : i32
    %scan3A_177 = scf.for %scan3A_310 = %scan3A_173 to %scan3A_175 step %scan3A_176 iter_args(%scan3A_311 = %scan3A_172) -> (i32)  : i32 {
      %iota3A = tpu.iota {dimensions = array<i32: 0>} : vector<16xi32>
      %add3A_312 = vector.broadcast %mul3A_171 : i32 to vector<16xi32>
      %add3A_313 = arith.addi %iota3A, %add3A_312 : vector<16xi32>
      %mul3A_314 = arith.constant 16 : i32
      %mul3A_315 = arith.muli %scan3A_310, %mul3A_314 : i32
      %add3A_316 = vector.broadcast %mul3A_315 : i32 to vector<16xi32>
      %add3A_317 = arith.addi %add3A_313, %add3A_316 : vector<16xi32>
      %mul3A_318 = arith.constant 16 : i32
      %mul3A_319 = arith.muli %scan3A_310, %mul3A_318 : i32
      %swap3A = arith.index_cast %mul3A_319 : i32 to index
      %swap3A_320 = tpu.vector_load %arg8[%swap3A] {strides = array<i32>} : memref<80xi32, #tpu.memory_space<vmem>>, vector<16xi32>,
      %swap3A_321 = vector.shape_cast %swap3A_320 : vector<16xi32> to vector<16xi32>
      %swap3A_322 = vector.shape_cast %add3A_317 : vector<16xi32> to vector<16xi32>
      tpu.vector_store %arg8[%swap3A], %swap3A_322 {strides = array<i32>} : memref<80xi32, #tpu.memory_space<vmem>>, vector<16xi32>,
      %scan3A_323 = arith.constant 0 : i32
      scf.yield %scan3A_323 : i32
    }
    %scan3A_178 = arith.constant 5 : i32
    %dma_start3A_179 = arith.constant 0 : i32
    %dma_start3A_180 = arith.constant 0 : i32
    %dma_start3A_181 = tpu.memref_slice %arg6[%dma_start3A_179, %dma_start3A_180] : memref<10000x128xf32, #tpu.memory_space<vmem_shared>> -> memref<10000x128xf32, #tpu.memory_space<vmem_shared>>
    tpu.enqueue_indirect_dma source(%dma_start3A_181 : memref<10000x128xf32, #tpu.memory_space<vmem_shared>>) target(%arg9 : memref<80x128xf32, #tpu.memory_space<vmem>>) offsets(%arg8 : memref<80xi32, #tpu.memory_space<vmem>>) semaphore(%arg10 : memref<!tpu.dma_semaphore, #tpu.memory_space<semaphore_mem>>)
    %dma_wait3A_182 = arith.constant 0 : i32
    %dma_wait3A_183 = arith.constant 0 : i32
    %dma_wait3A_184 = tpu.memref_slice %arg6[%dma_wait3A_182, %dma_wait3A_183] : memref<10000x128xf32, #tpu.memory_space<vmem_shared>> -> memref<10000x128xf32, #tpu.memory_space<vmem_shared>>
    tpu.wait_indirect_dma semaphore(%arg10 : memref<!tpu.dma_semaphore, #tpu.memory_space<semaphore_mem>>) src(%dma_wait3A_184 : memref<10000x128xf32, #tpu.memory_space<vmem_shared>>) dst(%arg9 : memref<80x128xf32, #tpu.memory_space<vmem>>)
    %mul3A_185 = arith.constant 10000 : i32
    %mul3A_186 = arith.muli %arg0, %mul3A_185 : i32
    %mul3A_187 = arith.constant 80 : i32
    %mul3A_188 = arith.muli %rem3A_169, %mul3A_187 : i32
    %add3A_189 = arith.addi %mul3A_186, %mul3A_188 : i32
    "tpu.region"() ({
      %run_scoped3A = tpu.sem_alloc : memref<!tpu.dma_semaphore, #tpu.memory_space<semaphore_mem>>
      %dma_start3A_310 = arith.constant 0 : i32
      %dma_start3A_311 = tpu.memref_slice %arg5[%add3A_189, %dma_start3A_310] : memref<20000x128xf32, #tpu.memory_space<hbm>> -> memref<80x128xf32, #tpu.memory_space<hbm>>
      %dma_start3A_312 = arith.constant 0 : i32
      %dma_start3A_313 = tpu.memref_slice %arg5[%add3A_189, %dma_start3A_312] : memref<20000x128xf32, #tpu.memory_space<hbm>> -> memref<80x128xf32, #tpu.memory_space<hbm>>
      tpu.enqueue_dma source(%arg9 : memref<80x128xf32, #tpu.memory_space<vmem>>) target(%dma_start3A_313 : memref<80x128xf32, #tpu.memory_space<hbm>>) target_semaphore(%run_scoped3A : memref<!tpu.dma_semaphore, #tpu.memory_space<semaphore_mem>>)
      %dma_wait3A_314 = arith.constant 0 : i32
      %dma_wait3A_315 = tpu.memref_slice %arg5[%add3A_189, %dma_wait3A_314] : memref<20000x128xf32, #tpu.memory_space<hbm>> -> memref<80x128xf32, #tpu.memory_space<hbm>>
      %dma_wait3A_316 = arith.constant 0 : i32
      %dma_wait3A_317 = tpu.memref_slice %arg5[%add3A_189, %dma_wait3A_316] : memref<20000x128xf32, #tpu.memory_space<hbm>> -> memref<80x128xf32, #tpu.memory_space<hbm>>
      tpu.wait_dma2 semaphore(%run_scoped3A : memref<!tpu.dma_semaphore, #tpu.memory_space<semaphore_mem>>) src(%arg9 : memref<80x128xf32, #tpu.memory_space<vmem>>) dst(%dma_wait3A_317 : memref<80x128xf32, #tpu.memory_space<hbm>>)
      tpu.yield
    }) : () -> ()
    %add3A_190 = arith.constant 48 : i32
    %add3A_191 = arith.addi %arg1, %add3A_190 : i32
    %rem3A_192 = arith.constant 125 : i32
    %rem3A_193 = arith.remsi %add3A_191, %rem3A_192 : i32
    %mul3A_194 = arith.constant 80 : i32
    %mul3A_195 = arith.muli %rem3A_193, %mul3A_194 : i32
    %scan3A_196 = arith.constant 0 : i32
    %scan3A_197 = arith.constant 0 : i32
    %scan3A_198 = arith.constant 5 : i32
    %scan3A_199 = arith.addi %scan3A_197, %scan3A_198 : i32
    %scan3A_200 = arith.constant 1 : i32
    %scan3A_201 = scf.for %scan3A_310 = %scan3A_197 to %scan3A_199 step %scan3A_200 iter_args(%scan3A_311 = %scan3A_196) -> (i32)  : i32 {
      %iota3A = tpu.iota {dimensions = array<i32: 0>} : vector<16xi32>
      %add3A_312 = vector.broadcast %mul3A_195 : i32 to vector<16xi32>
      %add3A_313 = arith.addi %iota3A, %add3A_312 : vector<16xi32>
      %mul3A_314 = arith.constant 16 : i32
      %mul3A_315 = arith.muli %scan3A_310, %mul3A_314 : i32
      %add3A_316 = vector.broadcast %mul3A_315 : i32 to vector<16xi32>
      %add3A_317 = arith.addi %add3A_313, %add3A_316 : vector<16xi32>
      %mul3A_318 = arith.constant 16 : i32
      %mul3A_319 = arith.muli %scan3A_310, %mul3A_318 : i32
      %swap3A = arith.index_cast %mul3A_319 : i32 to index
      %swap3A_320 = tpu.vector_load %arg8[%swap3A] {strides = array<i32>} : memref<80xi32, #tpu.memory_space<vmem>>, vector<16xi32>,
      %swap3A_321 = vector.shape_cast %swap3A_320 : vector<16xi32> to vector<16xi32>
      %swap3A_322 = vector.shape_cast %add3A_317 : vector<16xi32> to vector<16xi32>
      tpu.vector_store %arg8[%swap3A], %swap3A_322 {strides = array<i32>} : memref<80xi32, #tpu.memory_space<vmem>>, vector<16xi32>,
      %scan3A_323 = arith.constant 0 : i32
      scf.yield %scan3A_323 : i32
    }
    %scan3A_202 = arith.constant 5 : i32
    %dma_start3A_203 = arith.constant 0 : i32
    %dma_start3A_204 = arith.constant 0 : i32
    %dma_start3A_205 = tpu.memref_slice %arg6[%dma_start3A_203, %dma_start3A_204] : memref<10000x128xf32, #tpu.memory_space<vmem_shared>> -> memref<10000x128xf32, #tpu.memory_space<vmem_shared>>
    tpu.enqueue_indirect_dma source(%dma_start3A_205 : memref<10000x128xf32, #tpu.memory_space<vmem_shared>>) target(%arg9 : memref<80x128xf32, #tpu.memory_space<vmem>>) offsets(%arg8 : memref<80xi32, #tpu.memory_space<vmem>>) semaphore(%arg10 : memref<!tpu.dma_semaphore, #tpu.memory_space<semaphore_mem>>)
    %dma_wait3A_206 = arith.constant 0 : i32
    %dma_wait3A_207 = arith.constant 0 : i32
    %dma_wait3A_208 = tpu.memref_slice %arg6[%dma_wait3A_206, %dma_wait3A_207] : memref<10000x128xf32, #tpu.memory_space<vmem_shared>> -> memref<10000x128xf32, #tpu.memory_space<vmem_shared>>
    tpu.wait_indirect_dma semaphore(%arg10 : memref<!tpu.dma_semaphore, #tpu.memory_space<semaphore_mem>>) src(%dma_wait3A_208 : memref<10000x128xf32, #tpu.memory_space<vmem_shared>>) dst(%arg9 : memref<80x128xf32, #tpu.memory_space<vmem>>)
    %mul3A_209 = arith.constant 10000 : i32
    %mul3A_210 = arith.muli %arg0, %mul3A_209 : i32
    %mul3A_211 = arith.constant 80 : i32
    %mul3A_212 = arith.muli %rem3A_193, %mul3A_211 : i32
    %add3A_213 = arith.addi %mul3A_210, %mul3A_212 : i32
    "tpu.region"() ({
      %run_scoped3A = tpu.sem_alloc : memref<!tpu.dma_semaphore, #tpu.memory_space<semaphore_mem>>
      %dma_start3A_310 = arith.constant 0 : i32
      %dma_start3A_311 = tpu.memref_slice %arg5[%add3A_213, %dma_start3A_310] : memref<20000x128xf32, #tpu.memory_space<hbm>> -> memref<80x128xf32, #tpu.memory_space<hbm>>
      %dma_start3A_312 = arith.constant 0 : i32
      %dma_start3A_313 = tpu.memref_slice %arg5[%add3A_213, %dma_start3A_312] : memref<20000x128xf32, #tpu.memory_space<hbm>> -> memref<80x128xf32, #tpu.memory_space<hbm>>
      tpu.enqueue_dma source(%arg9 : memref<80x128xf32, #tpu.memory_space<vmem>>) target(%dma_start3A_313 : memref<80x128xf32, #tpu.memory_space<hbm>>) target_semaphore(%run_scoped3A : memref<!tpu.dma_semaphore, #tpu.memory_space<semaphore_mem>>)
      %dma_wait3A_314 = arith.constant 0 : i32
      %dma_wait3A_315 = tpu.memref_slice %arg5[%add3A_213, %dma_wait3A_314] : memref<20000x128xf32, #tpu.memory_space<hbm>> -> memref<80x128xf32, #tpu.memory_space<hbm>>
      %dma_wait3A_316 = arith.constant 0 : i32
      %dma_wait3A_317 = tpu.memref_slice %arg5[%add3A_213, %dma_wait3A_316] : memref<20000x128xf32, #tpu.memory_space<hbm>> -> memref<80x128xf32, #tpu.memory_space<hbm>>
      tpu.wait_dma2 semaphore(%run_scoped3A : memref<!tpu.dma_semaphore, #tpu.memory_space<semaphore_mem>>) src(%arg9 : memref<80x128xf32, #tpu.memory_space<vmem>>) dst(%dma_wait3A_317 : memref<80x128xf32, #tpu.memory_space<hbm>>)
      tpu.yield
    }) : () -> ()
    %add3A_214 = arith.constant 64 : i32
    %add3A_215 = arith.addi %arg1, %add3A_214 : i32
    %rem3A_216 = arith.constant 125 : i32
    %rem3A_217 = arith.remsi %add3A_215, %rem3A_216 : i32
    %mul3A_218 = arith.constant 80 : i32
    %mul3A_219 = arith.muli %rem3A_217, %mul3A_218 : i32
    %scan3A_220 = arith.constant 0 : i32
    %scan3A_221 = arith.constant 0 : i32
    %scan3A_222 = arith.constant 5 : i32
    %scan3A_223 = arith.addi %scan3A_221, %scan3A_222 : i32
    %scan3A_224 = arith.constant 1 : i32
    %scan3A_225 = scf.for %scan3A_310 = %scan3A_221 to %scan3A_223 step %scan3A_224 iter_args(%scan3A_311 = %scan3A_220) -> (i32)  : i32 {
      %iota3A = tpu.iota {dimensions = array<i32: 0>} : vector<16xi32>
      %add3A_312 = vector.broadcast %mul3A_219 : i32 to vector<16xi32>
      %add3A_313 = arith.addi %iota3A, %add3A_312 : vector<16xi32>
      %mul3A_314 = arith.constant 16 : i32
      %mul3A_315 = arith.muli %scan3A_310, %mul3A_314 : i32
      %add3A_316 = vector.broadcast %mul3A_315 : i32 to vector<16xi32>
      %add3A_317 = arith.addi %add3A_313, %add3A_316 : vector<16xi32>
      %mul3A_318 = arith.constant 16 : i32
      %mul3A_319 = arith.muli %scan3A_310, %mul3A_318 : i32
      %swap3A = arith.index_cast %mul3A_319 : i32 to index
      %swap3A_320 = tpu.vector_load %arg8[%swap3A] {strides = array<i32>} : memref<80xi32, #tpu.memory_space<vmem>>, vector<16xi32>,
      %swap3A_321 = vector.shape_cast %swap3A_320 : vector<16xi32> to vector<16xi32>
      %swap3A_322 = vector.shape_cast %add3A_317 : vector<16xi32> to vector<16xi32>
      tpu.vector_store %arg8[%swap3A], %swap3A_322 {strides = array<i32>} : memref<80xi32, #tpu.memory_space<vmem>>, vector<16xi32>,
      %scan3A_323 = arith.constant 0 : i32
      scf.yield %scan3A_323 : i32
    }
    %scan3A_226 = arith.constant 5 : i32
    %dma_start3A_227 = arith.constant 0 : i32
    %dma_start3A_228 = arith.constant 0 : i32
    %dma_start3A_229 = tpu.memref_slice %arg6[%dma_start3A_227, %dma_start3A_228] : memref<10000x128xf32, #tpu.memory_space<vmem_shared>> -> memref<10000x128xf32, #tpu.memory_space<vmem_shared>>
    tpu.enqueue_indirect_dma source(%dma_start3A_229 : memref<10000x128xf32, #tpu.memory_space<vmem_shared>>) target(%arg9 : memref<80x128xf32, #tpu.memory_space<vmem>>) offsets(%arg8 : memref<80xi32, #tpu.memory_space<vmem>>) semaphore(%arg10 : memref<!tpu.dma_semaphore, #tpu.memory_space<semaphore_mem>>)
    %dma_wait3A_230 = arith.constant 0 : i32
    %dma_wait3A_231 = arith.constant 0 : i32
    %dma_wait3A_232 = tpu.memref_slice %arg6[%dma_wait3A_230, %dma_wait3A_231] : memref<10000x128xf32, #tpu.memory_space<vmem_shared>> -> memref<10000x128xf32, #tpu.memory_space<vmem_shared>>
    tpu.wait_indirect_dma semaphore(%arg10 : memref<!tpu.dma_semaphore, #tpu.memory_space<semaphore_mem>>) src(%dma_wait3A_232 : memref<10000x128xf32, #tpu.memory_space<vmem_shared>>) dst(%arg9 : memref<80x128xf32, #tpu.memory_space<vmem>>)
    %mul3A_233 = arith.constant 10000 : i32
    %mul3A_234 = arith.muli %arg0, %mul3A_233 : i32
    %mul3A_235 = arith.constant 80 : i32
    %mul3A_236 = arith.muli %rem3A_217, %mul3A_235 : i32
    %add3A_237 = arith.addi %mul3A_234, %mul3A_236 : i32
    "tpu.region"() ({
      %run_scoped3A = tpu.sem_alloc : memref<!tpu.dma_semaphore, #tpu.memory_space<semaphore_mem>>
      %dma_start3A_310 = arith.constant 0 : i32
      %dma_start3A_311 = tpu.memref_slice %arg5[%add3A_237, %dma_start3A_310] : memref<20000x128xf32, #tpu.memory_space<hbm>> -> memref<80x128xf32, #tpu.memory_space<hbm>>
      %dma_start3A_312 = arith.constant 0 : i32
      %dma_start3A_313 = tpu.memref_slice %arg5[%add3A_237, %dma_start3A_312] : memref<20000x128xf32, #tpu.memory_space<hbm>> -> memref<80x128xf32, #tpu.memory_space<hbm>>
      tpu.enqueue_dma source(%arg9 : memref<80x128xf32, #tpu.memory_space<vmem>>) target(%dma_start3A_313 : memref<80x128xf32, #tpu.memory_space<hbm>>) target_semaphore(%run_scoped3A : memref<!tpu.dma_semaphore, #tpu.memory_space<semaphore_mem>>)
      %dma_wait3A_314 = arith.constant 0 : i32
      %dma_wait3A_315 = tpu.memref_slice %arg5[%add3A_237, %dma_wait3A_314] : memref<20000x128xf32, #tpu.memory_space<hbm>> -> memref<80x128xf32, #tpu.memory_space<hbm>>
      %dma_wait3A_316 = arith.constant 0 : i32
      %dma_wait3A_317 = tpu.memref_slice %arg5[%add3A_237, %dma_wait3A_316] : memref<20000x128xf32, #tpu.memory_space<hbm>> -> memref<80x128xf32, #tpu.memory_space<hbm>>
      tpu.wait_dma2 semaphore(%run_scoped3A : memref<!tpu.dma_semaphore, #tpu.memory_space<semaphore_mem>>) src(%arg9 : memref<80x128xf32, #tpu.memory_space<vmem>>) dst(%dma_wait3A_317 : memref<80x128xf32, #tpu.memory_space<hbm>>)
      tpu.yield
    }) : () -> ()
    %add3A_238 = arith.constant 80 : i32
    %add3A_239 = arith.addi %arg1, %add3A_238 : i32
    %rem3A_240 = arith.constant 125 : i32
    %rem3A_241 = arith.remsi %add3A_239, %rem3A_240 : i32
    %mul3A_242 = arith.constant 80 : i32
    %mul3A_243 = arith.muli %rem3A_241, %mul3A_242 : i32
    %scan3A_244 = arith.constant 0 : i32
    %scan3A_245 = arith.constant 0 : i32
    %scan3A_246 = arith.constant 5 : i32
    %scan3A_247 = arith.addi %scan3A_245, %scan3A_246 : i32
    %scan3A_248 = arith.constant 1 : i32
    %scan3A_249 = scf.for %scan3A_310 = %scan3A_245 to %scan3A_247 step %scan3A_248 iter_args(%scan3A_311 = %scan3A_244) -> (i32)  : i32 {
      %iota3A = tpu.iota {dimensions = array<i32: 0>} : vector<16xi32>
      %add3A_312 = vector.broadcast %mul3A_243 : i32 to vector<16xi32>
      %add3A_313 = arith.addi %iota3A, %add3A_312 : vector<16xi32>
      %mul3A_314 = arith.constant 16 : i32
      %mul3A_315 = arith.muli %scan3A_310, %mul3A_314 : i32
      %add3A_316 = vector.broadcast %mul3A_315 : i32 to vector<16xi32>
      %add3A_317 = arith.addi %add3A_313, %add3A_316 : vector<16xi32>
      %mul3A_318 = arith.constant 16 : i32
      %mul3A_319 = arith.muli %scan3A_310, %mul3A_318 : i32
      %swap3A = arith.index_cast %mul3A_319 : i32 to index
      %swap3A_320 = tpu.vector_load %arg8[%swap3A] {strides = array<i32>} : memref<80xi32, #tpu.memory_space<vmem>>, vector<16xi32>,
      %swap3A_321 = vector.shape_cast %swap3A_320 : vector<16xi32> to vector<16xi32>
      %swap3A_322 = vector.shape_cast %add3A_317 : vector<16xi32> to vector<16xi32>
      tpu.vector_store %arg8[%swap3A], %swap3A_322 {strides = array<i32>} : memref<80xi32, #tpu.memory_space<vmem>>, vector<16xi32>,
      %scan3A_323 = arith.constant 0 : i32
      scf.yield %scan3A_323 : i32
    }
    %scan3A_250 = arith.constant 5 : i32
    %dma_start3A_251 = arith.constant 0 : i32
    %dma_start3A_252 = arith.constant 0 : i32
    %dma_start3A_253 = tpu.memref_slice %arg6[%dma_start3A_251, %dma_start3A_252] : memref<10000x128xf32, #tpu.memory_space<vmem_shared>> -> memref<10000x128xf32, #tpu.memory_space<vmem_shared>>
    tpu.enqueue_indirect_dma source(%dma_start3A_253 : memref<10000x128xf32, #tpu.memory_space<vmem_shared>>) target(%arg9 : memref<80x128xf32, #tpu.memory_space<vmem>>) offsets(%arg8 : memref<80xi32, #tpu.memory_space<vmem>>) semaphore(%arg10 : memref<!tpu.dma_semaphore, #tpu.memory_space<semaphore_mem>>)
    %dma_wait3A_254 = arith.constant 0 : i32
    %dma_wait3A_255 = arith.constant 0 : i32
    %dma_wait3A_256 = tpu.memref_slice %arg6[%dma_wait3A_254, %dma_wait3A_255] : memref<10000x128xf32, #tpu.memory_space<vmem_shared>> -> memref<10000x128xf32, #tpu.memory_space<vmem_shared>>
    tpu.wait_indirect_dma semaphore(%arg10 : memref<!tpu.dma_semaphore, #tpu.memory_space<semaphore_mem>>) src(%dma_wait3A_256 : memref<10000x128xf32, #tpu.memory_space<vmem_shared>>) dst(%arg9 : memref<80x128xf32, #tpu.memory_space<vmem>>)
    %mul3A_257 = arith.constant 10000 : i32
    %mul3A_258 = arith.muli %arg0, %mul3A_257 : i32
    %mul3A_259 = arith.constant 80 : i32
    %mul3A_260 = arith.muli %rem3A_241, %mul3A_259 : i32
    %add3A_261 = arith.addi %mul3A_258, %mul3A_260 : i32
    "tpu.region"() ({
      %run_scoped3A = tpu.sem_alloc : memref<!tpu.dma_semaphore, #tpu.memory_space<semaphore_mem>>
      %dma_start3A_310 = arith.constant 0 : i32
      %dma_start3A_311 = tpu.memref_slice %arg5[%add3A_261, %dma_start3A_310] : memref<20000x128xf32, #tpu.memory_space<hbm>> -> memref<80x128xf32, #tpu.memory_space<hbm>>
      %dma_start3A_312 = arith.constant 0 : i32
      %dma_start3A_313 = tpu.memref_slice %arg5[%add3A_261, %dma_start3A_312] : memref<20000x128xf32, #tpu.memory_space<hbm>> -> memref<80x128xf32, #tpu.memory_space<hbm>>
      tpu.enqueue_dma source(%arg9 : memref<80x128xf32, #tpu.memory_space<vmem>>) target(%dma_start3A_313 : memref<80x128xf32, #tpu.memory_space<hbm>>) target_semaphore(%run_scoped3A : memref<!tpu.dma_semaphore, #tpu.memory_space<semaphore_mem>>)
      %dma_wait3A_314 = arith.constant 0 : i32
      %dma_wait3A_315 = tpu.memref_slice %arg5[%add3A_261, %dma_wait3A_314] : memref<20000x128xf32, #tpu.memory_space<hbm>> -> memref<80x128xf32, #tpu.memory_space<hbm>>
      %dma_wait3A_316 = arith.constant 0 : i32
      %dma_wait3A_317 = tpu.memref_slice %arg5[%add3A_261, %dma_wait3A_316] : memref<20000x128xf32, #tpu.memory_space<hbm>> -> memref<80x128xf32, #tpu.memory_space<hbm>>
      tpu.wait_dma2 semaphore(%run_scoped3A : memref<!tpu.dma_semaphore, #tpu.memory_space<semaphore_mem>>) src(%arg9 : memref<80x128xf32, #tpu.memory_space<vmem>>) dst(%dma_wait3A_317 : memref<80x128xf32, #tpu.memory_space<hbm>>)
      tpu.yield
    }) : () -> ()
    %add3A_262 = arith.constant 96 : i32
    %add3A_263 = arith.addi %arg1, %add3A_262 : i32
    %rem3A_264 = arith.constant 125 : i32
    %rem3A_265 = arith.remsi %add3A_263, %rem3A_264 : i32
    %mul3A_266 = arith.constant 80 : i32
    %mul3A_267 = arith.muli %rem3A_265, %mul3A_266 : i32
    %scan3A_268 = arith.constant 0 : i32
    %scan3A_269 = arith.constant 0 : i32
    %scan3A_270 = arith.constant 5 : i32
    %scan3A_271 = arith.addi %scan3A_269, %scan3A_270 : i32
    %scan3A_272 = arith.constant 1 : i32
    %scan3A_273 = scf.for %scan3A_310 = %scan3A_269 to %scan3A_271 step %scan3A_272 iter_args(%scan3A_311 = %scan3A_268) -> (i32)  : i32 {
      %iota3A = tpu.iota {dimensions = array<i32: 0>} : vector<16xi32>
      %add3A_312 = vector.broadcast %mul3A_267 : i32 to vector<16xi32>
      %add3A_313 = arith.addi %iota3A, %add3A_312 : vector<16xi32>
      %mul3A_314 = arith.constant 16 : i32
      %mul3A_315 = arith.muli %scan3A_310, %mul3A_314 : i32
      %add3A_316 = vector.broadcast %mul3A_315 : i32 to vector<16xi32>
      %add3A_317 = arith.addi %add3A_313, %add3A_316 : vector<16xi32>
      %mul3A_318 = arith.constant 16 : i32
      %mul3A_319 = arith.muli %scan3A_310, %mul3A_318 : i32
      %swap3A = arith.index_cast %mul3A_319 : i32 to index
      %swap3A_320 = tpu.vector_load %arg8[%swap3A] {strides = array<i32>} : memref<80xi32, #tpu.memory_space<vmem>>, vector<16xi32>,
      %swap3A_321 = vector.shape_cast %swap3A_320 : vector<16xi32> to vector<16xi32>
      %swap3A_322 = vector.shape_cast %add3A_317 : vector<16xi32> to vector<16xi32>
      tpu.vector_store %arg8[%swap3A], %swap3A_322 {strides = array<i32>} : memref<80xi32, #tpu.memory_space<vmem>>, vector<16xi32>,
      %scan3A_323 = arith.constant 0 : i32
      scf.yield %scan3A_323 : i32
    }
    %scan3A_274 = arith.constant 5 : i32
    %dma_start3A_275 = arith.constant 0 : i32
    %dma_start3A_276 = arith.constant 0 : i32
    %dma_start3A_277 = tpu.memref_slice %arg6[%dma_start3A_275, %dma_start3A_276] : memref<10000x128xf32, #tpu.memory_space<vmem_shared>> -> memref<10000x128xf32, #tpu.memory_space<vmem_shared>>
    tpu.enqueue_indirect_dma source(%dma_start3A_277 : memref<10000x128xf32, #tpu.memory_space<vmem_shared>>) target(%arg9 : memref<80x128xf32, #tpu.memory_space<vmem>>) offsets(%arg8 : memref<80xi32, #tpu.memory_space<vmem>>) semaphore(%arg10 : memref<!tpu.dma_semaphore, #tpu.memory_space<semaphore_mem>>)
    %dma_wait3A_278 = arith.constant 0 : i32
    %dma_wait3A_279 = arith.constant 0 : i32
    %dma_wait3A_280 = tpu.memref_slice %arg6[%dma_wait3A_278, %dma_wait3A_279] : memref<10000x128xf32, #tpu.memory_space<vmem_shared>> -> memref<10000x128xf32, #tpu.memory_space<vmem_shared>>
    tpu.wait_indirect_dma semaphore(%arg10 : memref<!tpu.dma_semaphore, #tpu.memory_space<semaphore_mem>>) src(%dma_wait3A_280 : memref<10000x128xf32, #tpu.memory_space<vmem_shared>>) dst(%arg9 : memref<80x128xf32, #tpu.memory_space<vmem>>)
    %mul3A_281 = arith.constant 10000 : i32
    %mul3A_282 = arith.muli %arg0, %mul3A_281 : i32
    %mul3A_283 = arith.constant 80 : i32
    %mul3A_284 = arith.muli %rem3A_265, %mul3A_283 : i32
    %add3A_285 = arith.addi %mul3A_282, %mul3A_284 : i32
    "tpu.region"() ({
      %run_scoped3A = tpu.sem_alloc : memref<!tpu.dma_semaphore, #tpu.memory_space<semaphore_mem>>
      %dma_start3A_310 = arith.constant 0 : i32
      %dma_start3A_311 = tpu.memref_slice %arg5[%add3A_285, %dma_start3A_310] : memref<20000x128xf32, #tpu.memory_space<hbm>> -> memref<80x128xf32, #tpu.memory_space<hbm>>
      %dma_start3A_312 = arith.constant 0 : i32
      %dma_start3A_313 = tpu.memref_slice %arg5[%add3A_285, %dma_start3A_312] : memref<20000x128xf32, #tpu.memory_space<hbm>> -> memref<80x128xf32, #tpu.memory_space<hbm>>
      tpu.enqueue_dma source(%arg9 : memref<80x128xf32, #tpu.memory_space<vmem>>) target(%dma_start3A_313 : memref<80x128xf32, #tpu.memory_space<hbm>>) target_semaphore(%run_scoped3A : memref<!tpu.dma_semaphore, #tpu.memory_space<semaphore_mem>>)
      %dma_wait3A_314 = arith.constant 0 : i32
      %dma_wait3A_315 = tpu.memref_slice %arg5[%add3A_285, %dma_wait3A_314] : memref<20000x128xf32, #tpu.memory_space<hbm>> -> memref<80x128xf32, #tpu.memory_space<hbm>>
      %dma_wait3A_316 = arith.constant 0 : i32
      %dma_wait3A_317 = tpu.memref_slice %arg5[%add3A_285, %dma_wait3A_316] : memref<20000x128xf32, #tpu.memory_space<hbm>> -> memref<80x128xf32, #tpu.memory_space<hbm>>
      tpu.wait_dma2 semaphore(%run_scoped3A : memref<!tpu.dma_semaphore, #tpu.memory_space<semaphore_mem>>) src(%arg9 : memref<80x128xf32, #tpu.memory_space<vmem>>) dst(%dma_wait3A_317 : memref<80x128xf32, #tpu.memory_space<hbm>>)
      tpu.yield
    }) : () -> ()
    %add3A_286 = arith.constant 112 : i32
    %add3A_287 = arith.addi %arg1, %add3A_286 : i32
    %rem3A_288 = arith.constant 125 : i32
    %rem3A_289 = arith.remsi %add3A_287, %rem3A_288 : i32
    %mul3A_290 = arith.constant 80 : i32
    %mul3A_291 = arith.muli %rem3A_289, %mul3A_290 : i32
    %scan3A_292 = arith.constant 0 : i32
    %scan3A_293 = arith.constant 0 : i32
    %scan3A_294 = arith.constant 5 : i32
    %scan3A_295 = arith.addi %scan3A_293, %scan3A_294 : i32
    %scan3A_296 = arith.constant 1 : i32
    %scan3A_297 = scf.for %scan3A_310 = %scan3A_293 to %scan3A_295 step %scan3A_296 iter_args(%scan3A_311 = %scan3A_292) -> (i32)  : i32 {
      %iota3A = tpu.iota {dimensions = array<i32: 0>} : vector<16xi32>
      %add3A_312 = vector.broadcast %mul3A_291 : i32 to vector<16xi32>
      %add3A_313 = arith.addi %iota3A, %add3A_312 : vector<16xi32>
      %mul3A_314 = arith.constant 16 : i32
      %mul3A_315 = arith.muli %scan3A_310, %mul3A_314 : i32
      %add3A_316 = vector.broadcast %mul3A_315 : i32 to vector<16xi32>
      %add3A_317 = arith.addi %add3A_313, %add3A_316 : vector<16xi32>
      %mul3A_318 = arith.constant 16 : i32
      %mul3A_319 = arith.muli %scan3A_310, %mul3A_318 : i32
      %swap3A = arith.index_cast %mul3A_319 : i32 to index
      %swap3A_320 = tpu.vector_load %arg8[%swap3A] {strides = array<i32>} : memref<80xi32, #tpu.memory_space<vmem>>, vector<16xi32>,
      %swap3A_321 = vector.shape_cast %swap3A_320 : vector<16xi32> to vector<16xi32>
      %swap3A_322 = vector.shape_cast %add3A_317 : vector<16xi32> to vector<16xi32>
      tpu.vector_store %arg8[%swap3A], %swap3A_322 {strides = array<i32>} : memref<80xi32, #tpu.memory_space<vmem>>, vector<16xi32>,
      %scan3A_323 = arith.constant 0 : i32
      scf.yield %scan3A_323 : i32
    }
    %scan3A_298 = arith.constant 5 : i32
    %dma_start3A_299 = arith.constant 0 : i32
    %dma_start3A_300 = arith.constant 0 : i32
    %dma_start3A_301 = tpu.memref_slice %arg6[%dma_start3A_299, %dma_start3A_300] : memref<10000x128xf32, #tpu.memory_space<vmem_shared>> -> memref<10000x128xf32, #tpu.memory_space<vmem_shared>>
    tpu.enqueue_indirect_dma source(%dma_start3A_301 : memref<10000x128xf32, #tpu.memory_space<vmem_shared>>) target(%arg9 : memref<80x128xf32, #tpu.memory_space<vmem>>) offsets(%arg8 : memref<80xi32, #tpu.memory_space<vmem>>) semaphore(%arg10 : memref<!tpu.dma_semaphore, #tpu.memory_space<semaphore_mem>>)
    %dma_wait3A_302 = arith.constant 0 : i32
    %dma_wait3A_303 = arith.constant 0 : i32
    %dma_wait3A_304 = tpu.memref_slice %arg6[%dma_wait3A_302, %dma_wait3A_303] : memref<10000x128xf32, #tpu.memory_space<vmem_shared>> -> memref<10000x128xf32, #tpu.memory_space<vmem_shared>>
    tpu.wait_indirect_dma semaphore(%arg10 : memref<!tpu.dma_semaphore, #tpu.memory_space<semaphore_mem>>) src(%dma_wait3A_304 : memref<10000x128xf32, #tpu.memory_space<vmem_shared>>) dst(%arg9 : memref<80x128xf32, #tpu.memory_space<vmem>>)
    %mul3A_305 = arith.constant 10000 : i32
    %mul3A_306 = arith.muli %arg0, %mul3A_305 : i32
    %mul3A_307 = arith.constant 80 : i32
    %mul3A_308 = arith.muli %rem3A_289, %mul3A_307 : i32
    %add3A_309 = arith.addi %mul3A_306, %mul3A_308 : i32
    "tpu.region"() ({
      %run_scoped3A = tpu.sem_alloc : memref<!tpu.dma_semaphore, #tpu.memory_space<semaphore_mem>>
      %dma_start3A_310 = arith.constant 0 : i32
      %dma_start3A_311 = tpu.memref_slice %arg5[%add3A_309, %dma_start3A_310] : memref<20000x128xf32, #tpu.memory_space<hbm>> -> memref<80x128xf32, #tpu.memory_space<hbm>>
      %dma_start3A_312 = arith.constant 0 : i32
      %dma_start3A_313 = tpu.memref_slice %arg5[%add3A_309, %dma_start3A_312] : memref<20000x128xf32, #tpu.memory_space<hbm>> -> memref<80x128xf32, #tpu.memory_space<hbm>>
      tpu.enqueue_dma source(%arg9 : memref<80x128xf32, #tpu.memory_space<vmem>>) target(%dma_start3A_313 : memref<80x128xf32, #tpu.memory_space<hbm>>) target_semaphore(%run_scoped3A : memref<!tpu.dma_semaphore, #tpu.memory_space<semaphore_mem>>)
      %dma_wait3A_314 = arith.constant 0 : i32
      %dma_wait3A_315 = tpu.memref_slice %arg5[%add3A_309, %dma_wait3A_314] : memref<20000x128xf32, #tpu.memory_space<hbm>> -> memref<80x128xf32, #tpu.memory_space<hbm>>
      %dma_wait3A_316 = arith.constant 0 : i32
      %dma_wait3A_317 = tpu.memref_slice %arg5[%add3A_309, %dma_wait3A_316] : memref<20000x128xf32, #tpu.memory_space<hbm>> -> memref<80x128xf32, #tpu.memory_space<hbm>>
      tpu.wait_dma2 semaphore(%run_scoped3A : memref<!tpu.dma_semaphore, #tpu.memory_space<semaphore_mem>>) src(%arg9 : memref<80x128xf32, #tpu.memory_space<vmem>>) dst(%dma_wait3A_317 : memref<80x128xf32, #tpu.memory_space<hbm>>)
      tpu.yield
    }) : () -> ()
    return
  }
}

module attributes {stable_mosaic.version = 14 : i64} {
  func.func @body(%arg0: i32, %arg1: memref<2000x128xf32, #tpu.memory_space<vmem>>, %arg2: memref<2x2000x128xf32, #tpu.memory_space<vmem>>, %arg3: memref<2x2000x128xf32, #tpu.memory_space<vmem>>, %arg4: memref<1x128xf32, #tpu.memory_space<vmem>>, %arg5: memref<128x128xf32, #tpu.memory_space<vmem>>, %arg6: memref<128x128xf32, #tpu.memory_space<vmem>>, %arg7: memref<2000x128xf32, #tpu.memory_space<vmem>>, %arg8: memref<2000x128xf32, #tpu.memory_space<vmem>>) attributes {dimension_semantics = [#tpu.dimension_semantics<arbitrary>], iteration_bounds = array<i64: 5>, scalar_prefetch = 0 : i64, scratch_operands = 0 : i64, tpu.core_type = #tpu.core_type<tc>, window_params = [{transform_indices = @transform_0, window_bounds = array<i64: 2000, 128>}, {transform_indices = @transform_1, window_bounds = array<i64: 2, 2000, 128>}, {transform_indices = @transform_2, window_bounds = array<i64: 2, 2000, 128>}, {pipeline_mode = #tpu.pipeline_mode<synchronous>, transform_indices = @transform_3, window_bounds = array<i64: 1, 128>}, {pipeline_mode = #tpu.pipeline_mode<synchronous>, transform_indices = @transform_4, window_bounds = array<i64: 128, 128>}, {pipeline_mode = #tpu.pipeline_mode<synchronous>, transform_indices = @transform_5, window_bounds = array<i64: 128, 128>}, {transform_indices = @transform_6, window_bounds = array<i64: 2000, 128>}, {transform_indices = @transform_7, window_bounds = array<i64: 2000, 128>}]} {
    %get3A = arith.constant 0 : index
    %get3A_0 = arith.constant 0 : index
    %get3A_1 = arith.constant 0 : index
    %get3A_2 = vector.load %arg2[%get3A, %get3A_0, %get3A_1] : memref<2x2000x128xf32, #tpu.memory_space<vmem>>, vector<1x2000x128xf32>
    %get3A_3 = vector.shape_cast %get3A_2 : vector<1x2000x128xf32> to vector<2000x128xf32>
    %get3A_4 = arith.constant 1 : index
    %get3A_5 = arith.constant 0 : index
    %get3A_6 = arith.constant 0 : index
    %get3A_7 = vector.load %arg2[%get3A_4, %get3A_5, %get3A_6] : memref<2x2000x128xf32, #tpu.memory_space<vmem>>, vector<1x2000x128xf32>
    %get3A_8 = vector.shape_cast %get3A_7 : vector<1x2000x128xf32> to vector<2000x128xf32>
    %add3A = arith.addf %get3A_3, %get3A_8 : vector<2000x128xf32>
    %get3A_9 = arith.constant 0 : index
    %get3A_10 = arith.constant 0 : index
    %get3A_11 = arith.constant 0 : index
    %get3A_12 = vector.load %arg3[%get3A_9, %get3A_10, %get3A_11] : memref<2x2000x128xf32, #tpu.memory_space<vmem>>, vector<1x2000x1xf32>
    %get3A_13 = vector.shape_cast %get3A_12 : vector<1x2000x1xf32> to vector<2000x1xf32>
    %get3A_14 = arith.constant 1 : index
    %get3A_15 = arith.constant 0 : index
    %get3A_16 = arith.constant 0 : index
    %get3A_17 = vector.load %arg3[%get3A_14, %get3A_15, %get3A_16] : memref<2x2000x128xf32, #tpu.memory_space<vmem>>, vector<1x2000x1xf32>
    %get3A_18 = vector.shape_cast %get3A_17 : vector<1x2000x1xf32> to vector<2000x1xf32>
    %add3A_19 = arith.addf %get3A_13, %get3A_18 : vector<2000x1xf32>
    %get3A_20 = arith.constant 0 : index
    %get3A_21 = arith.constant 0 : index
    %get3A_22 = vector.load %arg1[%get3A_20, %get3A_21] : memref<2000x128xf32, #tpu.memory_space<vmem>>, vector<2000x128xf32>
    %max3A = arith.constant 1.000000e+00 : f32
    %max3A_23 = vector.broadcast %max3A : f32 to vector<2000x1xf32>
    %max3A_24 = arith.maximumf %add3A_19, %max3A_23 : vector<2000x1xf32>
    %div3A = vector.broadcast %max3A_24 : vector<2000x1xf32> to vector<2000x128xf32>
    %div3A_25 = arith.divf %add3A, %div3A : vector<2000x128xf32>
    %add3A_26 = arith.addf %get3A_22, %div3A_25 : vector<2000x128xf32>
    %get3A_27 = arith.constant 0 : index
    %get3A_28 = arith.constant 0 : index
    %get3A_29 = vector.load %arg4[%get3A_27, %get3A_28] : memref<1x128xf32, #tpu.memory_space<vmem>>, vector<1x128xf32>
    %add3A_30 = vector.broadcast %get3A_29 : vector<1x128xf32> to vector<2000x128xf32>
    %add3A_31 = arith.addf %add3A_26, %add3A_30 : vector<2000x128xf32>
    %max3A_32 = arith.constant 0.000000e+00 : f32
    %max3A_33 = vector.broadcast %max3A_32 : f32 to vector<2000x128xf32>
    %max3A_34 = arith.maximumf %add3A_31, %max3A_33 : vector<2000x128xf32>
    %get3A_35 = arith.constant 0 : index
    %get3A_36 = arith.constant 0 : index
    %get3A_37 = vector.load %arg5[%get3A_35, %get3A_36] : memref<128x128xf32, #tpu.memory_space<vmem>>, vector<128x128xf32>
    %dot_general3A = arith.constant dense<0.000000e+00> : vector<2000x128xf32>
    %dot_general3A_38 = tpu.matmul %max3A_34, %get3A_37, %dot_general3A {dimension_numbers = #tpu.dot_dimension_numbers<[1], [0], [0], [1], [0, 0, 1, 1], [], []>, transpose_lhs_hint = false} : vector<2000x128xf32>, vector<128x128xf32>, vector<2000x128xf32> -> vector<2000x128xf32>
    %swap3A = arith.constant 0 : index
    %swap3A_39 = arith.constant 0 : index
    %swap3A_40 = vector.load %arg7[%swap3A, %swap3A_39] : memref<2000x128xf32, #tpu.memory_space<vmem>>, vector<2000x128xf32>
    tpu.vector_store %arg7[%swap3A, %swap3A_39], %dot_general3A_38 {strides = array<i32>} : memref<2000x128xf32, #tpu.memory_space<vmem>>, vector<2000x128xf32>,
    %get3A_41 = arith.constant 0 : index
    %get3A_42 = arith.constant 0 : index
    %get3A_43 = vector.load %arg6[%get3A_41, %get3A_42] : memref<128x128xf32, #tpu.memory_space<vmem>>, vector<128x128xf32>
    %dot_general3A_44 = arith.constant dense<0.000000e+00> : vector<2000x128xf32>
    %dot_general3A_45 = tpu.matmul %max3A_34, %get3A_43, %dot_general3A_44 {dimension_numbers = #tpu.dot_dimension_numbers<[1], [0], [0], [1], [0, 0, 1, 1], [], []>, transpose_lhs_hint = false} : vector<2000x128xf32>, vector<128x128xf32>, vector<2000x128xf32> -> vector<2000x128xf32>
    %swap3A_46 = arith.constant 0 : index
    %swap3A_47 = arith.constant 0 : index
    %swap3A_48 = vector.load %arg8[%swap3A_46, %swap3A_47] : memref<2000x128xf32, #tpu.memory_space<vmem>>, vector<2000x128xf32>
    tpu.vector_store %arg8[%swap3A_46, %swap3A_47], %dot_general3A_45 {strides = array<i32>} : memref<2000x128xf32, #tpu.memory_space<vmem>>, vector<2000x128xf32>,
    return
  }
  func.func @transform_0(%arg0: i32) -> (i32, i32) {
    %c0_i32 = arith.constant 0 : i32
    %c0_i32_0 = arith.constant 0 : i32
    return %arg0, %c0_i32 : i32, i32
  }
  func.func @transform_1(%arg0: i32) -> (i32, i32, i32) {
    %c0_i32 = arith.constant 0 : i32
    %c0_i32_0 = arith.constant 0 : i32
    %c0_i32_1 = arith.constant 0 : i32
    return %c0_i32, %arg0, %c0_i32_0 : i32, i32, i32
  }
  func.func @transform_2(%arg0: i32) -> (i32, i32, i32) {
    %c0_i32 = arith.constant 0 : i32
    %c0_i32_0 = arith.constant 0 : i32
    %c0_i32_1 = arith.constant 0 : i32
    return %c0_i32, %arg0, %c0_i32_0 : i32, i32, i32
  }
  func.func @transform_3(%arg0: i32) -> (i32, i32) {
    %c0_i32 = arith.constant 0 : i32
    %c0_i32_0 = arith.constant 0 : i32
    %c0_i32_1 = arith.constant 0 : i32
    return %c0_i32, %c0_i32_0 : i32, i32
  }
  func.func @transform_4(%arg0: i32) -> (i32, i32) {
    %c0_i32 = arith.constant 0 : i32
    %c0_i32_0 = arith.constant 0 : i32
    %c0_i32_1 = arith.constant 0 : i32
    return %c0_i32, %c0_i32_0 : i32, i32
  }
  func.func @transform_5(%arg0: i32) -> (i32, i32) {
    %c0_i32 = arith.constant 0 : i32
    %c0_i32_0 = arith.constant 0 : i32
    %c0_i32_1 = arith.constant 0 : i32
    return %c0_i32, %c0_i32_0 : i32, i32
  }
  func.func @transform_6(%arg0: i32) -> (i32, i32) {
    %c0_i32 = arith.constant 0 : i32
    %c0_i32_0 = arith.constant 0 : i32
    return %arg0, %c0_i32 : i32, i32
  }
  func.func @transform_7(%arg0: i32) -> (i32, i32) {
    %c0_i32 = arith.constant 0 : i32
    %c0_i32_0 = arith.constant 0 : i32
    return %arg0, %c0_i32 : i32, i32
  }
}

module attributes {stable_mosaic.version = 14 : i64} {
  func.func @body(%arg0: i32, %arg1: memref<2000x128xf32, #tpu.memory_space<vmem>>, %arg2: memref<2x2000x128xf32, #tpu.memory_space<vmem>>, %arg3: memref<2x2000x128xf32, #tpu.memory_space<vmem>>, %arg4: memref<1x128xf32, #tpu.memory_space<vmem>>, %arg5: memref<2000x128xf32, #tpu.memory_space<vmem>>) attributes {dimension_semantics = [#tpu.dimension_semantics<arbitrary>], iteration_bounds = array<i64: 5>, scalar_prefetch = 0 : i64, scratch_operands = 0 : i64, tpu.core_type = #tpu.core_type<tc>, window_params = [{transform_indices = @transform_0, window_bounds = array<i64: 2000, 128>}, {transform_indices = @transform_1, window_bounds = array<i64: 2, 2000, 128>}, {transform_indices = @transform_2, window_bounds = array<i64: 2, 2000, 128>}, {pipeline_mode = #tpu.pipeline_mode<synchronous>, transform_indices = @transform_3, window_bounds = array<i64: 1, 128>}, {transform_indices = @transform_4, window_bounds = array<i64: 2000, 128>}]} {
    %get3A = arith.constant 0 : index
    %get3A_0 = arith.constant 0 : index
    %get3A_1 = arith.constant 0 : index
    %get3A_2 = vector.load %arg2[%get3A, %get3A_0, %get3A_1] : memref<2x2000x128xf32, #tpu.memory_space<vmem>>, vector<1x2000x128xf32>
    %get3A_3 = vector.shape_cast %get3A_2 : vector<1x2000x128xf32> to vector<2000x128xf32>
    %get3A_4 = arith.constant 1 : index
    %get3A_5 = arith.constant 0 : index
    %get3A_6 = arith.constant 0 : index
    %get3A_7 = vector.load %arg2[%get3A_4, %get3A_5, %get3A_6] : memref<2x2000x128xf32, #tpu.memory_space<vmem>>, vector<1x2000x128xf32>
    %get3A_8 = vector.shape_cast %get3A_7 : vector<1x2000x128xf32> to vector<2000x128xf32>
    %add3A = arith.addf %get3A_3, %get3A_8 : vector<2000x128xf32>
    %get3A_9 = arith.constant 0 : index
    %get3A_10 = arith.constant 0 : index
    %get3A_11 = arith.constant 0 : index
    %get3A_12 = vector.load %arg3[%get3A_9, %get3A_10, %get3A_11] : memref<2x2000x128xf32, #tpu.memory_space<vmem>>, vector<1x2000x1xf32>
    %get3A_13 = vector.shape_cast %get3A_12 : vector<1x2000x1xf32> to vector<2000x1xf32>
    %get3A_14 = arith.constant 1 : index
    %get3A_15 = arith.constant 0 : index
    %get3A_16 = arith.constant 0 : index
    %get3A_17 = vector.load %arg3[%get3A_14, %get3A_15, %get3A_16] : memref<2x2000x128xf32, #tpu.memory_space<vmem>>, vector<1x2000x1xf32>
    %get3A_18 = vector.shape_cast %get3A_17 : vector<1x2000x1xf32> to vector<2000x1xf32>
    %add3A_19 = arith.addf %get3A_13, %get3A_18 : vector<2000x1xf32>
    %get3A_20 = arith.constant 0 : index
    %get3A_21 = arith.constant 0 : index
    %get3A_22 = vector.load %arg1[%get3A_20, %get3A_21] : memref<2000x128xf32, #tpu.memory_space<vmem>>, vector<2000x128xf32>
    %max3A = arith.constant 1.000000e+00 : f32
    %max3A_23 = vector.broadcast %max3A : f32 to vector<2000x1xf32>
    %max3A_24 = arith.maximumf %add3A_19, %max3A_23 : vector<2000x1xf32>
    %div3A = vector.broadcast %max3A_24 : vector<2000x1xf32> to vector<2000x128xf32>
    %div3A_25 = arith.divf %add3A, %div3A : vector<2000x128xf32>
    %add3A_26 = arith.addf %get3A_22, %div3A_25 : vector<2000x128xf32>
    %get3A_27 = arith.constant 0 : index
    %get3A_28 = arith.constant 0 : index
    %get3A_29 = vector.load %arg4[%get3A_27, %get3A_28] : memref<1x128xf32, #tpu.memory_space<vmem>>, vector<1x128xf32>
    %add3A_30 = vector.broadcast %get3A_29 : vector<1x128xf32> to vector<2000x128xf32>
    %add3A_31 = arith.addf %add3A_26, %add3A_30 : vector<2000x128xf32>
    %swap3A = arith.constant 0 : index
    %swap3A_32 = arith.constant 0 : index
    %swap3A_33 = vector.load %arg5[%swap3A, %swap3A_32] : memref<2000x128xf32, #tpu.memory_space<vmem>>, vector<2000x128xf32>
    tpu.vector_store %arg5[%swap3A, %swap3A_32], %add3A_31 {strides = array<i32>} : memref<2000x128xf32, #tpu.memory_space<vmem>>, vector<2000x128xf32>,
    return
  }
  func.func @transform_0(%arg0: i32) -> (i32, i32) {
    %c0_i32 = arith.constant 0 : i32
    %c0_i32_0 = arith.constant 0 : i32
    return %arg0, %c0_i32 : i32, i32
  }
  func.func @transform_1(%arg0: i32) -> (i32, i32, i32) {
    %c0_i32 = arith.constant 0 : i32
    %c0_i32_0 = arith.constant 0 : i32
    %c0_i32_1 = arith.constant 0 : i32
    return %c0_i32, %arg0, %c0_i32_0 : i32, i32, i32
  }
  func.func @transform_2(%arg0: i32) -> (i32, i32, i32) {
    %c0_i32 = arith.constant 0 : i32
    %c0_i32_0 = arith.constant 0 : i32
    %c0_i32_1 = arith.constant 0 : i32
    return %c0_i32, %arg0, %c0_i32_0 : i32, i32, i32
  }
  func.func @transform_3(%arg0: i32) -> (i32, i32) {
    %c0_i32 = arith.constant 0 : i32
    %c0_i32_0 = arith.constant 0 : i32
    %c0_i32_1 = arith.constant 0 : i32
    return %c0_i32, %c0_i32_0 : i32, i32
  }
  func.func @transform_4(%arg0: i32) -> (i32, i32) {
    %c0_i32 = arith.constant 0 : i32
    %c0_i32_0 = arith.constant 0 : i32
    return %arg0, %c0_i32 : i32, i32
  }
}

module attributes {stable_mosaic.version = 14 : i64} {
  func.func @body(%arg0: i32, %arg1: memref<2000x128xf32, #tpu.memory_space<vmem>>, %arg2: memref<128x128xf32, #tpu.memory_space<vmem>>, %arg3: memref<128x128xf32, #tpu.memory_space<vmem>>, %arg4: memref<2000x128xf32, #tpu.memory_space<vmem>>, %arg5: memref<2000x128xf32, #tpu.memory_space<vmem>>) attributes {dimension_semantics = [#tpu.dimension_semantics<arbitrary>], iteration_bounds = array<i64: 5>, scalar_prefetch = 0 : i64, scratch_operands = 0 : i64, tpu.core_type = #tpu.core_type<tc>, window_params = [{transform_indices = @transform_0, window_bounds = array<i64: 2000, 128>}, {pipeline_mode = #tpu.pipeline_mode<synchronous>, transform_indices = @transform_1, window_bounds = array<i64: 128, 128>}, {pipeline_mode = #tpu.pipeline_mode<synchronous>, transform_indices = @transform_2, window_bounds = array<i64: 128, 128>}, {transform_indices = @transform_3, window_bounds = array<i64: 2000, 128>}, {transform_indices = @transform_4, window_bounds = array<i64: 2000, 128>}]} {
    %get3A = arith.constant 0 : index
    %get3A_0 = arith.constant 0 : index
    %get3A_1 = vector.load %arg1[%get3A, %get3A_0] : memref<2000x128xf32, #tpu.memory_space<vmem>>, vector<2000x128xf32>
    %get3A_2 = arith.constant 0 : index
    %get3A_3 = arith.constant 0 : index
    %get3A_4 = vector.load %arg2[%get3A_2, %get3A_3] : memref<128x128xf32, #tpu.memory_space<vmem>>, vector<128x128xf32>
    %dot_general3A = arith.constant dense<0.000000e+00> : vector<2000x128xf32>
    %dot_general3A_5 = tpu.matmul %get3A_1, %get3A_4, %dot_general3A {dimension_numbers = #tpu.dot_dimension_numbers<[1], [0], [0], [1], [0, 0, 1, 1], [], []>, transpose_lhs_hint = false} : vector<2000x128xf32>, vector<128x128xf32>, vector<2000x128xf32> -> vector<2000x128xf32>
    %swap3A = arith.constant 0 : index
    %swap3A_6 = arith.constant 0 : index
    %swap3A_7 = vector.load %arg4[%swap3A, %swap3A_6] : memref<2000x128xf32, #tpu.memory_space<vmem>>, vector<2000x128xf32>
    tpu.vector_store %arg4[%swap3A, %swap3A_6], %dot_general3A_5 {strides = array<i32>} : memref<2000x128xf32, #tpu.memory_space<vmem>>, vector<2000x128xf32>,
    %get3A_8 = arith.constant 0 : index
    %get3A_9 = arith.constant 0 : index
    %get3A_10 = vector.load %arg3[%get3A_8, %get3A_9] : memref<128x128xf32, #tpu.memory_space<vmem>>, vector<128x128xf32>
    %dot_general3A_11 = arith.constant dense<0.000000e+00> : vector<2000x128xf32>
    %dot_general3A_12 = tpu.matmul %get3A_1, %get3A_10, %dot_general3A_11 {dimension_numbers = #tpu.dot_dimension_numbers<[1], [0], [0], [1], [0, 0, 1, 1], [], []>, transpose_lhs_hint = false} : vector<2000x128xf32>, vector<128x128xf32>, vector<2000x128xf32> -> vector<2000x128xf32>
    %swap3A_13 = arith.constant 0 : index
    %swap3A_14 = arith.constant 0 : index
    %swap3A_15 = vector.load %arg5[%swap3A_13, %swap3A_14] : memref<2000x128xf32, #tpu.memory_space<vmem>>, vector<2000x128xf32>
    tpu.vector_store %arg5[%swap3A_13, %swap3A_14], %dot_general3A_12 {strides = array<i32>} : memref<2000x128xf32, #tpu.memory_space<vmem>>, vector<2000x128xf32>,
    return
  }
  func.func @transform_0(%arg0: i32) -> (i32, i32) {
    %c0_i32 = arith.constant 0 : i32
    %c0_i32_0 = arith.constant 0 : i32
    return %arg0, %c0_i32 : i32, i32
  }
  func.func @transform_1(%arg0: i32) -> (i32, i32) {
    %c0_i32 = arith.constant 0 : i32
    %c0_i32_0 = arith.constant 0 : i32
    %c0_i32_1 = arith.constant 0 : i32
    return %c0_i32, %c0_i32_0 : i32, i32
  }
  func.func @transform_2(%arg0: i32) -> (i32, i32) {
    %c0_i32 = arith.constant 0 : i32
    %c0_i32_0 = arith.constant 0 : i32
    %c0_i32_1 = arith.constant 0 : i32
    return %c0_i32, %c0_i32_0 : i32, i32
  }
  func.func @transform_3(%arg0: i32) -> (i32, i32) {
    %c0_i32 = arith.constant 0 : i32
    %c0_i32_0 = arith.constant 0 : i32
    return %arg0, %c0_i32 : i32, i32
  }
  func.func @transform_4(%arg0: i32) -> (i32, i32) {
    %c0_i32 = arith.constant 0 : i32
    %c0_i32_0 = arith.constant 0 : i32
    return %arg0, %c0_i32 : i32, i32
  }
}

</mosaic_0001>

<sc_bundles>
// kernel: kernel.11.cloned.1.call-start
scs
__scs_entry_jumppad:
0x0: {  	(pc) =	sbr.rel $0x88, $3  }
0x1: {  	(tag) =	ssettag $0x0;
	lr =	simm.s32 $0x1  }
0x2: {  	[smem:$0x3F99] =	sst lr;
	_ =	strace $0xD0000000  }
0x3: {  	_ = 	snop  }
0x4: {  	_ = 	snop  }
0x5: {  	_ = 	snop  }
0x6: {  	_ = 	snop  }
0x7: {  	_ = 	snop  }
__scs_overlays_trampoline_lowered:
0x8: {  	[smem:$0x3FA8] =	sst s0  }
0x9: {  	[smem:$0x3FA9] =	sst s1  }
0xa: {  	[smem:$0x3FAA] =	sst s2  }
0xb: {  	[smem:$0x3FAB] =	sst s3  }
0xc: {  	[smem:$0x3FAC] =	sst s4  }
0xd: {  	[smem:$0x3FAD] =	sst s5  }
0xe: {  	[smem:$0x3FAE] =	sst s6  }
0xf: {  	[smem:$0x3FAF] =	sst s7  }
0x10: {  	[smem:$0x3FB0] =	sst s8  }
0x11: {  	[smem:$0x3FB1] =	sst s9;
	s0 =	simm.s32 @!p0 $0x0  }
0x12: {  	s1 =	sld [smem:$0x3F97];
	s0 =	simm.s32 @p0 $0x1  }
0x13: {  	[smem:$0x3FB2] =	sst s0;
	s0 =	simm.s32 @!p1 $0x0  }
0x14: {  	s2 =	sld [smem:$0x3F96];
	s0 =	simm.s32 @p1 $0x1  }
0x15: {  	[smem:$0x3FB3] =	sst s0;
	s0 =	simm.s32 @!p2 $0x0  }
0x16: {  	s3 =	sld [smem:$0x3FDB];
	s0 =	simm.s32 @p2 $0x1  }
0x17: {  	s4 =	simm.s32 $0x1BF5;
	[smem:$0x3FB5] =	sst s0  }
0x18: {  	s0 =	sld [smem:$0x3F98];
	_ =	swait.ge [sflag:s4], $0x0  }
0x19: {  	s7 =	sld [smem:$0x3F99]  }
0x1a: {  	s8 =	sadd.s32 $0xFFFFE003, lr  }
0x1b: {  	s9 =	sadd.s32 $0xFFFFFEF7, lr;
	s5 =	simm.s32 $0xFFFFFFFF;
	p2 =	slt.u32 s8, $0xFFFFF086  }
0x1c: {  	p1 =	slt.u32 s9, $0xF7A;
	s5 =	simm.s32 @!p2 $0x0  }
0x1d: {  	s5 =	simm.s32 @p1 $0x1;
	p0 =	seq.s32 s7, s2  }
0x1e: {  	s7 =	smul.u32 @!p0 $0xF7A, s2;
	p2 =	seq.s32 @!p0 s5, $0x0  }
0x1f: {  	s9 =	smul.u32 $0xF7A, s1;
	s8 =	simm.s32 @!p0 $0x1BF5;
	p2 =	por !p2, p0  }
0x20: {  	[sflag:s8] =	ssyncset.s32 @!p0 $0xFFFFF086;
	s6 =	sadd.s32 @!p0 s3, s7;
	s7 =	simm.s32 @!p0 $0x108  }
0x21: {  	s3 =	sadd.s32 s3, s9;
	s6 =	sadd.s32 @!p0 $0x88, s6;
	s7 =	simm.s32 @p2 $0x1082  }
0x22: {  	[simem:s7], [sflag:s8] =	dma.local @!p0 [hbm:s6], $0xF7A  }
0x23: {  	s9 =	sor.u32 $0xD0000000, s2;
	s6 =	simm.s32 $0x108;
	_ =	swait.ge @!p0 [sflag:s8], $0x0  }
0x24: {  	s3 =	sadd.s32 $0x88, s3;
	s6 =	simm.s32 @!p1 $0x1082;
	[sflag:s4] =	ssyncset.s32 $0xFFFFF086  }
0x25: {  	[simem:s6], [sflag:s4] =	dma.local [hbm:s3], $0xF7A  }
0x26: {  	[smem:$0x3F99] =	sst s1;
	(tag) =	ssettag s2;
	_ =	strace s9  }
0x27: {  	s1 =	sld [smem:$0x3FA9]  }
0x28: {  	s2 =	sld [smem:$0x3FAA]  }
0x29: {  	s4 =	sld [smem:$0x3FAC]  }
0x2a: {  	p0 =	seq.s32 s5, $0x0;
	s5 =	sld [smem:$0x3FAD]  }
0x2b: {  	s6 =	sld [smem:$0x3FAE]  }
0x2c: {  	s7 =	sld [smem:$0x3FAF]  }
0x2d: {  	s3 =	simm.s32 $0x108;
	s8 =	sld [smem:$0x3FB0]  }
0x2e: {  	s3 =	simm.s32 @!p0 $0x1082;
	s9 =	sld [smem:$0x3FB1]  }
0x2f: {  	lr =	sadd.s32 s0, s3;
	s0 =	sld [smem:$0x3FA8]  }
0x30: {  	s3 =	sld [smem:$0x3FAB]  }
0x31: {  	[smem:$0x3FB4] =	sst s10  }
0x32: {  	s10 =	sld [smem:$0x3FB2];
	_ =	sdelay $0x3  }
0x33: {  	p0 =	seq.s32 s10, $0x1;
	s10 =	sld [smem:$0x3FB4];
	_ =	sdelay $0x3  }
0x34: {  	[smem:$0x3FB4] =	sst s10  }
0x35: {  	s10 =	sld [smem:$0x3FB3];
	_ =	sdelay $0x3  }
0x36: {  	p1 =	seq.s32 s10, $0x1;
	s10 =	sld [smem:$0x3FB4];
	_ =	sdelay $0x3  }
0x37: {  	[smem:$0x3FB4] =	sst s10  }
0x38: {  	s10 =	sld [smem:$0x3FB5]  }
0x39: {  	_ = 	snop;
	(pc) =	sbr.ind lr, $3  }
0x3a: {  	_ = 	snop  }
0x3b: {  	_ = 	snop  }
0x3c: {  	p2 =	seq.s32 s10, $0x1;
	s10 =	sld [smem:$0x3FB4]  }
0x3d: {  	_ =	shalt  }
0x3e: {  	_ =	shalt  }
0x3f: {  	_ =	shalt  }
0x40: {  	_ =	shalt  }
0x41: {  	_ =	shalt  }
0x42: {  	_ =	shalt  }
0x43: {  	_ =	shalt  }
0x44: {  	_ =	shalt  }
0x45: {  	_ =	shalt  }
0x46: {  	_ =	shalt  }
0x47: {  	_ =	shalt  }
0x48: {  	_ =	shalt  }
0x49: {  	_ =	shalt  }
0x4a: {  	_ =	shalt  }
0x4b: {  	_ =	shalt  }
0x4c: {  	_ =	shalt  }
0x4d: {  	_ =	shalt  }
0x4e: {  	_ =	shalt  }
0x4f: {  	_ =	shalt  }
0x50: {  	_ =	shalt  }
0x51: {  	_ =	shalt  }
0x52: {  	_ =	shalt  }
0x53: {  	_ =	shalt  }
0x54: {  	_ =	shalt  }
0x55: {  	_ =	shalt  }
0x56: {  	_ =	shalt  }
0x57: {  	_ =	shalt  }
0x58: {  	_ =	shalt  }
0x59: {  	_ =	shalt  }
0x5a: {  	_ =	shalt  }
0x5b: {  	_ =	shalt  }
0x5c: {  	_ =	shalt  }
0x5d: {  	_ =	shalt  }
0x5e: {  	_ =	shalt  }
0x5f: {  	_ =	shalt  }
0x60: {  	_ =	shalt  }
0x61: {  	_ =	shalt  }
0x62: {  	_ =	shalt  }
0x63: {  	_ =	shalt  }
0x64: {  	_ =	shalt  }
0x65: {  	_ =	shalt  }
0x66: {  	_ =	shalt  }
0x67: {  	_ =	shalt  }
0x68: {  	_ =	shalt  }
0x69: {  	_ =	shalt  }
0x6a: {  	_ =	shalt  }
0x6b: {  	_ =	shalt  }
0x6c: {  	_ =	shalt  }
0x6d: {  	_ =	shalt  }
0x6e: {  	_ =	shalt  }
0x6f: {  	_ =	shalt  }
0x70: {  	_ =	shalt  }
0x71: {  	_ =	shalt  }
0x72: {  	_ =	shalt  }
0x73: {  	_ =	shalt  }
0x74: {  	_ =	shalt  }
0x75: {  	_ =	shalt  }
0x76: {  	_ =	shalt  }
0x77: {  	_ =	shalt  }
0x78: {  	_ =	shalt  }
0x79: {  	_ =	shalt  }
0x7a: {  	_ =	shalt  }
0x7b: {  	_ =	shalt  }
0x7c: {  	_ =	shalt  }
0x7d: {  	_ =	shalt  }
0x7e: {  	_ =	shalt  }
0x7f: {  	_ =	shalt  }
0x80: {  	_ =	shalt  }
0x81: {  	_ =	shalt  }
0x82: {  	_ =	shalt  }
0x83: {  	_ =	shalt  }
0x84: {  	_ =	shalt  }
0x85: {  	_ =	shalt  }
0x86: {  	_ =	shalt  }
0x87: {  	_ =	shalt  }
.Lfunc_end0:
.L_simem_size_0:
called_computation.1_lowered:
.L_overlay_start_0:
0x88: {  	s2 =	sld [smem:$0x3FD9]  }
0x89: {  	s3 =	sld [smem:$0x3FFE];
	_ =	sdelay $0x1  }
0x8a: {  	s1 =	srdreg.scid  }
0x8b: {  	s0 =	sand.u32 $0x1, s1  }
0x8c: {  	s16 =	sshll.u32 s0, $0xA;
	s2 =	sadd.s32 s3, s2  }
0x8d: {  	s2 =	sadd.s32 s2, s16  }
0x8e: {  	[smem:$0x3FC0] =	sst s2  }
0x8f: {  	_ = 	snop  }
0x90: {  	(tm) =	ssettm $0x1  }
0x91: {  	s17 =	sld [smem:$0x3FFB];
	_ =	sdelay $0x3  }
0x92: {  	_ =	strace s17  }
0x93: {  	s2 =	sld [smem:$0x3FFC];
	_ =	sdelay $0x3  }
0x94: {  	_ =	strace s2  }
0x95: {  	s2 =	sld [smem:$0x3FFD];
	_ =	sdelay $0x3  }
0x96: {  	_ =	strace s2  }
0x97: {  	_ =	strace $0x8FFFFFFF  }
0x98: {  	s18 =	sld [smem:$0x3FDB];
	_ =	sdelay $0x1  }
0x99: {  	s19 =	simm.s32 $_scs_section_size  }
0x9a: {  	s4 =	simm.s32 $_size__tile_overlayer_lowered;
	s5 =	simm.s32 $_tile_overlayer_lowered  }
0x9b: {  	s22 =	simm.s32 $0x1BFF;
	s21 =	sshll.u32 s5, $0x1;
	s2 =	sadd.s32 s19, s18  }
0x9c: {  	s6 =	simm.s32 $0x0;
	s20 =	sshll.u32 s4, $0x1;
	s4 =	sadd.s32 s21, s2  }
0x9d: {  	[timem:s6], [sflag:s22] =	dma.local [hbm:s4], s20  }
0x9e: {  	_ =	swait.ge [sflag:s22], s20  }
0x9f: {  	s3 =	ssub.s32 $0x0, s20;
	[sflag:s22] =	ssyncset.done $0x0  }
0xa0: {  	[sflag:s22] =	ssyncadd.s32 s3;
	_ =	sdelay $0x1  }
0xa1: {  	s23 =	simm.s32 $0x1B8B  }
0xa2: {  	_ =	swait.ge [sflag:s23], $0x1  }
0xa3: {  	[sflag:s23] =	ssyncset.done $0x0  }
0xa4: {  	s25 =	simm.s32 $0x1B8E;
	s24 =	sld [smem:$0x3FFE];
	[sflag:s23] =	ssyncadd.s32 $0xFFFFFFFF  }
0xa5: {  	s26 =	simm.s32 $execute0_lowered;
	[smem:$0x3FD2] =	sst s25  }
0xa6: {  	s4 =	sshll.u32 s26, $0x1;
	_ =	strace $0x80000046;
	[dreg:$0x1] =	wrdreg $0xFFFFFFFF  }
0xa7: {  	s28 =	simm.s32 $_size_execute0_lowered;
	s2 =	sadd.s32 s2, s4;
	[dreg:$0x0] =	wrdreg $0x0  }
0xa8: {  	s4 =	sshll.u32 s28, $0x1;
	[dreg:$0x2] =	wrdreg s2  }
0xa9: {  	[dreg:$0x3] =	wrdreg s4  }
0xaa: {  	[dreg:$0x4] =	wrdreg $0xC0  }
0xab: {  	_ =	task [dreg:s6], $0x5FFFF  }
0xac: {  	[dreg:$0x1] =	wrdreg $0xFFFFFFFF  }
0xad: {  	[dreg:$0x0] =	wrdreg $0x60  }
0xae: {  	[dreg:$0x2] =	wrdreg s24  }
0xaf: {  	[dreg:$0x3] =	wrdreg $0x0  }
0xb0: {  	[dreg:$0x4] =	wrdreg $0xA  }
0xb1: {  	_ =	task.clear_ibuf [dreg:s6], $0x5FFFF;
	_ =	strace $0x90000046  }
0xb2: {  	s29 =	simm.s32 $0xA;
	_ =	strace $0x80000048  }
0xb3: {  	_ =	swait.ge [sflag:s29], $0x1  }
0xb4: {  	[sflag:s29] =	ssyncadd.s32 $0xFFFFFFFF  }
0xb5: {  	_ =	strace $0x90000048  }
0xb6: {  	_ =	sfence  }
0xb7: {  	s30 =	sld [smem:$0x0];
	_ =	sdelay $0x2  }
0xb8: {  	s31 =	sshll.u32 s1, $0xD;
	s1 =	sshrl.u32 s1, $0x2  }
0xb9: {  	s3 =	sand.u32 $0x4000, s31;
	s1 =	sadd.s32 s1, s30  }
0xba: {  	s0 =	sor.u32 s3, s0;
	s1 =	sshll.u32 s1, $0x11  }
0xbb: {  	s0 =	sor.u32 s1, s0  }
0xbc: {  	s0 =	sadd.s32 $0x8F2B, s0  }
0xbd: {  	[sflag:s0] =	ssyncadd.remote.s32 $0x1  }
0xbe: {  	_ =	sfence.sel $0xFFFF  }
0xbf: {  	[dreg:$0x0] =	wrdreg $0xFFFFFFFF;
	(pc) =	sbr.abs _section_cstart, $3  }
0xc0: {  	[dreg:$0x1] =	wrdreg $0xFFFFFFFF  }
0xc1: {  	_ =	task.clear_ibuf [dreg:s6], $0x2FFFF;
	_ =	strace $0x9FFFFFFF  }
0xc2: {  	(tm) =	ssettm $0x7FFFFFFF  }
0xc3: {  	_ =	shalt  }
tec
execute0_lowered:
.L_overlay_start_1:
0x0: {  	(tag) =	ssettag $0x1  }
0x1: {  	s5 =	rddreg [dreg:$0x0]  }
0x2: {  	s2 =	rddreg [dreg:$0x1]  }
0x3: {  	s1 =	stileid.u32;
	s0 =	rddreg [dreg:$0x2];
	s3 =	simm.s32 $0x0  }
0x4: {  	s4 =	srdreg.scid;
	s6 =	smul.u32 $0x50, s1;
	s7 =	sor.u32 $0x70, s1  }
0x5: {  	v9 =	vlaneseq.u32;
	s8 =	sand.u32 $0x1, s4;
	[smem:$0x7FF] =	sst s3;
	s16 =	sadd.s32 $0x15800, s5  }
0x6: {  	v36 =	vor.u32 $0x10, v9;
	v37 =	vor.u32 $0x20, v9;
	s18 =	sadd.s32 $0xFFFFFF83, s7;
	s15 =	smul.u32 $0x2710, s8;
	_ =	strace $0x80000047  }
0x7: {  	v38 =	vor.u32 $0x30, v9;
	v39 =	vor.u32 $0x40, v9;
	s19 =	ssub.s32 $0x2, s8;
	s9 =	sadd.s32 $0x500, s6;
	v0 =	vor.u32 s6, v9;
	s10 =	sadd.s32 $0xA00, s6  }
0x8: {  	s11 =	sadd.s32 $0xF00, s6;
	s4 =	smin.u32 s7, s18;
	s13 =	sadd.s32 $0x1400, s6;
	v8 =	vadd.s32 s6, v36;
	v10 =	vadd.s32 s6, v38;
	v11 =	vadd.s32 s6, v39  }
0x9: {  	s12 =	sadd.s32 $0x1900, s6;
	s14 =	sadd.s32 $0x1E00, s6;
	s20 =	sshrl.u32 s19, $0x1;
	v1 =	vor.u32 s9, v9;
	v2 =	vor.u32 s10, v9;
	v3 =	vor.u32 s11, v9  }
0xa: {  	s18 =	smul.u32 $0x50, s4;
	v4 =	vor.u32 s13, v9;
	v5 =	vor.u32 s12, v9;
	s4 =	sadd.s32 $0x1C00, s5;
	v6 =	vor.u32 s14, v9;
	s21 =	sadd.s32 s6, s15  }
0xb: {  	s17 =	ssub.s32 s19, s20;
	s23 =	sadd.s32 s15, s9;
	s25 =	sadd.s32 s15, s10;
	v12 =	vadd.s32 s9, v36;
	v13 =	vadd.s32 s9, v37;
	v14 =	vadd.s32 s9, v38  }
0xc: {  	s26 =	sadd.s32 s15, s11;
	v15 =	vadd.s32 s9, v39;
	v16 =	vadd.s32 s10, v36;
	v17 =	vadd.s32 s10, v37;
	s28 =	sadd.s32 s15, s13;
	s29 =	sadd.s32 s15, s12  }
0xd: {  	v18 =	vadd.s32 s10, v38;
	v19 =	vadd.s32 s10, v39;
	v20 =	vadd.s32 s11, v36;
	s30 =	sadd.s32 s15, s14;
	s20 =	smul.u32 $0x4E20, s1;
	s22 =	sshll.u32 s21, $0x4  }
0xe: {  	v21 =	vadd.s32 s11, v37;
	v22 =	vadd.s32 s11, v38;
	v23 =	vadd.s32 s11, v39;
	s24 =	sshll.u32 s23, $0x4;
	s7 =	sshll.u32 s25, $0x4;
	s8 =	sshll.u32 s26, $0x4  }
0xf: {  	v24 =	vadd.s32 s13, v36;
	v25 =	vadd.s32 s13, v37;
	v26 =	vadd.s32 s13, v38;
	s9 =	sshll.u32 s28, $0x4;
	s10 =	sshll.u32 s29, $0x4;
	s11 =	sshll.u32 s30, $0x4  }
0x10: {  	v27 =	vadd.s32 s13, v39;
	v28 =	vadd.s32 s12, v36;
	v29 =	vadd.s32 s12, v37;
	s13 =	smax.u32 s17, $0x1;
	s17 =	simm.s32 $0x13900;
	s5 =	sadd.s32 s16, s22  }
0x11: {  	v30 =	vadd.s32 s12, v38;
	v7 =	vor.u32 s18, v9;
	v9 =	vadd.s32 s6, v37;
	s6 =	sadd.s32 s16, s24;
	s7 =	sadd.s32 s16, s7;
	s8 =	sadd.s32 s16, s8  }
0x12: {  	v31 =	vadd.s32 s12, v39;
	v32 =	vadd.s32 s14, v36;
	v33 =	vadd.s32 s14, v37;
	s9 =	sadd.s32 s16, s9;
	s19 =	sadd.s32 s15, s18;
	s10 =	sadd.s32 s16, s10  }
0x13: {  	v34 =	vadd.s32 s14, v38;
	v35 =	vadd.s32 s14, v39;
	s11 =	sadd.s32 s16, s11;
	s14 =	sadd.s32 s15, s20;
	v36 =	vadd.s32 s18, v36;
	s15 =	simm.s32 $0x50  }
0x14: {  	v37 =	vadd.s32 s18, v37;
	v38 =	vadd.s32 s18, v38;
	v39 =	vadd.s32 s18, v39;
	s18 =	simm.s32 $0x2;
	s20 =	simm.s32 $0x0;
	s31 =	sshll.u32 s19, $0x4  }
0x15: {  	v40 =	vimm.f32 $0.0e+00;
	v41 =	vimm.f32 $1.000000000e+00;
	s19 =	simm.s32 $0x1;
	s12 =	sadd.s32 s16, s31;
	s16 =	simm.s32 $0x13880  }
.LBB2_1:
0x16: {  	s21 =	simm.s32 $0x0;
	s22 =	simm.s32 $0x200  }
.LBB2_2:
0x17: {  	p0 =	sne.s32 s22, $0x9E00;
	[tilespmem:s21+$0x13970] =	vst v40  }
0x18: {  	[tilespmem:s21+$0x13900] =	vst v40  }
0x19: {  	[tilespmem:s21+$0x13910] =	vst v40  }
.Ltmp0:
0x1a: {  	[tilespmem:s21+$0x13920] =	vst v40;
	(pc) =	sbr.rel @p0 .LBB2_2-.Ltmp0, $4  }
0x1b: {  	[tilespmem:s21+$0x13930] =	vst v40  }
0x1c: {  	[tilespmem:s21+$0x13940] =	vst v40  }
0x1d: {  	[tilespmem:s21+$0x13950] =	vst v40  }
0x1e: {  	[tilespmem:s21+$0x13960] =	vst v40;
	s21 =	sshra.s32 s22, $0x2;
	s22 =	sadd.s32 $0x200, s22  }
0x1f: {  	[tilespmem:s21+$0x13970] =	vst v40  }
0x20: {  	[tilespmem:s21+$0x13900] =	vst v40  }
0x21: {  	[tilespmem:s21+$0x13910] =	vst v40  }
0x22: {  	[tilespmem:s21+$0x13920] =	vst v40  }
0x23: {  	[tilespmem:s21+$0x13930] =	vst v40  }
0x24: {  	[tilespmem:s21+$0x13940] =	vst v40  }
0x25: {  	[tilespmem:s21+$0x13950] =	vst v40  }
0x26: {  	[tilespmem:s21+$0x13960] =	vst v40  }
0x27: {  	[tilespmem:$0x13880] =	vst v0  }
0x28: {  	[tilespmem:$0x13890] =	vst v8  }
0x29: {  	[tilespmem:$0x138A0] =	vst v9  }
0x2a: {  	[tilespmem:$0x138B0] =	vst v10  }
0x2b: {  	[tilespmem:$0x138C0] =	vst v11  }
0x2c: {  	[spmem:s2] =	stream.indirect.scatter [tilespmem:s17], [sflag:$0x2], $0x80, s16, s15, $0xb8;
	[tilespmem:$0x16100] =	vst v63  }
0x2d: {  	_ =	swait.ge [sflag:s18], $0x2800  }
0x2e: {  	[sflag:s18] =	ssyncset.done $0x0  }
0x2f: {  	[sflag:s18] =	ssyncadd.s32 $0xFFFFD800  }
0x30: {  	[tilespmem:$0x13880] =	vst v1  }
0x31: {  	[tilespmem:$0x13890] =	vst v12  }
0x32: {  	[tilespmem:$0x138A0] =	vst v13  }
0x33: {  	[tilespmem:$0x138B0] =	vst v14  }
0x34: {  	[tilespmem:$0x138C0] =	vst v15  }
0x35: {  	[spmem:s2] =	stream.indirect.scatter [tilespmem:s17], [sflag:$0x2], $0x80, s16, s15, $0xb8;
	[tilespmem:$0x16100] =	vst v63  }
0x36: {  	_ =	swait.ge [sflag:s18], $0x2800  }
0x37: {  	[sflag:s18] =	ssyncset.done $0x0  }
0x38: {  	[sflag:s18] =	ssyncadd.s32 $0xFFFFD800  }
0x39: {  	[tilespmem:$0x13880] =	vst v2  }
0x3a: {  	[tilespmem:$0x13890] =	vst v16  }
0x3b: {  	[tilespmem:$0x138A0] =	vst v17  }
0x3c: {  	[tilespmem:$0x138B0] =	vst v18  }
0x3d: {  	[tilespmem:$0x138C0] =	vst v19  }
0x3e: {  	[spmem:s2] =	stream.indirect.scatter [tilespmem:s17], [sflag:$0x2], $0x80, s16, s15, $0xb8;
	[tilespmem:$0x16100] =	vst v63  }
0x3f: {  	_ =	swait.ge [sflag:s18], $0x2800  }
0x40: {  	[sflag:s18] =	ssyncset.done $0x0  }
0x41: {  	[sflag:s18] =	ssyncadd.s32 $0xFFFFD800  }
0x42: {  	[tilespmem:$0x13880] =	vst v3  }
0x43: {  	[tilespmem:$0x13890] =	vst v20  }
0x44: {  	[tilespmem:$0x138A0] =	vst v21  }
0x45: {  	[tilespmem:$0x138B0] =	vst v22  }
0x46: {  	[tilespmem:$0x138C0] =	vst v23  }
0x47: {  	[spmem:s2] =	stream.indirect.scatter [tilespmem:s17], [sflag:$0x2], $0x80, s16, s15, $0xb8;
	[tilespmem:$0x16100] =	vst v63  }
0x48: {  	_ =	swait.ge [sflag:s18], $0x2800  }
0x49: {  	[sflag:s18] =	ssyncset.done $0x0  }
0x4a: {  	[sflag:s18] =	ssyncadd.s32 $0xFFFFD800  }
0x4b: {  	[tilespmem:$0x13880] =	vst v4  }
0x4c: {  	[tilespmem:$0x13890] =	vst v24  }
0x4d: {  	[tilespmem:$0x138A0] =	vst v25  }
0x4e: {  	[tilespmem:$0x138B0] =	vst v26  }
0x4f: {  	[tilespmem:$0x138C0] =	vst v27  }
0x50: {  	[spmem:s2] =	stream.indirect.scatter [tilespmem:s17], [sflag:$0x2], $0x80, s16, s15, $0xb8;
	[tilespmem:$0x16100] =	vst v63  }
0x51: {  	_ =	swait.ge [sflag:s18], $0x2800  }
0x52: {  	[sflag:s18] =	ssyncset.done $0x0  }
0x53: {  	[sflag:s18] =	ssyncadd.s32 $0xFFFFD800  }
0x54: {  	[tilespmem:$0x13880] =	vst v5  }
0x55: {  	[tilespmem:$0x13890] =	vst v28  }
0x56: {  	[tilespmem:$0x138A0] =	vst v29  }
0x57: {  	[tilespmem:$0x138B0] =	vst v30  }
0x58: {  	[tilespmem:$0x138C0] =	vst v31  }
0x59: {  	[spmem:s2] =	stream.indirect.scatter [tilespmem:s17], [sflag:$0x2], $0x80, s16, s15, $0xb8;
	[tilespmem:$0x16100] =	vst v63  }
0x5a: {  	_ =	swait.ge [sflag:s18], $0x2800  }
0x5b: {  	[sflag:s18] =	ssyncset.done $0x0  }
0x5c: {  	[sflag:s18] =	ssyncadd.s32 $0xFFFFD800  }
0x5d: {  	[tilespmem:$0x13880] =	vst v6  }
0x5e: {  	[tilespmem:$0x13890] =	vst v32  }
0x5f: {  	[tilespmem:$0x138A0] =	vst v33  }
0x60: {  	[tilespmem:$0x138B0] =	vst v34  }
0x61: {  	[tilespmem:$0x138C0] =	vst v35  }
0x62: {  	[spmem:s2] =	stream.indirect.scatter [tilespmem:s17], [sflag:$0x2], $0x80, s16, s15, $0xb8;
	[tilespmem:$0x16100] =	vst v63  }
0x63: {  	_ =	swait.ge [sflag:s18], $0x2800  }
0x64: {  	[sflag:s18] =	ssyncset.done $0x0  }
0x65: {  	[sflag:s18] =	ssyncadd.s32 $0xFFFFD800  }
0x66: {  	[tilespmem:$0x13880] =	vst v7  }
0x67: {  	[tilespmem:$0x13890] =	vst v36  }
0x68: {  	[tilespmem:$0x138A0] =	vst v37  }
0x69: {  	[tilespmem:$0x138B0] =	vst v38  }
0x6a: {  	[tilespmem:$0x138C0] =	vst v39  }
0x6b: {  	[spmem:s2] =	stream.indirect.scatter [tilespmem:s17], [sflag:$0x2], $0x80, s16, s15, $0xb8;
	[tilespmem:$0x16100] =	vst v63  }
0x6c: {  	_ =	swait.ge [sflag:s18], $0x2800  }
0x6d: {  	[sflag:s18] =	ssyncset.done $0x0  }
0x6e: {  	[sflag:s18] =	ssyncadd.s32 $0xFFFFD800  }
0x6f: {  	s21 =	simm.s32 $0x0;
	s22 =	simm.s32 $0x200;
	[bflag:$0x0] =	sbarrier.arrive $0xFFFF  }
.LBB2_4:
0x70: {  	p0 =	sne.s32 s22, $0x9E00;
	[tilespmem:s21+$0x13970] =	vst v41  }
0x71: {  	[tilespmem:s21+$0x13900] =	vst v41  }
0x72: {  	[tilespmem:s21+$0x13910] =	vst v41  }
.Ltmp1:
0x73: {  	[tilespmem:s21+$0x13920] =	vst v41;
	(pc) =	sbr.rel @p0 .LBB2_4-.Ltmp1, $4  }
0x74: {  	[tilespmem:s21+$0x13930] =	vst v41  }
0x75: {  	[tilespmem:s21+$0x13940] =	vst v41  }
0x76: {  	[tilespmem:s21+$0x13950] =	vst v41  }
0x77: {  	[tilespmem:s21+$0x13960] =	vst v41;
	s21 =	sshra.s32 s22, $0x2;
	s22 =	sadd.s32 $0x200, s22  }
0x78: {  	[tilespmem:s21+$0x13970] =	vst v41  }
0x79: {  	[tilespmem:s21+$0x13900] =	vst v41  }
0x7a: {  	[tilespmem:s21+$0x13910] =	vst v41  }
0x7b: {  	[tilespmem:s21+$0x13920] =	vst v41  }
0x7c: {  	[tilespmem:s21+$0x13930] =	vst v41  }
0x7d: {  	[tilespmem:s21+$0x13940] =	vst v41;
	s22 =	sadd.s32 $0x0, s14  }
0x7e: {  	[tilespmem:s21+$0x13950] =	vst v41;
	s22 =	sshrl.u32 s22, $0x3  }
0x7f: {  	[tilespmem:s21+$0x13960] =	vst v41;
	s30 =	sadd.s32 s4, s22  }
0x80: {  	[tilespmem:s16], [sflag:$0x2] =	stream.linear.gather [hbm4b:s30+s3], $0x50, $0x38;
	[tilespmem:$0x16100] =	vst v63  }
0x81: {  	_ =	swait.ge [sflag:s18], $0x50  }
0x82: {  	[sflag:s18] =	ssyncset.done $0x0  }
0x83: {  	[sflag:s18] =	ssyncadd.s32 $0xFFFFFFB0  }
0x84: {  	[spmem:s2] =	stream.indirect.scatter.add.f32 [tilespmem:s17], [sflag:$0x2], $0x80, s16, s15, $0xb8;
	[tilespmem:$0x16100] =	vst v63  }
0x85: {  	s31 =	sadd.s32 $0x50, s14;
	_ =	swait.ge [sflag:s18], $0x2800  }
0x86: {  	s21 =	simm.s32 $0xA0;
	s22 =	sshrl.u32 s31, $0x3;
	[sflag:s18] =	ssyncset.done $0x0  }
.LBB2_6:
0x87: {  	s22 =	sadd.s32 s4, s22  }
0x88: {  	[sflag:s18] =	ssyncadd.s32 $0xFFFFD800;
	s23 =	smov.u32 s21;
	s24 =	sadd.s32 $0x50, s21  }
0x89: {  	[tilespmem:s16], [sflag:$0x2] =	stream.linear.gather [hbm4b:s22+s3], $0x50, $0x38;
	[tilespmem:$0x16100] =	vst v63  }
0x8a: {  	p0 =	sne.s32 s21, $0x26C0;
	_ =	swait.ge [sflag:s18], $0x50  }
.Ltmp2:
0x8b: {  	[sflag:s18] =	ssyncset.done $0x0;
	(pc) =	sbr.rel @p0 .LBB2_6-.Ltmp2, $4  }
0x8c: {  	[sflag:s18] =	ssyncadd.s32 $0xFFFFFFB0  }
0x8d: {  	[spmem:s2] =	stream.indirect.scatter.add.f32 [tilespmem:s17], [sflag:$0x2], $0x80, s16, s15, $0xb8;
	[tilespmem:$0x16100] =	vst v63  }
0x8e: {  	s21 =	sadd.s32 s23, s14;
	_ =	swait.ge [sflag:s18], $0x2800  }
0x8f: {  	s22 =	sshrl.u32 s21, $0x3;
	s21 =	smov.u32 s24;
	[sflag:s18] =	ssyncset.done $0x0  }
0x90: {  	s21 =	sadd.s32 s4, s22;
	[sflag:s18] =	ssyncadd.s32 $0xFFFFD800  }
0x91: {  	[tilespmem:s16], [sflag:$0x2] =	stream.linear.gather [hbm4b:s21+s3], $0x50, $0x38;
	[tilespmem:$0x16100] =	vst v63  }
0x92: {  	_ =	swait.ge [sflag:s18], $0x50  }
0x93: {  	[sflag:s18] =	ssyncset.done $0x0  }
0x94: {  	[sflag:s18] =	ssyncadd.s32 $0xFFFFFFB0  }
0x95: {  	[spmem:s2] =	stream.indirect.scatter.add.f32 [tilespmem:s17], [sflag:$0x2], $0x80, s16, s15, $0xb8;
	[tilespmem:$0x16100] =	vst v63  }
0x96: {  	_ =	swait.ge [sflag:s18], $0x2800  }
0x97: {  	[sflag:s18] =	ssyncset.done $0x0  }
0x98: {  	[sflag:s18] =	ssyncadd.s32 $0xFFFFD800  }
0x99: {  	[bflag:$0x0] =	sbarrier.arrive $0xFFFF  }
0x9a: {  	[tilespmem:$0x13880] =	vst v0  }
0x9b: {  	[tilespmem:$0x13890] =	vst v8  }
0x9c: {  	[tilespmem:$0x138A0] =	vst v9  }
0x9d: {  	[tilespmem:$0x138B0] =	vst v10  }
0x9e: {  	[tilespmem:$0x138C0] =	vst v11  }
0x9f: {  	[tilespmem:s17], [sflag:$0x1] =	stream.indirect.gather [spmem:s2], $0x80, s16, s15, $0xb8;
	[tilespmem:$0x16100] =	vst v63  }
0xa0: {  	_ =	swait.ge [sflag:s19], $0x2800  }
0xa1: {  	[sflag:s19] =	ssyncset.done $0x0  }
0xa2: {  	[sflag:s19] =	ssyncadd.s32 $0xFFFFD800  }
0xa3: {  	[hbm4b:s5+s3] =	stream.linear.scatter [tilespmem:s17], [sflag:$0x2], $0x2800, $0x38;
	[tilespmem:$0x16100] =	vst v63  }
0xa4: {  	_ =	swait.ge [sflag:s18], $0x2800  }
0xa5: {  	[sflag:s18] =	ssyncset.done $0x0  }
0xa6: {  	[sflag:s18] =	ssyncadd.s32 $0xFFFFD800  }
0xa7: {  	[tilespmem:$0x13880] =	vst v1  }
0xa8: {  	[tilespmem:$0x13890] =	vst v12  }
0xa9: {  	[tilespmem:$0x138A0] =	vst v13  }
0xaa: {  	[tilespmem:$0x138B0] =	vst v14  }
0xab: {  	[tilespmem:$0x138C0] =	vst v15  }
0xac: {  	[tilespmem:s17], [sflag:$0x1] =	stream.indirect.gather [spmem:s2], $0x80, s16, s15, $0xb8;
	[tilespmem:$0x16100] =	vst v63  }
0xad: {  	_ =	swait.ge [sflag:s19], $0x2800  }
0xae: {  	[sflag:s19] =	ssyncset.done $0x0  }
0xaf: {  	[sflag:s19] =	ssyncadd.s32 $0xFFFFD800  }
0xb0: {  	[hbm4b:s6+s3] =	stream.linear.scatter [tilespmem:s17], [sflag:$0x2], $0x2800, $0x38;
	[tilespmem:$0x16100] =	vst v63  }
0xb1: {  	_ =	swait.ge [sflag:s18], $0x2800  }
0xb2: {  	[sflag:s18] =	ssyncset.done $0x0  }
0xb3: {  	[sflag:s18] =	ssyncadd.s32 $0xFFFFD800  }
0xb4: {  	[tilespmem:$0x13880] =	vst v2  }
0xb5: {  	[tilespmem:$0x13890] =	vst v16  }
0xb6: {  	[tilespmem:$0x138A0] =	vst v17  }
0xb7: {  	[tilespmem:$0x138B0] =	vst v18  }
0xb8: {  	[tilespmem:$0x138C0] =	vst v19  }
0xb9: {  	[tilespmem:s17], [sflag:$0x1] =	stream.indirect.gather [spmem:s2], $0x80, s16, s15, $0xb8;
	[tilespmem:$0x16100] =	vst v63  }
0xba: {  	_ =	swait.ge [sflag:s19], $0x2800  }
0xbb: {  	[sflag:s19] =	ssyncset.done $0x0  }
0xbc: {  	[sflag:s19] =	ssyncadd.s32 $0xFFFFD800  }
0xbd: {  	[hbm4b:s7+s3] =	stream.linear.scatter [tilespmem:s17], [sflag:$0x2], $0x2800, $0x38;
	[tilespmem:$0x16100] =	vst v63  }
0xbe: {  	_ =	swait.ge [sflag:s18], $0x2800  }
0xbf: {  	[sflag:s18] =	ssyncset.done $0x0  }
0xc0: {  	[sflag:s18] =	ssyncadd.s32 $0xFFFFD800  }
0xc1: {  	[tilespmem:$0x13880] =	vst v3  }
0xc2: {  	[tilespmem:$0x13890] =	vst v20  }
0xc3: {  	[tilespmem:$0x138A0] =	vst v21  }
0xc4: {  	[tilespmem:$0x138B0] =	vst v22  }
0xc5: {  	[tilespmem:$0x138C0] =	vst v23  }
0xc6: {  	[tilespmem:s17], [sflag:$0x1] =	stream.indirect.gather [spmem:s2], $0x80, s16, s15, $0xb8;
	[tilespmem:$0x16100] =	vst v63  }
0xc7: {  	_ =	swait.ge [sflag:s19], $0x2800  }
0xc8: {  	[sflag:s19] =	ssyncset.done $0x0  }
0xc9: {  	[sflag:s19] =	ssyncadd.s32 $0xFFFFD800  }
0xca: {  	[hbm4b:s8+s3] =	stream.linear.scatter [tilespmem:s17], [sflag:$0x2], $0x2800, $0x38;
	[tilespmem:$0x16100] =	vst v63  }
0xcb: {  	_ =	swait.ge [sflag:s18], $0x2800  }
0xcc: {  	[sflag:s18] =	ssyncset.done $0x0  }
0xcd: {  	[sflag:s18] =	ssyncadd.s32 $0xFFFFD800  }
0xce: {  	[tilespmem:$0x13880] =	vst v4  }
0xcf: {  	[tilespmem:$0x13890] =	vst v24  }
0xd0: {  	[tilespmem:$0x138A0] =	vst v25  }
0xd1: {  	[tilespmem:$0x138B0] =	vst v26  }
0xd2: {  	[tilespmem:$0x138C0] =	vst v27  }
0xd3: {  	[tilespmem:s17], [sflag:$0x1] =	stream.indirect.gather [spmem:s2], $0x80, s16, s15, $0xb8;
	[tilespmem:$0x16100] =	vst v63  }
0xd4: {  	_ =	swait.ge [sflag:s19], $0x2800  }
0xd5: {  	[sflag:s19] =	ssyncset.done $0x0  }
0xd6: {  	[sflag:s19] =	ssyncadd.s32 $0xFFFFD800  }
0xd7: {  	[hbm4b:s9+s3] =	stream.linear.scatter [tilespmem:s17], [sflag:$0x2], $0x2800, $0x38;
	[tilespmem:$0x16100] =	vst v63  }
0xd8: {  	_ =	swait.ge [sflag:s18], $0x2800  }
0xd9: {  	[sflag:s18] =	ssyncset.done $0x0  }
0xda: {  	[sflag:s18] =	ssyncadd.s32 $0xFFFFD800  }
0xdb: {  	[tilespmem:$0x13880] =	vst v5  }
0xdc: {  	[tilespmem:$0x13890] =	vst v28  }
0xdd: {  	[tilespmem:$0x138A0] =	vst v29  }
0xde: {  	[tilespmem:$0x138B0] =	vst v30  }
0xdf: {  	[tilespmem:$0x138C0] =	vst v31  }
0xe0: {  	[tilespmem:s17], [sflag:$0x1] =	stream.indirect.gather [spmem:s2], $0x80, s16, s15, $0xb8;
	[tilespmem:$0x16100] =	vst v63  }
0xe1: {  	_ =	swait.ge [sflag:s19], $0x2800  }
0xe2: {  	[sflag:s19] =	ssyncset.done $0x0  }
0xe3: {  	[sflag:s19] =	ssyncadd.s32 $0xFFFFD800  }
0xe4: {  	[hbm4b:s10+s3] =	stream.linear.scatter [tilespmem:s17], [sflag:$0x2], $0x2800, $0x38;
	[tilespmem:$0x16100] =	vst v63  }
0xe5: {  	_ =	swait.ge [sflag:s18], $0x2800  }
0xe6: {  	[sflag:s18] =	ssyncset.done $0x0  }
0xe7: {  	[sflag:s18] =	ssyncadd.s32 $0xFFFFD800  }
0xe8: {  	[tilespmem:$0x13880] =	vst v6  }
0xe9: {  	[tilespmem:$0x13890] =	vst v32  }
0xea: {  	[tilespmem:$0x138A0] =	vst v33  }
0xeb: {  	[tilespmem:$0x138B0] =	vst v34  }
0xec: {  	[tilespmem:$0x138C0] =	vst v35  }
0xed: {  	[tilespmem:s17], [sflag:$0x1] =	stream.indirect.gather [spmem:s2], $0x80, s16, s15, $0xb8;
	[tilespmem:$0x16100] =	vst v63  }
0xee: {  	_ =	swait.ge [sflag:s19], $0x2800  }
0xef: {  	[sflag:s19] =	ssyncset.done $0x0  }
0xf0: {  	[sflag:s19] =	ssyncadd.s32 $0xFFFFD800  }
0xf1: {  	[hbm4b:s11+s3] =	stream.linear.scatter [tilespmem:s17], [sflag:$0x2], $0x2800, $0x38;
	[tilespmem:$0x16100] =	vst v63  }
0xf2: {  	_ =	swait.ge [sflag:s18], $0x2800  }
0xf3: {  	[sflag:s18] =	ssyncset.done $0x0  }
0xf4: {  	[sflag:s18] =	ssyncadd.s32 $0xFFFFD800  }
0xf5: {  	[tilespmem:$0x13880] =	vst v7  }
0xf6: {  	[tilespmem:$0x13890] =	vst v36  }
0xf7: {  	[tilespmem:$0x138A0] =	vst v37  }
0xf8: {  	[tilespmem:$0x138B0] =	vst v38  }
0xf9: {  	[tilespmem:$0x138C0] =	vst v39  }
0xfa: {  	[tilespmem:s17], [sflag:$0x1] =	stream.indirect.gather [spmem:s2], $0x80, s16, s15, $0xb8;
	[tilespmem:$0x16100] =	vst v63  }
0xfb: {  	s20 =	sadd.s32 $0x1, s20;
	_ =	swait.ge [sflag:s19], $0x2800  }
0xfc: {  	p0 =	sne.s32 s20, s13;
	[sflag:s19] =	ssyncset.done $0x0  }
.Ltmp3:
0xfd: {  	[sflag:s19] =	ssyncadd.s32 $0xFFFFD800;
	(pc) =	sbr.rel @p0 .LBB2_1-.Ltmp3, $4  }
0xfe: {  	[hbm4b:s12+s3] =	stream.linear.scatter [tilespmem:s17], [sflag:$0x2], $0x2800, $0x38;
	[tilespmem:$0x16100] =	vst v63  }
0xff: {  	_ =	swait.ge [sflag:s18], $0x2800  }
0x100: {  	[sflag:s18] =	ssyncset.done $0x0  }
0x101: {  	[sflag:s18] =	ssyncadd.s32 $0xFFFFD800  }
0x102: {  	_ =	sfence.sel $0x180000  }
0x103: {  	[bflag:$0x0] =	sbarrier.arrive $0xFFFF  }
0x104: {  	p0 =	sne.s32 s1, $0x0;
	_ =	strace $0x90000047  }
0x105: {  	s0 =	sadd.s32 @!p0 $0x100000, s0;
	[bflag:$0x2] =	sbarrier.arrive $0xFFFF  }
0x106: {  	[sflag:s0] =	ssyncadd.tile.s32 @!p0 $0x1;
	_ =	shalt  }
.Lfunc_end2:
_tile_overlayer_lowered:
.L_overlay_start_2:
0x107: {  	(tag) =	ssettag $0x2  }
0x108: {  	s0 =	rddreg [dreg:$0x0];
	s2 =	stileid.u32  }
0x109: {  	s1 =	rddreg [dreg:$0x1];
	p0 =	sne.s32 s2, $0x0  }
0x10a: {  	s3 =	rddreg [dreg:$0x2];
	[bflag:$0x3] =	sbarrier.arrive $0xFFFF;
	s2 =	simm.s32 @!p0 $0x1C02  }
0x10b: {  	[timem:s3], [sflag:s2] =	dma.local @!p0 [hbm:s0], s1  }
0x10c: {  	s0 =	simm.s32 @!p0 $0x2  }
0x10d: {  	_ =	swait.ge @!p0 [sflag:s0], s1  }
0x10e: {  	s1 =	ssub.s32 @!p0 $0x0, s1;
	[sflag:s0] =	ssyncset.done @!p0 $0x0  }
0x10f: {  	[sflag:s0] =	ssyncadd.s32 @!p0 s1  }
0x110: {  	[bflag:$0x3] =	sbarrier.arrive $0xFFFF  }
0x111: {  	_ =	shalt  }

// kernel: kernel.14.cloned.1.call-start
scs
__scs_entry_jumppad:
0x0: {  	(pc) =	sbr.rel $0x88, $3  }
0x1: {  	(tag) =	ssettag $0x0;
	lr =	simm.s32 $0x1  }
0x2: {  	[smem:$0x3F99] =	sst lr;
	_ =	strace $0xD0000000  }
0x3: {  	_ = 	snop  }
0x4: {  	_ = 	snop  }
0x5: {  	_ = 	snop  }
0x6: {  	_ = 	snop  }
0x7: {  	_ = 	snop  }
__scs_overlays_trampoline_lowered:
0x8: {  	[smem:$0x3FA8] =	sst s0  }
0x9: {  	[smem:$0x3FA9] =	sst s1  }
0xa: {  	[smem:$0x3FAA] =	sst s2  }
0xb: {  	[smem:$0x3FAB] =	sst s3  }
0xc: {  	[smem:$0x3FAC] =	sst s4  }
0xd: {  	[smem:$0x3FAD] =	sst s5  }
0xe: {  	[smem:$0x3FAE] =	sst s6  }
0xf: {  	[smem:$0x3FAF] =	sst s7  }
0x10: {  	[smem:$0x3FB0] =	sst s8  }
0x11: {  	[smem:$0x3FB1] =	sst s9;
	s0 =	simm.s32 @!p0 $0x0  }
0x12: {  	s1 =	sld [smem:$0x3F97];
	s0 =	simm.s32 @p0 $0x1  }
0x13: {  	[smem:$0x3FB2] =	sst s0;
	s0 =	simm.s32 @!p1 $0x0  }
0x14: {  	s2 =	sld [smem:$0x3F96];
	s0 =	simm.s32 @p1 $0x1  }
0x15: {  	[smem:$0x3FB3] =	sst s0;
	s0 =	simm.s32 @!p2 $0x0  }
0x16: {  	s3 =	sld [smem:$0x3FDB];
	s0 =	simm.s32 @p2 $0x1  }
0x17: {  	s4 =	simm.s32 $0x1BF5;
	[smem:$0x3FB5] =	sst s0  }
0x18: {  	s0 =	sld [smem:$0x3F98];
	_ =	swait.ge [sflag:s4], $0x0  }
0x19: {  	s7 =	sld [smem:$0x3F99]  }
0x1a: {  	s8 =	sadd.s32 $0xFFFFE003, lr  }
0x1b: {  	s9 =	sadd.s32 $0xFFFFFEF7, lr;
	s5 =	simm.s32 $0xFFFFFFFF;
	p2 =	slt.u32 s8, $0xFFFFF086  }
0x1c: {  	p1 =	slt.u32 s9, $0xF7A;
	s5 =	simm.s32 @!p2 $0x0  }
0x1d: {  	s5 =	simm.s32 @p1 $0x1;
	p0 =	seq.s32 s7, s2  }
0x1e: {  	s7 =	smul.u32 @!p0 $0xF7A, s2;
	p2 =	seq.s32 @!p0 s5, $0x0  }
0x1f: {  	s9 =	smul.u32 $0xF7A, s1;
	s8 =	simm.s32 @!p0 $0x1BF5;
	p2 =	por !p2, p0  }
0x20: {  	[sflag:s8] =	ssyncset.s32 @!p0 $0xFFFFF086;
	s6 =	sadd.s32 @!p0 s3, s7;
	s7 =	simm.s32 @!p0 $0x108  }
0x21: {  	s3 =	sadd.s32 s3, s9;
	s6 =	sadd.s32 @!p0 $0x88, s6;
	s7 =	simm.s32 @p2 $0x1082  }
0x22: {  	[simem:s7], [sflag:s8] =	dma.local @!p0 [hbm:s6], $0xF7A  }
0x23: {  	s9 =	sor.u32 $0xD0000000, s2;
	s6 =	simm.s32 $0x108;
	_ =	swait.ge @!p0 [sflag:s8], $0x0  }
0x24: {  	s3 =	sadd.s32 $0x88, s3;
	s6 =	simm.s32 @!p1 $0x1082;
	[sflag:s4] =	ssyncset.s32 $0xFFFFF086  }
0x25: {  	[simem:s6], [sflag:s4] =	dma.local [hbm:s3], $0xF7A  }
0x26: {  	[smem:$0x3F99] =	sst s1;
	(tag) =	ssettag s2;
	_ =	strace s9  }
0x27: {  	s1 =	sld [smem:$0x3FA9]  }
0x28: {  	s2 =	sld [smem:$0x3FAA]  }
0x29: {  	s4 =	sld [smem:$0x3FAC]  }
0x2a: {  	p0 =	seq.s32 s5, $0x0;
	s5 =	sld [smem:$0x3FAD]  }
0x2b: {  	s6 =	sld [smem:$0x3FAE]  }
0x2c: {  	s7 =	sld [smem:$0x3FAF]  }
0x2d: {  	s3 =	simm.s32 $0x108;
	s8 =	sld [smem:$0x3FB0]  }
0x2e: {  	s3 =	simm.s32 @!p0 $0x1082;
	s9 =	sld [smem:$0x3FB1]  }
0x2f: {  	lr =	sadd.s32 s0, s3;
	s0 =	sld [smem:$0x3FA8]  }
0x30: {  	s3 =	sld [smem:$0x3FAB]  }
0x31: {  	[smem:$0x3FB4] =	sst s10  }
0x32: {  	s10 =	sld [smem:$0x3FB2];
	_ =	sdelay $0x3  }
0x33: {  	p0 =	seq.s32 s10, $0x1;
	s10 =	sld [smem:$0x3FB4];
	_ =	sdelay $0x3  }
0x34: {  	[smem:$0x3FB4] =	sst s10  }
0x35: {  	s10 =	sld [smem:$0x3FB3];
	_ =	sdelay $0x3  }
0x36: {  	p1 =	seq.s32 s10, $0x1;
	s10 =	sld [smem:$0x3FB4];
	_ =	sdelay $0x3  }
0x37: {  	[smem:$0x3FB4] =	sst s10  }
0x38: {  	s10 =	sld [smem:$0x3FB5]  }
0x39: {  	_ = 	snop;
	(pc) =	sbr.ind lr, $3  }
0x3a: {  	_ = 	snop  }
0x3b: {  	_ = 	snop  }
0x3c: {  	p2 =	seq.s32 s10, $0x1;
	s10 =	sld [smem:$0x3FB4]  }
0x3d: {  	_ =	shalt  }
0x3e: {  	_ =	shalt  }
0x3f: {  	_ =	shalt  }
0x40: {  	_ =	shalt  }
0x41: {  	_ =	shalt  }
0x42: {  	_ =	shalt  }
0x43: {  	_ =	shalt  }
0x44: {  	_ =	shalt  }
0x45: {  	_ =	shalt  }
0x46: {  	_ =	shalt  }
0x47: {  	_ =	shalt  }
0x48: {  	_ =	shalt  }
0x49: {  	_ =	shalt  }
0x4a: {  	_ =	shalt  }
0x4b: {  	_ =	shalt  }
0x4c: {  	_ =	shalt  }
0x4d: {  	_ =	shalt  }
0x4e: {  	_ =	shalt  }
0x4f: {  	_ =	shalt  }
0x50: {  	_ =	shalt  }
0x51: {  	_ =	shalt  }
0x52: {  	_ =	shalt  }
0x53: {  	_ =	shalt  }
0x54: {  	_ =	shalt  }
0x55: {  	_ =	shalt  }
0x56: {  	_ =	shalt  }
0x57: {  	_ =	shalt  }
0x58: {  	_ =	shalt  }
0x59: {  	_ =	shalt  }
0x5a: {  	_ =	shalt  }
0x5b: {  	_ =	shalt  }
0x5c: {  	_ =	shalt  }
0x5d: {  	_ =	shalt  }
0x5e: {  	_ =	shalt  }
0x5f: {  	_ =	shalt  }
0x60: {  	_ =	shalt  }
0x61: {  	_ =	shalt  }
0x62: {  	_ =	shalt  }
0x63: {  	_ =	shalt  }
0x64: {  	_ =	shalt  }
0x65: {  	_ =	shalt  }
0x66: {  	_ =	shalt  }
0x67: {  	_ =	shalt  }
0x68: {  	_ =	shalt  }
0x69: {  	_ =	shalt  }
0x6a: {  	_ =	shalt  }
0x6b: {  	_ =	shalt  }
0x6c: {  	_ =	shalt  }
0x6d: {  	_ =	shalt  }
0x6e: {  	_ =	shalt  }
0x6f: {  	_ =	shalt  }
0x70: {  	_ =	shalt  }
0x71: {  	_ =	shalt  }
0x72: {  	_ =	shalt  }
0x73: {  	_ =	shalt  }
0x74: {  	_ =	shalt  }
0x75: {  	_ =	shalt  }
0x76: {  	_ =	shalt  }
0x77: {  	_ =	shalt  }
0x78: {  	_ =	shalt  }
0x79: {  	_ =	shalt  }
0x7a: {  	_ =	shalt  }
0x7b: {  	_ =	shalt  }
0x7c: {  	_ =	shalt  }
0x7d: {  	_ =	shalt  }
0x7e: {  	_ =	shalt  }
0x7f: {  	_ =	shalt  }
0x80: {  	_ =	shalt  }
0x81: {  	_ =	shalt  }
0x82: {  	_ =	shalt  }
0x83: {  	_ =	shalt  }
0x84: {  	_ =	shalt  }
0x85: {  	_ =	shalt  }
0x86: {  	_ =	shalt  }
0x87: {  	_ =	shalt  }
.Lfunc_end0:
.L_simem_size_0:
called_computation.2_lowered:
.L_overlay_start_0:
0x88: {  	s2 =	sld [smem:$0x3FD9]  }
0x89: {  	s3 =	sld [smem:$0x3FFE];
	_ =	sdelay $0x1  }
0x8a: {  	s1 =	srdreg.scid  }
0x8b: {  	s0 =	sand.u32 $0x1, s1  }
0x8c: {  	s17 =	sshll.u32 s0, $0xA;
	s2 =	sadd.s32 s3, s2  }
0x8d: {  	s2 =	sadd.s32 s2, s17  }
0x8e: {  	[smem:$0x3FC0] =	sst s2  }
0x8f: {  	_ = 	snop  }
0x90: {  	s2 =	sld [smem:$0x3FD0];
	(tm) =	ssettm $0x1  }
0x91: {  	s18 =	sld [smem:$0x3FFB];
	_ =	sdelay $0x3  }
0x92: {  	_ =	strace s18  }
0x93: {  	s3 =	sld [smem:$0x3FFC];
	_ =	sdelay $0x3  }
0x94: {  	_ =	strace s3  }
0x95: {  	s3 =	sld [smem:$0x3FFD];
	_ =	sdelay $0x3  }
0x96: {  	_ =	strace s3  }
0x97: {  	_ =	strace $0x8FFFFFFF  }
0x98: {  	s19 =	sld [smem:$0x3FDB];
	_ =	sdelay $0x1  }
0x99: {  	s4 =	simm.s32 $_scs_section_size  }
0x9a: {  	s5 =	simm.s32 $_size__tile_overlayer_lowered;
	s6 =	simm.s32 $_tile_overlayer_lowered  }
0x9b: {  	s22 =	simm.s32 $0x1BFF;
	s21 =	sshll.u32 s6, $0x1;
	s3 =	sadd.s32 s4, s19  }
0x9c: {  	s7 =	simm.s32 $0x0;
	s20 =	sshll.u32 s5, $0x1;
	s5 =	sadd.s32 s21, s3  }
0x9d: {  	[timem:s7], [sflag:s22] =	dma.local [hbm:s5], s20  }
0x9e: {  	_ =	swait.ge [sflag:s22], s20  }
0x9f: {  	s4 =	ssub.s32 $0x0, s20;
	[sflag:s22] =	ssyncset.done $0x0  }
0xa0: {  	[sflag:s22] =	ssyncadd.s32 s4;
	_ =	sdelay $0x1  }
0xa1: {  	s23 =	simm.s32 $0x1B8B  }
0xa2: {  	_ =	swait.ge [sflag:s23], $0x1  }
0xa3: {  	[sflag:s23] =	ssyncset.done $0x0  }
0xa4: {  	s25 =	simm.s32 $0x1B8E;
	s24 =	sld [smem:$0x3FFE];
	[sflag:s23] =	ssyncadd.s32 $0xFFFFFFFF  }
0xa5: {  	s26 =	simm.s32 $execute0_lowered;
	[smem:$0x3FD2] =	sst s25  }
0xa6: {  	s5 =	sshll.u32 s26, $0x1;
	_ =	strace $0x8000004C;
	[dreg:$0x1] =	wrdreg $0xFFFFFFFF  }
0xa7: {  	s28 =	simm.s32 $_size_execute0_lowered;
	s3 =	sadd.s32 s3, s5;
	[dreg:$0x0] =	wrdreg $0x0  }
0xa8: {  	s5 =	sshll.u32 s28, $0x1;
	[dreg:$0x2] =	wrdreg s3  }
0xa9: {  	[dreg:$0x3] =	wrdreg s5  }
0xaa: {  	[dreg:$0x4] =	wrdreg $0xC0  }
0xab: {  	_ =	task [dreg:s7], $0x5FFFF  }
0xac: {  	[dreg:$0x1] =	wrdreg $0xFFFFFFFF  }
0xad: {  	[dreg:$0x0] =	wrdreg $0x60  }
0xae: {  	[dreg:$0x2] =	wrdreg s2  }
0xaf: {  	[dreg:$0x3] =	wrdreg s24  }
0xb0: {  	[dreg:$0x4] =	wrdreg $0x0  }
0xb1: {  	[dreg:$0x5] =	wrdreg $0x9  }
0xb2: {  	_ =	task.clear_ibuf [dreg:s7], $0x6FFFF;
	_ =	strace $0x9000004C  }
0xb3: {  	s29 =	simm.s32 $0x9;
	_ =	strace $0x8000004E  }
0xb4: {  	_ =	swait.ge [sflag:s29], $0x1  }
0xb5: {  	[sflag:s29] =	ssyncadd.s32 $0xFFFFFFFF  }
0xb6: {  	_ =	strace $0x9000004E  }
0xb7: {  	_ =	sfence  }
0xb8: {  	s30 =	sld [smem:$0x0];
	_ =	sdelay $0x2  }
0xb9: {  	s31 =	sshll.u32 s1, $0xD;
	s1 =	sshrl.u32 s1, $0x2  }
0xba: {  	s3 =	sand.u32 $0x4000, s31;
	s1 =	sadd.s32 s1, s30  }
0xbb: {  	s0 =	sor.u32 s3, s0;
	s1 =	sshll.u32 s1, $0x11  }
0xbc: {  	s0 =	sor.u32 s1, s0  }
0xbd: {  	s0 =	sadd.s32 $0x8F2B, s0  }
0xbe: {  	[sflag:s0] =	ssyncadd.remote.s32 $0x1  }
0xbf: {  	_ =	sfence.sel $0xFFFF  }
0xc0: {  	[dreg:$0x0] =	wrdreg $0xFFFFFFFF;
	(pc) =	sbr.abs _section_cstart, $3  }
0xc1: {  	[dreg:$0x1] =	wrdreg $0xFFFFFFFF  }
0xc2: {  	_ =	task.clear_ibuf [dreg:s7], $0x2FFFF;
	_ =	strace $0x9FFFFFFF  }
0xc3: {  	(tm) =	ssettm $0x7FFFFFFF  }
tec
execute0_lowered:
.L_overlay_start_1:
0x0: {  	(tag) =	ssettag $0x1  }
0x1: {  	s1 =	rddreg [dreg:$0x0]  }
0x2: {  	s7 =	rddreg [dreg:$0x1]  }
0x3: {  	s3 =	rddreg [dreg:$0x2]  }
0x4: {  	s0 =	rddreg [dreg:$0x3];
	s4 =	simm.s32 $0x0;
	s2 =	stileid.u32  }
0x5: {  	s5 =	srdreg.scid;
	[smem:$0x7FF] =	sst s4  }
0x6: {  	v11 =	vlaneseq.u32;
	s9 =	smul.u32 $0x50, s2;
	s6 =	sor.u32 $0x70, s2;
	s8 =	sand.u32 $0x1, s5  }
0x7: {  	s14 =	sadd.s32 $0x63A00, s7;
	v36 =	vor.u32 $0x10, v11;
	v37 =	vor.u32 $0x20, v11;
	_ =	strace $0x8000004D;
	s30 =	sadd.s32 $0xFFFFFF83, s6  }
0x8: {  	v38 =	vor.u32 $0x30, v11;
	v39 =	vor.u32 $0x40, v11;
	s16 =	smul.u32 $0x2710, s8;
	s31 =	ssub.s32 $0x2, s8;
	s10 =	sadd.s32 $0x500, s9;
	v0 =	vor.u32 s9, v11  }
0x9: {  	s11 =	sadd.s32 $0xA00, s9;
	s12 =	sadd.s32 $0xF00, s9;
	s5 =	smin.u32 s6, s30;
	v8 =	vadd.s32 s9, v36;
	v9 =	vadd.s32 s9, v37;
	v10 =	vadd.s32 s9, v38  }
0xa: {  	s13 =	sadd.s32 $0x1400, s9;
	s15 =	sadd.s32 $0x1900, s9;
	s18 =	sadd.s32 $0x1E00, s9;
	v1 =	vor.u32 s10, v11;
	v2 =	vor.u32 s11, v11;
	v3 =	vor.u32 s12, v11  }
0xb: {  	s6 =	sadd.s32 $0x1C00, s7;
	s8 =	sshrl.u32 s31, $0x1;
	s21 =	smul.u32 $0x50, s5;
	v4 =	vor.u32 s13, v11;
	v5 =	vor.u32 s15, v11;
	v6 =	vor.u32 s18, v11  }
0xc: {  	s5 =	sadd.s32 $0xBA00, s7;
	s17 =	sadd.s32 s9, s16;
	s19 =	sadd.s32 s16, s10;
	v12 =	vadd.s32 s10, v36;
	v13 =	vadd.s32 s10, v37;
	v14 =	vadd.s32 s10, v38  }
0xd: {  	s20 =	ssub.s32 s31, s8;
	s23 =	sadd.s32 s16, s11;
	s25 =	sadd.s32 s16, s12;
	v15 =	vadd.s32 s10, v39;
	v16 =	vadd.s32 s11, v36;
	v17 =	vadd.s32 s11, v37  }
0xe: {  	s26 =	sadd.s32 s16, s13;
	v18 =	vadd.s32 s11, v38;
	v19 =	vadd.s32 s11, v39;
	s30 =	sadd.s32 s16, s15;
	s31 =	sadd.s32 s16, s18;
	v32 =	vadd.s32 s18, v36  }
0xf: {  	v33 =	vadd.s32 s18, v37;
	v34 =	vadd.s32 s18, v38;
	v35 =	vadd.s32 s18, v39;
	s18 =	simm.s32 $0x13900;
	s17 =	sshll.u32 s17, $0x4;
	s22 =	sshll.u32 s19, $0x4  }
0x10: {  	v20 =	vadd.s32 s12, v36;
	v21 =	vadd.s32 s12, v37;
	v28 =	vadd.s32 s15, v36;
	s24 =	sshll.u32 s23, $0x4;
	s28 =	sshll.u32 s25, $0x4;
	s29 =	sshll.u32 s26, $0x4  }
0x11: {  	v29 =	vadd.s32 s15, v37;
	v30 =	vadd.s32 s15, v38;
	v31 =	vadd.s32 s15, v39;
	s19 =	sshll.u32 s31, $0x4;
	s23 =	smul.u32 $0x4E20, s2;
	s15 =	smax.u32 s20, $0x1  }
0x12: {  	v22 =	vadd.s32 s12, v38;
	v23 =	vadd.s32 s12, v39;
	v24 =	vadd.s32 s13, v36;
	s20 =	simm.s32 $0x2;
	s7 =	sadd.s32 s14, s17;
	s8 =	sadd.s32 s14, s22  }
0x13: {  	v25 =	vadd.s32 s13, v37;
	v7 =	vor.u32 s21, v11;
	v11 =	vadd.s32 s9, v39;
	s9 =	sadd.s32 s14, s24;
	s10 =	sadd.s32 s14, s28;
	s11 =	sadd.s32 s14, s29  }
0x14: {  	v26 =	vadd.s32 s13, v38;
	v27 =	vadd.s32 s13, v39;
	s17 =	sshll.u32 s30, $0x4;
	s22 =	sadd.s32 s16, s21;
	s13 =	sadd.s32 s14, s19;
	v36 =	vadd.s32 s21, v36  }
0x15: {  	v37 =	vadd.s32 s21, v37;
	s19 =	simm.s32 $0x13980;
	v38 =	vadd.s32 s21, v38;
	v39 =	vadd.s32 s21, v39;
	s21 =	simm.s32 $0x13880;
	s22 =	sshll.u32 s22, $0x4  }
0x16: {  	s12 =	sadd.s32 s14, s17;
	s16 =	sadd.s32 s16, s23;
	s17 =	simm.s32 $0x50  }
0x17: {  	v40 =	vimm.f32 $0.0e+00;
	s23 =	simm.s32 $0x0;
	s14 =	sadd.s32 s14, s22;
	s22 =	simm.s32 $0x1  }
.LBB2_1:
0x18: {  	s24 =	simm.s32 $0x0;
	s25 =	simm.s32 $0x200  }
.LBB2_2:
0x19: {  	p0 =	sne.s32 s25, $0x9E00;
	[tilespmem:s24+$0x139F0] =	vst v40  }
0x1a: {  	[tilespmem:s24+$0x13980] =	vst v40  }
0x1b: {  	[tilespmem:s24+$0x13990] =	vst v40  }
.Ltmp0:
0x1c: {  	[tilespmem:s24+$0x139A0] =	vst v40;
	(pc) =	sbr.rel @p0 .LBB2_2-.Ltmp0, $4  }
0x1d: {  	[tilespmem:s24+$0x139B0] =	vst v40  }
0x1e: {  	[tilespmem:s24+$0x139C0] =	vst v40  }
0x1f: {  	[tilespmem:s24+$0x139D0] =	vst v40  }
0x20: {  	[tilespmem:s24+$0x139E0] =	vst v40;
	s24 =	sshra.s32 s25, $0x2;
	s25 =	sadd.s32 $0x200, s25  }
0x21: {  	[tilespmem:s24+$0x139F0] =	vst v40  }
0x22: {  	[tilespmem:s24+$0x13980] =	vst v40  }
0x23: {  	[tilespmem:s24+$0x13990] =	vst v40  }
0x24: {  	[tilespmem:s24+$0x139A0] =	vst v40  }
0x25: {  	[tilespmem:s24+$0x139B0] =	vst v40  }
0x26: {  	[tilespmem:s24+$0x139C0] =	vst v40  }
0x27: {  	[tilespmem:s24+$0x139D0] =	vst v40  }
0x28: {  	[tilespmem:s24+$0x139E0] =	vst v40  }
0x29: {  	[tilespmem:$0x13900] =	vst v0  }
0x2a: {  	[tilespmem:$0x13910] =	vst v8  }
0x2b: {  	[tilespmem:$0x13920] =	vst v9  }
0x2c: {  	[tilespmem:$0x13930] =	vst v10  }
0x2d: {  	[tilespmem:$0x13940] =	vst v11  }
0x2e: {  	[spmem:s3] =	stream.indirect.scatter [tilespmem:s19], [sflag:$0x2], $0x80, s18, s17, $0xb8;
	[tilespmem:$0x16180] =	vst v63  }
0x2f: {  	_ =	swait.ge [sflag:s20], $0x2800  }
0x30: {  	[sflag:s20] =	ssyncset.done $0x0  }
0x31: {  	[sflag:s20] =	ssyncadd.s32 $0xFFFFD800  }
0x32: {  	[tilespmem:$0x13900] =	vst v1  }
0x33: {  	[tilespmem:$0x13910] =	vst v12  }
0x34: {  	[tilespmem:$0x13920] =	vst v13  }
0x35: {  	[tilespmem:$0x13930] =	vst v14  }
0x36: {  	[tilespmem:$0x13940] =	vst v15  }
0x37: {  	[spmem:s3] =	stream.indirect.scatter [tilespmem:s19], [sflag:$0x2], $0x80, s18, s17, $0xb8;
	[tilespmem:$0x16180] =	vst v63  }
0x38: {  	_ =	swait.ge [sflag:s20], $0x2800  }
0x39: {  	[sflag:s20] =	ssyncset.done $0x0  }
0x3a: {  	[sflag:s20] =	ssyncadd.s32 $0xFFFFD800  }
0x3b: {  	[tilespmem:$0x13900] =	vst v2  }
0x3c: {  	[tilespmem:$0x13910] =	vst v16  }
0x3d: {  	[tilespmem:$0x13920] =	vst v17  }
0x3e: {  	[tilespmem:$0x13930] =	vst v18  }
0x3f: {  	[tilespmem:$0x13940] =	vst v19  }
0x40: {  	[spmem:s3] =	stream.indirect.scatter [tilespmem:s19], [sflag:$0x2], $0x80, s18, s17, $0xb8;
	[tilespmem:$0x16180] =	vst v63  }
0x41: {  	_ =	swait.ge [sflag:s20], $0x2800  }
0x42: {  	[sflag:s20] =	ssyncset.done $0x0  }
0x43: {  	[sflag:s20] =	ssyncadd.s32 $0xFFFFD800  }
0x44: {  	[tilespmem:$0x13900] =	vst v3  }
0x45: {  	[tilespmem:$0x13910] =	vst v20  }
0x46: {  	[tilespmem:$0x13920] =	vst v21  }
0x47: {  	[tilespmem:$0x13930] =	vst v22  }
0x48: {  	[tilespmem:$0x13940] =	vst v23  }
0x49: {  	[spmem:s3] =	stream.indirect.scatter [tilespmem:s19], [sflag:$0x2], $0x80, s18, s17, $0xb8;
	[tilespmem:$0x16180] =	vst v63  }
0x4a: {  	_ =	swait.ge [sflag:s20], $0x2800  }
0x4b: {  	[sflag:s20] =	ssyncset.done $0x0  }
0x4c: {  	[sflag:s20] =	ssyncadd.s32 $0xFFFFD800  }
0x4d: {  	[tilespmem:$0x13900] =	vst v4  }
0x4e: {  	[tilespmem:$0x13910] =	vst v24  }
0x4f: {  	[tilespmem:$0x13920] =	vst v25  }
0x50: {  	[tilespmem:$0x13930] =	vst v26  }
0x51: {  	[tilespmem:$0x13940] =	vst v27  }
0x52: {  	[spmem:s3] =	stream.indirect.scatter [tilespmem:s19], [sflag:$0x2], $0x80, s18, s17, $0xb8;
	[tilespmem:$0x16180] =	vst v63  }
0x53: {  	_ =	swait.ge [sflag:s20], $0x2800  }
0x54: {  	[sflag:s20] =	ssyncset.done $0x0  }
0x55: {  	[sflag:s20] =	ssyncadd.s32 $0xFFFFD800  }
0x56: {  	[tilespmem:$0x13900] =	vst v5  }
0x57: {  	[tilespmem:$0x13910] =	vst v28  }
0x58: {  	[tilespmem:$0x13920] =	vst v29  }
0x59: {  	[tilespmem:$0x13930] =	vst v30  }
0x5a: {  	[tilespmem:$0x13940] =	vst v31  }
0x5b: {  	[spmem:s3] =	stream.indirect.scatter [tilespmem:s19], [sflag:$0x2], $0x80, s18, s17, $0xb8;
	[tilespmem:$0x16180] =	vst v63  }
0x5c: {  	_ =	swait.ge [sflag:s20], $0x2800  }
0x5d: {  	[sflag:s20] =	ssyncset.done $0x0  }
0x5e: {  	[sflag:s20] =	ssyncadd.s32 $0xFFFFD800  }
0x5f: {  	[tilespmem:$0x13900] =	vst v6  }
0x60: {  	[tilespmem:$0x13910] =	vst v32  }
0x61: {  	[tilespmem:$0x13920] =	vst v33  }
0x62: {  	[tilespmem:$0x13930] =	vst v34  }
0x63: {  	[tilespmem:$0x13940] =	vst v35  }
0x64: {  	[spmem:s3] =	stream.indirect.scatter [tilespmem:s19], [sflag:$0x2], $0x80, s18, s17, $0xb8;
	[tilespmem:$0x16180] =	vst v63  }
0x65: {  	_ =	swait.ge [sflag:s20], $0x2800  }
0x66: {  	[sflag:s20] =	ssyncset.done $0x0  }
0x67: {  	[sflag:s20] =	ssyncadd.s32 $0xFFFFD800  }
0x68: {  	[tilespmem:$0x13900] =	vst v7  }
0x69: {  	[tilespmem:$0x13910] =	vst v36  }
0x6a: {  	[tilespmem:$0x13920] =	vst v37  }
0x6b: {  	[tilespmem:$0x13930] =	vst v38  }
0x6c: {  	[tilespmem:$0x13940] =	vst v39  }
0x6d: {  	[spmem:s3] =	stream.indirect.scatter [tilespmem:s19], [sflag:$0x2], $0x80, s18, s17, $0xb8;
	[tilespmem:$0x16180] =	vst v63  }
0x6e: {  	_ =	swait.ge [sflag:s20], $0x2800  }
0x6f: {  	s30 =	sadd.s32 $0x0, s16;
	[sflag:s20] =	ssyncset.done $0x0  }
0x70: {  	s24 =	sshrl.u32 s30, $0x3;
	[sflag:s20] =	ssyncadd.s32 $0xFFFFD800  }
0x71: {  	s25 =	sadd.s32 s6, s24;
	[bflag:$0x0] =	sbarrier.arrive $0xFFFF  }
0x72: {  	[tilespmem:s18], [sflag:$0x2] =	stream.linear.gather [hbm4b:s25+s4], $0x50, $0x38;
	[tilespmem:$0x16180] =	vst v63  }
0x73: {  	_ =	swait.ge [sflag:s20], $0x50  }
0x74: {  	[sflag:s20] =	ssyncset.done $0x0  }
0x75: {  	s24 =	sadd.s32 s5, s24;
	[sflag:s20] =	ssyncadd.s32 $0xFFFFFFB0  }
0x76: {  	[tilespmem:s21], [sflag:$0x2] =	stream.linear.gather [hbm4b:s24+s4], $0x50, $0x38;
	[tilespmem:$0x16180] =	vst v63  }
0x77: {  	_ =	swait.ge [sflag:s20], $0x50  }
0x78: {  	[sflag:s20] =	ssyncset.done $0x0  }
0x79: {  	[sflag:s20] =	ssyncadd.s32 $0xFFFFFFB0  }
0x7a: {  	[tilespmem:s19], [sflag:$0x1] =	stream.indirect.gather [hbm4b:s1+s17], $0x80, s21, s17, $0xb8;
	[tilespmem:$0x16180] =	vst v63  }
0x7b: {  	_ =	swait.ge [sflag:s22], $0x2800  }
0x7c: {  	[sflag:s22] =	ssyncset.done $0x0  }
0x7d: {  	[sflag:s22] =	ssyncadd.s32 $0xFFFFD800  }
0x7e: {  	[spmem:s3] =	stream.indirect.scatter.add.f32 [tilespmem:s19], [sflag:$0x2], $0x80, s18, s17, $0xb8;
	[tilespmem:$0x16180] =	vst v63  }
0x7f: {  	s31 =	sadd.s32 $0x50, s16;
	_ =	swait.ge [sflag:s20], $0x2800  }
0x80: {  	s25 =	simm.s32 $0xA0;
	s24 =	sshrl.u32 s31, $0x3;
	[sflag:s20] =	ssyncset.done $0x0  }
.LBB2_4:
0x81: {  	s26 =	sadd.s32 s6, s24  }
0x82: {  	[sflag:s20] =	ssyncadd.s32 $0xFFFFD800;
	s28 =	smov.u32 s25;
	s29 =	sadd.s32 $0x50, s25  }
0x83: {  	[tilespmem:s18], [sflag:$0x2] =	stream.linear.gather [hbm4b:s26+s4], $0x50, $0x38;
	[tilespmem:$0x16180] =	vst v63  }
0x84: {  	p0 =	sne.s32 s25, $0x26C0;
	_ =	swait.ge [sflag:s20], $0x50  }
0x85: {  	[sflag:s20] =	ssyncset.done $0x0  }
0x86: {  	s24 =	sadd.s32 s5, s24;
	[sflag:s20] =	ssyncadd.s32 $0xFFFFFFB0  }
0x87: {  	[tilespmem:s21], [sflag:$0x2] =	stream.linear.gather [hbm4b:s24+s4], $0x50, $0x38;
	[tilespmem:$0x16180] =	vst v63  }
0x88: {  	_ =	swait.ge [sflag:s20], $0x50  }
0x89: {  	[sflag:s20] =	ssyncset.done $0x0  }
0x8a: {  	[sflag:s20] =	ssyncadd.s32 $0xFFFFFFB0  }
0x8b: {  	[tilespmem:s19], [sflag:$0x1] =	stream.indirect.gather [hbm4b:s1+s17], $0x80, s21, s17, $0xb8;
	[tilespmem:$0x16180] =	vst v63  }
0x8c: {  	_ =	swait.ge [sflag:s22], $0x2800  }
.Ltmp1:
0x8d: {  	[sflag:s22] =	ssyncset.done $0x0;
	(pc) =	sbr.rel @p0 .LBB2_4-.Ltmp1, $4  }
0x8e: {  	[sflag:s22] =	ssyncadd.s32 $0xFFFFD800  }
0x8f: {  	[spmem:s3] =	stream.indirect.scatter.add.f32 [tilespmem:s19], [sflag:$0x2], $0x80, s18, s17, $0xb8;
	[tilespmem:$0x16180] =	vst v63  }
0x90: {  	s24 =	sadd.s32 s28, s16;
	_ =	swait.ge [sflag:s20], $0x2800  }
0x91: {  	s25 =	smov.u32 s29;
	s24 =	sshrl.u32 s24, $0x3;
	[sflag:s20] =	ssyncset.done $0x0  }
0x92: {  	s25 =	sadd.s32 s6, s24;
	[sflag:s20] =	ssyncadd.s32 $0xFFFFD800  }
0x93: {  	[tilespmem:s18], [sflag:$0x2] =	stream.linear.gather [hbm4b:s25+s4], $0x50, $0x38;
	[tilespmem:$0x16180] =	vst v63  }
0x94: {  	_ =	swait.ge [sflag:s20], $0x50  }
0x95: {  	[sflag:s20] =	ssyncset.done $0x0  }
0x96: {  	s31 =	sadd.s32 s5, s24;
	[sflag:s20] =	ssyncadd.s32 $0xFFFFFFB0  }
0x97: {  	[tilespmem:s21], [sflag:$0x2] =	stream.linear.gather [hbm4b:s31+s4], $0x50, $0x38;
	[tilespmem:$0x16180] =	vst v63  }
0x98: {  	_ =	swait.ge [sflag:s20], $0x50  }
0x99: {  	[sflag:s20] =	ssyncset.done $0x0  }
0x9a: {  	[sflag:s20] =	ssyncadd.s32 $0xFFFFFFB0  }
0x9b: {  	[tilespmem:s19], [sflag:$0x1] =	stream.indirect.gather [hbm4b:s1+s17], $0x80, s21, s17, $0xb8;
	[tilespmem:$0x16180] =	vst v63  }
0x9c: {  	_ =	swait.ge [sflag:s22], $0x2800  }
0x9d: {  	[sflag:s22] =	ssyncset.done $0x0  }
0x9e: {  	[sflag:s22] =	ssyncadd.s32 $0xFFFFD800  }
0x9f: {  	[spmem:s3] =	stream.indirect.scatter.add.f32 [tilespmem:s19], [sflag:$0x2], $0x80, s18, s17, $0xb8;
	[tilespmem:$0x16180] =	vst v63  }
0xa0: {  	_ =	swait.ge [sflag:s20], $0x2800  }
0xa1: {  	[sflag:s20] =	ssyncset.done $0x0  }
0xa2: {  	[sflag:s20] =	ssyncadd.s32 $0xFFFFD800  }
0xa3: {  	[bflag:$0x0] =	sbarrier.arrive $0xFFFF  }
0xa4: {  	[tilespmem:$0x13900] =	vst v0  }
0xa5: {  	[tilespmem:$0x13910] =	vst v8  }
0xa6: {  	[tilespmem:$0x13920] =	vst v9  }
0xa7: {  	[tilespmem:$0x13930] =	vst v10  }
0xa8: {  	[tilespmem:$0x13940] =	vst v11  }
0xa9: {  	[tilespmem:s19], [sflag:$0x1] =	stream.indirect.gather [spmem:s3], $0x80, s18, s17, $0xb8;
	[tilespmem:$0x16180] =	vst v63  }
0xaa: {  	_ =	swait.ge [sflag:s22], $0x2800  }
0xab: {  	[sflag:s22] =	ssyncset.done $0x0  }
0xac: {  	[sflag:s22] =	ssyncadd.s32 $0xFFFFD800  }
0xad: {  	[hbm4b:s7+s4] =	stream.linear.scatter [tilespmem:s19], [sflag:$0x2], $0x2800, $0x38;
	[tilespmem:$0x16180] =	vst v63  }
0xae: {  	_ =	swait.ge [sflag:s20], $0x2800  }
0xaf: {  	[sflag:s20] =	ssyncset.done $0x0  }
0xb0: {  	[sflag:s20] =	ssyncadd.s32 $0xFFFFD800  }
0xb1: {  	[tilespmem:$0x13900] =	vst v1  }
0xb2: {  	[tilespmem:$0x13910] =	vst v12  }
0xb3: {  	[tilespmem:$0x13920] =	vst v13  }
0xb4: {  	[tilespmem:$0x13930] =	vst v14  }
0xb5: {  	[tilespmem:$0x13940] =	vst v15  }
0xb6: {  	[tilespmem:s19], [sflag:$0x1] =	stream.indirect.gather [spmem:s3], $0x80, s18, s17, $0xb8;
	[tilespmem:$0x16180] =	vst v63  }
0xb7: {  	_ =	swait.ge [sflag:s22], $0x2800  }
0xb8: {  	[sflag:s22] =	ssyncset.done $0x0  }
0xb9: {  	[sflag:s22] =	ssyncadd.s32 $0xFFFFD800  }
0xba: {  	[hbm4b:s8+s4] =	stream.linear.scatter [tilespmem:s19], [sflag:$0x2], $0x2800, $0x38;
	[tilespmem:$0x16180] =	vst v63  }
0xbb: {  	_ =	swait.ge [sflag:s20], $0x2800  }
0xbc: {  	[sflag:s20] =	ssyncset.done $0x0  }
0xbd: {  	[sflag:s20] =	ssyncadd.s32 $0xFFFFD800  }
0xbe: {  	[tilespmem:$0x13900] =	vst v2  }
0xbf: {  	[tilespmem:$0x13910] =	vst v16  }
0xc0: {  	[tilespmem:$0x13920] =	vst v17  }
0xc1: {  	[tilespmem:$0x13930] =	vst v18  }
0xc2: {  	[tilespmem:$0x13940] =	vst v19  }
0xc3: {  	[tilespmem:s19], [sflag:$0x1] =	stream.indirect.gather [spmem:s3], $0x80, s18, s17, $0xb8;
	[tilespmem:$0x16180] =	vst v63  }
0xc4: {  	_ =	swait.ge [sflag:s22], $0x2800  }
0xc5: {  	[sflag:s22] =	ssyncset.done $0x0  }
0xc6: {  	[sflag:s22] =	ssyncadd.s32 $0xFFFFD800  }
0xc7: {  	[hbm4b:s9+s4] =	stream.linear.scatter [tilespmem:s19], [sflag:$0x2], $0x2800, $0x38;
	[tilespmem:$0x16180] =	vst v63  }
0xc8: {  	_ =	swait.ge [sflag:s20], $0x2800  }
0xc9: {  	[sflag:s20] =	ssyncset.done $0x0  }
0xca: {  	[sflag:s20] =	ssyncadd.s32 $0xFFFFD800  }
0xcb: {  	[tilespmem:$0x13900] =	vst v3  }
0xcc: {  	[tilespmem:$0x13910] =	vst v20  }
0xcd: {  	[tilespmem:$0x13920] =	vst v21  }
0xce: {  	[tilespmem:$0x13930] =	vst v22  }
0xcf: {  	[tilespmem:$0x13940] =	vst v23  }
0xd0: {  	[tilespmem:s19], [sflag:$0x1] =	stream.indirect.gather [spmem:s3], $0x80, s18, s17, $0xb8;
	[tilespmem:$0x16180] =	vst v63  }
0xd1: {  	_ =	swait.ge [sflag:s22], $0x2800  }
0xd2: {  	[sflag:s22] =	ssyncset.done $0x0  }
0xd3: {  	[sflag:s22] =	ssyncadd.s32 $0xFFFFD800  }
0xd4: {  	[hbm4b:s10+s4] =	stream.linear.scatter [tilespmem:s19], [sflag:$0x2], $0x2800, $0x38;
	[tilespmem:$0x16180] =	vst v63  }
0xd5: {  	_ =	swait.ge [sflag:s20], $0x2800  }
0xd6: {  	[sflag:s20] =	ssyncset.done $0x0  }
0xd7: {  	[sflag:s20] =	ssyncadd.s32 $0xFFFFD800  }
0xd8: {  	[tilespmem:$0x13900] =	vst v4  }
0xd9: {  	[tilespmem:$0x13910] =	vst v24  }
0xda: {  	[tilespmem:$0x13920] =	vst v25  }
0xdb: {  	[tilespmem:$0x13930] =	vst v26  }
0xdc: {  	[tilespmem:$0x13940] =	vst v27  }
0xdd: {  	[tilespmem:s19], [sflag:$0x1] =	stream.indirect.gather [spmem:s3], $0x80, s18, s17, $0xb8;
	[tilespmem:$0x16180] =	vst v63  }
0xde: {  	_ =	swait.ge [sflag:s22], $0x2800  }
0xdf: {  	[sflag:s22] =	ssyncset.done $0x0  }
0xe0: {  	[sflag:s22] =	ssyncadd.s32 $0xFFFFD800  }
0xe1: {  	[hbm4b:s11+s4] =	stream.linear.scatter [tilespmem:s19], [sflag:$0x2], $0x2800, $0x38;
	[tilespmem:$0x16180] =	vst v63  }
0xe2: {  	_ =	swait.ge [sflag:s20], $0x2800  }
0xe3: {  	[sflag:s20] =	ssyncset.done $0x0  }
0xe4: {  	[sflag:s20] =	ssyncadd.s32 $0xFFFFD800  }
0xe5: {  	[tilespmem:$0x13900] =	vst v5  }
0xe6: {  	[tilespmem:$0x13910] =	vst v28  }
0xe7: {  	[tilespmem:$0x13920] =	vst v29  }
0xe8: {  	[tilespmem:$0x13930] =	vst v30  }
0xe9: {  	[tilespmem:$0x13940] =	vst v31  }
0xea: {  	[tilespmem:s19], [sflag:$0x1] =	stream.indirect.gather [spmem:s3], $0x80, s18, s17, $0xb8;
	[tilespmem:$0x16180] =	vst v63  }
0xeb: {  	_ =	swait.ge [sflag:s22], $0x2800  }
0xec: {  	[sflag:s22] =	ssyncset.done $0x0  }
0xed: {  	[sflag:s22] =	ssyncadd.s32 $0xFFFFD800  }
0xee: {  	[hbm4b:s12+s4] =	stream.linear.scatter [tilespmem:s19], [sflag:$0x2], $0x2800, $0x38;
	[tilespmem:$0x16180] =	vst v63  }
0xef: {  	_ =	swait.ge [sflag:s20], $0x2800  }
0xf0: {  	[sflag:s20] =	ssyncset.done $0x0  }
0xf1: {  	[sflag:s20] =	ssyncadd.s32 $0xFFFFD800  }
0xf2: {  	[tilespmem:$0x13900] =	vst v6  }
0xf3: {  	[tilespmem:$0x13910] =	vst v32  }
0xf4: {  	[tilespmem:$0x13920] =	vst v33  }
0xf5: {  	[tilespmem:$0x13930] =	vst v34  }
0xf6: {  	[tilespmem:$0x13940] =	vst v35  }
0xf7: {  	[tilespmem:s19], [sflag:$0x1] =	stream.indirect.gather [spmem:s3], $0x80, s18, s17, $0xb8;
	[tilespmem:$0x16180] =	vst v63  }
0xf8: {  	_ =	swait.ge [sflag:s22], $0x2800  }
0xf9: {  	[sflag:s22] =	ssyncset.done $0x0  }
0xfa: {  	[sflag:s22] =	ssyncadd.s32 $0xFFFFD800  }
0xfb: {  	[hbm4b:s13+s4] =	stream.linear.scatter [tilespmem:s19], [sflag:$0x2], $0x2800, $0x38;
	[tilespmem:$0x16180] =	vst v63  }
0xfc: {  	_ =	swait.ge [sflag:s20], $0x2800  }
0xfd: {  	[sflag:s20] =	ssyncset.done $0x0  }
0xfe: {  	[sflag:s20] =	ssyncadd.s32 $0xFFFFD800  }
0xff: {  	[tilespmem:$0x13900] =	vst v7  }
0x100: {  	[tilespmem:$0x13910] =	vst v36  }
0x101: {  	[tilespmem:$0x13920] =	vst v37  }
0x102: {  	[tilespmem:$0x13930] =	vst v38  }
0x103: {  	[tilespmem:$0x13940] =	vst v39  }
0x104: {  	[tilespmem:s19], [sflag:$0x1] =	stream.indirect.gather [spmem:s3], $0x80, s18, s17, $0xb8;
	[tilespmem:$0x16180] =	vst v63  }
0x105: {  	s23 =	sadd.s32 $0x1, s23;
	_ =	swait.ge [sflag:s22], $0x2800  }
0x106: {  	p0 =	sne.s32 s23, s15;
	[sflag:s22] =	ssyncset.done $0x0  }
.Ltmp2:
0x107: {  	[sflag:s22] =	ssyncadd.s32 $0xFFFFD800;
	(pc) =	sbr.rel @p0 .LBB2_1-.Ltmp2, $4  }
0x108: {  	[hbm4b:s14+s4] =	stream.linear.scatter [tilespmem:s19], [sflag:$0x2], $0x2800, $0x38;
	[tilespmem:$0x16180] =	vst v63  }
0x109: {  	_ =	swait.ge [sflag:s20], $0x2800  }
0x10a: {  	[sflag:s20] =	ssyncset.done $0x0  }
0x10b: {  	[sflag:s20] =	ssyncadd.s32 $0xFFFFD800  }
0x10c: {  	_ =	sfence.sel $0x180000  }
0x10d: {  	[bflag:$0x0] =	sbarrier.arrive $0xFFFF  }
0x10e: {  	p0 =	sne.s32 s2, $0x0;
	_ =	strace $0x9000004D  }
0x10f: {  	s0 =	sadd.s32 @!p0 $0x100000, s0;
	[bflag:$0x2] =	sbarrier.arrive $0xFFFF  }
0x110: {  	[sflag:s0] =	ssyncadd.tile.s32 @!p0 $0x1;
	_ =	shalt  }
.Lfunc_end2:
_tile_overlayer_lowered:
.L_overlay_start_2:
0x111: {  	(tag) =	ssettag $0x2  }
0x112: {  	s0 =	rddreg [dreg:$0x0];
	s2 =	stileid.u32  }
0x113: {  	s1 =	rddreg [dreg:$0x1];
	p0 =	sne.s32 s2, $0x0  }
0x114: {  	s3 =	rddreg [dreg:$0x2];
	[bflag:$0x3] =	sbarrier.arrive $0xFFFF;
	s2 =	simm.s32 @!p0 $0x1C02  }
0x115: {  	[timem:s3], [sflag:s2] =	dma.local @!p0 [hbm:s0], s1  }
0x116: {  	s0 =	simm.s32 @!p0 $0x2  }
0x117: {  	_ =	swait.ge @!p0 [sflag:s0], s1  }
0x118: {  	s1 =	ssub.s32 @!p0 $0x0, s1;
	[sflag:s0] =	ssyncset.done @!p0 $0x0  }
0x119: {  	[sflag:s0] =	ssyncadd.s32 @!p0 s1  }
0x11a: {  	[bflag:$0x3] =	sbarrier.arrive $0xFFFF  }
0x11b: {  	_ =	shalt  }

// kernel: kernel.8.cloned.1.call-start
scs
__scs_entry_jumppad:
0x0: {  	(pc) =	sbr.rel $0x88, $3  }
0x1: {  	(tag) =	ssettag $0x0;
	lr =	simm.s32 $0x1  }
0x2: {  	[smem:$0x3F99] =	sst lr;
	_ =	strace $0xD0000000  }
0x3: {  	_ = 	snop  }
0x4: {  	_ = 	snop  }
0x5: {  	_ = 	snop  }
0x6: {  	_ = 	snop  }
0x7: {  	_ = 	snop  }
__scs_overlays_trampoline_lowered:
0x8: {  	[smem:$0x3FA8] =	sst s0  }
0x9: {  	[smem:$0x3FA9] =	sst s1  }
0xa: {  	[smem:$0x3FAA] =	sst s2  }
0xb: {  	[smem:$0x3FAB] =	sst s3  }
0xc: {  	[smem:$0x3FAC] =	sst s4  }
0xd: {  	[smem:$0x3FAD] =	sst s5  }
0xe: {  	[smem:$0x3FAE] =	sst s6  }
0xf: {  	[smem:$0x3FAF] =	sst s7  }
0x10: {  	[smem:$0x3FB0] =	sst s8  }
0x11: {  	[smem:$0x3FB1] =	sst s9;
	s0 =	simm.s32 @!p0 $0x0  }
0x12: {  	s1 =	sld [smem:$0x3F97];
	s0 =	simm.s32 @p0 $0x1  }
0x13: {  	[smem:$0x3FB2] =	sst s0;
	s0 =	simm.s32 @!p1 $0x0  }
0x14: {  	s2 =	sld [smem:$0x3F96];
	s0 =	simm.s32 @p1 $0x1  }
0x15: {  	[smem:$0x3FB3] =	sst s0;
	s0 =	simm.s32 @!p2 $0x0  }
0x16: {  	s3 =	sld [smem:$0x3FDB];
	s0 =	simm.s32 @p2 $0x1  }
0x17: {  	s4 =	simm.s32 $0x1BF5;
	[smem:$0x3FB5] =	sst s0  }
0x18: {  	s0 =	sld [smem:$0x3F98];
	_ =	swait.ge [sflag:s4], $0x0  }
0x19: {  	s7 =	sld [smem:$0x3F99]  }
0x1a: {  	s8 =	sadd.s32 $0xFFFFE003, lr  }
0x1b: {  	s9 =	sadd.s32 $0xFFFFFEF7, lr;
	s5 =	simm.s32 $0xFFFFFFFF;
	p2 =	slt.u32 s8, $0xFFFFF086  }
0x1c: {  	p1 =	slt.u32 s9, $0xF7A;
	s5 =	simm.s32 @!p2 $0x0  }
0x1d: {  	s5 =	simm.s32 @p1 $0x1;
	p0 =	seq.s32 s7, s2  }
0x1e: {  	s7 =	smul.u32 @!p0 $0xF7A, s2;
	p2 =	seq.s32 @!p0 s5, $0x0  }
0x1f: {  	s9 =	smul.u32 $0xF7A, s1;
	s8 =	simm.s32 @!p0 $0x1BF5;
	p2 =	por !p2, p0  }
0x20: {  	[sflag:s8] =	ssyncset.s32 @!p0 $0xFFFFF086;
	s6 =	sadd.s32 @!p0 s3, s7;
	s7 =	simm.s32 @!p0 $0x108  }
0x21: {  	s3 =	sadd.s32 s3, s9;
	s6 =	sadd.s32 @!p0 $0x88, s6;
	s7 =	simm.s32 @p2 $0x1082  }
0x22: {  	[simem:s7], [sflag:s8] =	dma.local @!p0 [hbm:s6], $0xF7A  }
0x23: {  	s9 =	sor.u32 $0xD0000000, s2;
	s6 =	simm.s32 $0x108;
	_ =	swait.ge @!p0 [sflag:s8], $0x0  }
0x24: {  	s3 =	sadd.s32 $0x88, s3;
	s6 =	simm.s32 @!p1 $0x1082;
	[sflag:s4] =	ssyncset.s32 $0xFFFFF086  }
0x25: {  	[simem:s6], [sflag:s4] =	dma.local [hbm:s3], $0xF7A  }
0x26: {  	[smem:$0x3F99] =	sst s1;
	(tag) =	ssettag s2;
	_ =	strace s9  }
0x27: {  	s1 =	sld [smem:$0x3FA9]  }
0x28: {  	s2 =	sld [smem:$0x3FAA]  }
0x29: {  	s4 =	sld [smem:$0x3FAC]  }
0x2a: {  	p0 =	seq.s32 s5, $0x0;
	s5 =	sld [smem:$0x3FAD]  }
0x2b: {  	s6 =	sld [smem:$0x3FAE]  }
0x2c: {  	s7 =	sld [smem:$0x3FAF]  }
0x2d: {  	s3 =	simm.s32 $0x108;
	s8 =	sld [smem:$0x3FB0]  }
0x2e: {  	s3 =	simm.s32 @!p0 $0x1082;
	s9 =	sld [smem:$0x3FB1]  }
0x2f: {  	lr =	sadd.s32 s0, s3;
	s0 =	sld [smem:$0x3FA8]  }
0x30: {  	s3 =	sld [smem:$0x3FAB]  }
0x31: {  	[smem:$0x3FB4] =	sst s10  }
0x32: {  	s10 =	sld [smem:$0x3FB2];
	_ =	sdelay $0x3  }
0x33: {  	p0 =	seq.s32 s10, $0x1;
	s10 =	sld [smem:$0x3FB4];
	_ =	sdelay $0x3  }
0x34: {  	[smem:$0x3FB4] =	sst s10  }
0x35: {  	s10 =	sld [smem:$0x3FB3];
	_ =	sdelay $0x3  }
0x36: {  	p1 =	seq.s32 s10, $0x1;
	s10 =	sld [smem:$0x3FB4];
	_ =	sdelay $0x3  }
0x37: {  	[smem:$0x3FB4] =	sst s10  }
0x38: {  	s10 =	sld [smem:$0x3FB5]  }
0x39: {  	_ = 	snop;
	(pc) =	sbr.ind lr, $3  }
0x3a: {  	_ = 	snop  }
0x3b: {  	_ = 	snop  }
0x3c: {  	p2 =	seq.s32 s10, $0x1;
	s10 =	sld [smem:$0x3FB4]  }
0x3d: {  	_ =	shalt  }
0x3e: {  	_ =	shalt  }
0x3f: {  	_ =	shalt  }
0x40: {  	_ =	shalt  }
0x41: {  	_ =	shalt  }
0x42: {  	_ =	shalt  }
0x43: {  	_ =	shalt  }
0x44: {  	_ =	shalt  }
0x45: {  	_ =	shalt  }
0x46: {  	_ =	shalt  }
0x47: {  	_ =	shalt  }
0x48: {  	_ =	shalt  }
0x49: {  	_ =	shalt  }
0x4a: {  	_ =	shalt  }
0x4b: {  	_ =	shalt  }
0x4c: {  	_ =	shalt  }
0x4d: {  	_ =	shalt  }
0x4e: {  	_ =	shalt  }
0x4f: {  	_ =	shalt  }
0x50: {  	_ =	shalt  }
0x51: {  	_ =	shalt  }
0x52: {  	_ =	shalt  }
0x53: {  	_ =	shalt  }
0x54: {  	_ =	shalt  }
0x55: {  	_ =	shalt  }
0x56: {  	_ =	shalt  }
0x57: {  	_ =	shalt  }
0x58: {  	_ =	shalt  }
0x59: {  	_ =	shalt  }
0x5a: {  	_ =	shalt  }
0x5b: {  	_ =	shalt  }
0x5c: {  	_ =	shalt  }
0x5d: {  	_ =	shalt  }
0x5e: {  	_ =	shalt  }
0x5f: {  	_ =	shalt  }
0x60: {  	_ =	shalt  }
0x61: {  	_ =	shalt  }
0x62: {  	_ =	shalt  }
0x63: {  	_ =	shalt  }
0x64: {  	_ =	shalt  }
0x65: {  	_ =	shalt  }
0x66: {  	_ =	shalt  }
0x67: {  	_ =	shalt  }
0x68: {  	_ =	shalt  }
0x69: {  	_ =	shalt  }
0x6a: {  	_ =	shalt  }
0x6b: {  	_ =	shalt  }
0x6c: {  	_ =	shalt  }
0x6d: {  	_ =	shalt  }
0x6e: {  	_ =	shalt  }
0x6f: {  	_ =	shalt  }
0x70: {  	_ =	shalt  }
0x71: {  	_ =	shalt  }
0x72: {  	_ =	shalt  }
0x73: {  	_ =	shalt  }
0x74: {  	_ =	shalt  }
0x75: {  	_ =	shalt  }
0x76: {  	_ =	shalt  }
0x77: {  	_ =	shalt  }
0x78: {  	_ =	shalt  }
0x79: {  	_ =	shalt  }
0x7a: {  	_ =	shalt  }
0x7b: {  	_ =	shalt  }
0x7c: {  	_ =	shalt  }
0x7d: {  	_ =	shalt  }
0x7e: {  	_ =	shalt  }
0x7f: {  	_ =	shalt  }
0x80: {  	_ =	shalt  }
0x81: {  	_ =	shalt  }
0x82: {  	_ =	shalt  }
0x83: {  	_ =	shalt  }
0x84: {  	_ =	shalt  }
0x85: {  	_ =	shalt  }
0x86: {  	_ =	shalt  }
0x87: {  	_ =	shalt  }
.Lfunc_end0:
.L_simem_size_0:
called_computation_lowered:
.L_overlay_start_0:
0x88: {  	s2 =	sld [smem:$0x3FD9]  }
0x89: {  	s3 =	sld [smem:$0x3FFE];
	_ =	sdelay $0x1  }
0x8a: {  	s1 =	srdreg.scid  }
0x8b: {  	s0 =	sand.u32 $0x1, s1  }
0x8c: {  	s17 =	sshll.u32 s0, $0xA;
	s2 =	sadd.s32 s3, s2  }
0x8d: {  	s2 =	sadd.s32 s2, s17  }
0x8e: {  	[smem:$0x3FC0] =	sst s2  }
0x8f: {  	_ = 	snop  }
0x90: {  	s18 =	sld [smem:$0x3FD0];
	(tm) =	ssettm $0x1  }
0x91: {  	s19 =	sld [smem:$0x3FFB];
	_ =	sdelay $0x3  }
0x92: {  	_ =	strace s19  }
0x93: {  	s2 =	sld [smem:$0x3FFC];
	_ =	sdelay $0x3  }
0x94: {  	_ =	strace s2  }
0x95: {  	s2 =	sld [smem:$0x3FFD];
	_ =	sdelay $0x3  }
0x96: {  	_ =	strace s2  }
0x97: {  	_ =	strace $0x8FFFFFFF  }
0x98: {  	s20 =	sld [smem:$0x3FDB];
	_ =	sdelay $0x1  }
0x99: {  	s4 =	simm.s32 $_scs_section_size  }
0x9a: {  	s5 =	simm.s32 $_size__tile_overlayer_lowered;
	s6 =	simm.s32 $_tile_overlayer_lowered  }
0x9b: {  	s7 =	simm.s32 $0x1BFF;
	s21 =	sshll.u32 s6, $0x1;
	s4 =	sadd.s32 s4, s20  }
0x9c: {  	s22 =	simm.s32 $0x0;
	s5 =	sshll.u32 s5, $0x1;
	s6 =	sadd.s32 s21, s4  }
0x9d: {  	[timem:s22], [sflag:s7] =	dma.local [hbm:s6], s5  }
0x9e: {  	_ =	swait.ge [sflag:s7], s5  }
0x9f: {  	s5 =	ssub.s32 $0x0, s5;
	[sflag:s7] =	ssyncset.done $0x0  }
0xa0: {  	[sflag:s7] =	ssyncadd.s32 s5;
	_ =	sdelay $0x1  }
0xa1: {  	s23 =	simm.s32 $0x1B8B  }
0xa2: {  	_ =	swait.ge [sflag:s23], $0x1  }
0xa3: {  	[sflag:s23] =	ssyncset.done $0x0  }
0xa4: {  	[sflag:s23] =	ssyncadd.s32 $0xFFFFFFFF  }
0xa5: {  	s5 =	sld [smem:$0x0]  }
0xa6: {  	s6 =	sand.u32 $0xFFFFFFFE, s1  }
0xa7: {  	p0 =	sne.s32 s1, s6  }
0xa8: {  	s6 =	sshll.u32 @p0 s6, $0xE  }
0xa9: {  	s6 =	sadd.s32 @p0 $0x11B8D, s6;
	s7 =	sshll.u32 @p0 s5, $0x11  }
0xaa: {  	s6 =	sor.u32 @p0 s7, s6  }
0xab: {  	[sflag:s6] =	ssyncadd.remote.s32 @p0 $0x1;
	_ =	sdelay $0x1  }
0xac: {  	s6 =	simm.s32 @p0 $0x1B8D  }
0xad: {  	_ =	swait.eq @p0 [sflag:s6], $0x1  }
0xae: {  	[sflag:s6] =	ssyncadd.s32 @p0 $0xFFFFFFFF  }
0xaf: {  	s7 =	sshll.u32 @!p0 s1, $0xE  }
0xb0: {  	s7 =	sor.u32 @!p0 $0x4000, s7;
	s6 =	simm.s32 @!p0 $0x1B8D  }
0xb1: {  	s5 =	sshll.u32 @!p0 s5, $0x11;
	s7 =	sadd.s32 @!p0 $0x11B8D, s7;
	_ =	swait.eq @!p0 [sflag:s6], $0x1  }
0xb2: {  	s5 =	sor.u32 @!p0 s5, s7;
	[sflag:s6] =	ssyncadd.s32 @!p0 $0xFFFFFFFF  }
0xb3: {  	s25 =	simm.s32 $0x1B8E;
	s24 =	sld [smem:$0x3FFE];
	[sflag:s5] =	ssyncadd.remote.s32 @!p0 $0x1  }
0xb4: {  	s26 =	simm.s32 $execute0_lowered;
	[smem:$0x3FD2] =	sst s25  }
0xb5: {  	s6 =	sshll.u32 s26, $0x1;
	_ =	strace $0x80000049;
	[dreg:$0x1] =	wrdreg $0xFFFFFFFF  }
0xb6: {  	s28 =	simm.s32 $_size_execute0_lowered;
	s4 =	sadd.s32 s4, s6;
	[dreg:$0x0] =	wrdreg $0x0  }
0xb7: {  	s6 =	sshll.u32 s28, $0x1;
	[dreg:$0x2] =	wrdreg s4  }
0xb8: {  	[dreg:$0x3] =	wrdreg s6  }
0xb9: {  	[dreg:$0x4] =	wrdreg $0xC0  }
0xba: {  	_ =	task [dreg:s22], $0x5FFFF  }
0xbb: {  	[dreg:$0x1] =	wrdreg $0xFFFFFFFF  }
0xbc: {  	[dreg:$0x0] =	wrdreg $0x60  }
0xbd: {  	[dreg:$0x2] =	wrdreg s18  }
0xbe: {  	[dreg:$0x3] =	wrdreg s24  }
0xbf: {  	[dreg:$0x4] =	wrdreg $0x0  }
0xc0: {  	[dreg:$0x5] =	wrdreg $0x9  }
0xc1: {  	_ =	task.clear_ibuf [dreg:s22], $0x6FFFF;
	_ =	strace $0x90000049  }
0xc2: {  	s29 =	simm.s32 $0x9;
	_ =	strace $0x8000004B  }
0xc3: {  	_ =	swait.ge [sflag:s29], $0x1  }
0xc4: {  	[sflag:s29] =	ssyncadd.s32 $0xFFFFFFFF  }
0xc5: {  	_ =	strace $0x9000004B  }
0xc6: {  	_ =	sfence  }
0xc7: {  	s30 =	sld [smem:$0x0];
	_ =	sdelay $0x2  }
0xc8: {  	s31 =	sshll.u32 s1, $0xD;
	s1 =	sshrl.u32 s1, $0x2  }
0xc9: {  	s4 =	sand.u32 $0x4000, s31;
	s1 =	sadd.s32 s1, s30  }
0xca: {  	s0 =	sor.u32 s4, s0;
	s1 =	sshll.u32 s1, $0x11  }
0xcb: {  	s0 =	sor.u32 s1, s0  }
0xcc: {  	s0 =	sadd.s32 $0x8F2B, s0  }
0xcd: {  	[sflag:s0] =	ssyncadd.remote.s32 $0x1  }
0xce: {  	_ =	sfence.sel $0xFFFF  }
0xcf: {  	[dreg:$0x0] =	wrdreg $0xFFFFFFFF;
	(pc) =	sbr.abs _section_cstart, $3  }
0xd0: {  	[dreg:$0x1] =	wrdreg $0xFFFFFFFF  }
0xd1: {  	_ =	task.clear_ibuf [dreg:s22], $0x2FFFF;
	_ =	strace $0x9FFFFFFF  }
0xd2: {  	(tm) =	ssettm $0x7FFFFFFF  }
0xd3: {  	_ =	shalt  }
tec
execute0_lowered:
.L_overlay_start_1:
0x0: {  	(tag) =	ssettag $0x1  }
0x1: {  	s1 =	rddreg [dreg:$0x0]  }
0x2: {  	s7 =	rddreg [dreg:$0x1]  }
0x3: {  	s3 =	rddreg [dreg:$0x2]  }
0x4: {  	s0 =	rddreg [dreg:$0x3];
	s4 =	simm.s32 $0x0;
	s2 =	stileid.u32  }
0x5: {  	s5 =	srdreg.scid;
	[smem:$0x7FF] =	sst s4  }
0x6: {  	v11 =	vlaneseq.u32;
	s9 =	smul.u32 $0x50, s2;
	s6 =	sor.u32 $0x70, s2;
	s8 =	sand.u32 $0x1, s5  }
0x7: {  	s14 =	sadd.s32 $0x63A00, s7;
	v36 =	vor.u32 $0x10, v11;
	v37 =	vor.u32 $0x20, v11;
	_ =	strace $0x8000004A;
	s30 =	sadd.s32 $0xFFFFFF83, s6  }
0x8: {  	v38 =	vor.u32 $0x30, v11;
	v39 =	vor.u32 $0x40, v11;
	s16 =	smul.u32 $0x2710, s8;
	s31 =	ssub.s32 $0x2, s8;
	s10 =	sadd.s32 $0x500, s9;
	v0 =	vor.u32 s9, v11  }
0x9: {  	s11 =	sadd.s32 $0xA00, s9;
	s12 =	sadd.s32 $0xF00, s9;
	s5 =	smin.u32 s6, s30;
	v8 =	vadd.s32 s9, v36;
	v9 =	vadd.s32 s9, v37;
	v10 =	vadd.s32 s9, v38  }
0xa: {  	s13 =	sadd.s32 $0x1400, s9;
	s15 =	sadd.s32 $0x1900, s9;
	s18 =	sadd.s32 $0x1E00, s9;
	v1 =	vor.u32 s10, v11;
	v2 =	vor.u32 s11, v11;
	v3 =	vor.u32 s12, v11  }
0xb: {  	s6 =	sadd.s32 $0x1C00, s7;
	s8 =	sshrl.u32 s31, $0x1;
	s21 =	smul.u32 $0x50, s5;
	v4 =	vor.u32 s13, v11;
	v5 =	vor.u32 s15, v11;
	v6 =	vor.u32 s18, v11  }
0xc: {  	s5 =	sadd.s32 $0xBA00, s7;
	s17 =	sadd.s32 s9, s16;
	s19 =	sadd.s32 s16, s10;
	v12 =	vadd.s32 s10, v36;
	v13 =	vadd.s32 s10, v37;
	v14 =	vadd.s32 s10, v38  }
0xd: {  	s20 =	ssub.s32 s31, s8;
	s23 =	sadd.s32 s16, s11;
	s25 =	sadd.s32 s16, s12;
	v15 =	vadd.s32 s10, v39;
	v16 =	vadd.s32 s11, v36;
	v17 =	vadd.s32 s11, v37  }
0xe: {  	s26 =	sadd.s32 s16, s13;
	v18 =	vadd.s32 s11, v38;
	v19 =	vadd.s32 s11, v39;
	s30 =	sadd.s32 s16, s15;
	s31 =	sadd.s32 s16, s18;
	v32 =	vadd.s32 s18, v36  }
0xf: {  	v33 =	vadd.s32 s18, v37;
	v34 =	vadd.s32 s18, v38;
	v35 =	vadd.s32 s18, v39;
	s18 =	simm.s32 $0x13900;
	s17 =	sshll.u32 s17, $0x4;
	s22 =	sshll.u32 s19, $0x4  }
0x10: {  	v20 =	vadd.s32 s12, v36;
	v21 =	vadd.s32 s12, v37;
	v28 =	vadd.s32 s15, v36;
	s24 =	sshll.u32 s23, $0x4;
	s28 =	sshll.u32 s25, $0x4;
	s29 =	sshll.u32 s26, $0x4  }
0x11: {  	v29 =	vadd.s32 s15, v37;
	v30 =	vadd.s32 s15, v38;
	v31 =	vadd.s32 s15, v39;
	s19 =	sshll.u32 s31, $0x4;
	s23 =	smul.u32 $0x4E20, s2;
	s15 =	smax.u32 s20, $0x1  }
0x12: {  	v22 =	vadd.s32 s12, v38;
	v23 =	vadd.s32 s12, v39;
	v24 =	vadd.s32 s13, v36;
	s20 =	simm.s32 $0x2;
	s7 =	sadd.s32 s14, s17;
	s8 =	sadd.s32 s14, s22  }
0x13: {  	v25 =	vadd.s32 s13, v37;
	v7 =	vor.u32 s21, v11;
	v11 =	vadd.s32 s9, v39;
	s9 =	sadd.s32 s14, s24;
	s10 =	sadd.s32 s14, s28;
	s11 =	sadd.s32 s14, s29  }
0x14: {  	v26 =	vadd.s32 s13, v38;
	v27 =	vadd.s32 s13, v39;
	s17 =	sshll.u32 s30, $0x4;
	s22 =	sadd.s32 s16, s21;
	s13 =	sadd.s32 s14, s19;
	v36 =	vadd.s32 s21, v36  }
0x15: {  	v37 =	vadd.s32 s21, v37;
	s19 =	simm.s32 $0x13980;
	v38 =	vadd.s32 s21, v38;
	v39 =	vadd.s32 s21, v39;
	s21 =	simm.s32 $0x13880;
	s22 =	sshll.u32 s22, $0x4  }
0x16: {  	s12 =	sadd.s32 s14, s17;
	s16 =	sadd.s32 s16, s23;
	s17 =	simm.s32 $0x50  }
0x17: {  	v40 =	vimm.f32 $0.0e+00;
	s23 =	simm.s32 $0x0;
	s14 =	sadd.s32 s14, s22;
	s22 =	simm.s32 $0x1  }
.LBB2_1:
0x18: {  	s24 =	simm.s32 $0x0;
	s25 =	simm.s32 $0x200  }
.LBB2_2:
0x19: {  	p0 =	sne.s32 s25, $0x9E00;
	[tilespmem:s24+$0x139F0] =	vst v40  }
0x1a: {  	[tilespmem:s24+$0x13980] =	vst v40  }
0x1b: {  	[tilespmem:s24+$0x13990] =	vst v40  }
.Ltmp0:
0x1c: {  	[tilespmem:s24+$0x139A0] =	vst v40;
	(pc) =	sbr.rel @p0 .LBB2_2-.Ltmp0, $4  }
0x1d: {  	[tilespmem:s24+$0x139B0] =	vst v40  }
0x1e: {  	[tilespmem:s24+$0x139C0] =	vst v40  }
0x1f: {  	[tilespmem:s24+$0x139D0] =	vst v40  }
0x20: {  	[tilespmem:s24+$0x139E0] =	vst v40;
	s24 =	sshra.s32 s25, $0x2;
	s25 =	sadd.s32 $0x200, s25  }
0x21: {  	[tilespmem:s24+$0x139F0] =	vst v40  }
0x22: {  	[tilespmem:s24+$0x13980] =	vst v40  }
0x23: {  	[tilespmem:s24+$0x13990] =	vst v40  }
0x24: {  	[tilespmem:s24+$0x139A0] =	vst v40  }
0x25: {  	[tilespmem:s24+$0x139B0] =	vst v40  }
0x26: {  	[tilespmem:s24+$0x139C0] =	vst v40  }
0x27: {  	[tilespmem:s24+$0x139D0] =	vst v40  }
0x28: {  	[tilespmem:s24+$0x139E0] =	vst v40  }
0x29: {  	[tilespmem:$0x13900] =	vst v0  }
0x2a: {  	[tilespmem:$0x13910] =	vst v8  }
0x2b: {  	[tilespmem:$0x13920] =	vst v9  }
0x2c: {  	[tilespmem:$0x13930] =	vst v10  }
0x2d: {  	[tilespmem:$0x13940] =	vst v11  }
0x2e: {  	[spmem:s3] =	stream.indirect.scatter [tilespmem:s19], [sflag:$0x2], $0x80, s18, s17, $0xb8;
	[tilespmem:$0x16180] =	vst v63  }
0x2f: {  	_ =	swait.ge [sflag:s20], $0x2800  }
0x30: {  	[sflag:s20] =	ssyncset.done $0x0  }
0x31: {  	[sflag:s20] =	ssyncadd.s32 $0xFFFFD800  }
0x32: {  	[tilespmem:$0x13900] =	vst v1  }
0x33: {  	[tilespmem:$0x13910] =	vst v12  }
0x34: {  	[tilespmem:$0x13920] =	vst v13  }
0x35: {  	[tilespmem:$0x13930] =	vst v14  }
0x36: {  	[tilespmem:$0x13940] =	vst v15  }
0x37: {  	[spmem:s3] =	stream.indirect.scatter [tilespmem:s19], [sflag:$0x2], $0x80, s18, s17, $0xb8;
	[tilespmem:$0x16180] =	vst v63  }
0x38: {  	_ =	swait.ge [sflag:s20], $0x2800  }
0x39: {  	[sflag:s20] =	ssyncset.done $0x0  }
0x3a: {  	[sflag:s20] =	ssyncadd.s32 $0xFFFFD800  }
0x3b: {  	[tilespmem:$0x13900] =	vst v2  }
0x3c: {  	[tilespmem:$0x13910] =	vst v16  }
0x3d: {  	[tilespmem:$0x13920] =	vst v17  }
0x3e: {  	[tilespmem:$0x13930] =	vst v18  }
0x3f: {  	[tilespmem:$0x13940] =	vst v19  }
0x40: {  	[spmem:s3] =	stream.indirect.scatter [tilespmem:s19], [sflag:$0x2], $0x80, s18, s17, $0xb8;
	[tilespmem:$0x16180] =	vst v63  }
0x41: {  	_ =	swait.ge [sflag:s20], $0x2800  }
0x42: {  	[sflag:s20] =	ssyncset.done $0x0  }
0x43: {  	[sflag:s20] =	ssyncadd.s32 $0xFFFFD800  }
0x44: {  	[tilespmem:$0x13900] =	vst v3  }
0x45: {  	[tilespmem:$0x13910] =	vst v20  }
0x46: {  	[tilespmem:$0x13920] =	vst v21  }
0x47: {  	[tilespmem:$0x13930] =	vst v22  }
0x48: {  	[tilespmem:$0x13940] =	vst v23  }
0x49: {  	[spmem:s3] =	stream.indirect.scatter [tilespmem:s19], [sflag:$0x2], $0x80, s18, s17, $0xb8;
	[tilespmem:$0x16180] =	vst v63  }
0x4a: {  	_ =	swait.ge [sflag:s20], $0x2800  }
0x4b: {  	[sflag:s20] =	ssyncset.done $0x0  }
0x4c: {  	[sflag:s20] =	ssyncadd.s32 $0xFFFFD800  }
0x4d: {  	[tilespmem:$0x13900] =	vst v4  }
0x4e: {  	[tilespmem:$0x13910] =	vst v24  }
0x4f: {  	[tilespmem:$0x13920] =	vst v25  }
0x50: {  	[tilespmem:$0x13930] =	vst v26  }
0x51: {  	[tilespmem:$0x13940] =	vst v27  }
0x52: {  	[spmem:s3] =	stream.indirect.scatter [tilespmem:s19], [sflag:$0x2], $0x80, s18, s17, $0xb8;
	[tilespmem:$0x16180] =	vst v63  }
0x53: {  	_ =	swait.ge [sflag:s20], $0x2800  }
0x54: {  	[sflag:s20] =	ssyncset.done $0x0  }
0x55: {  	[sflag:s20] =	ssyncadd.s32 $0xFFFFD800  }
0x56: {  	[tilespmem:$0x13900] =	vst v5  }
0x57: {  	[tilespmem:$0x13910] =	vst v28  }
0x58: {  	[tilespmem:$0x13920] =	vst v29  }
0x59: {  	[tilespmem:$0x13930] =	vst v30  }
0x5a: {  	[tilespmem:$0x13940] =	vst v31  }
0x5b: {  	[spmem:s3] =	stream.indirect.scatter [tilespmem:s19], [sflag:$0x2], $0x80, s18, s17, $0xb8;
	[tilespmem:$0x16180] =	vst v63  }
0x5c: {  	_ =	swait.ge [sflag:s20], $0x2800  }
0x5d: {  	[sflag:s20] =	ssyncset.done $0x0  }
0x5e: {  	[sflag:s20] =	ssyncadd.s32 $0xFFFFD800  }
0x5f: {  	[tilespmem:$0x13900] =	vst v6  }
0x60: {  	[tilespmem:$0x13910] =	vst v32  }
0x61: {  	[tilespmem:$0x13920] =	vst v33  }
0x62: {  	[tilespmem:$0x13930] =	vst v34  }
0x63: {  	[tilespmem:$0x13940] =	vst v35  }
0x64: {  	[spmem:s3] =	stream.indirect.scatter [tilespmem:s19], [sflag:$0x2], $0x80, s18, s17, $0xb8;
	[tilespmem:$0x16180] =	vst v63  }
0x65: {  	_ =	swait.ge [sflag:s20], $0x2800  }
0x66: {  	[sflag:s20] =	ssyncset.done $0x0  }
0x67: {  	[sflag:s20] =	ssyncadd.s32 $0xFFFFD800  }
0x68: {  	[tilespmem:$0x13900] =	vst v7  }
0x69: {  	[tilespmem:$0x13910] =	vst v36  }
0x6a: {  	[tilespmem:$0x13920] =	vst v37  }
0x6b: {  	[tilespmem:$0x13930] =	vst v38  }
0x6c: {  	[tilespmem:$0x13940] =	vst v39  }
0x6d: {  	[spmem:s3] =	stream.indirect.scatter [tilespmem:s19], [sflag:$0x2], $0x80, s18, s17, $0xb8;
	[tilespmem:$0x16180] =	vst v63  }
0x6e: {  	_ =	swait.ge [sflag:s20], $0x2800  }
0x6f: {  	s30 =	sadd.s32 $0x0, s16;
	[sflag:s20] =	ssyncset.done $0x0  }
0x70: {  	s24 =	sshrl.u32 s30, $0x3;
	[sflag:s20] =	ssyncadd.s32 $0xFFFFD800  }
0x71: {  	s25 =	sadd.s32 s6, s24;
	[bflag:$0x0] =	sbarrier.arrive $0xFFFF  }
0x72: {  	[tilespmem:s18], [sflag:$0x2] =	stream.linear.gather [hbm4b:s25+s4], $0x50, $0x38;
	[tilespmem:$0x16180] =	vst v63  }
0x73: {  	_ =	swait.ge [sflag:s20], $0x50  }
0x74: {  	[sflag:s20] =	ssyncset.done $0x0  }
0x75: {  	s24 =	sadd.s32 s5, s24;
	[sflag:s20] =	ssyncadd.s32 $0xFFFFFFB0  }
0x76: {  	[tilespmem:s21], [sflag:$0x2] =	stream.linear.gather [hbm4b:s24+s4], $0x50, $0x38;
	[tilespmem:$0x16180] =	vst v63  }
0x77: {  	_ =	swait.ge [sflag:s20], $0x50  }
0x78: {  	[sflag:s20] =	ssyncset.done $0x0  }
0x79: {  	[sflag:s20] =	ssyncadd.s32 $0xFFFFFFB0  }
0x7a: {  	[tilespmem:s19], [sflag:$0x1] =	stream.indirect.gather [hbm4b:s1+s17], $0x80, s21, s17, $0xb8;
	[tilespmem:$0x16180] =	vst v63  }
0x7b: {  	_ =	swait.ge [sflag:s22], $0x2800  }
0x7c: {  	[sflag:s22] =	ssyncset.done $0x0  }
0x7d: {  	[sflag:s22] =	ssyncadd.s32 $0xFFFFD800  }
0x7e: {  	[spmem:s3] =	stream.indirect.scatter.add.f32 [tilespmem:s19], [sflag:$0x2], $0x80, s18, s17, $0xb8;
	[tilespmem:$0x16180] =	vst v63  }
0x7f: {  	s31 =	sadd.s32 $0x50, s16;
	_ =	swait.ge [sflag:s20], $0x2800  }
0x80: {  	s25 =	simm.s32 $0xA0;
	s24 =	sshrl.u32 s31, $0x3;
	[sflag:s20] =	ssyncset.done $0x0  }
.LBB2_4:
0x81: {  	s26 =	sadd.s32 s6, s24  }
0x82: {  	[sflag:s20] =	ssyncadd.s32 $0xFFFFD800;
	s28 =	smov.u32 s25;
	s29 =	sadd.s32 $0x50, s25  }
0x83: {  	[tilespmem:s18], [sflag:$0x2] =	stream.linear.gather [hbm4b:s26+s4], $0x50, $0x38;
	[tilespmem:$0x16180] =	vst v63  }
0x84: {  	p0 =	sne.s32 s25, $0x26C0;
	_ =	swait.ge [sflag:s20], $0x50  }
0x85: {  	[sflag:s20] =	ssyncset.done $0x0  }
0x86: {  	s24 =	sadd.s32 s5, s24;
	[sflag:s20] =	ssyncadd.s32 $0xFFFFFFB0  }
0x87: {  	[tilespmem:s21], [sflag:$0x2] =	stream.linear.gather [hbm4b:s24+s4], $0x50, $0x38;
	[tilespmem:$0x16180] =	vst v63  }
0x88: {  	_ =	swait.ge [sflag:s20], $0x50  }
0x89: {  	[sflag:s20] =	ssyncset.done $0x0  }
0x8a: {  	[sflag:s20] =	ssyncadd.s32 $0xFFFFFFB0  }
0x8b: {  	[tilespmem:s19], [sflag:$0x1] =	stream.indirect.gather [hbm4b:s1+s17], $0x80, s21, s17, $0xb8;
	[tilespmem:$0x16180] =	vst v63  }
0x8c: {  	_ =	swait.ge [sflag:s22], $0x2800  }
.Ltmp1:
0x8d: {  	[sflag:s22] =	ssyncset.done $0x0;
	(pc) =	sbr.rel @p0 .LBB2_4-.Ltmp1, $4  }
0x8e: {  	[sflag:s22] =	ssyncadd.s32 $0xFFFFD800  }
0x8f: {  	[spmem:s3] =	stream.indirect.scatter.add.f32 [tilespmem:s19], [sflag:$0x2], $0x80, s18, s17, $0xb8;
	[tilespmem:$0x16180] =	vst v63  }
0x90: {  	s24 =	sadd.s32 s28, s16;
	_ =	swait.ge [sflag:s20], $0x2800  }
0x91: {  	s25 =	smov.u32 s29;
	s24 =	sshrl.u32 s24, $0x3;
	[sflag:s20] =	ssyncset.done $0x0  }
0x92: {  	s25 =	sadd.s32 s6, s24;
	[sflag:s20] =	ssyncadd.s32 $0xFFFFD800  }
0x93: {  	[tilespmem:s18], [sflag:$0x2] =	stream.linear.gather [hbm4b:s25+s4], $0x50, $0x38;
	[tilespmem:$0x16180] =	vst v63  }
0x94: {  	_ =	swait.ge [sflag:s20], $0x50  }
0x95: {  	[sflag:s20] =	ssyncset.done $0x0  }
0x96: {  	s31 =	sadd.s32 s5, s24;
	[sflag:s20] =	ssyncadd.s32 $0xFFFFFFB0  }
0x97: {  	[tilespmem:s21], [sflag:$0x2] =	stream.linear.gather [hbm4b:s31+s4], $0x50, $0x38;
	[tilespmem:$0x16180] =	vst v63  }
0x98: {  	_ =	swait.ge [sflag:s20], $0x50  }
0x99: {  	[sflag:s20] =	ssyncset.done $0x0  }
0x9a: {  	[sflag:s20] =	ssyncadd.s32 $0xFFFFFFB0  }
0x9b: {  	[tilespmem:s19], [sflag:$0x1] =	stream.indirect.gather [hbm4b:s1+s17], $0x80, s21, s17, $0xb8;
	[tilespmem:$0x16180] =	vst v63  }
0x9c: {  	_ =	swait.ge [sflag:s22], $0x2800  }
0x9d: {  	[sflag:s22] =	ssyncset.done $0x0  }
0x9e: {  	[sflag:s22] =	ssyncadd.s32 $0xFFFFD800  }
0x9f: {  	[spmem:s3] =	stream.indirect.scatter.add.f32 [tilespmem:s19], [sflag:$0x2], $0x80, s18, s17, $0xb8;
	[tilespmem:$0x16180] =	vst v63  }
0xa0: {  	_ =	swait.ge [sflag:s20], $0x2800  }
0xa1: {  	[sflag:s20] =	ssyncset.done $0x0  }
0xa2: {  	[sflag:s20] =	ssyncadd.s32 $0xFFFFD800  }
0xa3: {  	[bflag:$0x0] =	sbarrier.arrive $0xFFFF  }
0xa4: {  	[tilespmem:$0x13900] =	vst v0  }
0xa5: {  	[tilespmem:$0x13910] =	vst v8  }
0xa6: {  	[tilespmem:$0x13920] =	vst v9  }
0xa7: {  	[tilespmem:$0x13930] =	vst v10  }
0xa8: {  	[tilespmem:$0x13940] =	vst v11  }
0xa9: {  	[tilespmem:s19], [sflag:$0x1] =	stream.indirect.gather [spmem:s3], $0x80, s18, s17, $0xb8;
	[tilespmem:$0x16180] =	vst v63  }
0xaa: {  	_ =	swait.ge [sflag:s22], $0x2800  }
0xab: {  	[sflag:s22] =	ssyncset.done $0x0  }
0xac: {  	[sflag:s22] =	ssyncadd.s32 $0xFFFFD800  }
0xad: {  	[hbm4b:s7+s4] =	stream.linear.scatter [tilespmem:s19], [sflag:$0x2], $0x2800, $0x38;
	[tilespmem:$0x16180] =	vst v63  }
0xae: {  	_ =	swait.ge [sflag:s20], $0x2800  }
0xaf: {  	[sflag:s20] =	ssyncset.done $0x0  }
0xb0: {  	[sflag:s20] =	ssyncadd.s32 $0xFFFFD800  }
0xb1: {  	[tilespmem:$0x13900] =	vst v1  }
0xb2: {  	[tilespmem:$0x13910] =	vst v12  }
0xb3: {  	[tilespmem:$0x13920] =	vst v13  }
0xb4: {  	[tilespmem:$0x13930] =	vst v14  }
0xb5: {  	[tilespmem:$0x13940] =	vst v15  }
0xb6: {  	[tilespmem:s19], [sflag:$0x1] =	stream.indirect.gather [spmem:s3], $0x80, s18, s17, $0xb8;
	[tilespmem:$0x16180] =	vst v63  }
0xb7: {  	_ =	swait.ge [sflag:s22], $0x2800  }
0xb8: {  	[sflag:s22] =	ssyncset.done $0x0  }
0xb9: {  	[sflag:s22] =	ssyncadd.s32 $0xFFFFD800  }
0xba: {  	[hbm4b:s8+s4] =	stream.linear.scatter [tilespmem:s19], [sflag:$0x2], $0x2800, $0x38;
	[tilespmem:$0x16180] =	vst v63  }
0xbb: {  	_ =	swait.ge [sflag:s20], $0x2800  }
0xbc: {  	[sflag:s20] =	ssyncset.done $0x0  }
0xbd: {  	[sflag:s20] =	ssyncadd.s32 $0xFFFFD800  }
0xbe: {  	[tilespmem:$0x13900] =	vst v2  }
0xbf: {  	[tilespmem:$0x13910] =	vst v16  }
0xc0: {  	[tilespmem:$0x13920] =	vst v17  }
0xc1: {  	[tilespmem:$0x13930] =	vst v18  }
0xc2: {  	[tilespmem:$0x13940] =	vst v19  }
0xc3: {  	[tilespmem:s19], [sflag:$0x1] =	stream.indirect.gather [spmem:s3], $0x80, s18, s17, $0xb8;
	[tilespmem:$0x16180] =	vst v63  }
0xc4: {  	_ =	swait.ge [sflag:s22], $0x2800  }
0xc5: {  	[sflag:s22] =	ssyncset.done $0x0  }
0xc6: {  	[sflag:s22] =	ssyncadd.s32 $0xFFFFD800  }
0xc7: {  	[hbm4b:s9+s4] =	stream.linear.scatter [tilespmem:s19], [sflag:$0x2], $0x2800, $0x38;
	[tilespmem:$0x16180] =	vst v63  }
0xc8: {  	_ =	swait.ge [sflag:s20], $0x2800  }
0xc9: {  	[sflag:s20] =	ssyncset.done $0x0  }
0xca: {  	[sflag:s20] =	ssyncadd.s32 $0xFFFFD800  }
0xcb: {  	[tilespmem:$0x13900] =	vst v3  }
0xcc: {  	[tilespmem:$0x13910] =	vst v20  }
0xcd: {  	[tilespmem:$0x13920] =	vst v21  }
0xce: {  	[tilespmem:$0x13930] =	vst v22  }
0xcf: {  	[tilespmem:$0x13940] =	vst v23  }
0xd0: {  	[tilespmem:s19], [sflag:$0x1] =	stream.indirect.gather [spmem:s3], $0x80, s18, s17, $0xb8;
	[tilespmem:$0x16180] =	vst v63  }
0xd1: {  	_ =	swait.ge [sflag:s22], $0x2800  }
0xd2: {  	[sflag:s22] =	ssyncset.done $0x0  }
0xd3: {  	[sflag:s22] =	ssyncadd.s32 $0xFFFFD800  }
0xd4: {  	[hbm4b:s10+s4] =	stream.linear.scatter [tilespmem:s19], [sflag:$0x2], $0x2800, $0x38;
	[tilespmem:$0x16180] =	vst v63  }
0xd5: {  	_ =	swait.ge [sflag:s20], $0x2800  }
0xd6: {  	[sflag:s20] =	ssyncset.done $0x0  }
0xd7: {  	[sflag:s20] =	ssyncadd.s32 $0xFFFFD800  }
0xd8: {  	[tilespmem:$0x13900] =	vst v4  }
0xd9: {  	[tilespmem:$0x13910] =	vst v24  }
0xda: {  	[tilespmem:$0x13920] =	vst v25  }
0xdb: {  	[tilespmem:$0x13930] =	vst v26  }
0xdc: {  	[tilespmem:$0x13940] =	vst v27  }
0xdd: {  	[tilespmem:s19], [sflag:$0x1] =	stream.indirect.gather [spmem:s3], $0x80, s18, s17, $0xb8;
	[tilespmem:$0x16180] =	vst v63  }
0xde: {  	_ =	swait.ge [sflag:s22], $0x2800  }
0xdf: {  	[sflag:s22] =	ssyncset.done $0x0  }
0xe0: {  	[sflag:s22] =	ssyncadd.s32 $0xFFFFD800  }
0xe1: {  	[hbm4b:s11+s4] =	stream.linear.scatter [tilespmem:s19], [sflag:$0x2], $0x2800, $0x38;
	[tilespmem:$0x16180] =	vst v63  }
0xe2: {  	_ =	swait.ge [sflag:s20], $0x2800  }
0xe3: {  	[sflag:s20] =	ssyncset.done $0x0  }
0xe4: {  	[sflag:s20] =	ssyncadd.s32 $0xFFFFD800  }
0xe5: {  	[tilespmem:$0x13900] =	vst v5  }
0xe6: {  	[tilespmem:$0x13910] =	vst v28  }
0xe7: {  	[tilespmem:$0x13920] =	vst v29  }
0xe8: {  	[tilespmem:$0x13930] =	vst v30  }
0xe9: {  	[tilespmem:$0x13940] =	vst v31  }
0xea: {  	[tilespmem:s19], [sflag:$0x1] =	stream.indirect.gather [spmem:s3], $0x80, s18, s17, $0xb8;
	[tilespmem:$0x16180] =	vst v63  }
0xeb: {  	_ =	swait.ge [sflag:s22], $0x2800  }
0xec: {  	[sflag:s22] =	ssyncset.done $0x0  }
0xed: {  	[sflag:s22] =	ssyncadd.s32 $0xFFFFD800  }
0xee: {  	[hbm4b:s12+s4] =	stream.linear.scatter [tilespmem:s19], [sflag:$0x2], $0x2800, $0x38;
	[tilespmem:$0x16180] =	vst v63  }
0xef: {  	_ =	swait.ge [sflag:s20], $0x2800  }
0xf0: {  	[sflag:s20] =	ssyncset.done $0x0  }
0xf1: {  	[sflag:s20] =	ssyncadd.s32 $0xFFFFD800  }
0xf2: {  	[tilespmem:$0x13900] =	vst v6  }
0xf3: {  	[tilespmem:$0x13910] =	vst v32  }
0xf4: {  	[tilespmem:$0x13920] =	vst v33  }
0xf5: {  	[tilespmem:$0x13930] =	vst v34  }
0xf6: {  	[tilespmem:$0x13940] =	vst v35  }
0xf7: {  	[tilespmem:s19], [sflag:$0x1] =	stream.indirect.gather [spmem:s3], $0x80, s18, s17, $0xb8;
	[tilespmem:$0x16180] =	vst v63  }
0xf8: {  	_ =	swait.ge [sflag:s22], $0x2800  }
0xf9: {  	[sflag:s22] =	ssyncset.done $0x0  }
0xfa: {  	[sflag:s22] =	ssyncadd.s32 $0xFFFFD800  }
0xfb: {  	[hbm4b:s13+s4] =	stream.linear.scatter [tilespmem:s19], [sflag:$0x2], $0x2800, $0x38;
	[tilespmem:$0x16180] =	vst v63  }
0xfc: {  	_ =	swait.ge [sflag:s20], $0x2800  }
0xfd: {  	[sflag:s20] =	ssyncset.done $0x0  }
0xfe: {  	[sflag:s20] =	ssyncadd.s32 $0xFFFFD800  }
0xff: {  	[tilespmem:$0x13900] =	vst v7  }
0x100: {  	[tilespmem:$0x13910] =	vst v36  }
0x101: {  	[tilespmem:$0x13920] =	vst v37  }
0x102: {  	[tilespmem:$0x13930] =	vst v38  }
0x103: {  	[tilespmem:$0x13940] =	vst v39  }
0x104: {  	[tilespmem:s19], [sflag:$0x1] =	stream.indirect.gather [spmem:s3], $0x80, s18, s17, $0xb8;
	[tilespmem:$0x16180] =	vst v63  }
0x105: {  	s23 =	sadd.s32 $0x1, s23;
	_ =	swait.ge [sflag:s22], $0x2800  }
0x106: {  	p0 =	sne.s32 s23, s15;
	[sflag:s22] =	ssyncset.done $0x0  }
.Ltmp2:
0x107: {  	[sflag:s22] =	ssyncadd.s32 $0xFFFFD800;
	(pc) =	sbr.rel @p0 .LBB2_1-.Ltmp2, $4  }
0x108: {  	[hbm4b:s14+s4] =	stream.linear.scatter [tilespmem:s19], [sflag:$0x2], $0x2800, $0x38;
	[tilespmem:$0x16180] =	vst v63  }
0x109: {  	_ =	swait.ge [sflag:s20], $0x2800  }
0x10a: {  	[sflag:s20] =	ssyncset.done $0x0  }
0x10b: {  	[sflag:s20] =	ssyncadd.s32 $0xFFFFD800  }
0x10c: {  	_ =	sfence.sel $0x180000  }
0x10d: {  	[bflag:$0x0] =	sbarrier.arrive $0xFFFF  }
0x10e: {  	p0 =	sne.s32 s2, $0x0;
	_ =	strace $0x9000004A  }
0x10f: {  	s0 =	sadd.s32 @!p0 $0x100000, s0;
	[bflag:$0x2] =	sbarrier.arrive $0xFFFF  }
0x110: {  	[sflag:s0] =	ssyncadd.tile.s32 @!p0 $0x1;
	_ =	shalt  }
.Lfunc_end2:
_tile_overlayer_lowered:
.L_overlay_start_2:
0x111: {  	(tag) =	ssettag $0x2  }
0x112: {  	s0 =	rddreg [dreg:$0x0];
	s2 =	stileid.u32  }
0x113: {  	s1 =	rddreg [dreg:$0x1];
	p0 =	sne.s32 s2, $0x0  }
0x114: {  	s3 =	rddreg [dreg:$0x2];
	[bflag:$0x3] =	sbarrier.arrive $0xFFFF;
	s2 =	simm.s32 @!p0 $0x1C02  }
0x115: {  	[timem:s3], [sflag:s2] =	dma.local @!p0 [hbm:s0], s1  }
0x116: {  	s0 =	simm.s32 @!p0 $0x2  }
0x117: {  	_ =	swait.ge @!p0 [sflag:s0], s1  }
0x118: {  	s1 =	ssub.s32 @!p0 $0x0, s1;
	[sflag:s0] =	ssyncset.done @!p0 $0x0  }
0x119: {  	[sflag:s0] =	ssyncadd.s32 @!p0 s1  }
0x11a: {  	[bflag:$0x3] =	sbarrier.arrive $0xFFFF  }
0x11b: {  	_ =	shalt  }

</sc_bundles>
